<compile_context>
chip_gen: v7x
topology: tpu7x:2x2x1
jax: 0.10.2.dev20260603
libtpu: 0.0.44.dev20260713+nightly
codegen_flags: <defaults>
</compile_context>

<pallas_src>
import jax
import jax.numpy as jnp
from jax import lax
from jax.experimental import pallas as pl
from jax.experimental.pallas import tpu as pltpu
from jax.experimental.pallas import tpu_sc as plsc

B = 16384
L = 1200
VOCAB = 10
EMB = 4

NC = 2
NS = 16
NW = NC * NS
LANES = 16

ROWS_PER_W = B // NW
CHUNK_ROWS = 32
NCHUNK = ROWS_PER_W // CHUNK_ROWS
RB = 16
NSLICE = L // LANES

_GATHER_DNUMS = lax.GatherDimensionNumbers(
    offset_dims=(), collapsed_slice_dims=(0,), start_index_map=(0,))


def _take16(vec, idx):
    return lax.gather(
        vec, idx[:, None], dimension_numbers=_GATHER_DNUMS, slice_sizes=(1,),
        mode=lax.GatherScatterMode.PROMISE_IN_BOUNDS)


def _sc_kernel(a_hbm, tblT_hbm, params_hbm, w2_hbm, out_hbm,
               buf0, buf1, w2_v, tbl_v, par_v, out_v, sem0, sem1):
    wid = lax.axis_index("s") * NC + lax.axis_index("c")
    base_row = wid * ROWS_PER_W

    pltpu.sync_copy(tblT_hbm, tbl_v)
    pltpu.sync_copy(params_hbm, par_v)
    pltpu.sync_copy(w2_hbm, w2_v)

    par = par_v[...]
    t_vec = par[EMB] + jnp.zeros((LANES,), jnp.float32)
    for e in range(EMB):
        t_vec = t_vec + tbl_v[e, :] * par[e]
    b2s = par[EMB + 1]
    lane_iota = lax.iota(jnp.int32, LANES)

    def hsum(v):
        for sh in (8, 4, 2, 1):
            v = v + _take16(v, lane_iota ^ sh)
        return v

    def chunk_src(c):
        return a_hbm.at[pl.ds(base_row + c * CHUNK_ROWS, CHUNK_ROWS), :]

    pltpu.async_copy(chunk_src(0), buf0, sem0)

    def compute(buf, c):
        for g in range(CHUNK_ROWS // LANES):
            gvec = jnp.zeros((LANES,), jnp.float32)
            for h in range(LANES // RB):
                def lbody(ls, accs):
                    off = ls * LANES
                    w2s = w2_v[pl.ds(off, LANES)]
                    out = []
                    for r in range(RB):
                        idx = buf[g * LANES + h * RB + r, pl.ds(off, LANES)]
                        val = _take16(t_vec, idx)
                        out.append(accs[r] + val * w2s)
                    return tuple(out)

                accs = lax.fori_loop(
                    0, NSLICE, lbody,
                    tuple(jnp.zeros((LANES,), jnp.float32)
                          for _ in range(RB)))
                for r in range(RB):
                    sv = hsum(accs[r]) + b2s
                    gvec = jnp.where(lane_iota == h * RB + r, sv, gvec)
            out_v[pl.ds(c * CHUNK_ROWS + g * LANES, LANES)] = gvec

    def loop_body(c, _):
        nxt = c + 1

        @pl.when((c & 1) == 0)
        def _even():
            @pl.when(nxt < NCHUNK)
            def _():
                pltpu.async_copy(chunk_src(nxt), buf1, sem1)
            pltpu.make_async_copy(chunk_src(0), buf0, sem0).wait()
            compute(buf0, c)

        @pl.when((c & 1) == 1)
        def _odd():
            @pl.when(nxt < NCHUNK)
            def _():
                pltpu.async_copy(chunk_src(nxt), buf0, sem0)
            pltpu.make_async_copy(chunk_src(0), buf1, sem1).wait()
            compute(buf1, c)

        return 0

    lax.fori_loop(0, NCHUNK, loop_body, 0)

    pltpu.sync_copy(out_v, out_hbm.at[pl.ds(base_row, ROWS_PER_W)])


@jax.jit
def kernel(a_input, table, w1, b1, w2, b2):
    tblT = jnp.pad(table.T, ((0, 0), (0, LANES - VOCAB)))
    params = jnp.concatenate(
        [w1.reshape(EMB), b1.reshape(1), b2.reshape(1),
         jnp.zeros((LANES - EMB - 2,), jnp.float32)])
    w2f = w2.reshape(L)

    mesh = plsc.VectorSubcoreMesh(core_axis_name="c", subcore_axis_name="s")
    run = pl.kernel(
        _sc_kernel,
        mesh=mesh,
        out_type=jax.ShapeDtypeStruct((B,), jnp.float32),
        scratch_types=[
            pltpu.VMEM((CHUNK_ROWS, L), jnp.int32),
            pltpu.VMEM((CHUNK_ROWS, L), jnp.int32),
            pltpu.VMEM((L,), jnp.float32),
            pltpu.VMEM((EMB, LANES), jnp.float32),
            pltpu.VMEM((LANES,), jnp.float32),
            pltpu.VMEM((ROWS_PER_W,), jnp.float32),
            pltpu.SemaphoreType.DMA,
            pltpu.SemaphoreType.DMA,
        ],
    )
    return run(a_input, tblT, params, w2f).reshape(B, 1)

# --- scband reference (transcript-rebuilt; emitter-appended) ---
"""Pipeline reference for scband-my-model-87522843558733 (READ-ONLY COPY).

The authoritative reference and input builder live on the scoring server;
editing this copy changes nothing except your own understanding.
"""

import jax, jax.numpy as jnp
import numpy as np

B = 16384
L = 1200
VOCAB = 10
EMB = 4

def setup_inputs(seed: int = 0) -> dict:
    key = jax.random.key(seed)
    k1, k2, k3, k4, k5, k6 = jax.random.split(key, 6)
    a_input = jax.random.randint(k1, (B, L), 0, VOCAB, dtype=jnp.int64 if jax.config.jax_enable_x64 else jnp.int32).astype(jnp.int32)
    table = jax.random.normal(k2, (VOCAB, EMB), dtype=jnp.float32) * 0.05
    w1 = jax.random.normal(k3, (EMB, 1), dtype=jnp.float32) * 0.5
    b1 = jnp.zeros((1,), dtype=jnp.float32)
    w2 = jax.random.normal(k4, (L, 1), dtype=jnp.float32) * 0.03
    b2 = jnp.zeros((1,), dtype=jnp.float32)
    return {"a_input": a_input, "table": table, "w1": w1, "b1": b1, "w2": w2, "b2": b2}

def reference(a_input, table, w1, b1, w2, b2):
    # embedding lookup: (B, L) -> (B, L, EMB)
    e = jnp.take(table, a_input, axis=0)
    # dense1 (linear activation): (B, L, EMB) -> (B, L, 1)
    h = jnp.matmul(e, w1) + b1
    # squeeze last axis: (B, L)
    h = jnp.squeeze(h, axis=-1)
    # output dense: (B, L) -> (B, 1)
    out = jnp.matmul(h, w2) + b2
    return out

if __name__ == "__main__":
    import jax
    _d = setup_inputs()
    print(jax.jit(kernel)(*tuple(_d.values())))

</pallas_src>

<mosaic_0001>
#map = affine_map<(d0, d1) -> (0, 0)>
#map1 = affine_map<(d0, d1) -> (0)>
module attributes {stable_mosaic.version = 14 : i64} {
  func.func @_sc_kernel(%arg0: i32, %arg1: i32, %arg2: memref<16384x1200xi32, #tpu.memory_space<hbm>>, %arg3: memref<4x16xf32, #tpu.memory_space<hbm>>, %arg4: memref<16xf32, #tpu.memory_space<hbm>>, %arg5: memref<1200xf32, #tpu.memory_space<hbm>>, %arg6: memref<16384xf32, #tpu.memory_space<hbm>>, %arg7: memref<32x1200xi32, #tpu.memory_space<vmem>>, %arg8: memref<32x1200xi32, #tpu.memory_space<vmem>>, %arg9: memref<1200xf32, #tpu.memory_space<vmem>>, %arg10: memref<4x16xf32, #tpu.memory_space<vmem>>, %arg11: memref<16xf32, #tpu.memory_space<vmem>>, %arg12: memref<512xf32, #tpu.memory_space<vmem>>, %arg13: memref<!tpu.dma_semaphore, #tpu.memory_space<semaphore_mem>>, %arg14: memref<!tpu.dma_semaphore, #tpu.memory_space<semaphore_mem>>) attributes {dimension_semantics = [#tpu.dimension_semantics<core_parallel>, #tpu.dimension_semantics<subcore_parallel>], iteration_bounds = array<i64: 2, 16>, scalar_prefetch = 0 : i64, scratch_operands = 8 : i64, tpu.core_type = #tpu.core_type<sc_vector_subcore>, window_params = [{transform_indices = #map}, {transform_indices = #map}, {transform_indices = #map1}, {transform_indices = #map1}, {transform_indices = #map1}]} {
    %mul3A = arith.constant 2 : i32
    %mul3A_0 = arith.muli %arg1, %mul3A : i32
    %add3A = arith.addi %mul3A_0, %arg0 : i32
    %mul3A_1 = arith.constant 512 : i32
    %mul3A_2 = arith.muli %add3A, %mul3A_1 : i32
    "tpu.region"() ({
      %run_scoped3A = tpu.sem_alloc : memref<!tpu.dma_semaphore, #tpu.memory_space<semaphore_mem>>
      tpu.enqueue_dma source(%arg3 : memref<4x16xf32, #tpu.memory_space<hbm>>) target(%arg10 : memref<4x16xf32, #tpu.memory_space<vmem>>) target_semaphore(%run_scoped3A : memref<!tpu.dma_semaphore, #tpu.memory_space<semaphore_mem>>)
      tpu.wait_dma2 semaphore(%run_scoped3A : memref<!tpu.dma_semaphore, #tpu.memory_space<semaphore_mem>>) src(%arg3 : memref<4x16xf32, #tpu.memory_space<hbm>>) dst(%arg10 : memref<4x16xf32, #tpu.memory_space<vmem>>)
      tpu.yield
    }) : () -> ()
    "tpu.region"() ({
      %run_scoped3A = tpu.sem_alloc : memref<!tpu.dma_semaphore, #tpu.memory_space<semaphore_mem>>
      tpu.enqueue_dma source(%arg4 : memref<16xf32, #tpu.memory_space<hbm>>) target(%arg11 : memref<16xf32, #tpu.memory_space<vmem>>) target_semaphore(%run_scoped3A : memref<!tpu.dma_semaphore, #tpu.memory_space<semaphore_mem>>)
      tpu.wait_dma2 semaphore(%run_scoped3A : memref<!tpu.dma_semaphore, #tpu.memory_space<semaphore_mem>>) src(%arg4 : memref<16xf32, #tpu.memory_space<hbm>>) dst(%arg11 : memref<16xf32, #tpu.memory_space<vmem>>)
      tpu.yield
    }) : () -> ()
    "tpu.region"() ({
      %run_scoped3A = tpu.sem_alloc : memref<!tpu.dma_semaphore, #tpu.memory_space<semaphore_mem>>
      tpu.enqueue_dma source(%arg5 : memref<1200xf32, #tpu.memory_space<hbm>>) target(%arg9 : memref<1200xf32, #tpu.memory_space<vmem>>) target_semaphore(%run_scoped3A : memref<!tpu.dma_semaphore, #tpu.memory_space<semaphore_mem>>)
      tpu.wait_dma2 semaphore(%run_scoped3A : memref<!tpu.dma_semaphore, #tpu.memory_space<semaphore_mem>>) src(%arg5 : memref<1200xf32, #tpu.memory_space<hbm>>) dst(%arg9 : memref<1200xf32, #tpu.memory_space<vmem>>)
      tpu.yield
    }) : () -> ()
    %get3A = arith.constant 0 : index
    %get3A_3 = tpu.vector_load %arg11[%get3A] {strides = array<i32>} : memref<16xf32, #tpu.memory_space<vmem>>, vector<16xf32>,
    %get3A_4 = vector.shape_cast %get3A_3 : vector<16xf32> to vector<16xf32>
    %slice3A = vector.extract_strided_slice %get3A_4 {offsets = [4], sizes = [1], strides = [1]} : vector<16xf32> to vector<1xf32>
    %squeeze3A = vector.extract %slice3A[0] : f32 from vector<1xf32>
    %broadcast_in_dim3A = arith.constant 0.000000e+00 : f32
    %broadcast_in_dim3A_5 = vector.broadcast %broadcast_in_dim3A : f32 to vector<16xf32>
    %add3A_6 = vector.broadcast %squeeze3A : f32 to vector<16xf32>
    %add3A_7 = arith.addf %add3A_6, %broadcast_in_dim3A_5 : vector<16xf32>
    %get3A_8 = arith.constant 0 : i32
    %get3A_9 = arith.index_cast %get3A_8 : i32 to index
    %get3A_10 = arith.constant 0 : index
    %get3A_11 = tpu.vector_load %arg10[%get3A_9, %get3A_10] {strides = array<i32>} : memref<4x16xf32, #tpu.memory_space<vmem>>, vector<1x16xf32>,
    %get3A_12 = vector.shape_cast %get3A_11 : vector<1x16xf32> to vector<16xf32>
    %slice3A_13 = vector.extract_strided_slice %get3A_4 {offsets = [0], sizes = [1], strides = [1]} : vector<16xf32> to vector<1xf32>
    %squeeze3A_14 = vector.extract %slice3A_13[0] : f32 from vector<1xf32>
    %mul3A_15 = vector.broadcast %squeeze3A_14 : f32 to vector<16xf32>
    %mul3A_16 = arith.mulf %get3A_12, %mul3A_15 : vector<16xf32>
    %add3A_17 = arith.addf %add3A_7, %mul3A_16 : vector<16xf32>
    %get3A_18 = arith.constant 1 : i32
    %get3A_19 = arith.index_cast %get3A_18 : i32 to index
    %get3A_20 = arith.constant 0 : index
    %get3A_21 = tpu.vector_load %arg10[%get3A_19, %get3A_20] {strides = array<i32>} : memref<4x16xf32, #tpu.memory_space<vmem>>, vector<1x16xf32>,
    %get3A_22 = vector.shape_cast %get3A_21 : vector<1x16xf32> to vector<16xf32>
    %slice3A_23 = vector.extract_strided_slice %get3A_4 {offsets = [1], sizes = [1], strides = [1]} : vector<16xf32> to vector<1xf32>
    %squeeze3A_24 = vector.extract %slice3A_23[0] : f32 from vector<1xf32>
    %mul3A_25 = vector.broadcast %squeeze3A_24 : f32 to vector<16xf32>
    %mul3A_26 = arith.mulf %get3A_22, %mul3A_25 : vector<16xf32>
    %add3A_27 = arith.addf %add3A_17, %mul3A_26 : vector<16xf32>
    %get3A_28 = arith.constant 2 : i32
    %get3A_29 = arith.index_cast %get3A_28 : i32 to index
    %get3A_30 = arith.constant 0 : index
    %get3A_31 = tpu.vector_load %arg10[%get3A_29, %get3A_30] {strides = array<i32>} : memref<4x16xf32, #tpu.memory_space<vmem>>, vector<1x16xf32>,
    %get3A_32 = vector.shape_cast %get3A_31 : vector<1x16xf32> to vector<16xf32>
    %slice3A_33 = vector.extract_strided_slice %get3A_4 {offsets = [2], sizes = [1], strides = [1]} : vector<16xf32> to vector<1xf32>
    %squeeze3A_34 = vector.extract %slice3A_33[0] : f32 from vector<1xf32>
    %mul3A_35 = vector.broadcast %squeeze3A_34 : f32 to vector<16xf32>
    %mul3A_36 = arith.mulf %get3A_32, %mul3A_35 : vector<16xf32>
    %add3A_37 = arith.addf %add3A_27, %mul3A_36 : vector<16xf32>
    %get3A_38 = arith.constant 3 : i32
    %get3A_39 = arith.index_cast %get3A_38 : i32 to index
    %get3A_40 = arith.constant 0 : index
    %get3A_41 = tpu.vector_load %arg10[%get3A_39, %get3A_40] {strides = array<i32>} : memref<4x16xf32, #tpu.memory_space<vmem>>, vector<1x16xf32>,
    %get3A_42 = vector.shape_cast %get3A_41 : vector<1x16xf32> to vector<16xf32>
    %slice3A_43 = vector.extract_strided_slice %get3A_4 {offsets = [3], sizes = [1], strides = [1]} : vector<16xf32> to vector<1xf32>
    %squeeze3A_44 = vector.extract %slice3A_43[0] : f32 from vector<1xf32>
    %mul3A_45 = vector.broadcast %squeeze3A_44 : f32 to vector<16xf32>
    %mul3A_46 = arith.mulf %get3A_42, %mul3A_45 : vector<16xf32>
    %add3A_47 = arith.addf %add3A_37, %mul3A_46 : vector<16xf32>
    %slice3A_48 = vector.extract_strided_slice %get3A_4 {offsets = [5], sizes = [1], strides = [1]} : vector<16xf32> to vector<1xf32>
    %squeeze3A_49 = vector.extract %slice3A_48[0] : f32 from vector<1xf32>
    %iota3A = tpu.iota {dimensions = array<i32: 0>} : vector<16xi32>
    %add3A_50 = arith.constant 0 : i32
    %add3A_51 = arith.addi %mul3A_2, %add3A_50 : i32
    %dma_start3A = arith.constant 0 : i32
    %dma_start3A_52 = tpu.memref_slice %arg2[%add3A_51, %dma_start3A] : memref<16384x1200xi32, #tpu.memory_space<hbm>> -> memref<32x1200xi32, #tpu.memory_space<hbm>>
    %dma_start3A_53 = arith.constant 0 : i32
    %dma_start3A_54 = tpu.memref_slice %arg2[%add3A_51, %dma_start3A_53] : memref<16384x1200xi32, #tpu.memory_space<hbm>> -> memref<32x1200xi32, #tpu.memory_space<hbm>>
    tpu.enqueue_dma source(%dma_start3A_54 : memref<32x1200xi32, #tpu.memory_space<hbm>>) target(%arg7 : memref<32x1200xi32, #tpu.memory_space<vmem>>) target_semaphore(%arg13 : memref<!tpu.dma_semaphore, #tpu.memory_space<semaphore_mem>>)
    %scan3A = arith.constant 0 : i32
    %scan3A_55 = arith.constant 0 : i32
    %scan3A_56 = arith.constant 16 : i32
    %scan3A_57 = arith.addi %scan3A_55, %scan3A_56 : i32
    %scan3A_58 = arith.constant 1 : i32
    %scan3A_59 = scf.for %scan3A_61 = %scan3A_55 to %scan3A_57 step %scan3A_58 iter_args(%scan3A_62 = %scan3A) -> (i32)  : i32 {
      %add3A_63 = arith.constant 1 : i32
      %add3A_64 = arith.addi %scan3A_61, %add3A_63 : i32
      %and3A = arith.constant 1 : i32
      %and3A_65 = arith.andi %scan3A_61, %and3A : i32
      %eq3A = arith.constant 0 : i32
      %eq3A_66 = arith.cmpi eq, %and3A_65, %eq3A : i32
      %convert_element_type3A = arith.extui %eq3A_66 : i1 to i32
      %cond3A = arith.constant 0 : i32
      %cond3A_67 = arith.cmpi ne, %convert_element_type3A, %cond3A : i32
      scf.if %cond3A_67 {
        %lt3A = arith.constant 16 : i32
        %lt3A_76 = arith.cmpi slt, %add3A_64, %lt3A : i32
        %convert_element_type3A_77 = arith.extui %lt3A_76 : i1 to i32
        %cond3A_78 = arith.constant 0 : i32
        %cond3A_79 = arith.cmpi ne, %convert_element_type3A_77, %cond3A_78 : i32
        scf.if %cond3A_79 {
          %mul3A_1265 = arith.constant 32 : i32
          %mul3A_1266 = arith.muli %add3A_64, %mul3A_1265 : i32
          %add3A_1267 = arith.addi %mul3A_2, %mul3A_1266 : i32
          %dma_start3A_1268 = arith.constant 0 : i32
          %dma_start3A_1269 = tpu.memref_slice %arg2[%add3A_1267, %dma_start3A_1268] : memref<16384x1200xi32, #tpu.memory_space<hbm>> -> memref<32x1200xi32, #tpu.memory_space<hbm>>
          %dma_start3A_1270 = arith.constant 0 : i32
          %dma_start3A_1271 = tpu.memref_slice %arg2[%add3A_1267, %dma_start3A_1270] : memref<16384x1200xi32, #tpu.memory_space<hbm>> -> memref<32x1200xi32, #tpu.memory_space<hbm>>
          tpu.enqueue_dma source(%dma_start3A_1271 : memref<32x1200xi32, #tpu.memory_space<hbm>>) target(%arg8 : memref<32x1200xi32, #tpu.memory_space<vmem>>) target_semaphore(%arg14 : memref<!tpu.dma_semaphore, #tpu.memory_space<semaphore_mem>>)
        } else {
        }
        %add3A_80 = arith.constant 0 : i32
        %add3A_81 = arith.addi %mul3A_2, %add3A_80 : i32
        %dma_wait3A = arith.constant 0 : i32
        %dma_wait3A_82 = tpu.memref_slice %arg2[%add3A_81, %dma_wait3A] : memref<16384x1200xi32, #tpu.memory_space<hbm>> -> memref<32x1200xi32, #tpu.memory_space<hbm>>
        %dma_wait3A_83 = arith.constant 0 : i32
        %dma_wait3A_84 = tpu.memref_slice %arg2[%add3A_81, %dma_wait3A_83] : memref<16384x1200xi32, #tpu.memory_space<hbm>> -> memref<32x1200xi32, #tpu.memory_space<hbm>>
        tpu.wait_dma2 semaphore(%arg13 : memref<!tpu.dma_semaphore, #tpu.memory_space<semaphore_mem>>) src(%dma_wait3A_84 : memref<32x1200xi32, #tpu.memory_space<hbm>>) dst(%arg7 : memref<32x1200xi32, #tpu.memory_space<vmem>>)
        %broadcast_in_dim3A_85 = arith.constant 0.000000e+00 : f32
        %broadcast_in_dim3A_86 = vector.broadcast %broadcast_in_dim3A_85 : f32 to vector<16xf32>
        %broadcast_in_dim3A_87 = arith.constant 0.000000e+00 : f32
        %broadcast_in_dim3A_88 = vector.broadcast %broadcast_in_dim3A_87 : f32 to vector<16xf32>
        %broadcast_in_dim3A_89 = arith.constant 0.000000e+00 : f32
        %broadcast_in_dim3A_90 = vector.broadcast %broadcast_in_dim3A_89 : f32 to vector<16xf32>
        %broadcast_in_dim3A_91 = arith.constant 0.000000e+00 : f32
        %broadcast_in_dim3A_92 = vector.broadcast %broadcast_in_dim3A_91 : f32 to vector<16xf32>
        %broadcast_in_dim3A_93 = arith.constant 0.000000e+00 : f32
        %broadcast_in_dim3A_94 = vector.broadcast %broadcast_in_dim3A_93 : f32 to vector<16xf32>
        %broadcast_in_dim3A_95 = arith.constant 0.000000e+00 : f32
        %broadcast_in_dim3A_96 = vector.broadcast %broadcast_in_dim3A_95 : f32 to vector<16xf32>
        %broadcast_in_dim3A_97 = arith.constant 0.000000e+00 : f32
        %broadcast_in_dim3A_98 = vector.broadcast %broadcast_in_dim3A_97 : f32 to vector<16xf32>
        %broadcast_in_dim3A_99 = arith.constant 0.000000e+00 : f32
        %broadcast_in_dim3A_100 = vector.broadcast %broadcast_in_dim3A_99 : f32 to vector<16xf32>
        %broadcast_in_dim3A_101 = arith.constant 0.000000e+00 : f32
        %broadcast_in_dim3A_102 = vector.broadcast %broadcast_in_dim3A_101 : f32 to vector<16xf32>
        %broadcast_in_dim3A_103 = arith.constant 0.000000e+00 : f32
        %broadcast_in_dim3A_104 = vector.broadcast %broadcast_in_dim3A_103 : f32 to vector<16xf32>
        %broadcast_in_dim3A_105 = arith.constant 0.000000e+00 : f32
        %broadcast_in_dim3A_106 = vector.broadcast %broadcast_in_dim3A_105 : f32 to vector<16xf32>
        %broadcast_in_dim3A_107 = arith.constant 0.000000e+00 : f32
        %broadcast_in_dim3A_108 = vector.broadcast %broadcast_in_dim3A_107 : f32 to vector<16xf32>
        %broadcast_in_dim3A_109 = arith.constant 0.000000e+00 : f32
        %broadcast_in_dim3A_110 = vector.broadcast %broadcast_in_dim3A_109 : f32 to vector<16xf32>
        %broadcast_in_dim3A_111 = arith.constant 0.000000e+00 : f32
        %broadcast_in_dim3A_112 = vector.broadcast %broadcast_in_dim3A_111 : f32 to vector<16xf32>
        %broadcast_in_dim3A_113 = arith.constant 0.000000e+00 : f32
        %broadcast_in_dim3A_114 = vector.broadcast %broadcast_in_dim3A_113 : f32 to vector<16xf32>
        %broadcast_in_dim3A_115 = arith.constant 0.000000e+00 : f32
        %broadcast_in_dim3A_116 = vector.broadcast %broadcast_in_dim3A_115 : f32 to vector<16xf32>
        %broadcast_in_dim3A_117 = arith.constant 0.000000e+00 : f32
        %broadcast_in_dim3A_118 = vector.broadcast %broadcast_in_dim3A_117 : f32 to vector<16xf32>
        %scan3A_119 = arith.constant 0 : i32
        %scan3A_120 = arith.constant 75 : i32
        %scan3A_121 = arith.addi %scan3A_119, %scan3A_120 : i32
        %scan3A_122 = arith.constant 1 : i32
        %scan3A_123:16 = scf.for %scan3A_1265 = %scan3A_119 to %scan3A_121 step %scan3A_122 iter_args(%scan3A_1266 = %broadcast_in_dim3A_88, %scan3A_1267 = %broadcast_in_dim3A_90, %scan3A_1268 = %broadcast_in_dim3A_92, %scan3A_1269 = %broadcast_in_dim3A_94, %scan3A_1270 = %broadcast_in_dim3A_96, %scan3A_1271 = %broadcast_in_dim3A_98, %scan3A_1272 = %broadcast_in_dim3A_100, %scan3A_1273 = %broadcast_in_dim3A_102, %scan3A_1274 = %broadcast_in_dim3A_104, %scan3A_1275 = %broadcast_in_dim3A_106, %scan3A_1276 = %broadcast_in_dim3A_108, %scan3A_1277 = %broadcast_in_dim3A_110, %scan3A_1278 = %broadcast_in_dim3A_112, %scan3A_1279 = %broadcast_in_dim3A_114, %scan3A_1280 = %broadcast_in_dim3A_116, %scan3A_1281 = %broadcast_in_dim3A_118) -> (vector<16xf32>, vector<16xf32>, vector<16xf32>, vector<16xf32>, vector<16xf32>, vector<16xf32>, vector<16xf32>, vector<16xf32>, vector<16xf32>, vector<16xf32>, vector<16xf32>, vector<16xf32>, vector<16xf32>, vector<16xf32>, vector<16xf32>, vector<16xf32>)  : i32 {
          %mul3A_1282 = arith.constant 16 : i32
          %mul3A_1283 = arith.muli %scan3A_1265, %mul3A_1282 : i32
          %get3A_1284 = arith.index_cast %mul3A_1283 : i32 to index
          %get3A_1285 = tpu.vector_load %arg9[%get3A_1284] {strides = array<i32>} : memref<1200xf32, #tpu.memory_space<vmem>>, vector<16xf32>,
          %get3A_1286 = vector.shape_cast %get3A_1285 : vector<16xf32> to vector<16xf32>
          %get3A_1287 = arith.constant 0 : i32
          %get3A_1288 = arith.index_cast %get3A_1287 : i32 to index
          %get3A_1289 = arith.index_cast %mul3A_1283 : i32 to index
          %get3A_1290 = tpu.vector_load %arg7[%get3A_1288, %get3A_1289] {strides = array<i32>} : memref<32x1200xi32, #tpu.memory_space<vmem>>, vector<1x16xi32>,
          %get3A_1291 = vector.shape_cast %get3A_1290 : vector<1x16xi32> to vector<16xi32>
          %broadcast_in_dim3A_1292 = vector.shape_cast %get3A_1291 : vector<16xi32> to vector<16x1xi32>
          %gather3A_1293 = vector.shape_cast %broadcast_in_dim3A_1292 : vector<16x1xi32> to vector<16xi32>
          %gather3A_1294 = tpu.dynamic_gather %add3A_47[%gather3A_1293] in [0] : vector<16xf32>, vector<16xi32> -> vector<16xf32>
          %mul3A_1295 = arith.mulf %gather3A_1294, %get3A_1286 : vector<16xf32>
          %add3A_1296 = arith.addf %scan3A_1266, %mul3A_1295 : vector<16xf32>
          %get3A_1297 = arith.constant 1 : i32
          %get3A_1298 = arith.index_cast %get3A_1297 : i32 to index
          %get3A_1299 = arith.index_cast %mul3A_1283 : i32 to index
          %get3A_1300 = tpu.vector_load %arg7[%get3A_1298, %get3A_1299] {strides = array<i32>} : memref<32x1200xi32, #tpu.memory_space<vmem>>, vector<1x16xi32>,
          %get3A_1301 = vector.shape_cast %get3A_1300 : vector<1x16xi32> to vector<16xi32>
          %broadcast_in_dim3A_1302 = vector.shape_cast %get3A_1301 : vector<16xi32> to vector<16x1xi32>
          %gather3A_1303 = vector.shape_cast %broadcast_in_dim3A_1302 : vector<16x1xi32> to vector<16xi32>
          %gather3A_1304 = tpu.dynamic_gather %add3A_47[%gather3A_1303] in [0] : vector<16xf32>, vector<16xi32> -> vector<16xf32>
          %mul3A_1305 = arith.mulf %gather3A_1304, %get3A_1286 : vector<16xf32>
          %add3A_1306 = arith.addf %scan3A_1267, %mul3A_1305 : vector<16xf32>
          %get3A_1307 = arith.constant 2 : i32
          %get3A_1308 = arith.index_cast %get3A_1307 : i32 to index
          %get3A_1309 = arith.index_cast %mul3A_1283 : i32 to index
          %get3A_1310 = tpu.vector_load %arg7[%get3A_1308, %get3A_1309] {strides = array<i32>} : memref<32x1200xi32, #tpu.memory_space<vmem>>, vector<1x16xi32>,
          %get3A_1311 = vector.shape_cast %get3A_1310 : vector<1x16xi32> to vector<16xi32>
          %broadcast_in_dim3A_1312 = vector.shape_cast %get3A_1311 : vector<16xi32> to vector<16x1xi32>
          %gather3A_1313 = vector.shape_cast %broadcast_in_dim3A_1312 : vector<16x1xi32> to vector<16xi32>
          %gather3A_1314 = tpu.dynamic_gather %add3A_47[%gather3A_1313] in [0] : vector<16xf32>, vector<16xi32> -> vector<16xf32>
          %mul3A_1315 = arith.mulf %gather3A_1314, %get3A_1286 : vector<16xf32>
          %add3A_1316 = arith.addf %scan3A_1268, %mul3A_1315 : vector<16xf32>
          %get3A_1317 = arith.constant 3 : i32
          %get3A_1318 = arith.index_cast %get3A_1317 : i32 to index
          %get3A_1319 = arith.index_cast %mul3A_1283 : i32 to index
          %get3A_1320 = tpu.vector_load %arg7[%get3A_1318, %get3A_1319] {strides = array<i32>} : memref<32x1200xi32, #tpu.memory_space<vmem>>, vector<1x16xi32>,
          %get3A_1321 = vector.shape_cast %get3A_1320 : vector<1x16xi32> to vector<16xi32>
          %broadcast_in_dim3A_1322 = vector.shape_cast %get3A_1321 : vector<16xi32> to vector<16x1xi32>
          %gather3A_1323 = vector.shape_cast %broadcast_in_dim3A_1322 : vector<16x1xi32> to vector<16xi32>
          %gather3A_1324 = tpu.dynamic_gather %add3A_47[%gather3A_1323] in [0] : vector<16xf32>, vector<16xi32> -> vector<16xf32>
          %mul3A_1325 = arith.mulf %gather3A_1324, %get3A_1286 : vector<16xf32>
          %add3A_1326 = arith.addf %scan3A_1269, %mul3A_1325 : vector<16xf32>
          %get3A_1327 = arith.constant 4 : i32
          %get3A_1328 = arith.index_cast %get3A_1327 : i32 to index
          %get3A_1329 = arith.index_cast %mul3A_1283 : i32 to index
          %get3A_1330 = tpu.vector_load %arg7[%get3A_1328, %get3A_1329] {strides = array<i32>} : memref<32x1200xi32, #tpu.memory_space<vmem>>, vector<1x16xi32>,
          %get3A_1331 = vector.shape_cast %get3A_1330 : vector<1x16xi32> to vector<16xi32>
          %broadcast_in_dim3A_1332 = vector.shape_cast %get3A_1331 : vector<16xi32> to vector<16x1xi32>
          %gather3A_1333 = vector.shape_cast %broadcast_in_dim3A_1332 : vector<16x1xi32> to vector<16xi32>
          %gather3A_1334 = tpu.dynamic_gather %add3A_47[%gather3A_1333] in [0] : vector<16xf32>, vector<16xi32> -> vector<16xf32>
          %mul3A_1335 = arith.mulf %gather3A_1334, %get3A_1286 : vector<16xf32>
          %add3A_1336 = arith.addf %scan3A_1270, %mul3A_1335 : vector<16xf32>
          %get3A_1337 = arith.constant 5 : i32
          %get3A_1338 = arith.index_cast %get3A_1337 : i32 to index
          %get3A_1339 = arith.index_cast %mul3A_1283 : i32 to index
          %get3A_1340 = tpu.vector_load %arg7[%get3A_1338, %get3A_1339] {strides = array<i32>} : memref<32x1200xi32, #tpu.memory_space<vmem>>, vector<1x16xi32>,
          %get3A_1341 = vector.shape_cast %get3A_1340 : vector<1x16xi32> to vector<16xi32>
          %broadcast_in_dim3A_1342 = vector.shape_cast %get3A_1341 : vector<16xi32> to vector<16x1xi32>
          %gather3A_1343 = vector.shape_cast %broadcast_in_dim3A_1342 : vector<16x1xi32> to vector<16xi32>
          %gather3A_1344 = tpu.dynamic_gather %add3A_47[%gather3A_1343] in [0] : vector<16xf32>, vector<16xi32> -> vector<16xf32>
          %mul3A_1345 = arith.mulf %gather3A_1344, %get3A_1286 : vector<16xf32>
          %add3A_1346 = arith.addf %scan3A_1271, %mul3A_1345 : vector<16xf32>
          %get3A_1347 = arith.constant 6 : i32
          %get3A_1348 = arith.index_cast %get3A_1347 : i32 to index
          %get3A_1349 = arith.index_cast %mul3A_1283 : i32 to index
          %get3A_1350 = tpu.vector_load %arg7[%get3A_1348, %get3A_1349] {strides = array<i32>} : memref<32x1200xi32, #tpu.memory_space<vmem>>, vector<1x16xi32>,
          %get3A_1351 = vector.shape_cast %get3A_1350 : vector<1x16xi32> to vector<16xi32>
          %broadcast_in_dim3A_1352 = vector.shape_cast %get3A_1351 : vector<16xi32> to vector<16x1xi32>
          %gather3A_1353 = vector.shape_cast %broadcast_in_dim3A_1352 : vector<16x1xi32> to vector<16xi32>
          %gather3A_1354 = tpu.dynamic_gather %add3A_47[%gather3A_1353] in [0] : vector<16xf32>, vector<16xi32> -> vector<16xf32>
          %mul3A_1355 = arith.mulf %gather3A_1354, %get3A_1286 : vector<16xf32>
          %add3A_1356 = arith.addf %scan3A_1272, %mul3A_1355 : vector<16xf32>
          %get3A_1357 = arith.constant 7 : i32
          %get3A_1358 = arith.index_cast %get3A_1357 : i32 to index
          %get3A_1359 = arith.index_cast %mul3A_1283 : i32 to index
          %get3A_1360 = tpu.vector_load %arg7[%get3A_1358, %get3A_1359] {strides = array<i32>} : memref<32x1200xi32, #tpu.memory_space<vmem>>, vector<1x16xi32>,
          %get3A_1361 = vector.shape_cast %get3A_1360 : vector<1x16xi32> to vector<16xi32>
          %broadcast_in_dim3A_1362 = vector.shape_cast %get3A_1361 : vector<16xi32> to vector<16x1xi32>
          %gather3A_1363 = vector.shape_cast %broadcast_in_dim3A_1362 : vector<16x1xi32> to vector<16xi32>
          %gather3A_1364 = tpu.dynamic_gather %add3A_47[%gather3A_1363] in [0] : vector<16xf32>, vector<16xi32> -> vector<16xf32>
          %mul3A_1365 = arith.mulf %gather3A_1364, %get3A_1286 : vector<16xf32>
          %add3A_1366 = arith.addf %scan3A_1273, %mul3A_1365 : vector<16xf32>
          %get3A_1367 = arith.constant 8 : i32
          %get3A_1368 = arith.index_cast %get3A_1367 : i32 to index
          %get3A_1369 = arith.index_cast %mul3A_1283 : i32 to index
          %get3A_1370 = tpu.vector_load %arg7[%get3A_1368, %get3A_1369] {strides = array<i32>} : memref<32x1200xi32, #tpu.memory_space<vmem>>, vector<1x16xi32>,
          %get3A_1371 = vector.shape_cast %get3A_1370 : vector<1x16xi32> to vector<16xi32>
          %broadcast_in_dim3A_1372 = vector.shape_cast %get3A_1371 : vector<16xi32> to vector<16x1xi32>
          %gather3A_1373 = vector.shape_cast %broadcast_in_dim3A_1372 : vector<16x1xi32> to vector<16xi32>
          %gather3A_1374 = tpu.dynamic_gather %add3A_47[%gather3A_1373] in [0] : vector<16xf32>, vector<16xi32> -> vector<16xf32>
          %mul3A_1375 = arith.mulf %gather3A_1374, %get3A_1286 : vector<16xf32>
          %add3A_1376 = arith.addf %scan3A_1274, %mul3A_1375 : vector<16xf32>
          %get3A_1377 = arith.constant 9 : i32
          %get3A_1378 = arith.index_cast %get3A_1377 : i32 to index
          %get3A_1379 = arith.index_cast %mul3A_1283 : i32 to index
          %get3A_1380 = tpu.vector_load %arg7[%get3A_1378, %get3A_1379] {strides = array<i32>} : memref<32x1200xi32, #tpu.memory_space<vmem>>, vector<1x16xi32>,
          %get3A_1381 = vector.shape_cast %get3A_1380 : vector<1x16xi32> to vector<16xi32>
          %broadcast_in_dim3A_1382 = vector.shape_cast %get3A_1381 : vector<16xi32> to vector<16x1xi32>
          %gather3A_1383 = vector.shape_cast %broadcast_in_dim3A_1382 : vector<16x1xi32> to vector<16xi32>
          %gather3A_1384 = tpu.dynamic_gather %add3A_47[%gather3A_1383] in [0] : vector<16xf32>, vector<16xi32> -> vector<16xf32>
          %mul3A_1385 = arith.mulf %gather3A_1384, %get3A_1286 : vector<16xf32>
          %add3A_1386 = arith.addf %scan3A_1275, %mul3A_1385 : vector<16xf32>
          %get3A_1387 = arith.constant 10 : i32
          %get3A_1388 = arith.index_cast %get3A_1387 : i32 to index
          %get3A_1389 = arith.index_cast %mul3A_1283 : i32 to index
          %get3A_1390 = tpu.vector_load %arg7[%get3A_1388, %get3A_1389] {strides = array<i32>} : memref<32x1200xi32, #tpu.memory_space<vmem>>, vector<1x16xi32>,
          %get3A_1391 = vector.shape_cast %get3A_1390 : vector<1x16xi32> to vector<16xi32>
          %broadcast_in_dim3A_1392 = vector.shape_cast %get3A_1391 : vector<16xi32> to vector<16x1xi32>
          %gather3A_1393 = vector.shape_cast %broadcast_in_dim3A_1392 : vector<16x1xi32> to vector<16xi32>
          %gather3A_1394 = tpu.dynamic_gather %add3A_47[%gather3A_1393] in [0] : vector<16xf32>, vector<16xi32> -> vector<16xf32>
          %mul3A_1395 = arith.mulf %gather3A_1394, %get3A_1286 : vector<16xf32>
          %add3A_1396 = arith.addf %scan3A_1276, %mul3A_1395 : vector<16xf32>
          %get3A_1397 = arith.constant 11 : i32
          %get3A_1398 = arith.index_cast %get3A_1397 : i32 to index
          %get3A_1399 = arith.index_cast %mul3A_1283 : i32 to index
          %get3A_1400 = tpu.vector_load %arg7[%get3A_1398, %get3A_1399] {strides = array<i32>} : memref<32x1200xi32, #tpu.memory_space<vmem>>, vector<1x16xi32>,
          %get3A_1401 = vector.shape_cast %get3A_1400 : vector<1x16xi32> to vector<16xi32>
          %broadcast_in_dim3A_1402 = vector.shape_cast %get3A_1401 : vector<16xi32> to vector<16x1xi32>
          %gather3A_1403 = vector.shape_cast %broadcast_in_dim3A_1402 : vector<16x1xi32> to vector<16xi32>
          %gather3A_1404 = tpu.dynamic_gather %add3A_47[%gather3A_1403] in [0] : vector<16xf32>, vector<16xi32> -> vector<16xf32>
          %mul3A_1405 = arith.mulf %gather3A_1404, %get3A_1286 : vector<16xf32>
          %add3A_1406 = arith.addf %scan3A_1277, %mul3A_1405 : vector<16xf32>
          %get3A_1407 = arith.constant 12 : i32
          %get3A_1408 = arith.index_cast %get3A_1407 : i32 to index
          %get3A_1409 = arith.index_cast %mul3A_1283 : i32 to index
          %get3A_1410 = tpu.vector_load %arg7[%get3A_1408, %get3A_1409] {strides = array<i32>} : memref<32x1200xi32, #tpu.memory_space<vmem>>, vector<1x16xi32>,
          %get3A_1411 = vector.shape_cast %get3A_1410 : vector<1x16xi32> to vector<16xi32>
          %broadcast_in_dim3A_1412 = vector.shape_cast %get3A_1411 : vector<16xi32> to vector<16x1xi32>
          %gather3A_1413 = vector.shape_cast %broadcast_in_dim3A_1412 : vector<16x1xi32> to vector<16xi32>
          %gather3A_1414 = tpu.dynamic_gather %add3A_47[%gather3A_1413] in [0] : vector<16xf32>, vector<16xi32> -> vector<16xf32>
          %mul3A_1415 = arith.mulf %gather3A_1414, %get3A_1286 : vector<16xf32>
          %add3A_1416 = arith.addf %scan3A_1278, %mul3A_1415 : vector<16xf32>
          %get3A_1417 = arith.constant 13 : i32
          %get3A_1418 = arith.index_cast %get3A_1417 : i32 to index
          %get3A_1419 = arith.index_cast %mul3A_1283 : i32 to index
          %get3A_1420 = tpu.vector_load %arg7[%get3A_1418, %get3A_1419] {strides = array<i32>} : memref<32x1200xi32, #tpu.memory_space<vmem>>, vector<1x16xi32>,
          %get3A_1421 = vector.shape_cast %get3A_1420 : vector<1x16xi32> to vector<16xi32>
          %broadcast_in_dim3A_1422 = vector.shape_cast %get3A_1421 : vector<16xi32> to vector<16x1xi32>
          %gather3A_1423 = vector.shape_cast %broadcast_in_dim3A_1422 : vector<16x1xi32> to vector<16xi32>
          %gather3A_1424 = tpu.dynamic_gather %add3A_47[%gather3A_1423] in [0] : vector<16xf32>, vector<16xi32> -> vector<16xf32>
          %mul3A_1425 = arith.mulf %gather3A_1424, %get3A_1286 : vector<16xf32>
          %add3A_1426 = arith.addf %scan3A_1279, %mul3A_1425 : vector<16xf32>
          %get3A_1427 = arith.constant 14 : i32
          %get3A_1428 = arith.index_cast %get3A_1427 : i32 to index
          %get3A_1429 = arith.index_cast %mul3A_1283 : i32 to index
          %get3A_1430 = tpu.vector_load %arg7[%get3A_1428, %get3A_1429] {strides = array<i32>} : memref<32x1200xi32, #tpu.memory_space<vmem>>, vector<1x16xi32>,
          %get3A_1431 = vector.shape_cast %get3A_1430 : vector<1x16xi32> to vector<16xi32>
          %broadcast_in_dim3A_1432 = vector.shape_cast %get3A_1431 : vector<16xi32> to vector<16x1xi32>
          %gather3A_1433 = vector.shape_cast %broadcast_in_dim3A_1432 : vector<16x1xi32> to vector<16xi32>
          %gather3A_1434 = tpu.dynamic_gather %add3A_47[%gather3A_1433] in [0] : vector<16xf32>, vector<16xi32> -> vector<16xf32>
          %mul3A_1435 = arith.mulf %gather3A_1434, %get3A_1286 : vector<16xf32>
          %add3A_1436 = arith.addf %scan3A_1280, %mul3A_1435 : vector<16xf32>
          %get3A_1437 = arith.constant 15 : i32
          %get3A_1438 = arith.index_cast %get3A_1437 : i32 to index
          %get3A_1439 = arith.index_cast %mul3A_1283 : i32 to index
          %get3A_1440 = tpu.vector_load %arg7[%get3A_1438, %get3A_1439] {strides = array<i32>} : memref<32x1200xi32, #tpu.memory_space<vmem>>, vector<1x16xi32>,
          %get3A_1441 = vector.shape_cast %get3A_1440 : vector<1x16xi32> to vector<16xi32>
          %broadcast_in_dim3A_1442 = vector.shape_cast %get3A_1441 : vector<16xi32> to vector<16x1xi32>
          %gather3A_1443 = vector.shape_cast %broadcast_in_dim3A_1442 : vector<16x1xi32> to vector<16xi32>
          %gather3A_1444 = tpu.dynamic_gather %add3A_47[%gather3A_1443] in [0] : vector<16xf32>, vector<16xi32> -> vector<16xf32>
          %mul3A_1445 = arith.mulf %gather3A_1444, %get3A_1286 : vector<16xf32>
          %add3A_1446 = arith.addf %scan3A_1281, %mul3A_1445 : vector<16xf32>
          scf.yield %add3A_1296, %add3A_1306, %add3A_1316, %add3A_1326, %add3A_1336, %add3A_1346, %add3A_1356, %add3A_1366, %add3A_1376, %add3A_1386, %add3A_1396, %add3A_1406, %add3A_1416, %add3A_1426, %add3A_1436, %add3A_1446 : vector<16xf32>, vector<16xf32>, vector<16xf32>, vector<16xf32>, vector<16xf32>, vector<16xf32>, vector<16xf32>, vector<16xf32>, vector<16xf32>, vector<16xf32>, vector<16xf32>, vector<16xf32>, vector<16xf32>, vector<16xf32>, vector<16xf32>, vector<16xf32>
        }
        %scan3A_124 = arith.constant 75 : i32
        %xor3A = arith.constant 8 : i32
        %xor3A_125 = vector.broadcast %xor3A : i32 to vector<16xi32>
        %xor3A_126 = arith.xori %iota3A, %xor3A_125 : vector<16xi32>
        %broadcast_in_dim3A_127 = vector.shape_cast %xor3A_126 : vector<16xi32> to vector<16x1xi32>
        %gather3A = vector.shape_cast %broadcast_in_dim3A_127 : vector<16x1xi32> to vector<16xi32>
        %gather3A_128 = tpu.dynamic_gather %scan3A_123#0[%gather3A] in [0] : vector<16xf32>, vector<16xi32> -> vector<16xf32>
        %add3A_129 = arith.addf %scan3A_123#0, %gather3A_128 : vector<16xf32>
        %xor3A_130 = arith.constant 4 : i32
        %xor3A_131 = vector.broadcast %xor3A_130 : i32 to vector<16xi32>
        %xor3A_132 = arith.xori %iota3A, %xor3A_131 : vector<16xi32>
        %broadcast_in_dim3A_133 = vector.shape_cast %xor3A_132 : vector<16xi32> to vector<16x1xi32>
        %gather3A_134 = vector.shape_cast %broadcast_in_dim3A_133 : vector<16x1xi32> to vector<16xi32>
        %gather3A_135 = tpu.dynamic_gather %add3A_129[%gather3A_134] in [0] : vector<16xf32>, vector<16xi32> -> vector<16xf32>
        %add3A_136 = arith.addf %add3A_129, %gather3A_135 : vector<16xf32>
        %xor3A_137 = arith.constant 2 : i32
        %xor3A_138 = vector.broadcast %xor3A_137 : i32 to vector<16xi32>
        %xor3A_139 = arith.xori %iota3A, %xor3A_138 : vector<16xi32>
        %broadcast_in_dim3A_140 = vector.shape_cast %xor3A_139 : vector<16xi32> to vector<16x1xi32>
        %gather3A_141 = vector.shape_cast %broadcast_in_dim3A_140 : vector<16x1xi32> to vector<16xi32>
        %gather3A_142 = tpu.dynamic_gather %add3A_136[%gather3A_141] in [0] : vector<16xf32>, vector<16xi32> -> vector<16xf32>
        %add3A_143 = arith.addf %add3A_136, %gather3A_142 : vector<16xf32>
        %xor3A_144 = arith.constant 1 : i32
        %xor3A_145 = vector.broadcast %xor3A_144 : i32 to vector<16xi32>
        %xor3A_146 = arith.xori %iota3A, %xor3A_145 : vector<16xi32>
        %broadcast_in_dim3A_147 = vector.shape_cast %xor3A_146 : vector<16xi32> to vector<16x1xi32>
        %gather3A_148 = vector.shape_cast %broadcast_in_dim3A_147 : vector<16x1xi32> to vector<16xi32>
        %gather3A_149 = tpu.dynamic_gather %add3A_143[%gather3A_148] in [0] : vector<16xf32>, vector<16xi32> -> vector<16xf32>
        %add3A_150 = arith.addf %add3A_143, %gather3A_149 : vector<16xf32>
        %add3A_151 = vector.broadcast %squeeze3A_49 : f32 to vector<16xf32>
        %add3A_152 = arith.addf %add3A_150, %add3A_151 : vector<16xf32>
        %eq3A_153 = arith.constant 0 : i32
        %eq3A_154 = vector.broadcast %eq3A_153 : i32 to vector<16xi32>
        %eq3A_155 = arith.cmpi eq, %iota3A, %eq3A_154 : vector<16xi32>
        %select_n3A = arith.select %eq3A_155, %add3A_152, %broadcast_in_dim3A_86 : vector<16xi1>, vector<16xf32>
        %xor3A_156 = arith.constant 8 : i32
        %xor3A_157 = vector.broadcast %xor3A_156 : i32 to vector<16xi32>
        %xor3A_158 = arith.xori %iota3A, %xor3A_157 : vector<16xi32>
        %broadcast_in_dim3A_159 = vector.shape_cast %xor3A_158 : vector<16xi32> to vector<16x1xi32>
        %gather3A_160 = vector.shape_cast %broadcast_in_dim3A_159 : vector<16x1xi32> to vector<16xi32>
        %gather3A_161 = tpu.dynamic_gather %scan3A_123#1[%gather3A_160] in [0] : vector<16xf32>, vector<16xi32> -> vector<16xf32>
        %add3A_162 = arith.addf %scan3A_123#1, %gather3A_161 : vector<16xf32>
        %xor3A_163 = arith.constant 4 : i32
        %xor3A_164 = vector.broadcast %xor3A_163 : i32 to vector<16xi32>
        %xor3A_165 = arith.xori %iota3A, %xor3A_164 : vector<16xi32>
        %broadcast_in_dim3A_166 = vector.shape_cast %xor3A_165 : vector<16xi32> to vector<16x1xi32>
        %gather3A_167 = vector.shape_cast %broadcast_in_dim3A_166 : vector<16x1xi32> to vector<16xi32>
        %gather3A_168 = tpu.dynamic_gather %add3A_162[%gather3A_167] in [0] : vector<16xf32>, vector<16xi32> -> vector<16xf32>
        %add3A_169 = arith.addf %add3A_162, %gather3A_168 : vector<16xf32>
        %xor3A_170 = arith.constant 2 : i32
        %xor3A_171 = vector.broadcast %xor3A_170 : i32 to vector<16xi32>
        %xor3A_172 = arith.xori %iota3A, %xor3A_171 : vector<16xi32>
        %broadcast_in_dim3A_173 = vector.shape_cast %xor3A_172 : vector<16xi32> to vector<16x1xi32>
        %gather3A_174 = vector.shape_cast %broadcast_in_dim3A_173 : vector<16x1xi32> to vector<16xi32>
        %gather3A_175 = tpu.dynamic_gather %add3A_169[%gather3A_174] in [0] : vector<16xf32>, vector<16xi32> -> vector<16xf32>
        %add3A_176 = arith.addf %add3A_169, %gather3A_175 : vector<16xf32>
        %xor3A_177 = arith.constant 1 : i32
        %xor3A_178 = vector.broadcast %xor3A_177 : i32 to vector<16xi32>
        %xor3A_179 = arith.xori %iota3A, %xor3A_178 : vector<16xi32>
        %broadcast_in_dim3A_180 = vector.shape_cast %xor3A_179 : vector<16xi32> to vector<16x1xi32>
        %gather3A_181 = vector.shape_cast %broadcast_in_dim3A_180 : vector<16x1xi32> to vector<16xi32>
        %gather3A_182 = tpu.dynamic_gather %add3A_176[%gather3A_181] in [0] : vector<16xf32>, vector<16xi32> -> vector<16xf32>
        %add3A_183 = arith.addf %add3A_176, %gather3A_182 : vector<16xf32>
        %add3A_184 = vector.broadcast %squeeze3A_49 : f32 to vector<16xf32>
        %add3A_185 = arith.addf %add3A_183, %add3A_184 : vector<16xf32>
        %eq3A_186 = arith.constant 1 : i32
        %eq3A_187 = vector.broadcast %eq3A_186 : i32 to vector<16xi32>
        %eq3A_188 = arith.cmpi eq, %iota3A, %eq3A_187 : vector<16xi32>
        %select_n3A_189 = arith.select %eq3A_188, %add3A_185, %select_n3A : vector<16xi1>, vector<16xf32>
        %xor3A_190 = arith.constant 8 : i32
        %xor3A_191 = vector.broadcast %xor3A_190 : i32 to vector<16xi32>
        %xor3A_192 = arith.xori %iota3A, %xor3A_191 : vector<16xi32>
        %broadcast_in_dim3A_193 = vector.shape_cast %xor3A_192 : vector<16xi32> to vector<16x1xi32>
        %gather3A_194 = vector.shape_cast %broadcast_in_dim3A_193 : vector<16x1xi32> to vector<16xi32>
        %gather3A_195 = tpu.dynamic_gather %scan3A_123#2[%gather3A_194] in [0] : vector<16xf32>, vector<16xi32> -> vector<16xf32>
        %add3A_196 = arith.addf %scan3A_123#2, %gather3A_195 : vector<16xf32>
        %xor3A_197 = arith.constant 4 : i32
        %xor3A_198 = vector.broadcast %xor3A_197 : i32 to vector<16xi32>
        %xor3A_199 = arith.xori %iota3A, %xor3A_198 : vector<16xi32>
        %broadcast_in_dim3A_200 = vector.shape_cast %xor3A_199 : vector<16xi32> to vector<16x1xi32>
        %gather3A_201 = vector.shape_cast %broadcast_in_dim3A_200 : vector<16x1xi32> to vector<16xi32>
        %gather3A_202 = tpu.dynamic_gather %add3A_196[%gather3A_201] in [0] : vector<16xf32>, vector<16xi32> -> vector<16xf32>
        %add3A_203 = arith.addf %add3A_196, %gather3A_202 : vector<16xf32>
        %xor3A_204 = arith.constant 2 : i32
        %xor3A_205 = vector.broadcast %xor3A_204 : i32 to vector<16xi32>
        %xor3A_206 = arith.xori %iota3A, %xor3A_205 : vector<16xi32>
        %broadcast_in_dim3A_207 = vector.shape_cast %xor3A_206 : vector<16xi32> to vector<16x1xi32>
        %gather3A_208 = vector.shape_cast %broadcast_in_dim3A_207 : vector<16x1xi32> to vector<16xi32>
        %gather3A_209 = tpu.dynamic_gather %add3A_203[%gather3A_208] in [0] : vector<16xf32>, vector<16xi32> -> vector<16xf32>
        %add3A_210 = arith.addf %add3A_203, %gather3A_209 : vector<16xf32>
        %xor3A_211 = arith.constant 1 : i32
        %xor3A_212 = vector.broadcast %xor3A_211 : i32 to vector<16xi32>
        %xor3A_213 = arith.xori %iota3A, %xor3A_212 : vector<16xi32>
        %broadcast_in_dim3A_214 = vector.shape_cast %xor3A_213 : vector<16xi32> to vector<16x1xi32>
        %gather3A_215 = vector.shape_cast %broadcast_in_dim3A_214 : vector<16x1xi32> to vector<16xi32>
        %gather3A_216 = tpu.dynamic_gather %add3A_210[%gather3A_215] in [0] : vector<16xf32>, vector<16xi32> -> vector<16xf32>
        %add3A_217 = arith.addf %add3A_210, %gather3A_216 : vector<16xf32>
        %add3A_218 = vector.broadcast %squeeze3A_49 : f32 to vector<16xf32>
        %add3A_219 = arith.addf %add3A_217, %add3A_218 : vector<16xf32>
        %eq3A_220 = arith.constant 2 : i32
        %eq3A_221 = vector.broadcast %eq3A_220 : i32 to vector<16xi32>
        %eq3A_222 = arith.cmpi eq, %iota3A, %eq3A_221 : vector<16xi32>
        %select_n3A_223 = arith.select %eq3A_222, %add3A_219, %select_n3A_189 : vector<16xi1>, vector<16xf32>
        %xor3A_224 = arith.constant 8 : i32
        %xor3A_225 = vector.broadcast %xor3A_224 : i32 to vector<16xi32>
        %xor3A_226 = arith.xori %iota3A, %xor3A_225 : vector<16xi32>
        %broadcast_in_dim3A_227 = vector.shape_cast %xor3A_226 : vector<16xi32> to vector<16x1xi32>
        %gather3A_228 = vector.shape_cast %broadcast_in_dim3A_227 : vector<16x1xi32> to vector<16xi32>
        %gather3A_229 = tpu.dynamic_gather %scan3A_123#3[%gather3A_228] in [0] : vector<16xf32>, vector<16xi32> -> vector<16xf32>
        %add3A_230 = arith.addf %scan3A_123#3, %gather3A_229 : vector<16xf32>
        %xor3A_231 = arith.constant 4 : i32
        %xor3A_232 = vector.broadcast %xor3A_231 : i32 to vector<16xi32>
        %xor3A_233 = arith.xori %iota3A, %xor3A_232 : vector<16xi32>
        %broadcast_in_dim3A_234 = vector.shape_cast %xor3A_233 : vector<16xi32> to vector<16x1xi32>
        %gather3A_235 = vector.shape_cast %broadcast_in_dim3A_234 : vector<16x1xi32> to vector<16xi32>
        %gather3A_236 = tpu.dynamic_gather %add3A_230[%gather3A_235] in [0] : vector<16xf32>, vector<16xi32> -> vector<16xf32>
        %add3A_237 = arith.addf %add3A_230, %gather3A_236 : vector<16xf32>
        %xor3A_238 = arith.constant 2 : i32
        %xor3A_239 = vector.broadcast %xor3A_238 : i32 to vector<16xi32>
        %xor3A_240 = arith.xori %iota3A, %xor3A_239 : vector<16xi32>
        %broadcast_in_dim3A_241 = vector.shape_cast %xor3A_240 : vector<16xi32> to vector<16x1xi32>
        %gather3A_242 = vector.shape_cast %broadcast_in_dim3A_241 : vector<16x1xi32> to vector<16xi32>
        %gather3A_243 = tpu.dynamic_gather %add3A_237[%gather3A_242] in [0] : vector<16xf32>, vector<16xi32> -> vector<16xf32>
        %add3A_244 = arith.addf %add3A_237, %gather3A_243 : vector<16xf32>
        %xor3A_245 = arith.constant 1 : i32
        %xor3A_246 = vector.broadcast %xor3A_245 : i32 to vector<16xi32>
        %xor3A_247 = arith.xori %iota3A, %xor3A_246 : vector<16xi32>
        %broadcast_in_dim3A_248 = vector.shape_cast %xor3A_247 : vector<16xi32> to vector<16x1xi32>
        %gather3A_249 = vector.shape_cast %broadcast_in_dim3A_248 : vector<16x1xi32> to vector<16xi32>
        %gather3A_250 = tpu.dynamic_gather %add3A_244[%gather3A_249] in [0] : vector<16xf32>, vector<16xi32> -> vector<16xf32>
        %add3A_251 = arith.addf %add3A_244, %gather3A_250 : vector<16xf32>
        %add3A_252 = vector.broadcast %squeeze3A_49 : f32 to vector<16xf32>
        %add3A_253 = arith.addf %add3A_251, %add3A_252 : vector<16xf32>
        %eq3A_254 = arith.constant 3 : i32
        %eq3A_255 = vector.broadcast %eq3A_254 : i32 to vector<16xi32>
        %eq3A_256 = arith.cmpi eq, %iota3A, %eq3A_255 : vector<16xi32>
        %select_n3A_257 = arith.select %eq3A_256, %add3A_253, %select_n3A_223 : vector<16xi1>, vector<16xf32>
        %xor3A_258 = arith.constant 8 : i32
        %xor3A_259 = vector.broadcast %xor3A_258 : i32 to vector<16xi32>
        %xor3A_260 = arith.xori %iota3A, %xor3A_259 : vector<16xi32>
        %broadcast_in_dim3A_261 = vector.shape_cast %xor3A_260 : vector<16xi32> to vector<16x1xi32>
        %gather3A_262 = vector.shape_cast %broadcast_in_dim3A_261 : vector<16x1xi32> to vector<16xi32>
        %gather3A_263 = tpu.dynamic_gather %scan3A_123#4[%gather3A_262] in [0] : vector<16xf32>, vector<16xi32> -> vector<16xf32>
        %add3A_264 = arith.addf %scan3A_123#4, %gather3A_263 : vector<16xf32>
        %xor3A_265 = arith.constant 4 : i32
        %xor3A_266 = vector.broadcast %xor3A_265 : i32 to vector<16xi32>
        %xor3A_267 = arith.xori %iota3A, %xor3A_266 : vector<16xi32>
        %broadcast_in_dim3A_268 = vector.shape_cast %xor3A_267 : vector<16xi32> to vector<16x1xi32>
        %gather3A_269 = vector.shape_cast %broadcast_in_dim3A_268 : vector<16x1xi32> to vector<16xi32>
        %gather3A_270 = tpu.dynamic_gather %add3A_264[%gather3A_269] in [0] : vector<16xf32>, vector<16xi32> -> vector<16xf32>
        %add3A_271 = arith.addf %add3A_264, %gather3A_270 : vector<16xf32>
        %xor3A_272 = arith.constant 2 : i32
        %xor3A_273 = vector.broadcast %xor3A_272 : i32 to vector<16xi32>
        %xor3A_274 = arith.xori %iota3A, %xor3A_273 : vector<16xi32>
        %broadcast_in_dim3A_275 = vector.shape_cast %xor3A_274 : vector<16xi32> to vector<16x1xi32>
        %gather3A_276 = vector.shape_cast %broadcast_in_dim3A_275 : vector<16x1xi32> to vector<16xi32>
        %gather3A_277 = tpu.dynamic_gather %add3A_271[%gather3A_276] in [0] : vector<16xf32>, vector<16xi32> -> vector<16xf32>
        %add3A_278 = arith.addf %add3A_271, %gather3A_277 : vector<16xf32>
        %xor3A_279 = arith.constant 1 : i32
        %xor3A_280 = vector.broadcast %xor3A_279 : i32 to vector<16xi32>
        %xor3A_281 = arith.xori %iota3A, %xor3A_280 : vector<16xi32>
        %broadcast_in_dim3A_282 = vector.shape_cast %xor3A_281 : vector<16xi32> to vector<16x1xi32>
        %gather3A_283 = vector.shape_cast %broadcast_in_dim3A_282 : vector<16x1xi32> to vector<16xi32>
        %gather3A_284 = tpu.dynamic_gather %add3A_278[%gather3A_283] in [0] : vector<16xf32>, vector<16xi32> -> vector<16xf32>
        %add3A_285 = arith.addf %add3A_278, %gather3A_284 : vector<16xf32>
        %add3A_286 = vector.broadcast %squeeze3A_49 : f32 to vector<16xf32>
        %add3A_287 = arith.addf %add3A_285, %add3A_286 : vector<16xf32>
        %eq3A_288 = arith.constant 4 : i32
        %eq3A_289 = vector.broadcast %eq3A_288 : i32 to vector<16xi32>
        %eq3A_290 = arith.cmpi eq, %iota3A, %eq3A_289 : vector<16xi32>
        %select_n3A_291 = arith.select %eq3A_290, %add3A_287, %select_n3A_257 : vector<16xi1>, vector<16xf32>
        %xor3A_292 = arith.constant 8 : i32
        %xor3A_293 = vector.broadcast %xor3A_292 : i32 to vector<16xi32>
        %xor3A_294 = arith.xori %iota3A, %xor3A_293 : vector<16xi32>
        %broadcast_in_dim3A_295 = vector.shape_cast %xor3A_294 : vector<16xi32> to vector<16x1xi32>
        %gather3A_296 = vector.shape_cast %broadcast_in_dim3A_295 : vector<16x1xi32> to vector<16xi32>
        %gather3A_297 = tpu.dynamic_gather %scan3A_123#5[%gather3A_296] in [0] : vector<16xf32>, vector<16xi32> -> vector<16xf32>
        %add3A_298 = arith.addf %scan3A_123#5, %gather3A_297 : vector<16xf32>
        %xor3A_299 = arith.constant 4 : i32
        %xor3A_300 = vector.broadcast %xor3A_299 : i32 to vector<16xi32>
        %xor3A_301 = arith.xori %iota3A, %xor3A_300 : vector<16xi32>
        %broadcast_in_dim3A_302 = vector.shape_cast %xor3A_301 : vector<16xi32> to vector<16x1xi32>
        %gather3A_303 = vector.shape_cast %broadcast_in_dim3A_302 : vector<16x1xi32> to vector<16xi32>
        %gather3A_304 = tpu.dynamic_gather %add3A_298[%gather3A_303] in [0] : vector<16xf32>, vector<16xi32> -> vector<16xf32>
        %add3A_305 = arith.addf %add3A_298, %gather3A_304 : vector<16xf32>
        %xor3A_306 = arith.constant 2 : i32
        %xor3A_307 = vector.broadcast %xor3A_306 : i32 to vector<16xi32>
        %xor3A_308 = arith.xori %iota3A, %xor3A_307 : vector<16xi32>
        %broadcast_in_dim3A_309 = vector.shape_cast %xor3A_308 : vector<16xi32> to vector<16x1xi32>
        %gather3A_310 = vector.shape_cast %broadcast_in_dim3A_309 : vector<16x1xi32> to vector<16xi32>
        %gather3A_311 = tpu.dynamic_gather %add3A_305[%gather3A_310] in [0] : vector<16xf32>, vector<16xi32> -> vector<16xf32>
        %add3A_312 = arith.addf %add3A_305, %gather3A_311 : vector<16xf32>
        %xor3A_313 = arith.constant 1 : i32
        %xor3A_314 = vector.broadcast %xor3A_313 : i32 to vector<16xi32>
        %xor3A_315 = arith.xori %iota3A, %xor3A_314 : vector<16xi32>
        %broadcast_in_dim3A_316 = vector.shape_cast %xor3A_315 : vector<16xi32> to vector<16x1xi32>
        %gather3A_317 = vector.shape_cast %broadcast_in_dim3A_316 : vector<16x1xi32> to vector<16xi32>
        %gather3A_318 = tpu.dynamic_gather %add3A_312[%gather3A_317] in [0] : vector<16xf32>, vector<16xi32> -> vector<16xf32>
        %add3A_319 = arith.addf %add3A_312, %gather3A_318 : vector<16xf32>
        %add3A_320 = vector.broadcast %squeeze3A_49 : f32 to vector<16xf32>
        %add3A_321 = arith.addf %add3A_319, %add3A_320 : vector<16xf32>
        %eq3A_322 = arith.constant 5 : i32
        %eq3A_323 = vector.broadcast %eq3A_322 : i32 to vector<16xi32>
        %eq3A_324 = arith.cmpi eq, %iota3A, %eq3A_323 : vector<16xi32>
        %select_n3A_325 = arith.select %eq3A_324, %add3A_321, %select_n3A_291 : vector<16xi1>, vector<16xf32>
        %xor3A_326 = arith.constant 8 : i32
        %xor3A_327 = vector.broadcast %xor3A_326 : i32 to vector<16xi32>
        %xor3A_328 = arith.xori %iota3A, %xor3A_327 : vector<16xi32>
        %broadcast_in_dim3A_329 = vector.shape_cast %xor3A_328 : vector<16xi32> to vector<16x1xi32>
        %gather3A_330 = vector.shape_cast %broadcast_in_dim3A_329 : vector<16x1xi32> to vector<16xi32>
        %gather3A_331 = tpu.dynamic_gather %scan3A_123#6[%gather3A_330] in [0] : vector<16xf32>, vector<16xi32> -> vector<16xf32>
        %add3A_332 = arith.addf %scan3A_123#6, %gather3A_331 : vector<16xf32>
        %xor3A_333 = arith.constant 4 : i32
        %xor3A_334 = vector.broadcast %xor3A_333 : i32 to vector<16xi32>
        %xor3A_335 = arith.xori %iota3A, %xor3A_334 : vector<16xi32>
        %broadcast_in_dim3A_336 = vector.shape_cast %xor3A_335 : vector<16xi32> to vector<16x1xi32>
        %gather3A_337 = vector.shape_cast %broadcast_in_dim3A_336 : vector<16x1xi32> to vector<16xi32>
        %gather3A_338 = tpu.dynamic_gather %add3A_332[%gather3A_337] in [0] : vector<16xf32>, vector<16xi32> -> vector<16xf32>
        %add3A_339 = arith.addf %add3A_332, %gather3A_338 : vector<16xf32>
        %xor3A_340 = arith.constant 2 : i32
        %xor3A_341 = vector.broadcast %xor3A_340 : i32 to vector<16xi32>
        %xor3A_342 = arith.xori %iota3A, %xor3A_341 : vector<16xi32>
        %broadcast_in_dim3A_343 = vector.shape_cast %xor3A_342 : vector<16xi32> to vector<16x1xi32>
        %gather3A_344 = vector.shape_cast %broadcast_in_dim3A_343 : vector<16x1xi32> to vector<16xi32>
        %gather3A_345 = tpu.dynamic_gather %add3A_339[%gather3A_344] in [0] : vector<16xf32>, vector<16xi32> -> vector<16xf32>
        %add3A_346 = arith.addf %add3A_339, %gather3A_345 : vector<16xf32>
        %xor3A_347 = arith.constant 1 : i32
        %xor3A_348 = vector.broadcast %xor3A_347 : i32 to vector<16xi32>
        %xor3A_349 = arith.xori %iota3A, %xor3A_348 : vector<16xi32>
        %broadcast_in_dim3A_350 = vector.shape_cast %xor3A_349 : vector<16xi32> to vector<16x1xi32>
        %gather3A_351 = vector.shape_cast %broadcast_in_dim3A_350 : vector<16x1xi32> to vector<16xi32>
        %gather3A_352 = tpu.dynamic_gather %add3A_346[%gather3A_351] in [0] : vector<16xf32>, vector<16xi32> -> vector<16xf32>
        %add3A_353 = arith.addf %add3A_346, %gather3A_352 : vector<16xf32>
        %add3A_354 = vector.broadcast %squeeze3A_49 : f32 to vector<16xf32>
        %add3A_355 = arith.addf %add3A_353, %add3A_354 : vector<16xf32>
        %eq3A_356 = arith.constant 6 : i32
        %eq3A_357 = vector.broadcast %eq3A_356 : i32 to vector<16xi32>
        %eq3A_358 = arith.cmpi eq, %iota3A, %eq3A_357 : vector<16xi32>
        %select_n3A_359 = arith.select %eq3A_358, %add3A_355, %select_n3A_325 : vector<16xi1>, vector<16xf32>
        %xor3A_360 = arith.constant 8 : i32
        %xor3A_361 = vector.broadcast %xor3A_360 : i32 to vector<16xi32>
        %xor3A_362 = arith.xori %iota3A, %xor3A_361 : vector<16xi32>
        %broadcast_in_dim3A_363 = vector.shape_cast %xor3A_362 : vector<16xi32> to vector<16x1xi32>
        %gather3A_364 = vector.shape_cast %broadcast_in_dim3A_363 : vector<16x1xi32> to vector<16xi32>
        %gather3A_365 = tpu.dynamic_gather %scan3A_123#7[%gather3A_364] in [0] : vector<16xf32>, vector<16xi32> -> vector<16xf32>
        %add3A_366 = arith.addf %scan3A_123#7, %gather3A_365 : vector<16xf32>
        %xor3A_367 = arith.constant 4 : i32
        %xor3A_368 = vector.broadcast %xor3A_367 : i32 to vector<16xi32>
        %xor3A_369 = arith.xori %iota3A, %xor3A_368 : vector<16xi32>
        %broadcast_in_dim3A_370 = vector.shape_cast %xor3A_369 : vector<16xi32> to vector<16x1xi32>
        %gather3A_371 = vector.shape_cast %broadcast_in_dim3A_370 : vector<16x1xi32> to vector<16xi32>
        %gather3A_372 = tpu.dynamic_gather %add3A_366[%gather3A_371] in [0] : vector<16xf32>, vector<16xi32> -> vector<16xf32>
        %add3A_373 = arith.addf %add3A_366, %gather3A_372 : vector<16xf32>
        %xor3A_374 = arith.constant 2 : i32
        %xor3A_375 = vector.broadcast %xor3A_374 : i32 to vector<16xi32>
        %xor3A_376 = arith.xori %iota3A, %xor3A_375 : vector<16xi32>
        %broadcast_in_dim3A_377 = vector.shape_cast %xor3A_376 : vector<16xi32> to vector<16x1xi32>
        %gather3A_378 = vector.shape_cast %broadcast_in_dim3A_377 : vector<16x1xi32> to vector<16xi32>
        %gather3A_379 = tpu.dynamic_gather %add3A_373[%gather3A_378] in [0] : vector<16xf32>, vector<16xi32> -> vector<16xf32>
        %add3A_380 = arith.addf %add3A_373, %gather3A_379 : vector<16xf32>
        %xor3A_381 = arith.constant 1 : i32
        %xor3A_382 = vector.broadcast %xor3A_381 : i32 to vector<16xi32>
        %xor3A_383 = arith.xori %iota3A, %xor3A_382 : vector<16xi32>
        %broadcast_in_dim3A_384 = vector.shape_cast %xor3A_383 : vector<16xi32> to vector<16x1xi32>
        %gather3A_385 = vector.shape_cast %broadcast_in_dim3A_384 : vector<16x1xi32> to vector<16xi32>
        %gather3A_386 = tpu.dynamic_gather %add3A_380[%gather3A_385] in [0] : vector<16xf32>, vector<16xi32> -> vector<16xf32>
        %add3A_387 = arith.addf %add3A_380, %gather3A_386 : vector<16xf32>
        %add3A_388 = vector.broadcast %squeeze3A_49 : f32 to vector<16xf32>
        %add3A_389 = arith.addf %add3A_387, %add3A_388 : vector<16xf32>
        %eq3A_390 = arith.constant 7 : i32
        %eq3A_391 = vector.broadcast %eq3A_390 : i32 to vector<16xi32>
        %eq3A_392 = arith.cmpi eq, %iota3A, %eq3A_391 : vector<16xi32>
        %select_n3A_393 = arith.select %eq3A_392, %add3A_389, %select_n3A_359 : vector<16xi1>, vector<16xf32>
        %xor3A_394 = arith.constant 8 : i32
        %xor3A_395 = vector.broadcast %xor3A_394 : i32 to vector<16xi32>
        %xor3A_396 = arith.xori %iota3A, %xor3A_395 : vector<16xi32>
        %broadcast_in_dim3A_397 = vector.shape_cast %xor3A_396 : vector<16xi32> to vector<16x1xi32>
        %gather3A_398 = vector.shape_cast %broadcast_in_dim3A_397 : vector<16x1xi32> to vector<16xi32>
        %gather3A_399 = tpu.dynamic_gather %scan3A_123#8[%gather3A_398] in [0] : vector<16xf32>, vector<16xi32> -> vector<16xf32>
        %add3A_400 = arith.addf %scan3A_123#8, %gather3A_399 : vector<16xf32>
        %xor3A_401 = arith.constant 4 : i32
        %xor3A_402 = vector.broadcast %xor3A_401 : i32 to vector<16xi32>
        %xor3A_403 = arith.xori %iota3A, %xor3A_402 : vector<16xi32>
        %broadcast_in_dim3A_404 = vector.shape_cast %xor3A_403 : vector<16xi32> to vector<16x1xi32>
        %gather3A_405 = vector.shape_cast %broadcast_in_dim3A_404 : vector<16x1xi32> to vector<16xi32>
        %gather3A_406 = tpu.dynamic_gather %add3A_400[%gather3A_405] in [0] : vector<16xf32>, vector<16xi32> -> vector<16xf32>
        %add3A_407 = arith.addf %add3A_400, %gather3A_406 : vector<16xf32>
        %xor3A_408 = arith.constant 2 : i32
        %xor3A_409 = vector.broadcast %xor3A_408 : i32 to vector<16xi32>
        %xor3A_410 = arith.xori %iota3A, %xor3A_409 : vector<16xi32>
        %broadcast_in_dim3A_411 = vector.shape_cast %xor3A_410 : vector<16xi32> to vector<16x1xi32>
        %gather3A_412 = vector.shape_cast %broadcast_in_dim3A_411 : vector<16x1xi32> to vector<16xi32>
        %gather3A_413 = tpu.dynamic_gather %add3A_407[%gather3A_412] in [0] : vector<16xf32>, vector<16xi32> -> vector<16xf32>
        %add3A_414 = arith.addf %add3A_407, %gather3A_413 : vector<16xf32>
        %xor3A_415 = arith.constant 1 : i32
        %xor3A_416 = vector.broadcast %xor3A_415 : i32 to vector<16xi32>
        %xor3A_417 = arith.xori %iota3A, %xor3A_416 : vector<16xi32>
        %broadcast_in_dim3A_418 = vector.shape_cast %xor3A_417 : vector<16xi32> to vector<16x1xi32>
        %gather3A_419 = vector.shape_cast %broadcast_in_dim3A_418 : vector<16x1xi32> to vector<16xi32>
        %gather3A_420 = tpu.dynamic_gather %add3A_414[%gather3A_419] in [0] : vector<16xf32>, vector<16xi32> -> vector<16xf32>
        %add3A_421 = arith.addf %add3A_414, %gather3A_420 : vector<16xf32>
        %add3A_422 = vector.broadcast %squeeze3A_49 : f32 to vector<16xf32>
        %add3A_423 = arith.addf %add3A_421, %add3A_422 : vector<16xf32>
        %eq3A_424 = arith.constant 8 : i32
        %eq3A_425 = vector.broadcast %eq3A_424 : i32 to vector<16xi32>
        %eq3A_426 = arith.cmpi eq, %iota3A, %eq3A_425 : vector<16xi32>
        %select_n3A_427 = arith.select %eq3A_426, %add3A_423, %select_n3A_393 : vector<16xi1>, vector<16xf32>
        %xor3A_428 = arith.constant 8 : i32
        %xor3A_429 = vector.broadcast %xor3A_428 : i32 to vector<16xi32>
        %xor3A_430 = arith.xori %iota3A, %xor3A_429 : vector<16xi32>
        %broadcast_in_dim3A_431 = vector.shape_cast %xor3A_430 : vector<16xi32> to vector<16x1xi32>
        %gather3A_432 = vector.shape_cast %broadcast_in_dim3A_431 : vector<16x1xi32> to vector<16xi32>
        %gather3A_433 = tpu.dynamic_gather %scan3A_123#9[%gather3A_432] in [0] : vector<16xf32>, vector<16xi32> -> vector<16xf32>
        %add3A_434 = arith.addf %scan3A_123#9, %gather3A_433 : vector<16xf32>
        %xor3A_435 = arith.constant 4 : i32
        %xor3A_436 = vector.broadcast %xor3A_435 : i32 to vector<16xi32>
        %xor3A_437 = arith.xori %iota3A, %xor3A_436 : vector<16xi32>
        %broadcast_in_dim3A_438 = vector.shape_cast %xor3A_437 : vector<16xi32> to vector<16x1xi32>
        %gather3A_439 = vector.shape_cast %broadcast_in_dim3A_438 : vector<16x1xi32> to vector<16xi32>
        %gather3A_440 = tpu.dynamic_gather %add3A_434[%gather3A_439] in [0] : vector<16xf32>, vector<16xi32> -> vector<16xf32>
        %add3A_441 = arith.addf %add3A_434, %gather3A_440 : vector<16xf32>
        %xor3A_442 = arith.constant 2 : i32
        %xor3A_443 = vector.broadcast %xor3A_442 : i32 to vector<16xi32>
        %xor3A_444 = arith.xori %iota3A, %xor3A_443 : vector<16xi32>
        %broadcast_in_dim3A_445 = vector.shape_cast %xor3A_444 : vector<16xi32> to vector<16x1xi32>
        %gather3A_446 = vector.shape_cast %broadcast_in_dim3A_445 : vector<16x1xi32> to vector<16xi32>
        %gather3A_447 = tpu.dynamic_gather %add3A_441[%gather3A_446] in [0] : vector<16xf32>, vector<16xi32> -> vector<16xf32>
        %add3A_448 = arith.addf %add3A_441, %gather3A_447 : vector<16xf32>
        %xor3A_449 = arith.constant 1 : i32
        %xor3A_450 = vector.broadcast %xor3A_449 : i32 to vector<16xi32>
        %xor3A_451 = arith.xori %iota3A, %xor3A_450 : vector<16xi32>
        %broadcast_in_dim3A_452 = vector.shape_cast %xor3A_451 : vector<16xi32> to vector<16x1xi32>
        %gather3A_453 = vector.shape_cast %broadcast_in_dim3A_452 : vector<16x1xi32> to vector<16xi32>
        %gather3A_454 = tpu.dynamic_gather %add3A_448[%gather3A_453] in [0] : vector<16xf32>, vector<16xi32> -> vector<16xf32>
        %add3A_455 = arith.addf %add3A_448, %gather3A_454 : vector<16xf32>
        %add3A_456 = vector.broadcast %squeeze3A_49 : f32 to vector<16xf32>
        %add3A_457 = arith.addf %add3A_455, %add3A_456 : vector<16xf32>
        %eq3A_458 = arith.constant 9 : i32
        %eq3A_459 = vector.broadcast %eq3A_458 : i32 to vector<16xi32>
        %eq3A_460 = arith.cmpi eq, %iota3A, %eq3A_459 : vector<16xi32>
        %select_n3A_461 = arith.select %eq3A_460, %add3A_457, %select_n3A_427 : vector<16xi1>, vector<16xf32>
        %xor3A_462 = arith.constant 8 : i32
        %xor3A_463 = vector.broadcast %xor3A_462 : i32 to vector<16xi32>
        %xor3A_464 = arith.xori %iota3A, %xor3A_463 : vector<16xi32>
        %broadcast_in_dim3A_465 = vector.shape_cast %xor3A_464 : vector<16xi32> to vector<16x1xi32>
        %gather3A_466 = vector.shape_cast %broadcast_in_dim3A_465 : vector<16x1xi32> to vector<16xi32>
        %gather3A_467 = tpu.dynamic_gather %scan3A_123#10[%gather3A_466] in [0] : vector<16xf32>, vector<16xi32> -> vector<16xf32>
        %add3A_468 = arith.addf %scan3A_123#10, %gather3A_467 : vector<16xf32>
        %xor3A_469 = arith.constant 4 : i32
        %xor3A_470 = vector.broadcast %xor3A_469 : i32 to vector<16xi32>
        %xor3A_471 = arith.xori %iota3A, %xor3A_470 : vector<16xi32>
        %broadcast_in_dim3A_472 = vector.shape_cast %xor3A_471 : vector<16xi32> to vector<16x1xi32>
        %gather3A_473 = vector.shape_cast %broadcast_in_dim3A_472 : vector<16x1xi32> to vector<16xi32>
        %gather3A_474 = tpu.dynamic_gather %add3A_468[%gather3A_473] in [0] : vector<16xf32>, vector<16xi32> -> vector<16xf32>
        %add3A_475 = arith.addf %add3A_468, %gather3A_474 : vector<16xf32>
        %xor3A_476 = arith.constant 2 : i32
        %xor3A_477 = vector.broadcast %xor3A_476 : i32 to vector<16xi32>
        %xor3A_478 = arith.xori %iota3A, %xor3A_477 : vector<16xi32>
        %broadcast_in_dim3A_479 = vector.shape_cast %xor3A_478 : vector<16xi32> to vector<16x1xi32>
        %gather3A_480 = vector.shape_cast %broadcast_in_dim3A_479 : vector<16x1xi32> to vector<16xi32>
        %gather3A_481 = tpu.dynamic_gather %add3A_475[%gather3A_480] in [0] : vector<16xf32>, vector<16xi32> -> vector<16xf32>
        %add3A_482 = arith.addf %add3A_475, %gather3A_481 : vector<16xf32>
        %xor3A_483 = arith.constant 1 : i32
        %xor3A_484 = vector.broadcast %xor3A_483 : i32 to vector<16xi32>
        %xor3A_485 = arith.xori %iota3A, %xor3A_484 : vector<16xi32>
        %broadcast_in_dim3A_486 = vector.shape_cast %xor3A_485 : vector<16xi32> to vector<16x1xi32>
        %gather3A_487 = vector.shape_cast %broadcast_in_dim3A_486 : vector<16x1xi32> to vector<16xi32>
        %gather3A_488 = tpu.dynamic_gather %add3A_482[%gather3A_487] in [0] : vector<16xf32>, vector<16xi32> -> vector<16xf32>
        %add3A_489 = arith.addf %add3A_482, %gather3A_488 : vector<16xf32>
        %add3A_490 = vector.broadcast %squeeze3A_49 : f32 to vector<16xf32>
        %add3A_491 = arith.addf %add3A_489, %add3A_490 : vector<16xf32>
        %eq3A_492 = arith.constant 10 : i32
        %eq3A_493 = vector.broadcast %eq3A_492 : i32 to vector<16xi32>
        %eq3A_494 = arith.cmpi eq, %iota3A, %eq3A_493 : vector<16xi32>
        %select_n3A_495 = arith.select %eq3A_494, %add3A_491, %select_n3A_461 : vector<16xi1>, vector<16xf32>
        %xor3A_496 = arith.constant 8 : i32
        %xor3A_497 = vector.broadcast %xor3A_496 : i32 to vector<16xi32>
        %xor3A_498 = arith.xori %iota3A, %xor3A_497 : vector<16xi32>
        %broadcast_in_dim3A_499 = vector.shape_cast %xor3A_498 : vector<16xi32> to vector<16x1xi32>
        %gather3A_500 = vector.shape_cast %broadcast_in_dim3A_499 : vector<16x1xi32> to vector<16xi32>
        %gather3A_501 = tpu.dynamic_gather %scan3A_123#11[%gather3A_500] in [0] : vector<16xf32>, vector<16xi32> -> vector<16xf32>
        %add3A_502 = arith.addf %scan3A_123#11, %gather3A_501 : vector<16xf32>
        %xor3A_503 = arith.constant 4 : i32
        %xor3A_504 = vector.broadcast %xor3A_503 : i32 to vector<16xi32>
        %xor3A_505 = arith.xori %iota3A, %xor3A_504 : vector<16xi32>
        %broadcast_in_dim3A_506 = vector.shape_cast %xor3A_505 : vector<16xi32> to vector<16x1xi32>
        %gather3A_507 = vector.shape_cast %broadcast_in_dim3A_506 : vector<16x1xi32> to vector<16xi32>
        %gather3A_508 = tpu.dynamic_gather %add3A_502[%gather3A_507] in [0] : vector<16xf32>, vector<16xi32> -> vector<16xf32>
        %add3A_509 = arith.addf %add3A_502, %gather3A_508 : vector<16xf32>
        %xor3A_510 = arith.constant 2 : i32
        %xor3A_511 = vector.broadcast %xor3A_510 : i32 to vector<16xi32>
        %xor3A_512 = arith.xori %iota3A, %xor3A_511 : vector<16xi32>
        %broadcast_in_dim3A_513 = vector.shape_cast %xor3A_512 : vector<16xi32> to vector<16x1xi32>
        %gather3A_514 = vector.shape_cast %broadcast_in_dim3A_513 : vector<16x1xi32> to vector<16xi32>
        %gather3A_515 = tpu.dynamic_gather %add3A_509[%gather3A_514] in [0] : vector<16xf32>, vector<16xi32> -> vector<16xf32>
        %add3A_516 = arith.addf %add3A_509, %gather3A_515 : vector<16xf32>
        %xor3A_517 = arith.constant 1 : i32
        %xor3A_518 = vector.broadcast %xor3A_517 : i32 to vector<16xi32>
        %xor3A_519 = arith.xori %iota3A, %xor3A_518 : vector<16xi32>
        %broadcast_in_dim3A_520 = vector.shape_cast %xor3A_519 : vector<16xi32> to vector<16x1xi32>
        %gather3A_521 = vector.shape_cast %broadcast_in_dim3A_520 : vector<16x1xi32> to vector<16xi32>
        %gather3A_522 = tpu.dynamic_gather %add3A_516[%gather3A_521] in [0] : vector<16xf32>, vector<16xi32> -> vector<16xf32>
        %add3A_523 = arith.addf %add3A_516, %gather3A_522 : vector<16xf32>
        %add3A_524 = vector.broadcast %squeeze3A_49 : f32 to vector<16xf32>
        %add3A_525 = arith.addf %add3A_523, %add3A_524 : vector<16xf32>
        %eq3A_526 = arith.constant 11 : i32
        %eq3A_527 = vector.broadcast %eq3A_526 : i32 to vector<16xi32>
        %eq3A_528 = arith.cmpi eq, %iota3A, %eq3A_527 : vector<16xi32>
        %select_n3A_529 = arith.select %eq3A_528, %add3A_525, %select_n3A_495 : vector<16xi1>, vector<16xf32>
        %xor3A_530 = arith.constant 8 : i32
        %xor3A_531 = vector.broadcast %xor3A_530 : i32 to vector<16xi32>
        %xor3A_532 = arith.xori %iota3A, %xor3A_531 : vector<16xi32>
        %broadcast_in_dim3A_533 = vector.shape_cast %xor3A_532 : vector<16xi32> to vector<16x1xi32>
        %gather3A_534 = vector.shape_cast %broadcast_in_dim3A_533 : vector<16x1xi32> to vector<16xi32>
        %gather3A_535 = tpu.dynamic_gather %scan3A_123#12[%gather3A_534] in [0] : vector<16xf32>, vector<16xi32> -> vector<16xf32>
        %add3A_536 = arith.addf %scan3A_123#12, %gather3A_535 : vector<16xf32>
        %xor3A_537 = arith.constant 4 : i32
        %xor3A_538 = vector.broadcast %xor3A_537 : i32 to vector<16xi32>
        %xor3A_539 = arith.xori %iota3A, %xor3A_538 : vector<16xi32>
        %broadcast_in_dim3A_540 = vector.shape_cast %xor3A_539 : vector<16xi32> to vector<16x1xi32>
        %gather3A_541 = vector.shape_cast %broadcast_in_dim3A_540 : vector<16x1xi32> to vector<16xi32>
        %gather3A_542 = tpu.dynamic_gather %add3A_536[%gather3A_541] in [0] : vector<16xf32>, vector<16xi32> -> vector<16xf32>
        %add3A_543 = arith.addf %add3A_536, %gather3A_542 : vector<16xf32>
        %xor3A_544 = arith.constant 2 : i32
        %xor3A_545 = vector.broadcast %xor3A_544 : i32 to vector<16xi32>
        %xor3A_546 = arith.xori %iota3A, %xor3A_545 : vector<16xi32>
        %broadcast_in_dim3A_547 = vector.shape_cast %xor3A_546 : vector<16xi32> to vector<16x1xi32>
        %gather3A_548 = vector.shape_cast %broadcast_in_dim3A_547 : vector<16x1xi32> to vector<16xi32>
        %gather3A_549 = tpu.dynamic_gather %add3A_543[%gather3A_548] in [0] : vector<16xf32>, vector<16xi32> -> vector<16xf32>
        %add3A_550 = arith.addf %add3A_543, %gather3A_549 : vector<16xf32>
        %xor3A_551 = arith.constant 1 : i32
        %xor3A_552 = vector.broadcast %xor3A_551 : i32 to vector<16xi32>
        %xor3A_553 = arith.xori %iota3A, %xor3A_552 : vector<16xi32>
        %broadcast_in_dim3A_554 = vector.shape_cast %xor3A_553 : vector<16xi32> to vector<16x1xi32>
        %gather3A_555 = vector.shape_cast %broadcast_in_dim3A_554 : vector<16x1xi32> to vector<16xi32>
        %gather3A_556 = tpu.dynamic_gather %add3A_550[%gather3A_555] in [0] : vector<16xf32>, vector<16xi32> -> vector<16xf32>
        %add3A_557 = arith.addf %add3A_550, %gather3A_556 : vector<16xf32>
        %add3A_558 = vector.broadcast %squeeze3A_49 : f32 to vector<16xf32>
        %add3A_559 = arith.addf %add3A_557, %add3A_558 : vector<16xf32>
        %eq3A_560 = arith.constant 12 : i32
        %eq3A_561 = vector.broadcast %eq3A_560 : i32 to vector<16xi32>
        %eq3A_562 = arith.cmpi eq, %iota3A, %eq3A_561 : vector<16xi32>
        %select_n3A_563 = arith.select %eq3A_562, %add3A_559, %select_n3A_529 : vector<16xi1>, vector<16xf32>
        %xor3A_564 = arith.constant 8 : i32
        %xor3A_565 = vector.broadcast %xor3A_564 : i32 to vector<16xi32>
        %xor3A_566 = arith.xori %iota3A, %xor3A_565 : vector<16xi32>
        %broadcast_in_dim3A_567 = vector.shape_cast %xor3A_566 : vector<16xi32> to vector<16x1xi32>
        %gather3A_568 = vector.shape_cast %broadcast_in_dim3A_567 : vector<16x1xi32> to vector<16xi32>
        %gather3A_569 = tpu.dynamic_gather %scan3A_123#13[%gather3A_568] in [0] : vector<16xf32>, vector<16xi32> -> vector<16xf32>
        %add3A_570 = arith.addf %scan3A_123#13, %gather3A_569 : vector<16xf32>
        %xor3A_571 = arith.constant 4 : i32
        %xor3A_572 = vector.broadcast %xor3A_571 : i32 to vector<16xi32>
        %xor3A_573 = arith.xori %iota3A, %xor3A_572 : vector<16xi32>
        %broadcast_in_dim3A_574 = vector.shape_cast %xor3A_573 : vector<16xi32> to vector<16x1xi32>
        %gather3A_575 = vector.shape_cast %broadcast_in_dim3A_574 : vector<16x1xi32> to vector<16xi32>
        %gather3A_576 = tpu.dynamic_gather %add3A_570[%gather3A_575] in [0] : vector<16xf32>, vector<16xi32> -> vector<16xf32>
        %add3A_577 = arith.addf %add3A_570, %gather3A_576 : vector<16xf32>
        %xor3A_578 = arith.constant 2 : i32
        %xor3A_579 = vector.broadcast %xor3A_578 : i32 to vector<16xi32>
        %xor3A_580 = arith.xori %iota3A, %xor3A_579 : vector<16xi32>
        %broadcast_in_dim3A_581 = vector.shape_cast %xor3A_580 : vector<16xi32> to vector<16x1xi32>
        %gather3A_582 = vector.shape_cast %broadcast_in_dim3A_581 : vector<16x1xi32> to vector<16xi32>
        %gather3A_583 = tpu.dynamic_gather %add3A_577[%gather3A_582] in [0] : vector<16xf32>, vector<16xi32> -> vector<16xf32>
        %add3A_584 = arith.addf %add3A_577, %gather3A_583 : vector<16xf32>
        %xor3A_585 = arith.constant 1 : i32
        %xor3A_586 = vector.broadcast %xor3A_585 : i32 to vector<16xi32>
        %xor3A_587 = arith.xori %iota3A, %xor3A_586 : vector<16xi32>
        %broadcast_in_dim3A_588 = vector.shape_cast %xor3A_587 : vector<16xi32> to vector<16x1xi32>
        %gather3A_589 = vector.shape_cast %broadcast_in_dim3A_588 : vector<16x1xi32> to vector<16xi32>
        %gather3A_590 = tpu.dynamic_gather %add3A_584[%gather3A_589] in [0] : vector<16xf32>, vector<16xi32> -> vector<16xf32>
        %add3A_591 = arith.addf %add3A_584, %gather3A_590 : vector<16xf32>
        %add3A_592 = vector.broadcast %squeeze3A_49 : f32 to vector<16xf32>
        %add3A_593 = arith.addf %add3A_591, %add3A_592 : vector<16xf32>
        %eq3A_594 = arith.constant 13 : i32
        %eq3A_595 = vector.broadcast %eq3A_594 : i32 to vector<16xi32>
        %eq3A_596 = arith.cmpi eq, %iota3A, %eq3A_595 : vector<16xi32>
        %select_n3A_597 = arith.select %eq3A_596, %add3A_593, %select_n3A_563 : vector<16xi1>, vector<16xf32>
        %xor3A_598 = arith.constant 8 : i32
        %xor3A_599 = vector.broadcast %xor3A_598 : i32 to vector<16xi32>
        %xor3A_600 = arith.xori %iota3A, %xor3A_599 : vector<16xi32>
        %broadcast_in_dim3A_601 = vector.shape_cast %xor3A_600 : vector<16xi32> to vector<16x1xi32>
        %gather3A_602 = vector.shape_cast %broadcast_in_dim3A_601 : vector<16x1xi32> to vector<16xi32>
        %gather3A_603 = tpu.dynamic_gather %scan3A_123#14[%gather3A_602] in [0] : vector<16xf32>, vector<16xi32> -> vector<16xf32>
        %add3A_604 = arith.addf %scan3A_123#14, %gather3A_603 : vector<16xf32>
        %xor3A_605 = arith.constant 4 : i32
        %xor3A_606 = vector.broadcast %xor3A_605 : i32 to vector<16xi32>
        %xor3A_607 = arith.xori %iota3A, %xor3A_606 : vector<16xi32>
        %broadcast_in_dim3A_608 = vector.shape_cast %xor3A_607 : vector<16xi32> to vector<16x1xi32>
        %gather3A_609 = vector.shape_cast %broadcast_in_dim3A_608 : vector<16x1xi32> to vector<16xi32>
        %gather3A_610 = tpu.dynamic_gather %add3A_604[%gather3A_609] in [0] : vector<16xf32>, vector<16xi32> -> vector<16xf32>
        %add3A_611 = arith.addf %add3A_604, %gather3A_610 : vector<16xf32>
        %xor3A_612 = arith.constant 2 : i32
        %xor3A_613 = vector.broadcast %xor3A_612 : i32 to vector<16xi32>
        %xor3A_614 = arith.xori %iota3A, %xor3A_613 : vector<16xi32>
        %broadcast_in_dim3A_615 = vector.shape_cast %xor3A_614 : vector<16xi32> to vector<16x1xi32>
        %gather3A_616 = vector.shape_cast %broadcast_in_dim3A_615 : vector<16x1xi32> to vector<16xi32>
        %gather3A_617 = tpu.dynamic_gather %add3A_611[%gather3A_616] in [0] : vector<16xf32>, vector<16xi32> -> vector<16xf32>
        %add3A_618 = arith.addf %add3A_611, %gather3A_617 : vector<16xf32>
        %xor3A_619 = arith.constant 1 : i32
        %xor3A_620 = vector.broadcast %xor3A_619 : i32 to vector<16xi32>
        %xor3A_621 = arith.xori %iota3A, %xor3A_620 : vector<16xi32>
        %broadcast_in_dim3A_622 = vector.shape_cast %xor3A_621 : vector<16xi32> to vector<16x1xi32>
        %gather3A_623 = vector.shape_cast %broadcast_in_dim3A_622 : vector<16x1xi32> to vector<16xi32>
        %gather3A_624 = tpu.dynamic_gather %add3A_618[%gather3A_623] in [0] : vector<16xf32>, vector<16xi32> -> vector<16xf32>
        %add3A_625 = arith.addf %add3A_618, %gather3A_624 : vector<16xf32>
        %add3A_626 = vector.broadcast %squeeze3A_49 : f32 to vector<16xf32>
        %add3A_627 = arith.addf %add3A_625, %add3A_626 : vector<16xf32>
        %eq3A_628 = arith.constant 14 : i32
        %eq3A_629 = vector.broadcast %eq3A_628 : i32 to vector<16xi32>
        %eq3A_630 = arith.cmpi eq, %iota3A, %eq3A_629 : vector<16xi32>
        %select_n3A_631 = arith.select %eq3A_630, %add3A_627, %select_n3A_597 : vector<16xi1>, vector<16xf32>
        %xor3A_632 = arith.constant 8 : i32
        %xor3A_633 = vector.broadcast %xor3A_632 : i32 to vector<16xi32>
        %xor3A_634 = arith.xori %iota3A, %xor3A_633 : vector<16xi32>
        %broadcast_in_dim3A_635 = vector.shape_cast %xor3A_634 : vector<16xi32> to vector<16x1xi32>
        %gather3A_636 = vector.shape_cast %broadcast_in_dim3A_635 : vector<16x1xi32> to vector<16xi32>
        %gather3A_637 = tpu.dynamic_gather %scan3A_123#15[%gather3A_636] in [0] : vector<16xf32>, vector<16xi32> -> vector<16xf32>
        %add3A_638 = arith.addf %scan3A_123#15, %gather3A_637 : vector<16xf32>
        %xor3A_639 = arith.constant 4 : i32
        %xor3A_640 = vector.broadcast %xor3A_639 : i32 to vector<16xi32>
        %xor3A_641 = arith.xori %iota3A, %xor3A_640 : vector<16xi32>
        %broadcast_in_dim3A_642 = vector.shape_cast %xor3A_641 : vector<16xi32> to vector<16x1xi32>
        %gather3A_643 = vector.shape_cast %broadcast_in_dim3A_642 : vector<16x1xi32> to vector<16xi32>
        %gather3A_644 = tpu.dynamic_gather %add3A_638[%gather3A_643] in [0] : vector<16xf32>, vector<16xi32> -> vector<16xf32>
        %add3A_645 = arith.addf %add3A_638, %gather3A_644 : vector<16xf32>
        %xor3A_646 = arith.constant 2 : i32
        %xor3A_647 = vector.broadcast %xor3A_646 : i32 to vector<16xi32>
        %xor3A_648 = arith.xori %iota3A, %xor3A_647 : vector<16xi32>
        %broadcast_in_dim3A_649 = vector.shape_cast %xor3A_648 : vector<16xi32> to vector<16x1xi32>
        %gather3A_650 = vector.shape_cast %broadcast_in_dim3A_649 : vector<16x1xi32> to vector<16xi32>
        %gather3A_651 = tpu.dynamic_gather %add3A_645[%gather3A_650] in [0] : vector<16xf32>, vector<16xi32> -> vector<16xf32>
        %add3A_652 = arith.addf %add3A_645, %gather3A_651 : vector<16xf32>
        %xor3A_653 = arith.constant 1 : i32
        %xor3A_654 = vector.broadcast %xor3A_653 : i32 to vector<16xi32>
        %xor3A_655 = arith.xori %iota3A, %xor3A_654 : vector<16xi32>
        %broadcast_in_dim3A_656 = vector.shape_cast %xor3A_655 : vector<16xi32> to vector<16x1xi32>
        %gather3A_657 = vector.shape_cast %broadcast_in_dim3A_656 : vector<16x1xi32> to vector<16xi32>
        %gather3A_658 = tpu.dynamic_gather %add3A_652[%gather3A_657] in [0] : vector<16xf32>, vector<16xi32> -> vector<16xf32>
        %add3A_659 = arith.addf %add3A_652, %gather3A_658 : vector<16xf32>
        %add3A_660 = vector.broadcast %squeeze3A_49 : f32 to vector<16xf32>
        %add3A_661 = arith.addf %add3A_659, %add3A_660 : vector<16xf32>
        %eq3A_662 = arith.constant 15 : i32
        %eq3A_663 = vector.broadcast %eq3A_662 : i32 to vector<16xi32>
        %eq3A_664 = arith.cmpi eq, %iota3A, %eq3A_663 : vector<16xi32>
        %select_n3A_665 = arith.select %eq3A_664, %add3A_661, %select_n3A_631 : vector<16xi1>, vector<16xf32>
        %mul3A_666 = arith.constant 32 : i32
        %mul3A_667 = arith.muli %scan3A_61, %mul3A_666 : i32
        %add3A_668 = arith.constant 0 : i32
        %add3A_669 = arith.addi %mul3A_667, %add3A_668 : i32
        %swap3A = arith.index_cast %add3A_669 : i32 to index
        %swap3A_670 = tpu.vector_load %arg12[%swap3A] {strides = array<i32>} : memref<512xf32, #tpu.memory_space<vmem>>, vector<16xf32>,
        %swap3A_671 = vector.shape_cast %swap3A_670 : vector<16xf32> to vector<16xf32>
        %swap3A_672 = vector.shape_cast %select_n3A_665 : vector<16xf32> to vector<16xf32>
        tpu.vector_store %arg12[%swap3A], %swap3A_672 {strides = array<i32>} : memref<512xf32, #tpu.memory_space<vmem>>, vector<16xf32>,
        %broadcast_in_dim3A_673 = arith.constant 0.000000e+00 : f32
        %broadcast_in_dim3A_674 = vector.broadcast %broadcast_in_dim3A_673 : f32 to vector<16xf32>
        %broadcast_in_dim3A_675 = arith.constant 0.000000e+00 : f32
        %broadcast_in_dim3A_676 = vector.broadcast %broadcast_in_dim3A_675 : f32 to vector<16xf32>
        %broadcast_in_dim3A_677 = arith.constant 0.000000e+00 : f32
        %broadcast_in_dim3A_678 = vector.broadcast %broadcast_in_dim3A_677 : f32 to vector<16xf32>
        %broadcast_in_dim3A_679 = arith.constant 0.000000e+00 : f32
        %broadcast_in_dim3A_680 = vector.broadcast %broadcast_in_dim3A_679 : f32 to vector<16xf32>
        %broadcast_in_dim3A_681 = arith.constant 0.000000e+00 : f32
        %broadcast_in_dim3A_682 = vector.broadcast %broadcast_in_dim3A_681 : f32 to vector<16xf32>
        %broadcast_in_dim3A_683 = arith.constant 0.000000e+00 : f32
        %broadcast_in_dim3A_684 = vector.broadcast %broadcast_in_dim3A_683 : f32 to vector<16xf32>
        %broadcast_in_dim3A_685 = arith.constant 0.000000e+00 : f32
        %broadcast_in_dim3A_686 = vector.broadcast %broadcast_in_dim3A_685 : f32 to vector<16xf32>
        %broadcast_in_dim3A_687 = arith.constant 0.000000e+00 : f32
        %broadcast_in_dim3A_688 = vector.broadcast %broadcast_in_dim3A_687 : f32 to vector<16xf32>
        %broadcast_in_dim3A_689 = arith.constant 0.000000e+00 : f32
        %broadcast_in_dim3A_690 = vector.broadcast %broadcast_in_dim3A_689 : f32 to vector<16xf32>
        %broadcast_in_dim3A_691 = arith.constant 0.000000e+00 : f32
        %broadcast_in_dim3A_692 = vector.broadcast %broadcast_in_dim3A_691 : f32 to vector<16xf32>
        %broadcast_in_dim3A_693 = arith.constant 0.000000e+00 : f32
        %broadcast_in_dim3A_694 = vector.broadcast %broadcast_in_dim3A_693 : f32 to vector<16xf32>
        %broadcast_in_dim3A_695 = arith.constant 0.000000e+00 : f32
        %broadcast_in_dim3A_696 = vector.broadcast %broadcast_in_dim3A_695 : f32 to vector<16xf32>
        %broadcast_in_dim3A_697 = arith.constant 0.000000e+00 : f32
        %broadcast_in_dim3A_698 = vector.broadcast %broadcast_in_dim3A_697 : f32 to vector<16xf32>
        %broadcast_in_dim3A_699 = arith.constant 0.000000e+00 : f32
        %broadcast_in_dim3A_700 = vector.broadcast %broadcast_in_dim3A_699 : f32 to vector<16xf32>
        %broadcast_in_dim3A_701 = arith.constant 0.000000e+00 : f32
        %broadcast_in_dim3A_702 = vector.broadcast %broadcast_in_dim3A_701 : f32 to vector<16xf32>
        %broadcast_in_dim3A_703 = arith.constant 0.000000e+00 : f32
        %broadcast_in_dim3A_704 = vector.broadcast %broadcast_in_dim3A_703 : f32 to vector<16xf32>
        %broadcast_in_dim3A_705 = arith.constant 0.000000e+00 : f32
        %broadcast_in_dim3A_706 = vector.broadcast %broadcast_in_dim3A_705 : f32 to vector<16xf32>
        %scan3A_707 = arith.constant 0 : i32
        %scan3A_708 = arith.constant 75 : i32
        %scan3A_709 = arith.addi %scan3A_707, %scan3A_708 : i32
        %scan3A_710 = arith.constant 1 : i32
        %scan3A_711:16 = scf.for %scan3A_1265 = %scan3A_707 to %scan3A_709 step %scan3A_710 iter_args(%scan3A_1266 = %broadcast_in_dim3A_676, %scan3A_1267 = %broadcast_in_dim3A_678, %scan3A_1268 = %broadcast_in_dim3A_680, %scan3A_1269 = %broadcast_in_dim3A_682, %scan3A_1270 = %broadcast_in_dim3A_684, %scan3A_1271 = %broadcast_in_dim3A_686, %scan3A_1272 = %broadcast_in_dim3A_688, %scan3A_1273 = %broadcast_in_dim3A_690, %scan3A_1274 = %broadcast_in_dim3A_692, %scan3A_1275 = %broadcast_in_dim3A_694, %scan3A_1276 = %broadcast_in_dim3A_696, %scan3A_1277 = %broadcast_in_dim3A_698, %scan3A_1278 = %broadcast_in_dim3A_700, %scan3A_1279 = %broadcast_in_dim3A_702, %scan3A_1280 = %broadcast_in_dim3A_704, %scan3A_1281 = %broadcast_in_dim3A_706) -> (vector<16xf32>, vector<16xf32>, vector<16xf32>, vector<16xf32>, vector<16xf32>, vector<16xf32>, vector<16xf32>, vector<16xf32>, vector<16xf32>, vector<16xf32>, vector<16xf32>, vector<16xf32>, vector<16xf32>, vector<16xf32>, vector<16xf32>, vector<16xf32>)  : i32 {
          %mul3A_1282 = arith.constant 16 : i32
          %mul3A_1283 = arith.muli %scan3A_1265, %mul3A_1282 : i32
          %get3A_1284 = arith.index_cast %mul3A_1283 : i32 to index
          %get3A_1285 = tpu.vector_load %arg9[%get3A_1284] {strides = array<i32>} : memref<1200xf32, #tpu.memory_space<vmem>>, vector<16xf32>,
          %get3A_1286 = vector.shape_cast %get3A_1285 : vector<16xf32> to vector<16xf32>
          %get3A_1287 = arith.constant 16 : i32
          %get3A_1288 = arith.index_cast %get3A_1287 : i32 to index
          %get3A_1289 = arith.index_cast %mul3A_1283 : i32 to index
          %get3A_1290 = tpu.vector_load %arg7[%get3A_1288, %get3A_1289] {strides = array<i32>} : memref<32x1200xi32, #tpu.memory_space<vmem>>, vector<1x16xi32>,
          %get3A_1291 = vector.shape_cast %get3A_1290 : vector<1x16xi32> to vector<16xi32>
          %broadcast_in_dim3A_1292 = vector.shape_cast %get3A_1291 : vector<16xi32> to vector<16x1xi32>
          %gather3A_1293 = vector.shape_cast %broadcast_in_dim3A_1292 : vector<16x1xi32> to vector<16xi32>
          %gather3A_1294 = tpu.dynamic_gather %add3A_47[%gather3A_1293] in [0] : vector<16xf32>, vector<16xi32> -> vector<16xf32>
          %mul3A_1295 = arith.mulf %gather3A_1294, %get3A_1286 : vector<16xf32>
          %add3A_1296 = arith.addf %scan3A_1266, %mul3A_1295 : vector<16xf32>
          %get3A_1297 = arith.constant 17 : i32
          %get3A_1298 = arith.index_cast %get3A_1297 : i32 to index
          %get3A_1299 = arith.index_cast %mul3A_1283 : i32 to index
          %get3A_1300 = tpu.vector_load %arg7[%get3A_1298, %get3A_1299] {strides = array<i32>} : memref<32x1200xi32, #tpu.memory_space<vmem>>, vector<1x16xi32>,
          %get3A_1301 = vector.shape_cast %get3A_1300 : vector<1x16xi32> to vector<16xi32>
          %broadcast_in_dim3A_1302 = vector.shape_cast %get3A_1301 : vector<16xi32> to vector<16x1xi32>
          %gather3A_1303 = vector.shape_cast %broadcast_in_dim3A_1302 : vector<16x1xi32> to vector<16xi32>
          %gather3A_1304 = tpu.dynamic_gather %add3A_47[%gather3A_1303] in [0] : vector<16xf32>, vector<16xi32> -> vector<16xf32>
          %mul3A_1305 = arith.mulf %gather3A_1304, %get3A_1286 : vector<16xf32>
          %add3A_1306 = arith.addf %scan3A_1267, %mul3A_1305 : vector<16xf32>
          %get3A_1307 = arith.constant 18 : i32
          %get3A_1308 = arith.index_cast %get3A_1307 : i32 to index
          %get3A_1309 = arith.index_cast %mul3A_1283 : i32 to index
          %get3A_1310 = tpu.vector_load %arg7[%get3A_1308, %get3A_1309] {strides = array<i32>} : memref<32x1200xi32, #tpu.memory_space<vmem>>, vector<1x16xi32>,
          %get3A_1311 = vector.shape_cast %get3A_1310 : vector<1x16xi32> to vector<16xi32>
          %broadcast_in_dim3A_1312 = vector.shape_cast %get3A_1311 : vector<16xi32> to vector<16x1xi32>
          %gather3A_1313 = vector.shape_cast %broadcast_in_dim3A_1312 : vector<16x1xi32> to vector<16xi32>
          %gather3A_1314 = tpu.dynamic_gather %add3A_47[%gather3A_1313] in [0] : vector<16xf32>, vector<16xi32> -> vector<16xf32>
          %mul3A_1315 = arith.mulf %gather3A_1314, %get3A_1286 : vector<16xf32>
          %add3A_1316 = arith.addf %scan3A_1268, %mul3A_1315 : vector<16xf32>
          %get3A_1317 = arith.constant 19 : i32
          %get3A_1318 = arith.index_cast %get3A_1317 : i32 to index
          %get3A_1319 = arith.index_cast %mul3A_1283 : i32 to index
          %get3A_1320 = tpu.vector_load %arg7[%get3A_1318, %get3A_1319] {strides = array<i32>} : memref<32x1200xi32, #tpu.memory_space<vmem>>, vector<1x16xi32>,
          %get3A_1321 = vector.shape_cast %get3A_1320 : vector<1x16xi32> to vector<16xi32>
          %broadcast_in_dim3A_1322 = vector.shape_cast %get3A_1321 : vector<16xi32> to vector<16x1xi32>
          %gather3A_1323 = vector.shape_cast %broadcast_in_dim3A_1322 : vector<16x1xi32> to vector<16xi32>
          %gather3A_1324 = tpu.dynamic_gather %add3A_47[%gather3A_1323] in [0] : vector<16xf32>, vector<16xi32> -> vector<16xf32>
          %mul3A_1325 = arith.mulf %gather3A_1324, %get3A_1286 : vector<16xf32>
          %add3A_1326 = arith.addf %scan3A_1269, %mul3A_1325 : vector<16xf32>
          %get3A_1327 = arith.constant 20 : i32
          %get3A_1328 = arith.index_cast %get3A_1327 : i32 to index
          %get3A_1329 = arith.index_cast %mul3A_1283 : i32 to index
          %get3A_1330 = tpu.vector_load %arg7[%get3A_1328, %get3A_1329] {strides = array<i32>} : memref<32x1200xi32, #tpu.memory_space<vmem>>, vector<1x16xi32>,
          %get3A_1331 = vector.shape_cast %get3A_1330 : vector<1x16xi32> to vector<16xi32>
          %broadcast_in_dim3A_1332 = vector.shape_cast %get3A_1331 : vector<16xi32> to vector<16x1xi32>
          %gather3A_1333 = vector.shape_cast %broadcast_in_dim3A_1332 : vector<16x1xi32> to vector<16xi32>
          %gather3A_1334 = tpu.dynamic_gather %add3A_47[%gather3A_1333] in [0] : vector<16xf32>, vector<16xi32> -> vector<16xf32>
          %mul3A_1335 = arith.mulf %gather3A_1334, %get3A_1286 : vector<16xf32>
          %add3A_1336 = arith.addf %scan3A_1270, %mul3A_1335 : vector<16xf32>
          %get3A_1337 = arith.constant 21 : i32
          %get3A_1338 = arith.index_cast %get3A_1337 : i32 to index
          %get3A_1339 = arith.index_cast %mul3A_1283 : i32 to index
          %get3A_1340 = tpu.vector_load %arg7[%get3A_1338, %get3A_1339] {strides = array<i32>} : memref<32x1200xi32, #tpu.memory_space<vmem>>, vector<1x16xi32>,
          %get3A_1341 = vector.shape_cast %get3A_1340 : vector<1x16xi32> to vector<16xi32>
          %broadcast_in_dim3A_1342 = vector.shape_cast %get3A_1341 : vector<16xi32> to vector<16x1xi32>
          %gather3A_1343 = vector.shape_cast %broadcast_in_dim3A_1342 : vector<16x1xi32> to vector<16xi32>
          %gather3A_1344 = tpu.dynamic_gather %add3A_47[%gather3A_1343] in [0] : vector<16xf32>, vector<16xi32> -> vector<16xf32>
          %mul3A_1345 = arith.mulf %gather3A_1344, %get3A_1286 : vector<16xf32>
          %add3A_1346 = arith.addf %scan3A_1271, %mul3A_1345 : vector<16xf32>
          %get3A_1347 = arith.constant 22 : i32
          %get3A_1348 = arith.index_cast %get3A_1347 : i32 to index
          %get3A_1349 = arith.index_cast %mul3A_1283 : i32 to index
          %get3A_1350 = tpu.vector_load %arg7[%get3A_1348, %get3A_1349] {strides = array<i32>} : memref<32x1200xi32, #tpu.memory_space<vmem>>, vector<1x16xi32>,
          %get3A_1351 = vector.shape_cast %get3A_1350 : vector<1x16xi32> to vector<16xi32>
          %broadcast_in_dim3A_1352 = vector.shape_cast %get3A_1351 : vector<16xi32> to vector<16x1xi32>
          %gather3A_1353 = vector.shape_cast %broadcast_in_dim3A_1352 : vector<16x1xi32> to vector<16xi32>
          %gather3A_1354 = tpu.dynamic_gather %add3A_47[%gather3A_1353] in [0] : vector<16xf32>, vector<16xi32> -> vector<16xf32>
          %mul3A_1355 = arith.mulf %gather3A_1354, %get3A_1286 : vector<16xf32>
          %add3A_1356 = arith.addf %scan3A_1272, %mul3A_1355 : vector<16xf32>
          %get3A_1357 = arith.constant 23 : i32
          %get3A_1358 = arith.index_cast %get3A_1357 : i32 to index
          %get3A_1359 = arith.index_cast %mul3A_1283 : i32 to index
          %get3A_1360 = tpu.vector_load %arg7[%get3A_1358, %get3A_1359] {strides = array<i32>} : memref<32x1200xi32, #tpu.memory_space<vmem>>, vector<1x16xi32>,
          %get3A_1361 = vector.shape_cast %get3A_1360 : vector<1x16xi32> to vector<16xi32>
          %broadcast_in_dim3A_1362 = vector.shape_cast %get3A_1361 : vector<16xi32> to vector<16x1xi32>
          %gather3A_1363 = vector.shape_cast %broadcast_in_dim3A_1362 : vector<16x1xi32> to vector<16xi32>
          %gather3A_1364 = tpu.dynamic_gather %add3A_47[%gather3A_1363] in [0] : vector<16xf32>, vector<16xi32> -> vector<16xf32>
          %mul3A_1365 = arith.mulf %gather3A_1364, %get3A_1286 : vector<16xf32>
          %add3A_1366 = arith.addf %scan3A_1273, %mul3A_1365 : vector<16xf32>
          %get3A_1367 = arith.constant 24 : i32
          %get3A_1368 = arith.index_cast %get3A_1367 : i32 to index
          %get3A_1369 = arith.index_cast %mul3A_1283 : i32 to index
          %get3A_1370 = tpu.vector_load %arg7[%get3A_1368, %get3A_1369] {strides = array<i32>} : memref<32x1200xi32, #tpu.memory_space<vmem>>, vector<1x16xi32>,
          %get3A_1371 = vector.shape_cast %get3A_1370 : vector<1x16xi32> to vector<16xi32>
          %broadcast_in_dim3A_1372 = vector.shape_cast %get3A_1371 : vector<16xi32> to vector<16x1xi32>
          %gather3A_1373 = vector.shape_cast %broadcast_in_dim3A_1372 : vector<16x1xi32> to vector<16xi32>
          %gather3A_1374 = tpu.dynamic_gather %add3A_47[%gather3A_1373] in [0] : vector<16xf32>, vector<16xi32> -> vector<16xf32>
          %mul3A_1375 = arith.mulf %gather3A_1374, %get3A_1286 : vector<16xf32>
          %add3A_1376 = arith.addf %scan3A_1274, %mul3A_1375 : vector<16xf32>
          %get3A_1377 = arith.constant 25 : i32
          %get3A_1378 = arith.index_cast %get3A_1377 : i32 to index
          %get3A_1379 = arith.index_cast %mul3A_1283 : i32 to index
          %get3A_1380 = tpu.vector_load %arg7[%get3A_1378, %get3A_1379] {strides = array<i32>} : memref<32x1200xi32, #tpu.memory_space<vmem>>, vector<1x16xi32>,
          %get3A_1381 = vector.shape_cast %get3A_1380 : vector<1x16xi32> to vector<16xi32>
          %broadcast_in_dim3A_1382 = vector.shape_cast %get3A_1381 : vector<16xi32> to vector<16x1xi32>
          %gather3A_1383 = vector.shape_cast %broadcast_in_dim3A_1382 : vector<16x1xi32> to vector<16xi32>
          %gather3A_1384 = tpu.dynamic_gather %add3A_47[%gather3A_1383] in [0] : vector<16xf32>, vector<16xi32> -> vector<16xf32>
          %mul3A_1385 = arith.mulf %gather3A_1384, %get3A_1286 : vector<16xf32>
          %add3A_1386 = arith.addf %scan3A_1275, %mul3A_1385 : vector<16xf32>
          %get3A_1387 = arith.constant 26 : i32
          %get3A_1388 = arith.index_cast %get3A_1387 : i32 to index
          %get3A_1389 = arith.index_cast %mul3A_1283 : i32 to index
          %get3A_1390 = tpu.vector_load %arg7[%get3A_1388, %get3A_1389] {strides = array<i32>} : memref<32x1200xi32, #tpu.memory_space<vmem>>, vector<1x16xi32>,
          %get3A_1391 = vector.shape_cast %get3A_1390 : vector<1x16xi32> to vector<16xi32>
          %broadcast_in_dim3A_1392 = vector.shape_cast %get3A_1391 : vector<16xi32> to vector<16x1xi32>
          %gather3A_1393 = vector.shape_cast %broadcast_in_dim3A_1392 : vector<16x1xi32> to vector<16xi32>
          %gather3A_1394 = tpu.dynamic_gather %add3A_47[%gather3A_1393] in [0] : vector<16xf32>, vector<16xi32> -> vector<16xf32>
          %mul3A_1395 = arith.mulf %gather3A_1394, %get3A_1286 : vector<16xf32>
          %add3A_1396 = arith.addf %scan3A_1276, %mul3A_1395 : vector<16xf32>
          %get3A_1397 = arith.constant 27 : i32
          %get3A_1398 = arith.index_cast %get3A_1397 : i32 to index
          %get3A_1399 = arith.index_cast %mul3A_1283 : i32 to index
          %get3A_1400 = tpu.vector_load %arg7[%get3A_1398, %get3A_1399] {strides = array<i32>} : memref<32x1200xi32, #tpu.memory_space<vmem>>, vector<1x16xi32>,
          %get3A_1401 = vector.shape_cast %get3A_1400 : vector<1x16xi32> to vector<16xi32>
          %broadcast_in_dim3A_1402 = vector.shape_cast %get3A_1401 : vector<16xi32> to vector<16x1xi32>
          %gather3A_1403 = vector.shape_cast %broadcast_in_dim3A_1402 : vector<16x1xi32> to vector<16xi32>
          %gather3A_1404 = tpu.dynamic_gather %add3A_47[%gather3A_1403] in [0] : vector<16xf32>, vector<16xi32> -> vector<16xf32>
          %mul3A_1405 = arith.mulf %gather3A_1404, %get3A_1286 : vector<16xf32>
          %add3A_1406 = arith.addf %scan3A_1277, %mul3A_1405 : vector<16xf32>
          %get3A_1407 = arith.constant 28 : i32
          %get3A_1408 = arith.index_cast %get3A_1407 : i32 to index
          %get3A_1409 = arith.index_cast %mul3A_1283 : i32 to index
          %get3A_1410 = tpu.vector_load %arg7[%get3A_1408, %get3A_1409] {strides = array<i32>} : memref<32x1200xi32, #tpu.memory_space<vmem>>, vector<1x16xi32>,
          %get3A_1411 = vector.shape_cast %get3A_1410 : vector<1x16xi32> to vector<16xi32>
          %broadcast_in_dim3A_1412 = vector.shape_cast %get3A_1411 : vector<16xi32> to vector<16x1xi32>
          %gather3A_1413 = vector.shape_cast %broadcast_in_dim3A_1412 : vector<16x1xi32> to vector<16xi32>
          %gather3A_1414 = tpu.dynamic_gather %add3A_47[%gather3A_1413] in [0] : vector<16xf32>, vector<16xi32> -> vector<16xf32>
          %mul3A_1415 = arith.mulf %gather3A_1414, %get3A_1286 : vector<16xf32>
          %add3A_1416 = arith.addf %scan3A_1278, %mul3A_1415 : vector<16xf32>
          %get3A_1417 = arith.constant 29 : i32
          %get3A_1418 = arith.index_cast %get3A_1417 : i32 to index
          %get3A_1419 = arith.index_cast %mul3A_1283 : i32 to index
          %get3A_1420 = tpu.vector_load %arg7[%get3A_1418, %get3A_1419] {strides = array<i32>} : memref<32x1200xi32, #tpu.memory_space<vmem>>, vector<1x16xi32>,
          %get3A_1421 = vector.shape_cast %get3A_1420 : vector<1x16xi32> to vector<16xi32>
          %broadcast_in_dim3A_1422 = vector.shape_cast %get3A_1421 : vector<16xi32> to vector<16x1xi32>
          %gather3A_1423 = vector.shape_cast %broadcast_in_dim3A_1422 : vector<16x1xi32> to vector<16xi32>
          %gather3A_1424 = tpu.dynamic_gather %add3A_47[%gather3A_1423] in [0] : vector<16xf32>, vector<16xi32> -> vector<16xf32>
          %mul3A_1425 = arith.mulf %gather3A_1424, %get3A_1286 : vector<16xf32>
          %add3A_1426 = arith.addf %scan3A_1279, %mul3A_1425 : vector<16xf32>
          %get3A_1427 = arith.constant 30 : i32
          %get3A_1428 = arith.index_cast %get3A_1427 : i32 to index
          %get3A_1429 = arith.index_cast %mul3A_1283 : i32 to index
          %get3A_1430 = tpu.vector_load %arg7[%get3A_1428, %get3A_1429] {strides = array<i32>} : memref<32x1200xi32, #tpu.memory_space<vmem>>, vector<1x16xi32>,
          %get3A_1431 = vector.shape_cast %get3A_1430 : vector<1x16xi32> to vector<16xi32>
          %broadcast_in_dim3A_1432 = vector.shape_cast %get3A_1431 : vector<16xi32> to vector<16x1xi32>
          %gather3A_1433 = vector.shape_cast %broadcast_in_dim3A_1432 : vector<16x1xi32> to vector<16xi32>
          %gather3A_1434 = tpu.dynamic_gather %add3A_47[%gather3A_1433] in [0] : vector<16xf32>, vector<16xi32> -> vector<16xf32>
          %mul3A_1435 = arith.mulf %gather3A_1434, %get3A_1286 : vector<16xf32>
          %add3A_1436 = arith.addf %scan3A_1280, %mul3A_1435 : vector<16xf32>
          %get3A_1437 = arith.constant 31 : i32
          %get3A_1438 = arith.index_cast %get3A_1437 : i32 to index
          %get3A_1439 = arith.index_cast %mul3A_1283 : i32 to index
          %get3A_1440 = tpu.vector_load %arg7[%get3A_1438, %get3A_1439] {strides = array<i32>} : memref<32x1200xi32, #tpu.memory_space<vmem>>, vector<1x16xi32>,
          %get3A_1441 = vector.shape_cast %get3A_1440 : vector<1x16xi32> to vector<16xi32>
          %broadcast_in_dim3A_1442 = vector.shape_cast %get3A_1441 : vector<16xi32> to vector<16x1xi32>
          %gather3A_1443 = vector.shape_cast %broadcast_in_dim3A_1442 : vector<16x1xi32> to vector<16xi32>
          %gather3A_1444 = tpu.dynamic_gather %add3A_47[%gather3A_1443] in [0] : vector<16xf32>, vector<16xi32> -> vector<16xf32>
          %mul3A_1445 = arith.mulf %gather3A_1444, %get3A_1286 : vector<16xf32>
          %add3A_1446 = arith.addf %scan3A_1281, %mul3A_1445 : vector<16xf32>
          scf.yield %add3A_1296, %add3A_1306, %add3A_1316, %add3A_1326, %add3A_1336, %add3A_1346, %add3A_1356, %add3A_1366, %add3A_1376, %add3A_1386, %add3A_1396, %add3A_1406, %add3A_1416, %add3A_1426, %add3A_1436, %add3A_1446 : vector<16xf32>, vector<16xf32>, vector<16xf32>, vector<16xf32>, vector<16xf32>, vector<16xf32>, vector<16xf32>, vector<16xf32>, vector<16xf32>, vector<16xf32>, vector<16xf32>, vector<16xf32>, vector<16xf32>, vector<16xf32>, vector<16xf32>, vector<16xf32>
        }
        %scan3A_712 = arith.constant 75 : i32
        %xor3A_713 = arith.constant 8 : i32
        %xor3A_714 = vector.broadcast %xor3A_713 : i32 to vector<16xi32>
        %xor3A_715 = arith.xori %iota3A, %xor3A_714 : vector<16xi32>
        %broadcast_in_dim3A_716 = vector.shape_cast %xor3A_715 : vector<16xi32> to vector<16x1xi32>
        %gather3A_717 = vector.shape_cast %broadcast_in_dim3A_716 : vector<16x1xi32> to vector<16xi32>
        %gather3A_718 = tpu.dynamic_gather %scan3A_711#0[%gather3A_717] in [0] : vector<16xf32>, vector<16xi32> -> vector<16xf32>
        %add3A_719 = arith.addf %scan3A_711#0, %gather3A_718 : vector<16xf32>
        %xor3A_720 = arith.constant 4 : i32
        %xor3A_721 = vector.broadcast %xor3A_720 : i32 to vector<16xi32>
        %xor3A_722 = arith.xori %iota3A, %xor3A_721 : vector<16xi32>
        %broadcast_in_dim3A_723 = vector.shape_cast %xor3A_722 : vector<16xi32> to vector<16x1xi32>
        %gather3A_724 = vector.shape_cast %broadcast_in_dim3A_723 : vector<16x1xi32> to vector<16xi32>
        %gather3A_725 = tpu.dynamic_gather %add3A_719[%gather3A_724] in [0] : vector<16xf32>, vector<16xi32> -> vector<16xf32>
        %add3A_726 = arith.addf %add3A_719, %gather3A_725 : vector<16xf32>
        %xor3A_727 = arith.constant 2 : i32
        %xor3A_728 = vector.broadcast %xor3A_727 : i32 to vector<16xi32>
        %xor3A_729 = arith.xori %iota3A, %xor3A_728 : vector<16xi32>
        %broadcast_in_dim3A_730 = vector.shape_cast %xor3A_729 : vector<16xi32> to vector<16x1xi32>
        %gather3A_731 = vector.shape_cast %broadcast_in_dim3A_730 : vector<16x1xi32> to vector<16xi32>
        %gather3A_732 = tpu.dynamic_gather %add3A_726[%gather3A_731] in [0] : vector<16xf32>, vector<16xi32> -> vector<16xf32>
        %add3A_733 = arith.addf %add3A_726, %gather3A_732 : vector<16xf32>
        %xor3A_734 = arith.constant 1 : i32
        %xor3A_735 = vector.broadcast %xor3A_734 : i32 to vector<16xi32>
        %xor3A_736 = arith.xori %iota3A, %xor3A_735 : vector<16xi32>
        %broadcast_in_dim3A_737 = vector.shape_cast %xor3A_736 : vector<16xi32> to vector<16x1xi32>
        %gather3A_738 = vector.shape_cast %broadcast_in_dim3A_737 : vector<16x1xi32> to vector<16xi32>
        %gather3A_739 = tpu.dynamic_gather %add3A_733[%gather3A_738] in [0] : vector<16xf32>, vector<16xi32> -> vector<16xf32>
        %add3A_740 = arith.addf %add3A_733, %gather3A_739 : vector<16xf32>
        %add3A_741 = vector.broadcast %squeeze3A_49 : f32 to vector<16xf32>
        %add3A_742 = arith.addf %add3A_740, %add3A_741 : vector<16xf32>
        %eq3A_743 = arith.constant 0 : i32
        %eq3A_744 = vector.broadcast %eq3A_743 : i32 to vector<16xi32>
        %eq3A_745 = arith.cmpi eq, %iota3A, %eq3A_744 : vector<16xi32>
        %select_n3A_746 = arith.select %eq3A_745, %add3A_742, %broadcast_in_dim3A_674 : vector<16xi1>, vector<16xf32>
        %xor3A_747 = arith.constant 8 : i32
        %xor3A_748 = vector.broadcast %xor3A_747 : i32 to vector<16xi32>
        %xor3A_749 = arith.xori %iota3A, %xor3A_748 : vector<16xi32>
        %broadcast_in_dim3A_750 = vector.shape_cast %xor3A_749 : vector<16xi32> to vector<16x1xi32>
        %gather3A_751 = vector.shape_cast %broadcast_in_dim3A_750 : vector<16x1xi32> to vector<16xi32>
        %gather3A_752 = tpu.dynamic_gather %scan3A_711#1[%gather3A_751] in [0] : vector<16xf32>, vector<16xi32> -> vector<16xf32>
        %add3A_753 = arith.addf %scan3A_711#1, %gather3A_752 : vector<16xf32>
        %xor3A_754 = arith.constant 4 : i32
        %xor3A_755 = vector.broadcast %xor3A_754 : i32 to vector<16xi32>
        %xor3A_756 = arith.xori %iota3A, %xor3A_755 : vector<16xi32>
        %broadcast_in_dim3A_757 = vector.shape_cast %xor3A_756 : vector<16xi32> to vector<16x1xi32>
        %gather3A_758 = vector.shape_cast %broadcast_in_dim3A_757 : vector<16x1xi32> to vector<16xi32>
        %gather3A_759 = tpu.dynamic_gather %add3A_753[%gather3A_758] in [0] : vector<16xf32>, vector<16xi32> -> vector<16xf32>
        %add3A_760 = arith.addf %add3A_753, %gather3A_759 : vector<16xf32>
        %xor3A_761 = arith.constant 2 : i32
        %xor3A_762 = vector.broadcast %xor3A_761 : i32 to vector<16xi32>
        %xor3A_763 = arith.xori %iota3A, %xor3A_762 : vector<16xi32>
        %broadcast_in_dim3A_764 = vector.shape_cast %xor3A_763 : vector<16xi32> to vector<16x1xi32>
        %gather3A_765 = vector.shape_cast %broadcast_in_dim3A_764 : vector<16x1xi32> to vector<16xi32>
        %gather3A_766 = tpu.dynamic_gather %add3A_760[%gather3A_765] in [0] : vector<16xf32>, vector<16xi32> -> vector<16xf32>
        %add3A_767 = arith.addf %add3A_760, %gather3A_766 : vector<16xf32>
        %xor3A_768 = arith.constant 1 : i32
        %xor3A_769 = vector.broadcast %xor3A_768 : i32 to vector<16xi32>
        %xor3A_770 = arith.xori %iota3A, %xor3A_769 : vector<16xi32>
        %broadcast_in_dim3A_771 = vector.shape_cast %xor3A_770 : vector<16xi32> to vector<16x1xi32>
        %gather3A_772 = vector.shape_cast %broadcast_in_dim3A_771 : vector<16x1xi32> to vector<16xi32>
        %gather3A_773 = tpu.dynamic_gather %add3A_767[%gather3A_772] in [0] : vector<16xf32>, vector<16xi32> -> vector<16xf32>
        %add3A_774 = arith.addf %add3A_767, %gather3A_773 : vector<16xf32>
        %add3A_775 = vector.broadcast %squeeze3A_49 : f32 to vector<16xf32>
        %add3A_776 = arith.addf %add3A_774, %add3A_775 : vector<16xf32>
        %eq3A_777 = arith.constant 1 : i32
        %eq3A_778 = vector.broadcast %eq3A_777 : i32 to vector<16xi32>
        %eq3A_779 = arith.cmpi eq, %iota3A, %eq3A_778 : vector<16xi32>
        %select_n3A_780 = arith.select %eq3A_779, %add3A_776, %select_n3A_746 : vector<16xi1>, vector<16xf32>
        %xor3A_781 = arith.constant 8 : i32
        %xor3A_782 = vector.broadcast %xor3A_781 : i32 to vector<16xi32>
        %xor3A_783 = arith.xori %iota3A, %xor3A_782 : vector<16xi32>
        %broadcast_in_dim3A_784 = vector.shape_cast %xor3A_783 : vector<16xi32> to vector<16x1xi32>
        %gather3A_785 = vector.shape_cast %broadcast_in_dim3A_784 : vector<16x1xi32> to vector<16xi32>
        %gather3A_786 = tpu.dynamic_gather %scan3A_711#2[%gather3A_785] in [0] : vector<16xf32>, vector<16xi32> -> vector<16xf32>
        %add3A_787 = arith.addf %scan3A_711#2, %gather3A_786 : vector<16xf32>
        %xor3A_788 = arith.constant 4 : i32
        %xor3A_789 = vector.broadcast %xor3A_788 : i32 to vector<16xi32>
        %xor3A_790 = arith.xori %iota3A, %xor3A_789 : vector<16xi32>
        %broadcast_in_dim3A_791 = vector.shape_cast %xor3A_790 : vector<16xi32> to vector<16x1xi32>
        %gather3A_792 = vector.shape_cast %broadcast_in_dim3A_791 : vector<16x1xi32> to vector<16xi32>
        %gather3A_793 = tpu.dynamic_gather %add3A_787[%gather3A_792] in [0] : vector<16xf32>, vector<16xi32> -> vector<16xf32>
        %add3A_794 = arith.addf %add3A_787, %gather3A_793 : vector<16xf32>
        %xor3A_795 = arith.constant 2 : i32
        %xor3A_796 = vector.broadcast %xor3A_795 : i32 to vector<16xi32>
        %xor3A_797 = arith.xori %iota3A, %xor3A_796 : vector<16xi32>
        %broadcast_in_dim3A_798 = vector.shape_cast %xor3A_797 : vector<16xi32> to vector<16x1xi32>
        %gather3A_799 = vector.shape_cast %broadcast_in_dim3A_798 : vector<16x1xi32> to vector<16xi32>
        %gather3A_800 = tpu.dynamic_gather %add3A_794[%gather3A_799] in [0] : vector<16xf32>, vector<16xi32> -> vector<16xf32>
        %add3A_801 = arith.addf %add3A_794, %gather3A_800 : vector<16xf32>
        %xor3A_802 = arith.constant 1 : i32
        %xor3A_803 = vector.broadcast %xor3A_802 : i32 to vector<16xi32>
        %xor3A_804 = arith.xori %iota3A, %xor3A_803 : vector<16xi32>
        %broadcast_in_dim3A_805 = vector.shape_cast %xor3A_804 : vector<16xi32> to vector<16x1xi32>
        %gather3A_806 = vector.shape_cast %broadcast_in_dim3A_805 : vector<16x1xi32> to vector<16xi32>
        %gather3A_807 = tpu.dynamic_gather %add3A_801[%gather3A_806] in [0] : vector<16xf32>, vector<16xi32> -> vector<16xf32>
        %add3A_808 = arith.addf %add3A_801, %gather3A_807 : vector<16xf32>
        %add3A_809 = vector.broadcast %squeeze3A_49 : f32 to vector<16xf32>
        %add3A_810 = arith.addf %add3A_808, %add3A_809 : vector<16xf32>
        %eq3A_811 = arith.constant 2 : i32
        %eq3A_812 = vector.broadcast %eq3A_811 : i32 to vector<16xi32>
        %eq3A_813 = arith.cmpi eq, %iota3A, %eq3A_812 : vector<16xi32>
        %select_n3A_814 = arith.select %eq3A_813, %add3A_810, %select_n3A_780 : vector<16xi1>, vector<16xf32>
        %xor3A_815 = arith.constant 8 : i32
        %xor3A_816 = vector.broadcast %xor3A_815 : i32 to vector<16xi32>
        %xor3A_817 = arith.xori %iota3A, %xor3A_816 : vector<16xi32>
        %broadcast_in_dim3A_818 = vector.shape_cast %xor3A_817 : vector<16xi32> to vector<16x1xi32>
        %gather3A_819 = vector.shape_cast %broadcast_in_dim3A_818 : vector<16x1xi32> to vector<16xi32>
        %gather3A_820 = tpu.dynamic_gather %scan3A_711#3[%gather3A_819] in [0] : vector<16xf32>, vector<16xi32> -> vector<16xf32>
        %add3A_821 = arith.addf %scan3A_711#3, %gather3A_820 : vector<16xf32>
        %xor3A_822 = arith.constant 4 : i32
        %xor3A_823 = vector.broadcast %xor3A_822 : i32 to vector<16xi32>
        %xor3A_824 = arith.xori %iota3A, %xor3A_823 : vector<16xi32>
        %broadcast_in_dim3A_825 = vector.shape_cast %xor3A_824 : vector<16xi32> to vector<16x1xi32>
        %gather3A_826 = vector.shape_cast %broadcast_in_dim3A_825 : vector<16x1xi32> to vector<16xi32>
        %gather3A_827 = tpu.dynamic_gather %add3A_821[%gather3A_826] in [0] : vector<16xf32>, vector<16xi32> -> vector<16xf32>
        %add3A_828 = arith.addf %add3A_821, %gather3A_827 : vector<16xf32>
        %xor3A_829 = arith.constant 2 : i32
        %xor3A_830 = vector.broadcast %xor3A_829 : i32 to vector<16xi32>
        %xor3A_831 = arith.xori %iota3A, %xor3A_830 : vector<16xi32>
        %broadcast_in_dim3A_832 = vector.shape_cast %xor3A_831 : vector<16xi32> to vector<16x1xi32>
        %gather3A_833 = vector.shape_cast %broadcast_in_dim3A_832 : vector<16x1xi32> to vector<16xi32>
        %gather3A_834 = tpu.dynamic_gather %add3A_828[%gather3A_833] in [0] : vector<16xf32>, vector<16xi32> -> vector<16xf32>
        %add3A_835 = arith.addf %add3A_828, %gather3A_834 : vector<16xf32>
        %xor3A_836 = arith.constant 1 : i32
        %xor3A_837 = vector.broadcast %xor3A_836 : i32 to vector<16xi32>
        %xor3A_838 = arith.xori %iota3A, %xor3A_837 : vector<16xi32>
        %broadcast_in_dim3A_839 = vector.shape_cast %xor3A_838 : vector<16xi32> to vector<16x1xi32>
        %gather3A_840 = vector.shape_cast %broadcast_in_dim3A_839 : vector<16x1xi32> to vector<16xi32>
        %gather3A_841 = tpu.dynamic_gather %add3A_835[%gather3A_840] in [0] : vector<16xf32>, vector<16xi32> -> vector<16xf32>
        %add3A_842 = arith.addf %add3A_835, %gather3A_841 : vector<16xf32>
        %add3A_843 = vector.broadcast %squeeze3A_49 : f32 to vector<16xf32>
        %add3A_844 = arith.addf %add3A_842, %add3A_843 : vector<16xf32>
        %eq3A_845 = arith.constant 3 : i32
        %eq3A_846 = vector.broadcast %eq3A_845 : i32 to vector<16xi32>
        %eq3A_847 = arith.cmpi eq, %iota3A, %eq3A_846 : vector<16xi32>
        %select_n3A_848 = arith.select %eq3A_847, %add3A_844, %select_n3A_814 : vector<16xi1>, vector<16xf32>
        %xor3A_849 = arith.constant 8 : i32
        %xor3A_850 = vector.broadcast %xor3A_849 : i32 to vector<16xi32>
        %xor3A_851 = arith.xori %iota3A, %xor3A_850 : vector<16xi32>
        %broadcast_in_dim3A_852 = vector.shape_cast %xor3A_851 : vector<16xi32> to vector<16x1xi32>
        %gather3A_853 = vector.shape_cast %broadcast_in_dim3A_852 : vector<16x1xi32> to vector<16xi32>
        %gather3A_854 = tpu.dynamic_gather %scan3A_711#4[%gather3A_853] in [0] : vector<16xf32>, vector<16xi32> -> vector<16xf32>
        %add3A_855 = arith.addf %scan3A_711#4, %gather3A_854 : vector<16xf32>
        %xor3A_856 = arith.constant 4 : i32
        %xor3A_857 = vector.broadcast %xor3A_856 : i32 to vector<16xi32>
        %xor3A_858 = arith.xori %iota3A, %xor3A_857 : vector<16xi32>
        %broadcast_in_dim3A_859 = vector.shape_cast %xor3A_858 : vector<16xi32> to vector<16x1xi32>
        %gather3A_860 = vector.shape_cast %broadcast_in_dim3A_859 : vector<16x1xi32> to vector<16xi32>
        %gather3A_861 = tpu.dynamic_gather %add3A_855[%gather3A_860] in [0] : vector<16xf32>, vector<16xi32> -> vector<16xf32>
        %add3A_862 = arith.addf %add3A_855, %gather3A_861 : vector<16xf32>
        %xor3A_863 = arith.constant 2 : i32
        %xor3A_864 = vector.broadcast %xor3A_863 : i32 to vector<16xi32>
        %xor3A_865 = arith.xori %iota3A, %xor3A_864 : vector<16xi32>
        %broadcast_in_dim3A_866 = vector.shape_cast %xor3A_865 : vector<16xi32> to vector<16x1xi32>
        %gather3A_867 = vector.shape_cast %broadcast_in_dim3A_866 : vector<16x1xi32> to vector<16xi32>
        %gather3A_868 = tpu.dynamic_gather %add3A_862[%gather3A_867] in [0] : vector<16xf32>, vector<16xi32> -> vector<16xf32>
        %add3A_869 = arith.addf %add3A_862, %gather3A_868 : vector<16xf32>
        %xor3A_870 = arith.constant 1 : i32
        %xor3A_871 = vector.broadcast %xor3A_870 : i32 to vector<16xi32>
        %xor3A_872 = arith.xori %iota3A, %xor3A_871 : vector<16xi32>
        %broadcast_in_dim3A_873 = vector.shape_cast %xor3A_872 : vector<16xi32> to vector<16x1xi32>
        %gather3A_874 = vector.shape_cast %broadcast_in_dim3A_873 : vector<16x1xi32> to vector<16xi32>
        %gather3A_875 = tpu.dynamic_gather %add3A_869[%gather3A_874] in [0] : vector<16xf32>, vector<16xi32> -> vector<16xf32>
        %add3A_876 = arith.addf %add3A_869, %gather3A_875 : vector<16xf32>
        %add3A_877 = vector.broadcast %squeeze3A_49 : f32 to vector<16xf32>
        %add3A_878 = arith.addf %add3A_876, %add3A_877 : vector<16xf32>
        %eq3A_879 = arith.constant 4 : i32
        %eq3A_880 = vector.broadcast %eq3A_879 : i32 to vector<16xi32>
        %eq3A_881 = arith.cmpi eq, %iota3A, %eq3A_880 : vector<16xi32>
        %select_n3A_882 = arith.select %eq3A_881, %add3A_878, %select_n3A_848 : vector<16xi1>, vector<16xf32>
        %xor3A_883 = arith.constant 8 : i32
        %xor3A_884 = vector.broadcast %xor3A_883 : i32 to vector<16xi32>
        %xor3A_885 = arith.xori %iota3A, %xor3A_884 : vector<16xi32>
        %broadcast_in_dim3A_886 = vector.shape_cast %xor3A_885 : vector<16xi32> to vector<16x1xi32>
        %gather3A_887 = vector.shape_cast %broadcast_in_dim3A_886 : vector<16x1xi32> to vector<16xi32>
        %gather3A_888 = tpu.dynamic_gather %scan3A_711#5[%gather3A_887] in [0] : vector<16xf32>, vector<16xi32> -> vector<16xf32>
        %add3A_889 = arith.addf %scan3A_711#5, %gather3A_888 : vector<16xf32>
        %xor3A_890 = arith.constant 4 : i32
        %xor3A_891 = vector.broadcast %xor3A_890 : i32 to vector<16xi32>
        %xor3A_892 = arith.xori %iota3A, %xor3A_891 : vector<16xi32>
        %broadcast_in_dim3A_893 = vector.shape_cast %xor3A_892 : vector<16xi32> to vector<16x1xi32>
        %gather3A_894 = vector.shape_cast %broadcast_in_dim3A_893 : vector<16x1xi32> to vector<16xi32>
        %gather3A_895 = tpu.dynamic_gather %add3A_889[%gather3A_894] in [0] : vector<16xf32>, vector<16xi32> -> vector<16xf32>
        %add3A_896 = arith.addf %add3A_889, %gather3A_895 : vector<16xf32>
        %xor3A_897 = arith.constant 2 : i32
        %xor3A_898 = vector.broadcast %xor3A_897 : i32 to vector<16xi32>
        %xor3A_899 = arith.xori %iota3A, %xor3A_898 : vector<16xi32>
        %broadcast_in_dim3A_900 = vector.shape_cast %xor3A_899 : vector<16xi32> to vector<16x1xi32>
        %gather3A_901 = vector.shape_cast %broadcast_in_dim3A_900 : vector<16x1xi32> to vector<16xi32>
        %gather3A_902 = tpu.dynamic_gather %add3A_896[%gather3A_901] in [0] : vector<16xf32>, vector<16xi32> -> vector<16xf32>
        %add3A_903 = arith.addf %add3A_896, %gather3A_902 : vector<16xf32>
        %xor3A_904 = arith.constant 1 : i32
        %xor3A_905 = vector.broadcast %xor3A_904 : i32 to vector<16xi32>
        %xor3A_906 = arith.xori %iota3A, %xor3A_905 : vector<16xi32>
        %broadcast_in_dim3A_907 = vector.shape_cast %xor3A_906 : vector<16xi32> to vector<16x1xi32>
        %gather3A_908 = vector.shape_cast %broadcast_in_dim3A_907 : vector<16x1xi32> to vector<16xi32>
        %gather3A_909 = tpu.dynamic_gather %add3A_903[%gather3A_908] in [0] : vector<16xf32>, vector<16xi32> -> vector<16xf32>
        %add3A_910 = arith.addf %add3A_903, %gather3A_909 : vector<16xf32>
        %add3A_911 = vector.broadcast %squeeze3A_49 : f32 to vector<16xf32>
        %add3A_912 = arith.addf %add3A_910, %add3A_911 : vector<16xf32>
        %eq3A_913 = arith.constant 5 : i32
        %eq3A_914 = vector.broadcast %eq3A_913 : i32 to vector<16xi32>
        %eq3A_915 = arith.cmpi eq, %iota3A, %eq3A_914 : vector<16xi32>
        %select_n3A_916 = arith.select %eq3A_915, %add3A_912, %select_n3A_882 : vector<16xi1>, vector<16xf32>
        %xor3A_917 = arith.constant 8 : i32
        %xor3A_918 = vector.broadcast %xor3A_917 : i32 to vector<16xi32>
        %xor3A_919 = arith.xori %iota3A, %xor3A_918 : vector<16xi32>
        %broadcast_in_dim3A_920 = vector.shape_cast %xor3A_919 : vector<16xi32> to vector<16x1xi32>
        %gather3A_921 = vector.shape_cast %broadcast_in_dim3A_920 : vector<16x1xi32> to vector<16xi32>
        %gather3A_922 = tpu.dynamic_gather %scan3A_711#6[%gather3A_921] in [0] : vector<16xf32>, vector<16xi32> -> vector<16xf32>
        %add3A_923 = arith.addf %scan3A_711#6, %gather3A_922 : vector<16xf32>
        %xor3A_924 = arith.constant 4 : i32
        %xor3A_925 = vector.broadcast %xor3A_924 : i32 to vector<16xi32>
        %xor3A_926 = arith.xori %iota3A, %xor3A_925 : vector<16xi32>
        %broadcast_in_dim3A_927 = vector.shape_cast %xor3A_926 : vector<16xi32> to vector<16x1xi32>
        %gather3A_928 = vector.shape_cast %broadcast_in_dim3A_927 : vector<16x1xi32> to vector<16xi32>
        %gather3A_929 = tpu.dynamic_gather %add3A_923[%gather3A_928] in [0] : vector<16xf32>, vector<16xi32> -> vector<16xf32>
        %add3A_930 = arith.addf %add3A_923, %gather3A_929 : vector<16xf32>
        %xor3A_931 = arith.constant 2 : i32
        %xor3A_932 = vector.broadcast %xor3A_931 : i32 to vector<16xi32>
        %xor3A_933 = arith.xori %iota3A, %xor3A_932 : vector<16xi32>
        %broadcast_in_dim3A_934 = vector.shape_cast %xor3A_933 : vector<16xi32> to vector<16x1xi32>
        %gather3A_935 = vector.shape_cast %broadcast_in_dim3A_934 : vector<16x1xi32> to vector<16xi32>
        %gather3A_936 = tpu.dynamic_gather %add3A_930[%gather3A_935] in [0] : vector<16xf32>, vector<16xi32> -> vector<16xf32>
        %add3A_937 = arith.addf %add3A_930, %gather3A_936 : vector<16xf32>
        %xor3A_938 = arith.constant 1 : i32
        %xor3A_939 = vector.broadcast %xor3A_938 : i32 to vector<16xi32>
        %xor3A_940 = arith.xori %iota3A, %xor3A_939 : vector<16xi32>
        %broadcast_in_dim3A_941 = vector.shape_cast %xor3A_940 : vector<16xi32> to vector<16x1xi32>
        %gather3A_942 = vector.shape_cast %broadcast_in_dim3A_941 : vector<16x1xi32> to vector<16xi32>
        %gather3A_943 = tpu.dynamic_gather %add3A_937[%gather3A_942] in [0] : vector<16xf32>, vector<16xi32> -> vector<16xf32>
        %add3A_944 = arith.addf %add3A_937, %gather3A_943 : vector<16xf32>
        %add3A_945 = vector.broadcast %squeeze3A_49 : f32 to vector<16xf32>
        %add3A_946 = arith.addf %add3A_944, %add3A_945 : vector<16xf32>
        %eq3A_947 = arith.constant 6 : i32
        %eq3A_948 = vector.broadcast %eq3A_947 : i32 to vector<16xi32>
        %eq3A_949 = arith.cmpi eq, %iota3A, %eq3A_948 : vector<16xi32>
        %select_n3A_950 = arith.select %eq3A_949, %add3A_946, %select_n3A_916 : vector<16xi1>, vector<16xf32>
        %xor3A_951 = arith.constant 8 : i32
        %xor3A_952 = vector.broadcast %xor3A_951 : i32 to vector<16xi32>
        %xor3A_953 = arith.xori %iota3A, %xor3A_952 : vector<16xi32>
        %broadcast_in_dim3A_954 = vector.shape_cast %xor3A_953 : vector<16xi32> to vector<16x1xi32>
        %gather3A_955 = vector.shape_cast %broadcast_in_dim3A_954 : vector<16x1xi32> to vector<16xi32>
        %gather3A_956 = tpu.dynamic_gather %scan3A_711#7[%gather3A_955] in [0] : vector<16xf32>, vector<16xi32> -> vector<16xf32>
        %add3A_957 = arith.addf %scan3A_711#7, %gather3A_956 : vector<16xf32>
        %xor3A_958 = arith.constant 4 : i32
        %xor3A_959 = vector.broadcast %xor3A_958 : i32 to vector<16xi32>
        %xor3A_960 = arith.xori %iota3A, %xor3A_959 : vector<16xi32>
        %broadcast_in_dim3A_961 = vector.shape_cast %xor3A_960 : vector<16xi32> to vector<16x1xi32>
        %gather3A_962 = vector.shape_cast %broadcast_in_dim3A_961 : vector<16x1xi32> to vector<16xi32>
        %gather3A_963 = tpu.dynamic_gather %add3A_957[%gather3A_962] in [0] : vector<16xf32>, vector<16xi32> -> vector<16xf32>
        %add3A_964 = arith.addf %add3A_957, %gather3A_963 : vector<16xf32>
        %xor3A_965 = arith.constant 2 : i32
        %xor3A_966 = vector.broadcast %xor3A_965 : i32 to vector<16xi32>
        %xor3A_967 = arith.xori %iota3A, %xor3A_966 : vector<16xi32>
        %broadcast_in_dim3A_968 = vector.shape_cast %xor3A_967 : vector<16xi32> to vector<16x1xi32>
        %gather3A_969 = vector.shape_cast %broadcast_in_dim3A_968 : vector<16x1xi32> to vector<16xi32>
        %gather3A_970 = tpu.dynamic_gather %add3A_964[%gather3A_969] in [0] : vector<16xf32>, vector<16xi32> -> vector<16xf32>
        %add3A_971 = arith.addf %add3A_964, %gather3A_970 : vector<16xf32>
        %xor3A_972 = arith.constant 1 : i32
        %xor3A_973 = vector.broadcast %xor3A_972 : i32 to vector<16xi32>
        %xor3A_974 = arith.xori %iota3A, %xor3A_973 : vector<16xi32>
        %broadcast_in_dim3A_975 = vector.shape_cast %xor3A_974 : vector<16xi32> to vector<16x1xi32>
        %gather3A_976 = vector.shape_cast %broadcast_in_dim3A_975 : vector<16x1xi32> to vector<16xi32>
        %gather3A_977 = tpu.dynamic_gather %add3A_971[%gather3A_976] in [0] : vector<16xf32>, vector<16xi32> -> vector<16xf32>
        %add3A_978 = arith.addf %add3A_971, %gather3A_977 : vector<16xf32>
        %add3A_979 = vector.broadcast %squeeze3A_49 : f32 to vector<16xf32>
        %add3A_980 = arith.addf %add3A_978, %add3A_979 : vector<16xf32>
        %eq3A_981 = arith.constant 7 : i32
        %eq3A_982 = vector.broadcast %eq3A_981 : i32 to vector<16xi32>
        %eq3A_983 = arith.cmpi eq, %iota3A, %eq3A_982 : vector<16xi32>
        %select_n3A_984 = arith.select %eq3A_983, %add3A_980, %select_n3A_950 : vector<16xi1>, vector<16xf32>
        %xor3A_985 = arith.constant 8 : i32
        %xor3A_986 = vector.broadcast %xor3A_985 : i32 to vector<16xi32>
        %xor3A_987 = arith.xori %iota3A, %xor3A_986 : vector<16xi32>
        %broadcast_in_dim3A_988 = vector.shape_cast %xor3A_987 : vector<16xi32> to vector<16x1xi32>
        %gather3A_989 = vector.shape_cast %broadcast_in_dim3A_988 : vector<16x1xi32> to vector<16xi32>
        %gather3A_990 = tpu.dynamic_gather %scan3A_711#8[%gather3A_989] in [0] : vector<16xf32>, vector<16xi32> -> vector<16xf32>
        %add3A_991 = arith.addf %scan3A_711#8, %gather3A_990 : vector<16xf32>
        %xor3A_992 = arith.constant 4 : i32
        %xor3A_993 = vector.broadcast %xor3A_992 : i32 to vector<16xi32>
        %xor3A_994 = arith.xori %iota3A, %xor3A_993 : vector<16xi32>
        %broadcast_in_dim3A_995 = vector.shape_cast %xor3A_994 : vector<16xi32> to vector<16x1xi32>
        %gather3A_996 = vector.shape_cast %broadcast_in_dim3A_995 : vector<16x1xi32> to vector<16xi32>
        %gather3A_997 = tpu.dynamic_gather %add3A_991[%gather3A_996] in [0] : vector<16xf32>, vector<16xi32> -> vector<16xf32>
        %add3A_998 = arith.addf %add3A_991, %gather3A_997 : vector<16xf32>
        %xor3A_999 = arith.constant 2 : i32
        %xor3A_1000 = vector.broadcast %xor3A_999 : i32 to vector<16xi32>
        %xor3A_1001 = arith.xori %iota3A, %xor3A_1000 : vector<16xi32>
        %broadcast_in_dim3A_1002 = vector.shape_cast %xor3A_1001 : vector<16xi32> to vector<16x1xi32>
        %gather3A_1003 = vector.shape_cast %broadcast_in_dim3A_1002 : vector<16x1xi32> to vector<16xi32>
        %gather3A_1004 = tpu.dynamic_gather %add3A_998[%gather3A_1003] in [0] : vector<16xf32>, vector<16xi32> -> vector<16xf32>
        %add3A_1005 = arith.addf %add3A_998, %gather3A_1004 : vector<16xf32>
        %xor3A_1006 = arith.constant 1 : i32
        %xor3A_1007 = vector.broadcast %xor3A_1006 : i32 to vector<16xi32>
        %xor3A_1008 = arith.xori %iota3A, %xor3A_1007 : vector<16xi32>
        %broadcast_in_dim3A_1009 = vector.shape_cast %xor3A_1008 : vector<16xi32> to vector<16x1xi32>
        %gather3A_1010 = vector.shape_cast %broadcast_in_dim3A_1009 : vector<16x1xi32> to vector<16xi32>
        %gather3A_1011 = tpu.dynamic_gather %add3A_1005[%gather3A_1010] in [0] : vector<16xf32>, vector<16xi32> -> vector<16xf32>
        %add3A_1012 = arith.addf %add3A_1005, %gather3A_1011 : vector<16xf32>
        %add3A_1013 = vector.broadcast %squeeze3A_49 : f32 to vector<16xf32>
        %add3A_1014 = arith.addf %add3A_1012, %add3A_1013 : vector<16xf32>
        %eq3A_1015 = arith.constant 8 : i32
        %eq3A_1016 = vector.broadcast %eq3A_1015 : i32 to vector<16xi32>
        %eq3A_1017 = arith.cmpi eq, %iota3A, %eq3A_1016 : vector<16xi32>
        %select_n3A_1018 = arith.select %eq3A_1017, %add3A_1014, %select_n3A_984 : vector<16xi1>, vector<16xf32>
        %xor3A_1019 = arith.constant 8 : i32
        %xor3A_1020 = vector.broadcast %xor3A_1019 : i32 to vector<16xi32>
        %xor3A_1021 = arith.xori %iota3A, %xor3A_1020 : vector<16xi32>
        %broadcast_in_dim3A_1022 = vector.shape_cast %xor3A_1021 : vector<16xi32> to vector<16x1xi32>
        %gather3A_1023 = vector.shape_cast %broadcast_in_dim3A_1022 : vector<16x1xi32> to vector<16xi32>
        %gather3A_1024 = tpu.dynamic_gather %scan3A_711#9[%gather3A_1023] in [0] : vector<16xf32>, vector<16xi32> -> vector<16xf32>
        %add3A_1025 = arith.addf %scan3A_711#9, %gather3A_1024 : vector<16xf32>
        %xor3A_1026 = arith.constant 4 : i32
        %xor3A_1027 = vector.broadcast %xor3A_1026 : i32 to vector<16xi32>
        %xor3A_1028 = arith.xori %iota3A, %xor3A_1027 : vector<16xi32>
        %broadcast_in_dim3A_1029 = vector.shape_cast %xor3A_1028 : vector<16xi32> to vector<16x1xi32>
        %gather3A_1030 = vector.shape_cast %broadcast_in_dim3A_1029 : vector<16x1xi32> to vector<16xi32>
        %gather3A_1031 = tpu.dynamic_gather %add3A_1025[%gather3A_1030] in [0] : vector<16xf32>, vector<16xi32> -> vector<16xf32>
        %add3A_1032 = arith.addf %add3A_1025, %gather3A_1031 : vector<16xf32>
        %xor3A_1033 = arith.constant 2 : i32
        %xor3A_1034 = vector.broadcast %xor3A_1033 : i32 to vector<16xi32>
        %xor3A_1035 = arith.xori %iota3A, %xor3A_1034 : vector<16xi32>
        %broadcast_in_dim3A_1036 = vector.shape_cast %xor3A_1035 : vector<16xi32> to vector<16x1xi32>
        %gather3A_1037 = vector.shape_cast %broadcast_in_dim3A_1036 : vector<16x1xi32> to vector<16xi32>
        %gather3A_1038 = tpu.dynamic_gather %add3A_1032[%gather3A_1037] in [0] : vector<16xf32>, vector<16xi32> -> vector<16xf32>
        %add3A_1039 = arith.addf %add3A_1032, %gather3A_1038 : vector<16xf32>
        %xor3A_1040 = arith.constant 1 : i32
        %xor3A_1041 = vector.broadcast %xor3A_1040 : i32 to vector<16xi32>
        %xor3A_1042 = arith.xori %iota3A, %xor3A_1041 : vector<16xi32>
        %broadcast_in_dim3A_1043 = vector.shape_cast %xor3A_1042 : vector<16xi32> to vector<16x1xi32>
        %gather3A_1044 = vector.shape_cast %broadcast_in_dim3A_1043 : vector<16x1xi32> to vector<16xi32>
        %gather3A_1045 = tpu.dynamic_gather %add3A_1039[%gather3A_1044] in [0] : vector<16xf32>, vector<16xi32> -> vector<16xf32>
        %add3A_1046 = arith.addf %add3A_1039, %gather3A_1045 : vector<16xf32>
        %add3A_1047 = vector.broadcast %squeeze3A_49 : f32 to vector<16xf32>
        %add3A_1048 = arith.addf %add3A_1046, %add3A_1047 : vector<16xf32>
        %eq3A_1049 = arith.constant 9 : i32
        %eq3A_1050 = vector.broadcast %eq3A_1049 : i32 to vector<16xi32>
        %eq3A_1051 = arith.cmpi eq, %iota3A, %eq3A_1050 : vector<16xi32>
        %select_n3A_1052 = arith.select %eq3A_1051, %add3A_1048, %select_n3A_1018 : vector<16xi1>, vector<16xf32>
        %xor3A_1053 = arith.constant 8 : i32
        %xor3A_1054 = vector.broadcast %xor3A_1053 : i32 to vector<16xi32>
        %xor3A_1055 = arith.xori %iota3A, %xor3A_1054 : vector<16xi32>
        %broadcast_in_dim3A_1056 = vector.shape_cast %xor3A_1055 : vector<16xi32> to vector<16x1xi32>
        %gather3A_1057 = vector.shape_cast %broadcast_in_dim3A_1056 : vector<16x1xi32> to vector<16xi32>
        %gather3A_1058 = tpu.dynamic_gather %scan3A_711#10[%gather3A_1057] in [0] : vector<16xf32>, vector<16xi32> -> vector<16xf32>
        %add3A_1059 = arith.addf %scan3A_711#10, %gather3A_1058 : vector<16xf32>
        %xor3A_1060 = arith.constant 4 : i32
        %xor3A_1061 = vector.broadcast %xor3A_1060 : i32 to vector<16xi32>
        %xor3A_1062 = arith.xori %iota3A, %xor3A_1061 : vector<16xi32>
        %broadcast_in_dim3A_1063 = vector.shape_cast %xor3A_1062 : vector<16xi32> to vector<16x1xi32>
        %gather3A_1064 = vector.shape_cast %broadcast_in_dim3A_1063 : vector<16x1xi32> to vector<16xi32>
        %gather3A_1065 = tpu.dynamic_gather %add3A_1059[%gather3A_1064] in [0] : vector<16xf32>, vector<16xi32> -> vector<16xf32>
        %add3A_1066 = arith.addf %add3A_1059, %gather3A_1065 : vector<16xf32>
        %xor3A_1067 = arith.constant 2 : i32
        %xor3A_1068 = vector.broadcast %xor3A_1067 : i32 to vector<16xi32>
        %xor3A_1069 = arith.xori %iota3A, %xor3A_1068 : vector<16xi32>
        %broadcast_in_dim3A_1070 = vector.shape_cast %xor3A_1069 : vector<16xi32> to vector<16x1xi32>
        %gather3A_1071 = vector.shape_cast %broadcast_in_dim3A_1070 : vector<16x1xi32> to vector<16xi32>
        %gather3A_1072 = tpu.dynamic_gather %add3A_1066[%gather3A_1071] in [0] : vector<16xf32>, vector<16xi32> -> vector<16xf32>
        %add3A_1073 = arith.addf %add3A_1066, %gather3A_1072 : vector<16xf32>
        %xor3A_1074 = arith.constant 1 : i32
        %xor3A_1075 = vector.broadcast %xor3A_1074 : i32 to vector<16xi32>
        %xor3A_1076 = arith.xori %iota3A, %xor3A_1075 : vector<16xi32>
        %broadcast_in_dim3A_1077 = vector.shape_cast %xor3A_1076 : vector<16xi32> to vector<16x1xi32>
        %gather3A_1078 = vector.shape_cast %broadcast_in_dim3A_1077 : vector<16x1xi32> to vector<16xi32>
        %gather3A_1079 = tpu.dynamic_gather %add3A_1073[%gather3A_1078] in [0] : vector<16xf32>, vector<16xi32> -> vector<16xf32>
        %add3A_1080 = arith.addf %add3A_1073, %gather3A_1079 : vector<16xf32>
        %add3A_1081 = vector.broadcast %squeeze3A_49 : f32 to vector<16xf32>
        %add3A_1082 = arith.addf %add3A_1080, %add3A_1081 : vector<16xf32>
        %eq3A_1083 = arith.constant 10 : i32
        %eq3A_1084 = vector.broadcast %eq3A_1083 : i32 to vector<16xi32>
        %eq3A_1085 = arith.cmpi eq, %iota3A, %eq3A_1084 : vector<16xi32>
        %select_n3A_1086 = arith.select %eq3A_1085, %add3A_1082, %select_n3A_1052 : vector<16xi1>, vector<16xf32>
        %xor3A_1087 = arith.constant 8 : i32
        %xor3A_1088 = vector.broadcast %xor3A_1087 : i32 to vector<16xi32>
        %xor3A_1089 = arith.xori %iota3A, %xor3A_1088 : vector<16xi32>
        %broadcast_in_dim3A_1090 = vector.shape_cast %xor3A_1089 : vector<16xi32> to vector<16x1xi32>
        %gather3A_1091 = vector.shape_cast %broadcast_in_dim3A_1090 : vector<16x1xi32> to vector<16xi32>
        %gather3A_1092 = tpu.dynamic_gather %scan3A_711#11[%gather3A_1091] in [0] : vector<16xf32>, vector<16xi32> -> vector<16xf32>
        %add3A_1093 = arith.addf %scan3A_711#11, %gather3A_1092 : vector<16xf32>
        %xor3A_1094 = arith.constant 4 : i32
        %xor3A_1095 = vector.broadcast %xor3A_1094 : i32 to vector<16xi32>
        %xor3A_1096 = arith.xori %iota3A, %xor3A_1095 : vector<16xi32>
        %broadcast_in_dim3A_1097 = vector.shape_cast %xor3A_1096 : vector<16xi32> to vector<16x1xi32>
        %gather3A_1098 = vector.shape_cast %broadcast_in_dim3A_1097 : vector<16x1xi32> to vector<16xi32>
        %gather3A_1099 = tpu.dynamic_gather %add3A_1093[%gather3A_1098] in [0] : vector<16xf32>, vector<16xi32> -> vector<16xf32>
        %add3A_1100 = arith.addf %add3A_1093, %gather3A_1099 : vector<16xf32>
        %xor3A_1101 = arith.constant 2 : i32
        %xor3A_1102 = vector.broadcast %xor3A_1101 : i32 to vector<16xi32>
        %xor3A_1103 = arith.xori %iota3A, %xor3A_1102 : vector<16xi32>
        %broadcast_in_dim3A_1104 = vector.shape_cast %xor3A_1103 : vector<16xi32> to vector<16x1xi32>
        %gather3A_1105 = vector.shape_cast %broadcast_in_dim3A_1104 : vector<16x1xi32> to vector<16xi32>
        %gather3A_1106 = tpu.dynamic_gather %add3A_1100[%gather3A_1105] in [0] : vector<16xf32>, vector<16xi32> -> vector<16xf32>
        %add3A_1107 = arith.addf %add3A_1100, %gather3A_1106 : vector<16xf32>
        %xor3A_1108 = arith.constant 1 : i32
        %xor3A_1109 = vector.broadcast %xor3A_1108 : i32 to vector<16xi32>
        %xor3A_1110 = arith.xori %iota3A, %xor3A_1109 : vector<16xi32>
        %broadcast_in_dim3A_1111 = vector.shape_cast %xor3A_1110 : vector<16xi32> to vector<16x1xi32>
        %gather3A_1112 = vector.shape_cast %broadcast_in_dim3A_1111 : vector<16x1xi32> to vector<16xi32>
        %gather3A_1113 = tpu.dynamic_gather %add3A_1107[%gather3A_1112] in [0] : vector<16xf32>, vector<16xi32> -> vector<16xf32>
        %add3A_1114 = arith.addf %add3A_1107, %gather3A_1113 : vector<16xf32>
        %add3A_1115 = vector.broadcast %squeeze3A_49 : f32 to vector<16xf32>
        %add3A_1116 = arith.addf %add3A_1114, %add3A_1115 : vector<16xf32>
        %eq3A_1117 = arith.constant 11 : i32
        %eq3A_1118 = vector.broadcast %eq3A_1117 : i32 to vector<16xi32>
        %eq3A_1119 = arith.cmpi eq, %iota3A, %eq3A_1118 : vector<16xi32>
        %select_n3A_1120 = arith.select %eq3A_1119, %add3A_1116, %select_n3A_1086 : vector<16xi1>, vector<16xf32>
        %xor3A_1121 = arith.constant 8 : i32
        %xor3A_1122 = vector.broadcast %xor3A_1121 : i32 to vector<16xi32>
        %xor3A_1123 = arith.xori %iota3A, %xor3A_1122 : vector<16xi32>
        %broadcast_in_dim3A_1124 = vector.shape_cast %xor3A_1123 : vector<16xi32> to vector<16x1xi32>
        %gather3A_1125 = vector.shape_cast %broadcast_in_dim3A_1124 : vector<16x1xi32> to vector<16xi32>
        %gather3A_1126 = tpu.dynamic_gather %scan3A_711#12[%gather3A_1125] in [0] : vector<16xf32>, vector<16xi32> -> vector<16xf32>
        %add3A_1127 = arith.addf %scan3A_711#12, %gather3A_1126 : vector<16xf32>
        %xor3A_1128 = arith.constant 4 : i32
        %xor3A_1129 = vector.broadcast %xor3A_1128 : i32 to vector<16xi32>
        %xor3A_1130 = arith.xori %iota3A, %xor3A_1129 : vector<16xi32>
        %broadcast_in_dim3A_1131 = vector.shape_cast %xor3A_1130 : vector<16xi32> to vector<16x1xi32>
        %gather3A_1132 = vector.shape_cast %broadcast_in_dim3A_1131 : vector<16x1xi32> to vector<16xi32>
        %gather3A_1133 = tpu.dynamic_gather %add3A_1127[%gather3A_1132] in [0] : vector<16xf32>, vector<16xi32> -> vector<16xf32>
        %add3A_1134 = arith.addf %add3A_1127, %gather3A_1133 : vector<16xf32>
        %xor3A_1135 = arith.constant 2 : i32
        %xor3A_1136 = vector.broadcast %xor3A_1135 : i32 to vector<16xi32>
        %xor3A_1137 = arith.xori %iota3A, %xor3A_1136 : vector<16xi32>
        %broadcast_in_dim3A_1138 = vector.shape_cast %xor3A_1137 : vector<16xi32> to vector<16x1xi32>
        %gather3A_1139 = vector.shape_cast %broadcast_in_dim3A_1138 : vector<16x1xi32> to vector<16xi32>
        %gather3A_1140 = tpu.dynamic_gather %add3A_1134[%gather3A_1139] in [0] : vector<16xf32>, vector<16xi32> -> vector<16xf32>
        %add3A_1141 = arith.addf %add3A_1134, %gather3A_1140 : vector<16xf32>
        %xor3A_1142 = arith.constant 1 : i32
        %xor3A_1143 = vector.broadcast %xor3A_1142 : i32 to vector<16xi32>
        %xor3A_1144 = arith.xori %iota3A, %xor3A_1143 : vector<16xi32>
        %broadcast_in_dim3A_1145 = vector.shape_cast %xor3A_1144 : vector<16xi32> to vector<16x1xi32>
        %gather3A_1146 = vector.shape_cast %broadcast_in_dim3A_1145 : vector<16x1xi32> to vector<16xi32>
        %gather3A_1147 = tpu.dynamic_gather %add3A_1141[%gather3A_1146] in [0] : vector<16xf32>, vector<16xi32> -> vector<16xf32>
        %add3A_1148 = arith.addf %add3A_1141, %gather3A_1147 : vector<16xf32>
        %add3A_1149 = vector.broadcast %squeeze3A_49 : f32 to vector<16xf32>
        %add3A_1150 = arith.addf %add3A_1148, %add3A_1149 : vector<16xf32>
        %eq3A_1151 = arith.constant 12 : i32
        %eq3A_1152 = vector.broadcast %eq3A_1151 : i32 to vector<16xi32>
        %eq3A_1153 = arith.cmpi eq, %iota3A, %eq3A_1152 : vector<16xi32>
        %select_n3A_1154 = arith.select %eq3A_1153, %add3A_1150, %select_n3A_1120 : vector<16xi1>, vector<16xf32>
        %xor3A_1155 = arith.constant 8 : i32
        %xor3A_1156 = vector.broadcast %xor3A_1155 : i32 to vector<16xi32>
        %xor3A_1157 = arith.xori %iota3A, %xor3A_1156 : vector<16xi32>
        %broadcast_in_dim3A_1158 = vector.shape_cast %xor3A_1157 : vector<16xi32> to vector<16x1xi32>
        %gather3A_1159 = vector.shape_cast %broadcast_in_dim3A_1158 : vector<16x1xi32> to vector<16xi32>
        %gather3A_1160 = tpu.dynamic_gather %scan3A_711#13[%gather3A_1159] in [0] : vector<16xf32>, vector<16xi32> -> vector<16xf32>
        %add3A_1161 = arith.addf %scan3A_711#13, %gather3A_1160 : vector<16xf32>
        %xor3A_1162 = arith.constant 4 : i32
        %xor3A_1163 = vector.broadcast %xor3A_1162 : i32 to vector<16xi32>
        %xor3A_1164 = arith.xori %iota3A, %xor3A_1163 : vector<16xi32>
        %broadcast_in_dim3A_1165 = vector.shape_cast %xor3A_1164 : vector<16xi32> to vector<16x1xi32>
        %gather3A_1166 = vector.shape_cast %broadcast_in_dim3A_1165 : vector<16x1xi32> to vector<16xi32>
        %gather3A_1167 = tpu.dynamic_gather %add3A_1161[%gather3A_1166] in [0] : vector<16xf32>, vector<16xi32> -> vector<16xf32>
        %add3A_1168 = arith.addf %add3A_1161, %gather3A_1167 : vector<16xf32>
        %xor3A_1169 = arith.constant 2 : i32
        %xor3A_1170 = vector.broadcast %xor3A_1169 : i32 to vector<16xi32>
        %xor3A_1171 = arith.xori %iota3A, %xor3A_1170 : vector<16xi32>
        %broadcast_in_dim3A_1172 = vector.shape_cast %xor3A_1171 : vector<16xi32> to vector<16x1xi32>
        %gather3A_1173 = vector.shape_cast %broadcast_in_dim3A_1172 : vector<16x1xi32> to vector<16xi32>
        %gather3A_1174 = tpu.dynamic_gather %add3A_1168[%gather3A_1173] in [0] : vector<16xf32>, vector<16xi32> -> vector<16xf32>
        %add3A_1175 = arith.addf %add3A_1168, %gather3A_1174 : vector<16xf32>
        %xor3A_1176 = arith.constant 1 : i32
        %xor3A_1177 = vector.broadcast %xor3A_1176 : i32 to vector<16xi32>
        %xor3A_1178 = arith.xori %iota3A, %xor3A_1177 : vector<16xi32>
        %broadcast_in_dim3A_1179 = vector.shape_cast %xor3A_1178 : vector<16xi32> to vector<16x1xi32>
        %gather3A_1180 = vector.shape_cast %broadcast_in_dim3A_1179 : vector<16x1xi32> to vector<16xi32>
        %gather3A_1181 = tpu.dynamic_gather %add3A_1175[%gather3A_1180] in [0] : vector<16xf32>, vector<16xi32> -> vector<16xf32>
        %add3A_1182 = arith.addf %add3A_1175, %gather3A_1181 : vector<16xf32>
        %add3A_1183 = vector.broadcast %squeeze3A_49 : f32 to vector<16xf32>
        %add3A_1184 = arith.addf %add3A_1182, %add3A_1183 : vector<16xf32>
        %eq3A_1185 = arith.constant 13 : i32
        %eq3A_1186 = vector.broadcast %eq3A_1185 : i32 to vector<16xi32>
        %eq3A_1187 = arith.cmpi eq, %iota3A, %eq3A_1186 : vector<16xi32>
        %select_n3A_1188 = arith.select %eq3A_1187, %add3A_1184, %select_n3A_1154 : vector<16xi1>, vector<16xf32>
        %xor3A_1189 = arith.constant 8 : i32
        %xor3A_1190 = vector.broadcast %xor3A_1189 : i32 to vector<16xi32>
        %xor3A_1191 = arith.xori %iota3A, %xor3A_1190 : vector<16xi32>
        %broadcast_in_dim3A_1192 = vector.shape_cast %xor3A_1191 : vector<16xi32> to vector<16x1xi32>
        %gather3A_1193 = vector.shape_cast %broadcast_in_dim3A_1192 : vector<16x1xi32> to vector<16xi32>
        %gather3A_1194 = tpu.dynamic_gather %scan3A_711#14[%gather3A_1193] in [0] : vector<16xf32>, vector<16xi32> -> vector<16xf32>
        %add3A_1195 = arith.addf %scan3A_711#14, %gather3A_1194 : vector<16xf32>
        %xor3A_1196 = arith.constant 4 : i32
        %xor3A_1197 = vector.broadcast %xor3A_1196 : i32 to vector<16xi32>
        %xor3A_1198 = arith.xori %iota3A, %xor3A_1197 : vector<16xi32>
        %broadcast_in_dim3A_1199 = vector.shape_cast %xor3A_1198 : vector<16xi32> to vector<16x1xi32>
        %gather3A_1200 = vector.shape_cast %broadcast_in_dim3A_1199 : vector<16x1xi32> to vector<16xi32>
        %gather3A_1201 = tpu.dynamic_gather %add3A_1195[%gather3A_1200] in [0] : vector<16xf32>, vector<16xi32> -> vector<16xf32>
        %add3A_1202 = arith.addf %add3A_1195, %gather3A_1201 : vector<16xf32>
        %xor3A_1203 = arith.constant 2 : i32
        %xor3A_1204 = vector.broadcast %xor3A_1203 : i32 to vector<16xi32>
        %xor3A_1205 = arith.xori %iota3A, %xor3A_1204 : vector<16xi32>
        %broadcast_in_dim3A_1206 = vector.shape_cast %xor3A_1205 : vector<16xi32> to vector<16x1xi32>
        %gather3A_1207 = vector.shape_cast %broadcast_in_dim3A_1206 : vector<16x1xi32> to vector<16xi32>
        %gather3A_1208 = tpu.dynamic_gather %add3A_1202[%gather3A_1207] in [0] : vector<16xf32>, vector<16xi32> -> vector<16xf32>
        %add3A_1209 = arith.addf %add3A_1202, %gather3A_1208 : vector<16xf32>
        %xor3A_1210 = arith.constant 1 : i32
        %xor3A_1211 = vector.broadcast %xor3A_1210 : i32 to vector<16xi32>
        %xor3A_1212 = arith.xori %iota3A, %xor3A_1211 : vector<16xi32>
        %broadcast_in_dim3A_1213 = vector.shape_cast %xor3A_1212 : vector<16xi32> to vector<16x1xi32>
        %gather3A_1214 = vector.shape_cast %broadcast_in_dim3A_1213 : vector<16x1xi32> to vector<16xi32>
        %gather3A_1215 = tpu.dynamic_gather %add3A_1209[%gather3A_1214] in [0] : vector<16xf32>, vector<16xi32> -> vector<16xf32>
        %add3A_1216 = arith.addf %add3A_1209, %gather3A_1215 : vector<16xf32>
        %add3A_1217 = vector.broadcast %squeeze3A_49 : f32 to vector<16xf32>
        %add3A_1218 = arith.addf %add3A_1216, %add3A_1217 : vector<16xf32>
        %eq3A_1219 = arith.constant 14 : i32
        %eq3A_1220 = vector.broadcast %eq3A_1219 : i32 to vector<16xi32>
        %eq3A_1221 = arith.cmpi eq, %iota3A, %eq3A_1220 : vector<16xi32>
        %select_n3A_1222 = arith.select %eq3A_1221, %add3A_1218, %select_n3A_1188 : vector<16xi1>, vector<16xf32>
        %xor3A_1223 = arith.constant 8 : i32
        %xor3A_1224 = vector.broadcast %xor3A_1223 : i32 to vector<16xi32>
        %xor3A_1225 = arith.xori %iota3A, %xor3A_1224 : vector<16xi32>
        %broadcast_in_dim3A_1226 = vector.shape_cast %xor3A_1225 : vector<16xi32> to vector<16x1xi32>
        %gather3A_1227 = vector.shape_cast %broadcast_in_dim3A_1226 : vector<16x1xi32> to vector<16xi32>
        %gather3A_1228 = tpu.dynamic_gather %scan3A_711#15[%gather3A_1227] in [0] : vector<16xf32>, vector<16xi32> -> vector<16xf32>
        %add3A_1229 = arith.addf %scan3A_711#15, %gather3A_1228 : vector<16xf32>
        %xor3A_1230 = arith.constant 4 : i32
        %xor3A_1231 = vector.broadcast %xor3A_1230 : i32 to vector<16xi32>
        %xor3A_1232 = arith.xori %iota3A, %xor3A_1231 : vector<16xi32>
        %broadcast_in_dim3A_1233 = vector.shape_cast %xor3A_1232 : vector<16xi32> to vector<16x1xi32>
        %gather3A_1234 = vector.shape_cast %broadcast_in_dim3A_1233 : vector<16x1xi32> to vector<16xi32>
        %gather3A_1235 = tpu.dynamic_gather %add3A_1229[%gather3A_1234] in [0] : vector<16xf32>, vector<16xi32> -> vector<16xf32>
        %add3A_1236 = arith.addf %add3A_1229, %gather3A_1235 : vector<16xf32>
        %xor3A_1237 = arith.constant 2 : i32
        %xor3A_1238 = vector.broadcast %xor3A_1237 : i32 to vector<16xi32>
        %xor3A_1239 = arith.xori %iota3A, %xor3A_1238 : vector<16xi32>
        %broadcast_in_dim3A_1240 = vector.shape_cast %xor3A_1239 : vector<16xi32> to vector<16x1xi32>
        %gather3A_1241 = vector.shape_cast %broadcast_in_dim3A_1240 : vector<16x1xi32> to vector<16xi32>
        %gather3A_1242 = tpu.dynamic_gather %add3A_1236[%gather3A_1241] in [0] : vector<16xf32>, vector<16xi32> -> vector<16xf32>
        %add3A_1243 = arith.addf %add3A_1236, %gather3A_1242 : vector<16xf32>
        %xor3A_1244 = arith.constant 1 : i32
        %xor3A_1245 = vector.broadcast %xor3A_1244 : i32 to vector<16xi32>
        %xor3A_1246 = arith.xori %iota3A, %xor3A_1245 : vector<16xi32>
        %broadcast_in_dim3A_1247 = vector.shape_cast %xor3A_1246 : vector<16xi32> to vector<16x1xi32>
        %gather3A_1248 = vector.shape_cast %broadcast_in_dim3A_1247 : vector<16x1xi32> to vector<16xi32>
        %gather3A_1249 = tpu.dynamic_gather %add3A_1243[%gather3A_1248] in [0] : vector<16xf32>, vector<16xi32> -> vector<16xf32>
        %add3A_1250 = arith.addf %add3A_1243, %gather3A_1249 : vector<16xf32>
        %add3A_1251 = vector.broadcast %squeeze3A_49 : f32 to vector<16xf32>
        %add3A_1252 = arith.addf %add3A_1250, %add3A_1251 : vector<16xf32>
        %eq3A_1253 = arith.constant 15 : i32
        %eq3A_1254 = vector.broadcast %eq3A_1253 : i32 to vector<16xi32>
        %eq3A_1255 = arith.cmpi eq, %iota3A, %eq3A_1254 : vector<16xi32>
        %select_n3A_1256 = arith.select %eq3A_1255, %add3A_1252, %select_n3A_1222 : vector<16xi1>, vector<16xf32>
        %mul3A_1257 = arith.constant 32 : i32
        %mul3A_1258 = arith.muli %scan3A_61, %mul3A_1257 : i32
        %add3A_1259 = arith.constant 16 : i32
        %add3A_1260 = arith.addi %mul3A_1258, %add3A_1259 : i32
        %swap3A_1261 = arith.index_cast %add3A_1260 : i32 to index
        %swap3A_1262 = tpu.vector_load %arg12[%swap3A_1261] {strides = array<i32>} : memref<512xf32, #tpu.memory_space<vmem>>, vector<16xf32>,
        %swap3A_1263 = vector.shape_cast %swap3A_1262 : vector<16xf32> to vector<16xf32>
        %swap3A_1264 = vector.shape_cast %select_n3A_1256 : vector<16xf32> to vector<16xf32>
        tpu.vector_store %arg12[%swap3A_1261], %swap3A_1264 {strides = array<i32>} : memref<512xf32, #tpu.memory_space<vmem>>, vector<16xf32>,
      } else {
      }
      %and3A_68 = arith.constant 1 : i32
      %and3A_69 = arith.andi %scan3A_61, %and3A_68 : i32
      %eq3A_70 = arith.constant 1 : i32
      %eq3A_71 = arith.cmpi eq, %and3A_69, %eq3A_70 : i32
      %convert_element_type3A_72 = arith.extui %eq3A_71 : i1 to i32
      %cond3A_73 = arith.constant 0 : i32
      %cond3A_74 = arith.cmpi ne, %convert_element_type3A_72, %cond3A_73 : i32
      scf.if %cond3A_74 {
        %lt3A = arith.constant 16 : i32
        %lt3A_76 = arith.cmpi slt, %add3A_64, %lt3A : i32
        %convert_element_type3A_77 = arith.extui %lt3A_76 : i1 to i32
        %cond3A_78 = arith.constant 0 : i32
        %cond3A_79 = arith.cmpi ne, %convert_element_type3A_77, %cond3A_78 : i32
        scf.if %cond3A_79 {
          %mul3A_1265 = arith.constant 32 : i32
          %mul3A_1266 = arith.muli %add3A_64, %mul3A_1265 : i32
          %add3A_1267 = arith.addi %mul3A_2, %mul3A_1266 : i32
          %dma_start3A_1268 = arith.constant 0 : i32
          %dma_start3A_1269 = tpu.memref_slice %arg2[%add3A_1267, %dma_start3A_1268] : memref<16384x1200xi32, #tpu.memory_space<hbm>> -> memref<32x1200xi32, #tpu.memory_space<hbm>>
          %dma_start3A_1270 = arith.constant 0 : i32
          %dma_start3A_1271 = tpu.memref_slice %arg2[%add3A_1267, %dma_start3A_1270] : memref<16384x1200xi32, #tpu.memory_space<hbm>> -> memref<32x1200xi32, #tpu.memory_space<hbm>>
          tpu.enqueue_dma source(%dma_start3A_1271 : memref<32x1200xi32, #tpu.memory_space<hbm>>) target(%arg7 : memref<32x1200xi32, #tpu.memory_space<vmem>>) target_semaphore(%arg13 : memref<!tpu.dma_semaphore, #tpu.memory_space<semaphore_mem>>)
        } else {
        }
        %add3A_80 = arith.constant 0 : i32
        %add3A_81 = arith.addi %mul3A_2, %add3A_80 : i32
        %dma_wait3A = arith.constant 0 : i32
        %dma_wait3A_82 = tpu.memref_slice %arg2[%add3A_81, %dma_wait3A] : memref<16384x1200xi32, #tpu.memory_space<hbm>> -> memref<32x1200xi32, #tpu.memory_space<hbm>>
        %dma_wait3A_83 = arith.constant 0 : i32
        %dma_wait3A_84 = tpu.memref_slice %arg2[%add3A_81, %dma_wait3A_83] : memref<16384x1200xi32, #tpu.memory_space<hbm>> -> memref<32x1200xi32, #tpu.memory_space<hbm>>
        tpu.wait_dma2 semaphore(%arg14 : memref<!tpu.dma_semaphore, #tpu.memory_space<semaphore_mem>>) src(%dma_wait3A_84 : memref<32x1200xi32, #tpu.memory_space<hbm>>) dst(%arg8 : memref<32x1200xi32, #tpu.memory_space<vmem>>)
        %broadcast_in_dim3A_85 = arith.constant 0.000000e+00 : f32
        %broadcast_in_dim3A_86 = vector.broadcast %broadcast_in_dim3A_85 : f32 to vector<16xf32>
        %broadcast_in_dim3A_87 = arith.constant 0.000000e+00 : f32
        %broadcast_in_dim3A_88 = vector.broadcast %broadcast_in_dim3A_87 : f32 to vector<16xf32>
        %broadcast_in_dim3A_89 = arith.constant 0.000000e+00 : f32
        %broadcast_in_dim3A_90 = vector.broadcast %broadcast_in_dim3A_89 : f32 to vector<16xf32>
        %broadcast_in_dim3A_91 = arith.constant 0.000000e+00 : f32
        %broadcast_in_dim3A_92 = vector.broadcast %broadcast_in_dim3A_91 : f32 to vector<16xf32>
        %broadcast_in_dim3A_93 = arith.constant 0.000000e+00 : f32
        %broadcast_in_dim3A_94 = vector.broadcast %broadcast_in_dim3A_93 : f32 to vector<16xf32>
        %broadcast_in_dim3A_95 = arith.constant 0.000000e+00 : f32
        %broadcast_in_dim3A_96 = vector.broadcast %broadcast_in_dim3A_95 : f32 to vector<16xf32>
        %broadcast_in_dim3A_97 = arith.constant 0.000000e+00 : f32
        %broadcast_in_dim3A_98 = vector.broadcast %broadcast_in_dim3A_97 : f32 to vector<16xf32>
        %broadcast_in_dim3A_99 = arith.constant 0.000000e+00 : f32
        %broadcast_in_dim3A_100 = vector.broadcast %broadcast_in_dim3A_99 : f32 to vector<16xf32>
        %broadcast_in_dim3A_101 = arith.constant 0.000000e+00 : f32
        %broadcast_in_dim3A_102 = vector.broadcast %broadcast_in_dim3A_101 : f32 to vector<16xf32>
        %broadcast_in_dim3A_103 = arith.constant 0.000000e+00 : f32
        %broadcast_in_dim3A_104 = vector.broadcast %broadcast_in_dim3A_103 : f32 to vector<16xf32>
        %broadcast_in_dim3A_105 = arith.constant 0.000000e+00 : f32
        %broadcast_in_dim3A_106 = vector.broadcast %broadcast_in_dim3A_105 : f32 to vector<16xf32>
        %broadcast_in_dim3A_107 = arith.constant 0.000000e+00 : f32
        %broadcast_in_dim3A_108 = vector.broadcast %broadcast_in_dim3A_107 : f32 to vector<16xf32>
        %broadcast_in_dim3A_109 = arith.constant 0.000000e+00 : f32
        %broadcast_in_dim3A_110 = vector.broadcast %broadcast_in_dim3A_109 : f32 to vector<16xf32>
        %broadcast_in_dim3A_111 = arith.constant 0.000000e+00 : f32
        %broadcast_in_dim3A_112 = vector.broadcast %broadcast_in_dim3A_111 : f32 to vector<16xf32>
        %broadcast_in_dim3A_113 = arith.constant 0.000000e+00 : f32
        %broadcast_in_dim3A_114 = vector.broadcast %broadcast_in_dim3A_113 : f32 to vector<16xf32>
        %broadcast_in_dim3A_115 = arith.constant 0.000000e+00 : f32
        %broadcast_in_dim3A_116 = vector.broadcast %broadcast_in_dim3A_115 : f32 to vector<16xf32>
        %broadcast_in_dim3A_117 = arith.constant 0.000000e+00 : f32
        %broadcast_in_dim3A_118 = vector.broadcast %broadcast_in_dim3A_117 : f32 to vector<16xf32>
        %scan3A_119 = arith.constant 0 : i32
        %scan3A_120 = arith.constant 75 : i32
        %scan3A_121 = arith.addi %scan3A_119, %scan3A_120 : i32
        %scan3A_122 = arith.constant 1 : i32
        %scan3A_123:16 = scf.for %scan3A_1265 = %scan3A_119 to %scan3A_121 step %scan3A_122 iter_args(%scan3A_1266 = %broadcast_in_dim3A_88, %scan3A_1267 = %broadcast_in_dim3A_90, %scan3A_1268 = %broadcast_in_dim3A_92, %scan3A_1269 = %broadcast_in_dim3A_94, %scan3A_1270 = %broadcast_in_dim3A_96, %scan3A_1271 = %broadcast_in_dim3A_98, %scan3A_1272 = %broadcast_in_dim3A_100, %scan3A_1273 = %broadcast_in_dim3A_102, %scan3A_1274 = %broadcast_in_dim3A_104, %scan3A_1275 = %broadcast_in_dim3A_106, %scan3A_1276 = %broadcast_in_dim3A_108, %scan3A_1277 = %broadcast_in_dim3A_110, %scan3A_1278 = %broadcast_in_dim3A_112, %scan3A_1279 = %broadcast_in_dim3A_114, %scan3A_1280 = %broadcast_in_dim3A_116, %scan3A_1281 = %broadcast_in_dim3A_118) -> (vector<16xf32>, vector<16xf32>, vector<16xf32>, vector<16xf32>, vector<16xf32>, vector<16xf32>, vector<16xf32>, vector<16xf32>, vector<16xf32>, vector<16xf32>, vector<16xf32>, vector<16xf32>, vector<16xf32>, vector<16xf32>, vector<16xf32>, vector<16xf32>)  : i32 {
          %mul3A_1282 = arith.constant 16 : i32
          %mul3A_1283 = arith.muli %scan3A_1265, %mul3A_1282 : i32
          %get3A_1284 = arith.index_cast %mul3A_1283 : i32 to index
          %get3A_1285 = tpu.vector_load %arg9[%get3A_1284] {strides = array<i32>} : memref<1200xf32, #tpu.memory_space<vmem>>, vector<16xf32>,
          %get3A_1286 = vector.shape_cast %get3A_1285 : vector<16xf32> to vector<16xf32>
          %get3A_1287 = arith.constant 0 : i32
          %get3A_1288 = arith.index_cast %get3A_1287 : i32 to index
          %get3A_1289 = arith.index_cast %mul3A_1283 : i32 to index
          %get3A_1290 = tpu.vector_load %arg8[%get3A_1288, %get3A_1289] {strides = array<i32>} : memref<32x1200xi32, #tpu.memory_space<vmem>>, vector<1x16xi32>,
          %get3A_1291 = vector.shape_cast %get3A_1290 : vector<1x16xi32> to vector<16xi32>
          %broadcast_in_dim3A_1292 = vector.shape_cast %get3A_1291 : vector<16xi32> to vector<16x1xi32>
          %gather3A_1293 = vector.shape_cast %broadcast_in_dim3A_1292 : vector<16x1xi32> to vector<16xi32>
          %gather3A_1294 = tpu.dynamic_gather %add3A_47[%gather3A_1293] in [0] : vector<16xf32>, vector<16xi32> -> vector<16xf32>
          %mul3A_1295 = arith.mulf %gather3A_1294, %get3A_1286 : vector<16xf32>
          %add3A_1296 = arith.addf %scan3A_1266, %mul3A_1295 : vector<16xf32>
          %get3A_1297 = arith.constant 1 : i32
          %get3A_1298 = arith.index_cast %get3A_1297 : i32 to index
          %get3A_1299 = arith.index_cast %mul3A_1283 : i32 to index
          %get3A_1300 = tpu.vector_load %arg8[%get3A_1298, %get3A_1299] {strides = array<i32>} : memref<32x1200xi32, #tpu.memory_space<vmem>>, vector<1x16xi32>,
          %get3A_1301 = vector.shape_cast %get3A_1300 : vector<1x16xi32> to vector<16xi32>
          %broadcast_in_dim3A_1302 = vector.shape_cast %get3A_1301 : vector<16xi32> to vector<16x1xi32>
          %gather3A_1303 = vector.shape_cast %broadcast_in_dim3A_1302 : vector<16x1xi32> to vector<16xi32>
          %gather3A_1304 = tpu.dynamic_gather %add3A_47[%gather3A_1303] in [0] : vector<16xf32>, vector<16xi32> -> vector<16xf32>
          %mul3A_1305 = arith.mulf %gather3A_1304, %get3A_1286 : vector<16xf32>
          %add3A_1306 = arith.addf %scan3A_1267, %mul3A_1305 : vector<16xf32>
          %get3A_1307 = arith.constant 2 : i32
          %get3A_1308 = arith.index_cast %get3A_1307 : i32 to index
          %get3A_1309 = arith.index_cast %mul3A_1283 : i32 to index
          %get3A_1310 = tpu.vector_load %arg8[%get3A_1308, %get3A_1309] {strides = array<i32>} : memref<32x1200xi32, #tpu.memory_space<vmem>>, vector<1x16xi32>,
          %get3A_1311 = vector.shape_cast %get3A_1310 : vector<1x16xi32> to vector<16xi32>
          %broadcast_in_dim3A_1312 = vector.shape_cast %get3A_1311 : vector<16xi32> to vector<16x1xi32>
          %gather3A_1313 = vector.shape_cast %broadcast_in_dim3A_1312 : vector<16x1xi32> to vector<16xi32>
          %gather3A_1314 = tpu.dynamic_gather %add3A_47[%gather3A_1313] in [0] : vector<16xf32>, vector<16xi32> -> vector<16xf32>
          %mul3A_1315 = arith.mulf %gather3A_1314, %get3A_1286 : vector<16xf32>
          %add3A_1316 = arith.addf %scan3A_1268, %mul3A_1315 : vector<16xf32>
          %get3A_1317 = arith.constant 3 : i32
          %get3A_1318 = arith.index_cast %get3A_1317 : i32 to index
          %get3A_1319 = arith.index_cast %mul3A_1283 : i32 to index
          %get3A_1320 = tpu.vector_load %arg8[%get3A_1318, %get3A_1319] {strides = array<i32>} : memref<32x1200xi32, #tpu.memory_space<vmem>>, vector<1x16xi32>,
          %get3A_1321 = vector.shape_cast %get3A_1320 : vector<1x16xi32> to vector<16xi32>
          %broadcast_in_dim3A_1322 = vector.shape_cast %get3A_1321 : vector<16xi32> to vector<16x1xi32>
          %gather3A_1323 = vector.shape_cast %broadcast_in_dim3A_1322 : vector<16x1xi32> to vector<16xi32>
          %gather3A_1324 = tpu.dynamic_gather %add3A_47[%gather3A_1323] in [0] : vector<16xf32>, vector<16xi32> -> vector<16xf32>
          %mul3A_1325 = arith.mulf %gather3A_1324, %get3A_1286 : vector<16xf32>
          %add3A_1326 = arith.addf %scan3A_1269, %mul3A_1325 : vector<16xf32>
          %get3A_1327 = arith.constant 4 : i32
          %get3A_1328 = arith.index_cast %get3A_1327 : i32 to index
          %get3A_1329 = arith.index_cast %mul3A_1283 : i32 to index
          %get3A_1330 = tpu.vector_load %arg8[%get3A_1328, %get3A_1329] {strides = array<i32>} : memref<32x1200xi32, #tpu.memory_space<vmem>>, vector<1x16xi32>,
          %get3A_1331 = vector.shape_cast %get3A_1330 : vector<1x16xi32> to vector<16xi32>
          %broadcast_in_dim3A_1332 = vector.shape_cast %get3A_1331 : vector<16xi32> to vector<16x1xi32>
          %gather3A_1333 = vector.shape_cast %broadcast_in_dim3A_1332 : vector<16x1xi32> to vector<16xi32>
          %gather3A_1334 = tpu.dynamic_gather %add3A_47[%gather3A_1333] in [0] : vector<16xf32>, vector<16xi32> -> vector<16xf32>
          %mul3A_1335 = arith.mulf %gather3A_1334, %get3A_1286 : vector<16xf32>
          %add3A_1336 = arith.addf %scan3A_1270, %mul3A_1335 : vector<16xf32>
          %get3A_1337 = arith.constant 5 : i32
          %get3A_1338 = arith.index_cast %get3A_1337 : i32 to index
          %get3A_1339 = arith.index_cast %mul3A_1283 : i32 to index
          %get3A_1340 = tpu.vector_load %arg8[%get3A_1338, %get3A_1339] {strides = array<i32>} : memref<32x1200xi32, #tpu.memory_space<vmem>>, vector<1x16xi32>,
          %get3A_1341 = vector.shape_cast %get3A_1340 : vector<1x16xi32> to vector<16xi32>
          %broadcast_in_dim3A_1342 = vector.shape_cast %get3A_1341 : vector<16xi32> to vector<16x1xi32>
          %gather3A_1343 = vector.shape_cast %broadcast_in_dim3A_1342 : vector<16x1xi32> to vector<16xi32>
          %gather3A_1344 = tpu.dynamic_gather %add3A_47[%gather3A_1343] in [0] : vector<16xf32>, vector<16xi32> -> vector<16xf32>
          %mul3A_1345 = arith.mulf %gather3A_1344, %get3A_1286 : vector<16xf32>
          %add3A_1346 = arith.addf %scan3A_1271, %mul3A_1345 : vector<16xf32>
          %get3A_1347 = arith.constant 6 : i32
          %get3A_1348 = arith.index_cast %get3A_1347 : i32 to index
          %get3A_1349 = arith.index_cast %mul3A_1283 : i32 to index
          %get3A_1350 = tpu.vector_load %arg8[%get3A_1348, %get3A_1349] {strides = array<i32>} : memref<32x1200xi32, #tpu.memory_space<vmem>>, vector<1x16xi32>,
          %get3A_1351 = vector.shape_cast %get3A_1350 : vector<1x16xi32> to vector<16xi32>
          %broadcast_in_dim3A_1352 = vector.shape_cast %get3A_1351 : vector<16xi32> to vector<16x1xi32>
          %gather3A_1353 = vector.shape_cast %broadcast_in_dim3A_1352 : vector<16x1xi32> to vector<16xi32>
          %gather3A_1354 = tpu.dynamic_gather %add3A_47[%gather3A_1353] in [0] : vector<16xf32>, vector<16xi32> -> vector<16xf32>
          %mul3A_1355 = arith.mulf %gather3A_1354, %get3A_1286 : vector<16xf32>
          %add3A_1356 = arith.addf %scan3A_1272, %mul3A_1355 : vector<16xf32>
          %get3A_1357 = arith.constant 7 : i32
          %get3A_1358 = arith.index_cast %get3A_1357 : i32 to index
          %get3A_1359 = arith.index_cast %mul3A_1283 : i32 to index
          %get3A_1360 = tpu.vector_load %arg8[%get3A_1358, %get3A_1359] {strides = array<i32>} : memref<32x1200xi32, #tpu.memory_space<vmem>>, vector<1x16xi32>,
          %get3A_1361 = vector.shape_cast %get3A_1360 : vector<1x16xi32> to vector<16xi32>
          %broadcast_in_dim3A_1362 = vector.shape_cast %get3A_1361 : vector<16xi32> to vector<16x1xi32>
          %gather3A_1363 = vector.shape_cast %broadcast_in_dim3A_1362 : vector<16x1xi32> to vector<16xi32>
          %gather3A_1364 = tpu.dynamic_gather %add3A_47[%gather3A_1363] in [0] : vector<16xf32>, vector<16xi32> -> vector<16xf32>
          %mul3A_1365 = arith.mulf %gather3A_1364, %get3A_1286 : vector<16xf32>
          %add3A_1366 = arith.addf %scan3A_1273, %mul3A_1365 : vector<16xf32>
          %get3A_1367 = arith.constant 8 : i32
          %get3A_1368 = arith.index_cast %get3A_1367 : i32 to index
          %get3A_1369 = arith.index_cast %mul3A_1283 : i32 to index
          %get3A_1370 = tpu.vector_load %arg8[%get3A_1368, %get3A_1369] {strides = array<i32>} : memref<32x1200xi32, #tpu.memory_space<vmem>>, vector<1x16xi32>,
          %get3A_1371 = vector.shape_cast %get3A_1370 : vector<1x16xi32> to vector<16xi32>
          %broadcast_in_dim3A_1372 = vector.shape_cast %get3A_1371 : vector<16xi32> to vector<16x1xi32>
          %gather3A_1373 = vector.shape_cast %broadcast_in_dim3A_1372 : vector<16x1xi32> to vector<16xi32>
          %gather3A_1374 = tpu.dynamic_gather %add3A_47[%gather3A_1373] in [0] : vector<16xf32>, vector<16xi32> -> vector<16xf32>
          %mul3A_1375 = arith.mulf %gather3A_1374, %get3A_1286 : vector<16xf32>
          %add3A_1376 = arith.addf %scan3A_1274, %mul3A_1375 : vector<16xf32>
          %get3A_1377 = arith.constant 9 : i32
          %get3A_1378 = arith.index_cast %get3A_1377 : i32 to index
          %get3A_1379 = arith.index_cast %mul3A_1283 : i32 to index
          %get3A_1380 = tpu.vector_load %arg8[%get3A_1378, %get3A_1379] {strides = array<i32>} : memref<32x1200xi32, #tpu.memory_space<vmem>>, vector<1x16xi32>,
          %get3A_1381 = vector.shape_cast %get3A_1380 : vector<1x16xi32> to vector<16xi32>
          %broadcast_in_dim3A_1382 = vector.shape_cast %get3A_1381 : vector<16xi32> to vector<16x1xi32>
          %gather3A_1383 = vector.shape_cast %broadcast_in_dim3A_1382 : vector<16x1xi32> to vector<16xi32>
          %gather3A_1384 = tpu.dynamic_gather %add3A_47[%gather3A_1383] in [0] : vector<16xf32>, vector<16xi32> -> vector<16xf32>
          %mul3A_1385 = arith.mulf %gather3A_1384, %get3A_1286 : vector<16xf32>
          %add3A_1386 = arith.addf %scan3A_1275, %mul3A_1385 : vector<16xf32>
          %get3A_1387 = arith.constant 10 : i32
          %get3A_1388 = arith.index_cast %get3A_1387 : i32 to index
          %get3A_1389 = arith.index_cast %mul3A_1283 : i32 to index
          %get3A_1390 = tpu.vector_load %arg8[%get3A_1388, %get3A_1389] {strides = array<i32>} : memref<32x1200xi32, #tpu.memory_space<vmem>>, vector<1x16xi32>,
          %get3A_1391 = vector.shape_cast %get3A_1390 : vector<1x16xi32> to vector<16xi32>
          %broadcast_in_dim3A_1392 = vector.shape_cast %get3A_1391 : vector<16xi32> to vector<16x1xi32>
          %gather3A_1393 = vector.shape_cast %broadcast_in_dim3A_1392 : vector<16x1xi32> to vector<16xi32>
          %gather3A_1394 = tpu.dynamic_gather %add3A_47[%gather3A_1393] in [0] : vector<16xf32>, vector<16xi32> -> vector<16xf32>
          %mul3A_1395 = arith.mulf %gather3A_1394, %get3A_1286 : vector<16xf32>
          %add3A_1396 = arith.addf %scan3A_1276, %mul3A_1395 : vector<16xf32>
          %get3A_1397 = arith.constant 11 : i32
          %get3A_1398 = arith.index_cast %get3A_1397 : i32 to index
          %get3A_1399 = arith.index_cast %mul3A_1283 : i32 to index
          %get3A_1400 = tpu.vector_load %arg8[%get3A_1398, %get3A_1399] {strides = array<i32>} : memref<32x1200xi32, #tpu.memory_space<vmem>>, vector<1x16xi32>,
          %get3A_1401 = vector.shape_cast %get3A_1400 : vector<1x16xi32> to vector<16xi32>
          %broadcast_in_dim3A_1402 = vector.shape_cast %get3A_1401 : vector<16xi32> to vector<16x1xi32>
          %gather3A_1403 = vector.shape_cast %broadcast_in_dim3A_1402 : vector<16x1xi32> to vector<16xi32>
          %gather3A_1404 = tpu.dynamic_gather %add3A_47[%gather3A_1403] in [0] : vector<16xf32>, vector<16xi32> -> vector<16xf32>
          %mul3A_1405 = arith.mulf %gather3A_1404, %get3A_1286 : vector<16xf32>
          %add3A_1406 = arith.addf %scan3A_1277, %mul3A_1405 : vector<16xf32>
          %get3A_1407 = arith.constant 12 : i32
          %get3A_1408 = arith.index_cast %get3A_1407 : i32 to index
          %get3A_1409 = arith.index_cast %mul3A_1283 : i32 to index
          %get3A_1410 = tpu.vector_load %arg8[%get3A_1408, %get3A_1409] {strides = array<i32>} : memref<32x1200xi32, #tpu.memory_space<vmem>>, vector<1x16xi32>,
          %get3A_1411 = vector.shape_cast %get3A_1410 : vector<1x16xi32> to vector<16xi32>
          %broadcast_in_dim3A_1412 = vector.shape_cast %get3A_1411 : vector<16xi32> to vector<16x1xi32>
          %gather3A_1413 = vector.shape_cast %broadcast_in_dim3A_1412 : vector<16x1xi32> to vector<16xi32>
          %gather3A_1414 = tpu.dynamic_gather %add3A_47[%gather3A_1413] in [0] : vector<16xf32>, vector<16xi32> -> vector<16xf32>
          %mul3A_1415 = arith.mulf %gather3A_1414, %get3A_1286 : vector<16xf32>
          %add3A_1416 = arith.addf %scan3A_1278, %mul3A_1415 : vector<16xf32>
          %get3A_1417 = arith.constant 13 : i32
          %get3A_1418 = arith.index_cast %get3A_1417 : i32 to index
          %get3A_1419 = arith.index_cast %mul3A_1283 : i32 to index
          %get3A_1420 = tpu.vector_load %arg8[%get3A_1418, %get3A_1419] {strides = array<i32>} : memref<32x1200xi32, #tpu.memory_space<vmem>>, vector<1x16xi32>,
          %get3A_1421 = vector.shape_cast %get3A_1420 : vector<1x16xi32> to vector<16xi32>
          %broadcast_in_dim3A_1422 = vector.shape_cast %get3A_1421 : vector<16xi32> to vector<16x1xi32>
          %gather3A_1423 = vector.shape_cast %broadcast_in_dim3A_1422 : vector<16x1xi32> to vector<16xi32>
          %gather3A_1424 = tpu.dynamic_gather %add3A_47[%gather3A_1423] in [0] : vector<16xf32>, vector<16xi32> -> vector<16xf32>
          %mul3A_1425 = arith.mulf %gather3A_1424, %get3A_1286 : vector<16xf32>
          %add3A_1426 = arith.addf %scan3A_1279, %mul3A_1425 : vector<16xf32>
          %get3A_1427 = arith.constant 14 : i32
          %get3A_1428 = arith.index_cast %get3A_1427 : i32 to index
          %get3A_1429 = arith.index_cast %mul3A_1283 : i32 to index
          %get3A_1430 = tpu.vector_load %arg8[%get3A_1428, %get3A_1429] {strides = array<i32>} : memref<32x1200xi32, #tpu.memory_space<vmem>>, vector<1x16xi32>,
          %get3A_1431 = vector.shape_cast %get3A_1430 : vector<1x16xi32> to vector<16xi32>
          %broadcast_in_dim3A_1432 = vector.shape_cast %get3A_1431 : vector<16xi32> to vector<16x1xi32>
          %gather3A_1433 = vector.shape_cast %broadcast_in_dim3A_1432 : vector<16x1xi32> to vector<16xi32>
          %gather3A_1434 = tpu.dynamic_gather %add3A_47[%gather3A_1433] in [0] : vector<16xf32>, vector<16xi32> -> vector<16xf32>
          %mul3A_1435 = arith.mulf %gather3A_1434, %get3A_1286 : vector<16xf32>
          %add3A_1436 = arith.addf %scan3A_1280, %mul3A_1435 : vector<16xf32>
          %get3A_1437 = arith.constant 15 : i32
          %get3A_1438 = arith.index_cast %get3A_1437 : i32 to index
          %get3A_1439 = arith.index_cast %mul3A_1283 : i32 to index
          %get3A_1440 = tpu.vector_load %arg8[%get3A_1438, %get3A_1439] {strides = array<i32>} : memref<32x1200xi32, #tpu.memory_space<vmem>>, vector<1x16xi32>,
          %get3A_1441 = vector.shape_cast %get3A_1440 : vector<1x16xi32> to vector<16xi32>
          %broadcast_in_dim3A_1442 = vector.shape_cast %get3A_1441 : vector<16xi32> to vector<16x1xi32>
          %gather3A_1443 = vector.shape_cast %broadcast_in_dim3A_1442 : vector<16x1xi32> to vector<16xi32>
          %gather3A_1444 = tpu.dynamic_gather %add3A_47[%gather3A_1443] in [0] : vector<16xf32>, vector<16xi32> -> vector<16xf32>
          %mul3A_1445 = arith.mulf %gather3A_1444, %get3A_1286 : vector<16xf32>
          %add3A_1446 = arith.addf %scan3A_1281, %mul3A_1445 : vector<16xf32>
          scf.yield %add3A_1296, %add3A_1306, %add3A_1316, %add3A_1326, %add3A_1336, %add3A_1346, %add3A_1356, %add3A_1366, %add3A_1376, %add3A_1386, %add3A_1396, %add3A_1406, %add3A_1416, %add3A_1426, %add3A_1436, %add3A_1446 : vector<16xf32>, vector<16xf32>, vector<16xf32>, vector<16xf32>, vector<16xf32>, vector<16xf32>, vector<16xf32>, vector<16xf32>, vector<16xf32>, vector<16xf32>, vector<16xf32>, vector<16xf32>, vector<16xf32>, vector<16xf32>, vector<16xf32>, vector<16xf32>
        }
        %scan3A_124 = arith.constant 75 : i32
        %xor3A = arith.constant 8 : i32
        %xor3A_125 = vector.broadcast %xor3A : i32 to vector<16xi32>
        %xor3A_126 = arith.xori %iota3A, %xor3A_125 : vector<16xi32>
        %broadcast_in_dim3A_127 = vector.shape_cast %xor3A_126 : vector<16xi32> to vector<16x1xi32>
        %gather3A = vector.shape_cast %broadcast_in_dim3A_127 : vector<16x1xi32> to vector<16xi32>
        %gather3A_128 = tpu.dynamic_gather %scan3A_123#0[%gather3A] in [0] : vector<16xf32>, vector<16xi32> -> vector<16xf32>
        %add3A_129 = arith.addf %scan3A_123#0, %gather3A_128 : vector<16xf32>
        %xor3A_130 = arith.constant 4 : i32
        %xor3A_131 = vector.broadcast %xor3A_130 : i32 to vector<16xi32>
        %xor3A_132 = arith.xori %iota3A, %xor3A_131 : vector<16xi32>
        %broadcast_in_dim3A_133 = vector.shape_cast %xor3A_132 : vector<16xi32> to vector<16x1xi32>
        %gather3A_134 = vector.shape_cast %broadcast_in_dim3A_133 : vector<16x1xi32> to vector<16xi32>
        %gather3A_135 = tpu.dynamic_gather %add3A_129[%gather3A_134] in [0] : vector<16xf32>, vector<16xi32> -> vector<16xf32>
        %add3A_136 = arith.addf %add3A_129, %gather3A_135 : vector<16xf32>
        %xor3A_137 = arith.constant 2 : i32
        %xor3A_138 = vector.broadcast %xor3A_137 : i32 to vector<16xi32>
        %xor3A_139 = arith.xori %iota3A, %xor3A_138 : vector<16xi32>
        %broadcast_in_dim3A_140 = vector.shape_cast %xor3A_139 : vector<16xi32> to vector<16x1xi32>
        %gather3A_141 = vector.shape_cast %broadcast_in_dim3A_140 : vector<16x1xi32> to vector<16xi32>
        %gather3A_142 = tpu.dynamic_gather %add3A_136[%gather3A_141] in [0] : vector<16xf32>, vector<16xi32> -> vector<16xf32>
        %add3A_143 = arith.addf %add3A_136, %gather3A_142 : vector<16xf32>
        %xor3A_144 = arith.constant 1 : i32
        %xor3A_145 = vector.broadcast %xor3A_144 : i32 to vector<16xi32>
        %xor3A_146 = arith.xori %iota3A, %xor3A_145 : vector<16xi32>
        %broadcast_in_dim3A_147 = vector.shape_cast %xor3A_146 : vector<16xi32> to vector<16x1xi32>
        %gather3A_148 = vector.shape_cast %broadcast_in_dim3A_147 : vector<16x1xi32> to vector<16xi32>
        %gather3A_149 = tpu.dynamic_gather %add3A_143[%gather3A_148] in [0] : vector<16xf32>, vector<16xi32> -> vector<16xf32>
        %add3A_150 = arith.addf %add3A_143, %gather3A_149 : vector<16xf32>
        %add3A_151 = vector.broadcast %squeeze3A_49 : f32 to vector<16xf32>
        %add3A_152 = arith.addf %add3A_150, %add3A_151 : vector<16xf32>
        %eq3A_153 = arith.constant 0 : i32
        %eq3A_154 = vector.broadcast %eq3A_153 : i32 to vector<16xi32>
        %eq3A_155 = arith.cmpi eq, %iota3A, %eq3A_154 : vector<16xi32>
        %select_n3A = arith.select %eq3A_155, %add3A_152, %broadcast_in_dim3A_86 : vector<16xi1>, vector<16xf32>
        %xor3A_156 = arith.constant 8 : i32
        %xor3A_157 = vector.broadcast %xor3A_156 : i32 to vector<16xi32>
        %xor3A_158 = arith.xori %iota3A, %xor3A_157 : vector<16xi32>
        %broadcast_in_dim3A_159 = vector.shape_cast %xor3A_158 : vector<16xi32> to vector<16x1xi32>
        %gather3A_160 = vector.shape_cast %broadcast_in_dim3A_159 : vector<16x1xi32> to vector<16xi32>
        %gather3A_161 = tpu.dynamic_gather %scan3A_123#1[%gather3A_160] in [0] : vector<16xf32>, vector<16xi32> -> vector<16xf32>
        %add3A_162 = arith.addf %scan3A_123#1, %gather3A_161 : vector<16xf32>
        %xor3A_163 = arith.constant 4 : i32
        %xor3A_164 = vector.broadcast %xor3A_163 : i32 to vector<16xi32>
        %xor3A_165 = arith.xori %iota3A, %xor3A_164 : vector<16xi32>
        %broadcast_in_dim3A_166 = vector.shape_cast %xor3A_165 : vector<16xi32> to vector<16x1xi32>
        %gather3A_167 = vector.shape_cast %broadcast_in_dim3A_166 : vector<16x1xi32> to vector<16xi32>
        %gather3A_168 = tpu.dynamic_gather %add3A_162[%gather3A_167] in [0] : vector<16xf32>, vector<16xi32> -> vector<16xf32>
        %add3A_169 = arith.addf %add3A_162, %gather3A_168 : vector<16xf32>
        %xor3A_170 = arith.constant 2 : i32
        %xor3A_171 = vector.broadcast %xor3A_170 : i32 to vector<16xi32>
        %xor3A_172 = arith.xori %iota3A, %xor3A_171 : vector<16xi32>
        %broadcast_in_dim3A_173 = vector.shape_cast %xor3A_172 : vector<16xi32> to vector<16x1xi32>
        %gather3A_174 = vector.shape_cast %broadcast_in_dim3A_173 : vector<16x1xi32> to vector<16xi32>
        %gather3A_175 = tpu.dynamic_gather %add3A_169[%gather3A_174] in [0] : vector<16xf32>, vector<16xi32> -> vector<16xf32>
        %add3A_176 = arith.addf %add3A_169, %gather3A_175 : vector<16xf32>
        %xor3A_177 = arith.constant 1 : i32
        %xor3A_178 = vector.broadcast %xor3A_177 : i32 to vector<16xi32>
        %xor3A_179 = arith.xori %iota3A, %xor3A_178 : vector<16xi32>
        %broadcast_in_dim3A_180 = vector.shape_cast %xor3A_179 : vector<16xi32> to vector<16x1xi32>
        %gather3A_181 = vector.shape_cast %broadcast_in_dim3A_180 : vector<16x1xi32> to vector<16xi32>
        %gather3A_182 = tpu.dynamic_gather %add3A_176[%gather3A_181] in [0] : vector<16xf32>, vector<16xi32> -> vector<16xf32>
        %add3A_183 = arith.addf %add3A_176, %gather3A_182 : vector<16xf32>
        %add3A_184 = vector.broadcast %squeeze3A_49 : f32 to vector<16xf32>
        %add3A_185 = arith.addf %add3A_183, %add3A_184 : vector<16xf32>
        %eq3A_186 = arith.constant 1 : i32
        %eq3A_187 = vector.broadcast %eq3A_186 : i32 to vector<16xi32>
        %eq3A_188 = arith.cmpi eq, %iota3A, %eq3A_187 : vector<16xi32>
        %select_n3A_189 = arith.select %eq3A_188, %add3A_185, %select_n3A : vector<16xi1>, vector<16xf32>
        %xor3A_190 = arith.constant 8 : i32
        %xor3A_191 = vector.broadcast %xor3A_190 : i32 to vector<16xi32>
        %xor3A_192 = arith.xori %iota3A, %xor3A_191 : vector<16xi32>
        %broadcast_in_dim3A_193 = vector.shape_cast %xor3A_192 : vector<16xi32> to vector<16x1xi32>
        %gather3A_194 = vector.shape_cast %broadcast_in_dim3A_193 : vector<16x1xi32> to vector<16xi32>
        %gather3A_195 = tpu.dynamic_gather %scan3A_123#2[%gather3A_194] in [0] : vector<16xf32>, vector<16xi32> -> vector<16xf32>
        %add3A_196 = arith.addf %scan3A_123#2, %gather3A_195 : vector<16xf32>
        %xor3A_197 = arith.constant 4 : i32
        %xor3A_198 = vector.broadcast %xor3A_197 : i32 to vector<16xi32>
        %xor3A_199 = arith.xori %iota3A, %xor3A_198 : vector<16xi32>
        %broadcast_in_dim3A_200 = vector.shape_cast %xor3A_199 : vector<16xi32> to vector<16x1xi32>
        %gather3A_201 = vector.shape_cast %broadcast_in_dim3A_200 : vector<16x1xi32> to vector<16xi32>
        %gather3A_202 = tpu.dynamic_gather %add3A_196[%gather3A_201] in [0] : vector<16xf32>, vector<16xi32> -> vector<16xf32>
        %add3A_203 = arith.addf %add3A_196, %gather3A_202 : vector<16xf32>
        %xor3A_204 = arith.constant 2 : i32
        %xor3A_205 = vector.broadcast %xor3A_204 : i32 to vector<16xi32>
        %xor3A_206 = arith.xori %iota3A, %xor3A_205 : vector<16xi32>
        %broadcast_in_dim3A_207 = vector.shape_cast %xor3A_206 : vector<16xi32> to vector<16x1xi32>
        %gather3A_208 = vector.shape_cast %broadcast_in_dim3A_207 : vector<16x1xi32> to vector<16xi32>
        %gather3A_209 = tpu.dynamic_gather %add3A_203[%gather3A_208] in [0] : vector<16xf32>, vector<16xi32> -> vector<16xf32>
        %add3A_210 = arith.addf %add3A_203, %gather3A_209 : vector<16xf32>
        %xor3A_211 = arith.constant 1 : i32
        %xor3A_212 = vector.broadcast %xor3A_211 : i32 to vector<16xi32>
        %xor3A_213 = arith.xori %iota3A, %xor3A_212 : vector<16xi32>
        %broadcast_in_dim3A_214 = vector.shape_cast %xor3A_213 : vector<16xi32> to vector<16x1xi32>
        %gather3A_215 = vector.shape_cast %broadcast_in_dim3A_214 : vector<16x1xi32> to vector<16xi32>
        %gather3A_216 = tpu.dynamic_gather %add3A_210[%gather3A_215] in [0] : vector<16xf32>, vector<16xi32> -> vector<16xf32>
        %add3A_217 = arith.addf %add3A_210, %gather3A_216 : vector<16xf32>
        %add3A_218 = vector.broadcast %squeeze3A_49 : f32 to vector<16xf32>
        %add3A_219 = arith.addf %add3A_217, %add3A_218 : vector<16xf32>
        %eq3A_220 = arith.constant 2 : i32
        %eq3A_221 = vector.broadcast %eq3A_220 : i32 to vector<16xi32>
        %eq3A_222 = arith.cmpi eq, %iota3A, %eq3A_221 : vector<16xi32>
        %select_n3A_223 = arith.select %eq3A_222, %add3A_219, %select_n3A_189 : vector<16xi1>, vector<16xf32>
        %xor3A_224 = arith.constant 8 : i32
        %xor3A_225 = vector.broadcast %xor3A_224 : i32 to vector<16xi32>
        %xor3A_226 = arith.xori %iota3A, %xor3A_225 : vector<16xi32>
        %broadcast_in_dim3A_227 = vector.shape_cast %xor3A_226 : vector<16xi32> to vector<16x1xi32>
        %gather3A_228 = vector.shape_cast %broadcast_in_dim3A_227 : vector<16x1xi32> to vector<16xi32>
        %gather3A_229 = tpu.dynamic_gather %scan3A_123#3[%gather3A_228] in [0] : vector<16xf32>, vector<16xi32> -> vector<16xf32>
        %add3A_230 = arith.addf %scan3A_123#3, %gather3A_229 : vector<16xf32>
        %xor3A_231 = arith.constant 4 : i32
        %xor3A_232 = vector.broadcast %xor3A_231 : i32 to vector<16xi32>
        %xor3A_233 = arith.xori %iota3A, %xor3A_232 : vector<16xi32>
        %broadcast_in_dim3A_234 = vector.shape_cast %xor3A_233 : vector<16xi32> to vector<16x1xi32>
        %gather3A_235 = vector.shape_cast %broadcast_in_dim3A_234 : vector<16x1xi32> to vector<16xi32>
        %gather3A_236 = tpu.dynamic_gather %add3A_230[%gather3A_235] in [0] : vector<16xf32>, vector<16xi32> -> vector<16xf32>
        %add3A_237 = arith.addf %add3A_230, %gather3A_236 : vector<16xf32>
        %xor3A_238 = arith.constant 2 : i32
        %xor3A_239 = vector.broadcast %xor3A_238 : i32 to vector<16xi32>
        %xor3A_240 = arith.xori %iota3A, %xor3A_239 : vector<16xi32>
        %broadcast_in_dim3A_241 = vector.shape_cast %xor3A_240 : vector<16xi32> to vector<16x1xi32>
        %gather3A_242 = vector.shape_cast %broadcast_in_dim3A_241 : vector<16x1xi32> to vector<16xi32>
        %gather3A_243 = tpu.dynamic_gather %add3A_237[%gather3A_242] in [0] : vector<16xf32>, vector<16xi32> -> vector<16xf32>
        %add3A_244 = arith.addf %add3A_237, %gather3A_243 : vector<16xf32>
        %xor3A_245 = arith.constant 1 : i32
        %xor3A_246 = vector.broadcast %xor3A_245 : i32 to vector<16xi32>
        %xor3A_247 = arith.xori %iota3A, %xor3A_246 : vector<16xi32>
        %broadcast_in_dim3A_248 = vector.shape_cast %xor3A_247 : vector<16xi32> to vector<16x1xi32>
        %gather3A_249 = vector.shape_cast %broadcast_in_dim3A_248 : vector<16x1xi32> to vector<16xi32>
        %gather3A_250 = tpu.dynamic_gather %add3A_244[%gather3A_249] in [0] : vector<16xf32>, vector<16xi32> -> vector<16xf32>
        %add3A_251 = arith.addf %add3A_244, %gather3A_250 : vector<16xf32>
        %add3A_252 = vector.broadcast %squeeze3A_49 : f32 to vector<16xf32>
        %add3A_253 = arith.addf %add3A_251, %add3A_252 : vector<16xf32>
        %eq3A_254 = arith.constant 3 : i32
        %eq3A_255 = vector.broadcast %eq3A_254 : i32 to vector<16xi32>
        %eq3A_256 = arith.cmpi eq, %iota3A, %eq3A_255 : vector<16xi32>
        %select_n3A_257 = arith.select %eq3A_256, %add3A_253, %select_n3A_223 : vector<16xi1>, vector<16xf32>
        %xor3A_258 = arith.constant 8 : i32
        %xor3A_259 = vector.broadcast %xor3A_258 : i32 to vector<16xi32>
        %xor3A_260 = arith.xori %iota3A, %xor3A_259 : vector<16xi32>
        %broadcast_in_dim3A_261 = vector.shape_cast %xor3A_260 : vector<16xi32> to vector<16x1xi32>
        %gather3A_262 = vector.shape_cast %broadcast_in_dim3A_261 : vector<16x1xi32> to vector<16xi32>
        %gather3A_263 = tpu.dynamic_gather %scan3A_123#4[%gather3A_262] in [0] : vector<16xf32>, vector<16xi32> -> vector<16xf32>
        %add3A_264 = arith.addf %scan3A_123#4, %gather3A_263 : vector<16xf32>
        %xor3A_265 = arith.constant 4 : i32
        %xor3A_266 = vector.broadcast %xor3A_265 : i32 to vector<16xi32>
        %xor3A_267 = arith.xori %iota3A, %xor3A_266 : vector<16xi32>
        %broadcast_in_dim3A_268 = vector.shape_cast %xor3A_267 : vector<16xi32> to vector<16x1xi32>
        %gather3A_269 = vector.shape_cast %broadcast_in_dim3A_268 : vector<16x1xi32> to vector<16xi32>
        %gather3A_270 = tpu.dynamic_gather %add3A_264[%gather3A_269] in [0] : vector<16xf32>, vector<16xi32> -> vector<16xf32>
        %add3A_271 = arith.addf %add3A_264, %gather3A_270 : vector<16xf32>
        %xor3A_272 = arith.constant 2 : i32
        %xor3A_273 = vector.broadcast %xor3A_272 : i32 to vector<16xi32>
        %xor3A_274 = arith.xori %iota3A, %xor3A_273 : vector<16xi32>
        %broadcast_in_dim3A_275 = vector.shape_cast %xor3A_274 : vector<16xi32> to vector<16x1xi32>
        %gather3A_276 = vector.shape_cast %broadcast_in_dim3A_275 : vector<16x1xi32> to vector<16xi32>
        %gather3A_277 = tpu.dynamic_gather %add3A_271[%gather3A_276] in [0] : vector<16xf32>, vector<16xi32> -> vector<16xf32>
        %add3A_278 = arith.addf %add3A_271, %gather3A_277 : vector<16xf32>
        %xor3A_279 = arith.constant 1 : i32
        %xor3A_280 = vector.broadcast %xor3A_279 : i32 to vector<16xi32>
        %xor3A_281 = arith.xori %iota3A, %xor3A_280 : vector<16xi32>
        %broadcast_in_dim3A_282 = vector.shape_cast %xor3A_281 : vector<16xi32> to vector<16x1xi32>
        %gather3A_283 = vector.shape_cast %broadcast_in_dim3A_282 : vector<16x1xi32> to vector<16xi32>
        %gather3A_284 = tpu.dynamic_gather %add3A_278[%gather3A_283] in [0] : vector<16xf32>, vector<16xi32> -> vector<16xf32>
        %add3A_285 = arith.addf %add3A_278, %gather3A_284 : vector<16xf32>
        %add3A_286 = vector.broadcast %squeeze3A_49 : f32 to vector<16xf32>
        %add3A_287 = arith.addf %add3A_285, %add3A_286 : vector<16xf32>
        %eq3A_288 = arith.constant 4 : i32
        %eq3A_289 = vector.broadcast %eq3A_288 : i32 to vector<16xi32>
        %eq3A_290 = arith.cmpi eq, %iota3A, %eq3A_289 : vector<16xi32>
        %select_n3A_291 = arith.select %eq3A_290, %add3A_287, %select_n3A_257 : vector<16xi1>, vector<16xf32>
        %xor3A_292 = arith.constant 8 : i32
        %xor3A_293 = vector.broadcast %xor3A_292 : i32 to vector<16xi32>
        %xor3A_294 = arith.xori %iota3A, %xor3A_293 : vector<16xi32>
        %broadcast_in_dim3A_295 = vector.shape_cast %xor3A_294 : vector<16xi32> to vector<16x1xi32>
        %gather3A_296 = vector.shape_cast %broadcast_in_dim3A_295 : vector<16x1xi32> to vector<16xi32>
        %gather3A_297 = tpu.dynamic_gather %scan3A_123#5[%gather3A_296] in [0] : vector<16xf32>, vector<16xi32> -> vector<16xf32>
        %add3A_298 = arith.addf %scan3A_123#5, %gather3A_297 : vector<16xf32>
        %xor3A_299 = arith.constant 4 : i32
        %xor3A_300 = vector.broadcast %xor3A_299 : i32 to vector<16xi32>
        %xor3A_301 = arith.xori %iota3A, %xor3A_300 : vector<16xi32>
        %broadcast_in_dim3A_302 = vector.shape_cast %xor3A_301 : vector<16xi32> to vector<16x1xi32>
        %gather3A_303 = vector.shape_cast %broadcast_in_dim3A_302 : vector<16x1xi32> to vector<16xi32>
        %gather3A_304 = tpu.dynamic_gather %add3A_298[%gather3A_303] in [0] : vector<16xf32>, vector<16xi32> -> vector<16xf32>
        %add3A_305 = arith.addf %add3A_298, %gather3A_304 : vector<16xf32>
        %xor3A_306 = arith.constant 2 : i32
        %xor3A_307 = vector.broadcast %xor3A_306 : i32 to vector<16xi32>
        %xor3A_308 = arith.xori %iota3A, %xor3A_307 : vector<16xi32>
        %broadcast_in_dim3A_309 = vector.shape_cast %xor3A_308 : vector<16xi32> to vector<16x1xi32>
        %gather3A_310 = vector.shape_cast %broadcast_in_dim3A_309 : vector<16x1xi32> to vector<16xi32>
        %gather3A_311 = tpu.dynamic_gather %add3A_305[%gather3A_310] in [0] : vector<16xf32>, vector<16xi32> -> vector<16xf32>
        %add3A_312 = arith.addf %add3A_305, %gather3A_311 : vector<16xf32>
        %xor3A_313 = arith.constant 1 : i32
        %xor3A_314 = vector.broadcast %xor3A_313 : i32 to vector<16xi32>
        %xor3A_315 = arith.xori %iota3A, %xor3A_314 : vector<16xi32>
        %broadcast_in_dim3A_316 = vector.shape_cast %xor3A_315 : vector<16xi32> to vector<16x1xi32>
        %gather3A_317 = vector.shape_cast %broadcast_in_dim3A_316 : vector<16x1xi32> to vector<16xi32>
        %gather3A_318 = tpu.dynamic_gather %add3A_312[%gather3A_317] in [0] : vector<16xf32>, vector<16xi32> -> vector<16xf32>
        %add3A_319 = arith.addf %add3A_312, %gather3A_318 : vector<16xf32>
        %add3A_320 = vector.broadcast %squeeze3A_49 : f32 to vector<16xf32>
        %add3A_321 = arith.addf %add3A_319, %add3A_320 : vector<16xf32>
        %eq3A_322 = arith.constant 5 : i32
        %eq3A_323 = vector.broadcast %eq3A_322 : i32 to vector<16xi32>
        %eq3A_324 = arith.cmpi eq, %iota3A, %eq3A_323 : vector<16xi32>
        %select_n3A_325 = arith.select %eq3A_324, %add3A_321, %select_n3A_291 : vector<16xi1>, vector<16xf32>
        %xor3A_326 = arith.constant 8 : i32
        %xor3A_327 = vector.broadcast %xor3A_326 : i32 to vector<16xi32>
        %xor3A_328 = arith.xori %iota3A, %xor3A_327 : vector<16xi32>
        %broadcast_in_dim3A_329 = vector.shape_cast %xor3A_328 : vector<16xi32> to vector<16x1xi32>
        %gather3A_330 = vector.shape_cast %broadcast_in_dim3A_329 : vector<16x1xi32> to vector<16xi32>
        %gather3A_331 = tpu.dynamic_gather %scan3A_123#6[%gather3A_330] in [0] : vector<16xf32>, vector<16xi32> -> vector<16xf32>
        %add3A_332 = arith.addf %scan3A_123#6, %gather3A_331 : vector<16xf32>
        %xor3A_333 = arith.constant 4 : i32
        %xor3A_334 = vector.broadcast %xor3A_333 : i32 to vector<16xi32>
        %xor3A_335 = arith.xori %iota3A, %xor3A_334 : vector<16xi32>
        %broadcast_in_dim3A_336 = vector.shape_cast %xor3A_335 : vector<16xi32> to vector<16x1xi32>
        %gather3A_337 = vector.shape_cast %broadcast_in_dim3A_336 : vector<16x1xi32> to vector<16xi32>
        %gather3A_338 = tpu.dynamic_gather %add3A_332[%gather3A_337] in [0] : vector<16xf32>, vector<16xi32> -> vector<16xf32>
        %add3A_339 = arith.addf %add3A_332, %gather3A_338 : vector<16xf32>
        %xor3A_340 = arith.constant 2 : i32
        %xor3A_341 = vector.broadcast %xor3A_340 : i32 to vector<16xi32>
        %xor3A_342 = arith.xori %iota3A, %xor3A_341 : vector<16xi32>
        %broadcast_in_dim3A_343 = vector.shape_cast %xor3A_342 : vector<16xi32> to vector<16x1xi32>
        %gather3A_344 = vector.shape_cast %broadcast_in_dim3A_343 : vector<16x1xi32> to vector<16xi32>
        %gather3A_345 = tpu.dynamic_gather %add3A_339[%gather3A_344] in [0] : vector<16xf32>, vector<16xi32> -> vector<16xf32>
        %add3A_346 = arith.addf %add3A_339, %gather3A_345 : vector<16xf32>
        %xor3A_347 = arith.constant 1 : i32
        %xor3A_348 = vector.broadcast %xor3A_347 : i32 to vector<16xi32>
        %xor3A_349 = arith.xori %iota3A, %xor3A_348 : vector<16xi32>
        %broadcast_in_dim3A_350 = vector.shape_cast %xor3A_349 : vector<16xi32> to vector<16x1xi32>
        %gather3A_351 = vector.shape_cast %broadcast_in_dim3A_350 : vector<16x1xi32> to vector<16xi32>
        %gather3A_352 = tpu.dynamic_gather %add3A_346[%gather3A_351] in [0] : vector<16xf32>, vector<16xi32> -> vector<16xf32>
        %add3A_353 = arith.addf %add3A_346, %gather3A_352 : vector<16xf32>
        %add3A_354 = vector.broadcast %squeeze3A_49 : f32 to vector<16xf32>
        %add3A_355 = arith.addf %add3A_353, %add3A_354 : vector<16xf32>
        %eq3A_356 = arith.constant 6 : i32
        %eq3A_357 = vector.broadcast %eq3A_356 : i32 to vector<16xi32>
        %eq3A_358 = arith.cmpi eq, %iota3A, %eq3A_357 : vector<16xi32>
        %select_n3A_359 = arith.select %eq3A_358, %add3A_355, %select_n3A_325 : vector<16xi1>, vector<16xf32>
        %xor3A_360 = arith.constant 8 : i32
        %xor3A_361 = vector.broadcast %xor3A_360 : i32 to vector<16xi32>
        %xor3A_362 = arith.xori %iota3A, %xor3A_361 : vector<16xi32>
        %broadcast_in_dim3A_363 = vector.shape_cast %xor3A_362 : vector<16xi32> to vector<16x1xi32>
        %gather3A_364 = vector.shape_cast %broadcast_in_dim3A_363 : vector<16x1xi32> to vector<16xi32>
        %gather3A_365 = tpu.dynamic_gather %scan3A_123#7[%gather3A_364] in [0] : vector<16xf32>, vector<16xi32> -> vector<16xf32>
        %add3A_366 = arith.addf %scan3A_123#7, %gather3A_365 : vector<16xf32>
        %xor3A_367 = arith.constant 4 : i32
        %xor3A_368 = vector.broadcast %xor3A_367 : i32 to vector<16xi32>
        %xor3A_369 = arith.xori %iota3A, %xor3A_368 : vector<16xi32>
        %broadcast_in_dim3A_370 = vector.shape_cast %xor3A_369 : vector<16xi32> to vector<16x1xi32>
        %gather3A_371 = vector.shape_cast %broadcast_in_dim3A_370 : vector<16x1xi32> to vector<16xi32>
        %gather3A_372 = tpu.dynamic_gather %add3A_366[%gather3A_371] in [0] : vector<16xf32>, vector<16xi32> -> vector<16xf32>
        %add3A_373 = arith.addf %add3A_366, %gather3A_372 : vector<16xf32>
        %xor3A_374 = arith.constant 2 : i32
        %xor3A_375 = vector.broadcast %xor3A_374 : i32 to vector<16xi32>
        %xor3A_376 = arith.xori %iota3A, %xor3A_375 : vector<16xi32>
        %broadcast_in_dim3A_377 = vector.shape_cast %xor3A_376 : vector<16xi32> to vector<16x1xi32>
        %gather3A_378 = vector.shape_cast %broadcast_in_dim3A_377 : vector<16x1xi32> to vector<16xi32>
        %gather3A_379 = tpu.dynamic_gather %add3A_373[%gather3A_378] in [0] : vector<16xf32>, vector<16xi32> -> vector<16xf32>
        %add3A_380 = arith.addf %add3A_373, %gather3A_379 : vector<16xf32>
        %xor3A_381 = arith.constant 1 : i32
        %xor3A_382 = vector.broadcast %xor3A_381 : i32 to vector<16xi32>
        %xor3A_383 = arith.xori %iota3A, %xor3A_382 : vector<16xi32>
        %broadcast_in_dim3A_384 = vector.shape_cast %xor3A_383 : vector<16xi32> to vector<16x1xi32>
        %gather3A_385 = vector.shape_cast %broadcast_in_dim3A_384 : vector<16x1xi32> to vector<16xi32>
        %gather3A_386 = tpu.dynamic_gather %add3A_380[%gather3A_385] in [0] : vector<16xf32>, vector<16xi32> -> vector<16xf32>
        %add3A_387 = arith.addf %add3A_380, %gather3A_386 : vector<16xf32>
        %add3A_388 = vector.broadcast %squeeze3A_49 : f32 to vector<16xf32>
        %add3A_389 = arith.addf %add3A_387, %add3A_388 : vector<16xf32>
        %eq3A_390 = arith.constant 7 : i32
        %eq3A_391 = vector.broadcast %eq3A_390 : i32 to vector<16xi32>
        %eq3A_392 = arith.cmpi eq, %iota3A, %eq3A_391 : vector<16xi32>
        %select_n3A_393 = arith.select %eq3A_392, %add3A_389, %select_n3A_359 : vector<16xi1>, vector<16xf32>
        %xor3A_394 = arith.constant 8 : i32
        %xor3A_395 = vector.broadcast %xor3A_394 : i32 to vector<16xi32>
        %xor3A_396 = arith.xori %iota3A, %xor3A_395 : vector<16xi32>
        %broadcast_in_dim3A_397 = vector.shape_cast %xor3A_396 : vector<16xi32> to vector<16x1xi32>
        %gather3A_398 = vector.shape_cast %broadcast_in_dim3A_397 : vector<16x1xi32> to vector<16xi32>
        %gather3A_399 = tpu.dynamic_gather %scan3A_123#8[%gather3A_398] in [0] : vector<16xf32>, vector<16xi32> -> vector<16xf32>
        %add3A_400 = arith.addf %scan3A_123#8, %gather3A_399 : vector<16xf32>
        %xor3A_401 = arith.constant 4 : i32
        %xor3A_402 = vector.broadcast %xor3A_401 : i32 to vector<16xi32>
        %xor3A_403 = arith.xori %iota3A, %xor3A_402 : vector<16xi32>
        %broadcast_in_dim3A_404 = vector.shape_cast %xor3A_403 : vector<16xi32> to vector<16x1xi32>
        %gather3A_405 = vector.shape_cast %broadcast_in_dim3A_404 : vector<16x1xi32> to vector<16xi32>
        %gather3A_406 = tpu.dynamic_gather %add3A_400[%gather3A_405] in [0] : vector<16xf32>, vector<16xi32> -> vector<16xf32>
        %add3A_407 = arith.addf %add3A_400, %gather3A_406 : vector<16xf32>
        %xor3A_408 = arith.constant 2 : i32
        %xor3A_409 = vector.broadcast %xor3A_408 : i32 to vector<16xi32>
        %xor3A_410 = arith.xori %iota3A, %xor3A_409 : vector<16xi32>
        %broadcast_in_dim3A_411 = vector.shape_cast %xor3A_410 : vector<16xi32> to vector<16x1xi32>
        %gather3A_412 = vector.shape_cast %broadcast_in_dim3A_411 : vector<16x1xi32> to vector<16xi32>
        %gather3A_413 = tpu.dynamic_gather %add3A_407[%gather3A_412] in [0] : vector<16xf32>, vector<16xi32> -> vector<16xf32>
        %add3A_414 = arith.addf %add3A_407, %gather3A_413 : vector<16xf32>
        %xor3A_415 = arith.constant 1 : i32
        %xor3A_416 = vector.broadcast %xor3A_415 : i32 to vector<16xi32>
        %xor3A_417 = arith.xori %iota3A, %xor3A_416 : vector<16xi32>
        %broadcast_in_dim3A_418 = vector.shape_cast %xor3A_417 : vector<16xi32> to vector<16x1xi32>
        %gather3A_419 = vector.shape_cast %broadcast_in_dim3A_418 : vector<16x1xi32> to vector<16xi32>
        %gather3A_420 = tpu.dynamic_gather %add3A_414[%gather3A_419] in [0] : vector<16xf32>, vector<16xi32> -> vector<16xf32>
        %add3A_421 = arith.addf %add3A_414, %gather3A_420 : vector<16xf32>
        %add3A_422 = vector.broadcast %squeeze3A_49 : f32 to vector<16xf32>
        %add3A_423 = arith.addf %add3A_421, %add3A_422 : vector<16xf32>
        %eq3A_424 = arith.constant 8 : i32
        %eq3A_425 = vector.broadcast %eq3A_424 : i32 to vector<16xi32>
        %eq3A_426 = arith.cmpi eq, %iota3A, %eq3A_425 : vector<16xi32>
        %select_n3A_427 = arith.select %eq3A_426, %add3A_423, %select_n3A_393 : vector<16xi1>, vector<16xf32>
        %xor3A_428 = arith.constant 8 : i32
        %xor3A_429 = vector.broadcast %xor3A_428 : i32 to vector<16xi32>
        %xor3A_430 = arith.xori %iota3A, %xor3A_429 : vector<16xi32>
        %broadcast_in_dim3A_431 = vector.shape_cast %xor3A_430 : vector<16xi32> to vector<16x1xi32>
        %gather3A_432 = vector.shape_cast %broadcast_in_dim3A_431 : vector<16x1xi32> to vector<16xi32>
        %gather3A_433 = tpu.dynamic_gather %scan3A_123#9[%gather3A_432] in [0] : vector<16xf32>, vector<16xi32> -> vector<16xf32>
        %add3A_434 = arith.addf %scan3A_123#9, %gather3A_433 : vector<16xf32>
        %xor3A_435 = arith.constant 4 : i32
        %xor3A_436 = vector.broadcast %xor3A_435 : i32 to vector<16xi32>
        %xor3A_437 = arith.xori %iota3A, %xor3A_436 : vector<16xi32>
        %broadcast_in_dim3A_438 = vector.shape_cast %xor3A_437 : vector<16xi32> to vector<16x1xi32>
        %gather3A_439 = vector.shape_cast %broadcast_in_dim3A_438 : vector<16x1xi32> to vector<16xi32>
        %gather3A_440 = tpu.dynamic_gather %add3A_434[%gather3A_439] in [0] : vector<16xf32>, vector<16xi32> -> vector<16xf32>
        %add3A_441 = arith.addf %add3A_434, %gather3A_440 : vector<16xf32>
        %xor3A_442 = arith.constant 2 : i32
        %xor3A_443 = vector.broadcast %xor3A_442 : i32 to vector<16xi32>
        %xor3A_444 = arith.xori %iota3A, %xor3A_443 : vector<16xi32>
        %broadcast_in_dim3A_445 = vector.shape_cast %xor3A_444 : vector<16xi32> to vector<16x1xi32>
        %gather3A_446 = vector.shape_cast %broadcast_in_dim3A_445 : vector<16x1xi32> to vector<16xi32>
        %gather3A_447 = tpu.dynamic_gather %add3A_441[%gather3A_446] in [0] : vector<16xf32>, vector<16xi32> -> vector<16xf32>
        %add3A_448 = arith.addf %add3A_441, %gather3A_447 : vector<16xf32>
        %xor3A_449 = arith.constant 1 : i32
        %xor3A_450 = vector.broadcast %xor3A_449 : i32 to vector<16xi32>
        %xor3A_451 = arith.xori %iota3A, %xor3A_450 : vector<16xi32>
        %broadcast_in_dim3A_452 = vector.shape_cast %xor3A_451 : vector<16xi32> to vector<16x1xi32>
        %gather3A_453 = vector.shape_cast %broadcast_in_dim3A_452 : vector<16x1xi32> to vector<16xi32>
        %gather3A_454 = tpu.dynamic_gather %add3A_448[%gather3A_453] in [0] : vector<16xf32>, vector<16xi32> -> vector<16xf32>
        %add3A_455 = arith.addf %add3A_448, %gather3A_454 : vector<16xf32>
        %add3A_456 = vector.broadcast %squeeze3A_49 : f32 to vector<16xf32>
        %add3A_457 = arith.addf %add3A_455, %add3A_456 : vector<16xf32>
        %eq3A_458 = arith.constant 9 : i32
        %eq3A_459 = vector.broadcast %eq3A_458 : i32 to vector<16xi32>
        %eq3A_460 = arith.cmpi eq, %iota3A, %eq3A_459 : vector<16xi32>
        %select_n3A_461 = arith.select %eq3A_460, %add3A_457, %select_n3A_427 : vector<16xi1>, vector<16xf32>
        %xor3A_462 = arith.constant 8 : i32
        %xor3A_463 = vector.broadcast %xor3A_462 : i32 to vector<16xi32>
        %xor3A_464 = arith.xori %iota3A, %xor3A_463 : vector<16xi32>
        %broadcast_in_dim3A_465 = vector.shape_cast %xor3A_464 : vector<16xi32> to vector<16x1xi32>
        %gather3A_466 = vector.shape_cast %broadcast_in_dim3A_465 : vector<16x1xi32> to vector<16xi32>
        %gather3A_467 = tpu.dynamic_gather %scan3A_123#10[%gather3A_466] in [0] : vector<16xf32>, vector<16xi32> -> vector<16xf32>
        %add3A_468 = arith.addf %scan3A_123#10, %gather3A_467 : vector<16xf32>
        %xor3A_469 = arith.constant 4 : i32
        %xor3A_470 = vector.broadcast %xor3A_469 : i32 to vector<16xi32>
        %xor3A_471 = arith.xori %iota3A, %xor3A_470 : vector<16xi32>
        %broadcast_in_dim3A_472 = vector.shape_cast %xor3A_471 : vector<16xi32> to vector<16x1xi32>
        %gather3A_473 = vector.shape_cast %broadcast_in_dim3A_472 : vector<16x1xi32> to vector<16xi32>
        %gather3A_474 = tpu.dynamic_gather %add3A_468[%gather3A_473] in [0] : vector<16xf32>, vector<16xi32> -> vector<16xf32>
        %add3A_475 = arith.addf %add3A_468, %gather3A_474 : vector<16xf32>
        %xor3A_476 = arith.constant 2 : i32
        %xor3A_477 = vector.broadcast %xor3A_476 : i32 to vector<16xi32>
        %xor3A_478 = arith.xori %iota3A, %xor3A_477 : vector<16xi32>
        %broadcast_in_dim3A_479 = vector.shape_cast %xor3A_478 : vector<16xi32> to vector<16x1xi32>
        %gather3A_480 = vector.shape_cast %broadcast_in_dim3A_479 : vector<16x1xi32> to vector<16xi32>
        %gather3A_481 = tpu.dynamic_gather %add3A_475[%gather3A_480] in [0] : vector<16xf32>, vector<16xi32> -> vector<16xf32>
        %add3A_482 = arith.addf %add3A_475, %gather3A_481 : vector<16xf32>
        %xor3A_483 = arith.constant 1 : i32
        %xor3A_484 = vector.broadcast %xor3A_483 : i32 to vector<16xi32>
        %xor3A_485 = arith.xori %iota3A, %xor3A_484 : vector<16xi32>
        %broadcast_in_dim3A_486 = vector.shape_cast %xor3A_485 : vector<16xi32> to vector<16x1xi32>
        %gather3A_487 = vector.shape_cast %broadcast_in_dim3A_486 : vector<16x1xi32> to vector<16xi32>
        %gather3A_488 = tpu.dynamic_gather %add3A_482[%gather3A_487] in [0] : vector<16xf32>, vector<16xi32> -> vector<16xf32>
        %add3A_489 = arith.addf %add3A_482, %gather3A_488 : vector<16xf32>
        %add3A_490 = vector.broadcast %squeeze3A_49 : f32 to vector<16xf32>
        %add3A_491 = arith.addf %add3A_489, %add3A_490 : vector<16xf32>
        %eq3A_492 = arith.constant 10 : i32
        %eq3A_493 = vector.broadcast %eq3A_492 : i32 to vector<16xi32>
        %eq3A_494 = arith.cmpi eq, %iota3A, %eq3A_493 : vector<16xi32>
        %select_n3A_495 = arith.select %eq3A_494, %add3A_491, %select_n3A_461 : vector<16xi1>, vector<16xf32>
        %xor3A_496 = arith.constant 8 : i32
        %xor3A_497 = vector.broadcast %xor3A_496 : i32 to vector<16xi32>
        %xor3A_498 = arith.xori %iota3A, %xor3A_497 : vector<16xi32>
        %broadcast_in_dim3A_499 = vector.shape_cast %xor3A_498 : vector<16xi32> to vector<16x1xi32>
        %gather3A_500 = vector.shape_cast %broadcast_in_dim3A_499 : vector<16x1xi32> to vector<16xi32>
        %gather3A_501 = tpu.dynamic_gather %scan3A_123#11[%gather3A_500] in [0] : vector<16xf32>, vector<16xi32> -> vector<16xf32>
        %add3A_502 = arith.addf %scan3A_123#11, %gather3A_501 : vector<16xf32>
        %xor3A_503 = arith.constant 4 : i32
        %xor3A_504 = vector.broadcast %xor3A_503 : i32 to vector<16xi32>
        %xor3A_505 = arith.xori %iota3A, %xor3A_504 : vector<16xi32>
        %broadcast_in_dim3A_506 = vector.shape_cast %xor3A_505 : vector<16xi32> to vector<16x1xi32>
        %gather3A_507 = vector.shape_cast %broadcast_in_dim3A_506 : vector<16x1xi32> to vector<16xi32>
        %gather3A_508 = tpu.dynamic_gather %add3A_502[%gather3A_507] in [0] : vector<16xf32>, vector<16xi32> -> vector<16xf32>
        %add3A_509 = arith.addf %add3A_502, %gather3A_508 : vector<16xf32>
        %xor3A_510 = arith.constant 2 : i32
        %xor3A_511 = vector.broadcast %xor3A_510 : i32 to vector<16xi32>
        %xor3A_512 = arith.xori %iota3A, %xor3A_511 : vector<16xi32>
        %broadcast_in_dim3A_513 = vector.shape_cast %xor3A_512 : vector<16xi32> to vector<16x1xi32>
        %gather3A_514 = vector.shape_cast %broadcast_in_dim3A_513 : vector<16x1xi32> to vector<16xi32>
        %gather3A_515 = tpu.dynamic_gather %add3A_509[%gather3A_514] in [0] : vector<16xf32>, vector<16xi32> -> vector<16xf32>
        %add3A_516 = arith.addf %add3A_509, %gather3A_515 : vector<16xf32>
        %xor3A_517 = arith.constant 1 : i32
        %xor3A_518 = vector.broadcast %xor3A_517 : i32 to vector<16xi32>
        %xor3A_519 = arith.xori %iota3A, %xor3A_518 : vector<16xi32>
        %broadcast_in_dim3A_520 = vector.shape_cast %xor3A_519 : vector<16xi32> to vector<16x1xi32>
        %gather3A_521 = vector.shape_cast %broadcast_in_dim3A_520 : vector<16x1xi32> to vector<16xi32>
        %gather3A_522 = tpu.dynamic_gather %add3A_516[%gather3A_521] in [0] : vector<16xf32>, vector<16xi32> -> vector<16xf32>
        %add3A_523 = arith.addf %add3A_516, %gather3A_522 : vector<16xf32>
        %add3A_524 = vector.broadcast %squeeze3A_49 : f32 to vector<16xf32>
        %add3A_525 = arith.addf %add3A_523, %add3A_524 : vector<16xf32>
        %eq3A_526 = arith.constant 11 : i32
        %eq3A_527 = vector.broadcast %eq3A_526 : i32 to vector<16xi32>
        %eq3A_528 = arith.cmpi eq, %iota3A, %eq3A_527 : vector<16xi32>
        %select_n3A_529 = arith.select %eq3A_528, %add3A_525, %select_n3A_495 : vector<16xi1>, vector<16xf32>
        %xor3A_530 = arith.constant 8 : i32
        %xor3A_531 = vector.broadcast %xor3A_530 : i32 to vector<16xi32>
        %xor3A_532 = arith.xori %iota3A, %xor3A_531 : vector<16xi32>
        %broadcast_in_dim3A_533 = vector.shape_cast %xor3A_532 : vector<16xi32> to vector<16x1xi32>
        %gather3A_534 = vector.shape_cast %broadcast_in_dim3A_533 : vector<16x1xi32> to vector<16xi32>
        %gather3A_535 = tpu.dynamic_gather %scan3A_123#12[%gather3A_534] in [0] : vector<16xf32>, vector<16xi32> -> vector<16xf32>
        %add3A_536 = arith.addf %scan3A_123#12, %gather3A_535 : vector<16xf32>
        %xor3A_537 = arith.constant 4 : i32
        %xor3A_538 = vector.broadcast %xor3A_537 : i32 to vector<16xi32>
        %xor3A_539 = arith.xori %iota3A, %xor3A_538 : vector<16xi32>
        %broadcast_in_dim3A_540 = vector.shape_cast %xor3A_539 : vector<16xi32> to vector<16x1xi32>
        %gather3A_541 = vector.shape_cast %broadcast_in_dim3A_540 : vector<16x1xi32> to vector<16xi32>
        %gather3A_542 = tpu.dynamic_gather %add3A_536[%gather3A_541] in [0] : vector<16xf32>, vector<16xi32> -> vector<16xf32>
        %add3A_543 = arith.addf %add3A_536, %gather3A_542 : vector<16xf32>
        %xor3A_544 = arith.constant 2 : i32
        %xor3A_545 = vector.broadcast %xor3A_544 : i32 to vector<16xi32>
        %xor3A_546 = arith.xori %iota3A, %xor3A_545 : vector<16xi32>
        %broadcast_in_dim3A_547 = vector.shape_cast %xor3A_546 : vector<16xi32> to vector<16x1xi32>
        %gather3A_548 = vector.shape_cast %broadcast_in_dim3A_547 : vector<16x1xi32> to vector<16xi32>
        %gather3A_549 = tpu.dynamic_gather %add3A_543[%gather3A_548] in [0] : vector<16xf32>, vector<16xi32> -> vector<16xf32>
        %add3A_550 = arith.addf %add3A_543, %gather3A_549 : vector<16xf32>
        %xor3A_551 = arith.constant 1 : i32
        %xor3A_552 = vector.broadcast %xor3A_551 : i32 to vector<16xi32>
        %xor3A_553 = arith.xori %iota3A, %xor3A_552 : vector<16xi32>
        %broadcast_in_dim3A_554 = vector.shape_cast %xor3A_553 : vector<16xi32> to vector<16x1xi32>
        %gather3A_555 = vector.shape_cast %broadcast_in_dim3A_554 : vector<16x1xi32> to vector<16xi32>
        %gather3A_556 = tpu.dynamic_gather %add3A_550[%gather3A_555] in [0] : vector<16xf32>, vector<16xi32> -> vector<16xf32>
        %add3A_557 = arith.addf %add3A_550, %gather3A_556 : vector<16xf32>
        %add3A_558 = vector.broadcast %squeeze3A_49 : f32 to vector<16xf32>
        %add3A_559 = arith.addf %add3A_557, %add3A_558 : vector<16xf32>
        %eq3A_560 = arith.constant 12 : i32
        %eq3A_561 = vector.broadcast %eq3A_560 : i32 to vector<16xi32>
        %eq3A_562 = arith.cmpi eq, %iota3A, %eq3A_561 : vector<16xi32>
        %select_n3A_563 = arith.select %eq3A_562, %add3A_559, %select_n3A_529 : vector<16xi1>, vector<16xf32>
        %xor3A_564 = arith.constant 8 : i32
        %xor3A_565 = vector.broadcast %xor3A_564 : i32 to vector<16xi32>
        %xor3A_566 = arith.xori %iota3A, %xor3A_565 : vector<16xi32>
        %broadcast_in_dim3A_567 = vector.shape_cast %xor3A_566 : vector<16xi32> to vector<16x1xi32>
        %gather3A_568 = vector.shape_cast %broadcast_in_dim3A_567 : vector<16x1xi32> to vector<16xi32>
        %gather3A_569 = tpu.dynamic_gather %scan3A_123#13[%gather3A_568] in [0] : vector<16xf32>, vector<16xi32> -> vector<16xf32>
        %add3A_570 = arith.addf %scan3A_123#13, %gather3A_569 : vector<16xf32>
        %xor3A_571 = arith.constant 4 : i32
        %xor3A_572 = vector.broadcast %xor3A_571 : i32 to vector<16xi32>
        %xor3A_573 = arith.xori %iota3A, %xor3A_572 : vector<16xi32>
        %broadcast_in_dim3A_574 = vector.shape_cast %xor3A_573 : vector<16xi32> to vector<16x1xi32>
        %gather3A_575 = vector.shape_cast %broadcast_in_dim3A_574 : vector<16x1xi32> to vector<16xi32>
        %gather3A_576 = tpu.dynamic_gather %add3A_570[%gather3A_575] in [0] : vector<16xf32>, vector<16xi32> -> vector<16xf32>
        %add3A_577 = arith.addf %add3A_570, %gather3A_576 : vector<16xf32>
        %xor3A_578 = arith.constant 2 : i32
        %xor3A_579 = vector.broadcast %xor3A_578 : i32 to vector<16xi32>
        %xor3A_580 = arith.xori %iota3A, %xor3A_579 : vector<16xi32>
        %broadcast_in_dim3A_581 = vector.shape_cast %xor3A_580 : vector<16xi32> to vector<16x1xi32>
        %gather3A_582 = vector.shape_cast %broadcast_in_dim3A_581 : vector<16x1xi32> to vector<16xi32>
        %gather3A_583 = tpu.dynamic_gather %add3A_577[%gather3A_582] in [0] : vector<16xf32>, vector<16xi32> -> vector<16xf32>
        %add3A_584 = arith.addf %add3A_577, %gather3A_583 : vector<16xf32>
        %xor3A_585 = arith.constant 1 : i32
        %xor3A_586 = vector.broadcast %xor3A_585 : i32 to vector<16xi32>
        %xor3A_587 = arith.xori %iota3A, %xor3A_586 : vector<16xi32>
        %broadcast_in_dim3A_588 = vector.shape_cast %xor3A_587 : vector<16xi32> to vector<16x1xi32>
        %gather3A_589 = vector.shape_cast %broadcast_in_dim3A_588 : vector<16x1xi32> to vector<16xi32>
        %gather3A_590 = tpu.dynamic_gather %add3A_584[%gather3A_589] in [0] : vector<16xf32>, vector<16xi32> -> vector<16xf32>
        %add3A_591 = arith.addf %add3A_584, %gather3A_590 : vector<16xf32>
        %add3A_592 = vector.broadcast %squeeze3A_49 : f32 to vector<16xf32>
        %add3A_593 = arith.addf %add3A_591, %add3A_592 : vector<16xf32>
        %eq3A_594 = arith.constant 13 : i32
        %eq3A_595 = vector.broadcast %eq3A_594 : i32 to vector<16xi32>
        %eq3A_596 = arith.cmpi eq, %iota3A, %eq3A_595 : vector<16xi32>
        %select_n3A_597 = arith.select %eq3A_596, %add3A_593, %select_n3A_563 : vector<16xi1>, vector<16xf32>
        %xor3A_598 = arith.constant 8 : i32
        %xor3A_599 = vector.broadcast %xor3A_598 : i32 to vector<16xi32>
        %xor3A_600 = arith.xori %iota3A, %xor3A_599 : vector<16xi32>
        %broadcast_in_dim3A_601 = vector.shape_cast %xor3A_600 : vector<16xi32> to vector<16x1xi32>
        %gather3A_602 = vector.shape_cast %broadcast_in_dim3A_601 : vector<16x1xi32> to vector<16xi32>
        %gather3A_603 = tpu.dynamic_gather %scan3A_123#14[%gather3A_602] in [0] : vector<16xf32>, vector<16xi32> -> vector<16xf32>
        %add3A_604 = arith.addf %scan3A_123#14, %gather3A_603 : vector<16xf32>
        %xor3A_605 = arith.constant 4 : i32
        %xor3A_606 = vector.broadcast %xor3A_605 : i32 to vector<16xi32>
        %xor3A_607 = arith.xori %iota3A, %xor3A_606 : vector<16xi32>
        %broadcast_in_dim3A_608 = vector.shape_cast %xor3A_607 : vector<16xi32> to vector<16x1xi32>
        %gather3A_609 = vector.shape_cast %broadcast_in_dim3A_608 : vector<16x1xi32> to vector<16xi32>
        %gather3A_610 = tpu.dynamic_gather %add3A_604[%gather3A_609] in [0] : vector<16xf32>, vector<16xi32> -> vector<16xf32>
        %add3A_611 = arith.addf %add3A_604, %gather3A_610 : vector<16xf32>
        %xor3A_612 = arith.constant 2 : i32
        %xor3A_613 = vector.broadcast %xor3A_612 : i32 to vector<16xi32>
        %xor3A_614 = arith.xori %iota3A, %xor3A_613 : vector<16xi32>
        %broadcast_in_dim3A_615 = vector.shape_cast %xor3A_614 : vector<16xi32> to vector<16x1xi32>
        %gather3A_616 = vector.shape_cast %broadcast_in_dim3A_615 : vector<16x1xi32> to vector<16xi32>
        %gather3A_617 = tpu.dynamic_gather %add3A_611[%gather3A_616] in [0] : vector<16xf32>, vector<16xi32> -> vector<16xf32>
        %add3A_618 = arith.addf %add3A_611, %gather3A_617 : vector<16xf32>
        %xor3A_619 = arith.constant 1 : i32
        %xor3A_620 = vector.broadcast %xor3A_619 : i32 to vector<16xi32>
        %xor3A_621 = arith.xori %iota3A, %xor3A_620 : vector<16xi32>
        %broadcast_in_dim3A_622 = vector.shape_cast %xor3A_621 : vector<16xi32> to vector<16x1xi32>
        %gather3A_623 = vector.shape_cast %broadcast_in_dim3A_622 : vector<16x1xi32> to vector<16xi32>
        %gather3A_624 = tpu.dynamic_gather %add3A_618[%gather3A_623] in [0] : vector<16xf32>, vector<16xi32> -> vector<16xf32>
        %add3A_625 = arith.addf %add3A_618, %gather3A_624 : vector<16xf32>
        %add3A_626 = vector.broadcast %squeeze3A_49 : f32 to vector<16xf32>
        %add3A_627 = arith.addf %add3A_625, %add3A_626 : vector<16xf32>
        %eq3A_628 = arith.constant 14 : i32
        %eq3A_629 = vector.broadcast %eq3A_628 : i32 to vector<16xi32>
        %eq3A_630 = arith.cmpi eq, %iota3A, %eq3A_629 : vector<16xi32>
        %select_n3A_631 = arith.select %eq3A_630, %add3A_627, %select_n3A_597 : vector<16xi1>, vector<16xf32>
        %xor3A_632 = arith.constant 8 : i32
        %xor3A_633 = vector.broadcast %xor3A_632 : i32 to vector<16xi32>
        %xor3A_634 = arith.xori %iota3A, %xor3A_633 : vector<16xi32>
        %broadcast_in_dim3A_635 = vector.shape_cast %xor3A_634 : vector<16xi32> to vector<16x1xi32>
        %gather3A_636 = vector.shape_cast %broadcast_in_dim3A_635 : vector<16x1xi32> to vector<16xi32>
        %gather3A_637 = tpu.dynamic_gather %scan3A_123#15[%gather3A_636] in [0] : vector<16xf32>, vector<16xi32> -> vector<16xf32>
        %add3A_638 = arith.addf %scan3A_123#15, %gather3A_637 : vector<16xf32>
        %xor3A_639 = arith.constant 4 : i32
        %xor3A_640 = vector.broadcast %xor3A_639 : i32 to vector<16xi32>
        %xor3A_641 = arith.xori %iota3A, %xor3A_640 : vector<16xi32>
        %broadcast_in_dim3A_642 = vector.shape_cast %xor3A_641 : vector<16xi32> to vector<16x1xi32>
        %gather3A_643 = vector.shape_cast %broadcast_in_dim3A_642 : vector<16x1xi32> to vector<16xi32>
        %gather3A_644 = tpu.dynamic_gather %add3A_638[%gather3A_643] in [0] : vector<16xf32>, vector<16xi32> -> vector<16xf32>
        %add3A_645 = arith.addf %add3A_638, %gather3A_644 : vector<16xf32>
        %xor3A_646 = arith.constant 2 : i32
        %xor3A_647 = vector.broadcast %xor3A_646 : i32 to vector<16xi32>
        %xor3A_648 = arith.xori %iota3A, %xor3A_647 : vector<16xi32>
        %broadcast_in_dim3A_649 = vector.shape_cast %xor3A_648 : vector<16xi32> to vector<16x1xi32>
        %gather3A_650 = vector.shape_cast %broadcast_in_dim3A_649 : vector<16x1xi32> to vector<16xi32>
        %gather3A_651 = tpu.dynamic_gather %add3A_645[%gather3A_650] in [0] : vector<16xf32>, vector<16xi32> -> vector<16xf32>
        %add3A_652 = arith.addf %add3A_645, %gather3A_651 : vector<16xf32>
        %xor3A_653 = arith.constant 1 : i32
        %xor3A_654 = vector.broadcast %xor3A_653 : i32 to vector<16xi32>
        %xor3A_655 = arith.xori %iota3A, %xor3A_654 : vector<16xi32>
        %broadcast_in_dim3A_656 = vector.shape_cast %xor3A_655 : vector<16xi32> to vector<16x1xi32>
        %gather3A_657 = vector.shape_cast %broadcast_in_dim3A_656 : vector<16x1xi32> to vector<16xi32>
        %gather3A_658 = tpu.dynamic_gather %add3A_652[%gather3A_657] in [0] : vector<16xf32>, vector<16xi32> -> vector<16xf32>
        %add3A_659 = arith.addf %add3A_652, %gather3A_658 : vector<16xf32>
        %add3A_660 = vector.broadcast %squeeze3A_49 : f32 to vector<16xf32>
        %add3A_661 = arith.addf %add3A_659, %add3A_660 : vector<16xf32>
        %eq3A_662 = arith.constant 15 : i32
        %eq3A_663 = vector.broadcast %eq3A_662 : i32 to vector<16xi32>
        %eq3A_664 = arith.cmpi eq, %iota3A, %eq3A_663 : vector<16xi32>
        %select_n3A_665 = arith.select %eq3A_664, %add3A_661, %select_n3A_631 : vector<16xi1>, vector<16xf32>
        %mul3A_666 = arith.constant 32 : i32
        %mul3A_667 = arith.muli %scan3A_61, %mul3A_666 : i32
        %add3A_668 = arith.constant 0 : i32
        %add3A_669 = arith.addi %mul3A_667, %add3A_668 : i32
        %swap3A = arith.index_cast %add3A_669 : i32 to index
        %swap3A_670 = tpu.vector_load %arg12[%swap3A] {strides = array<i32>} : memref<512xf32, #tpu.memory_space<vmem>>, vector<16xf32>,
        %swap3A_671 = vector.shape_cast %swap3A_670 : vector<16xf32> to vector<16xf32>
        %swap3A_672 = vector.shape_cast %select_n3A_665 : vector<16xf32> to vector<16xf32>
        tpu.vector_store %arg12[%swap3A], %swap3A_672 {strides = array<i32>} : memref<512xf32, #tpu.memory_space<vmem>>, vector<16xf32>,
        %broadcast_in_dim3A_673 = arith.constant 0.000000e+00 : f32
        %broadcast_in_dim3A_674 = vector.broadcast %broadcast_in_dim3A_673 : f32 to vector<16xf32>
        %broadcast_in_dim3A_675 = arith.constant 0.000000e+00 : f32
        %broadcast_in_dim3A_676 = vector.broadcast %broadcast_in_dim3A_675 : f32 to vector<16xf32>
        %broadcast_in_dim3A_677 = arith.constant 0.000000e+00 : f32
        %broadcast_in_dim3A_678 = vector.broadcast %broadcast_in_dim3A_677 : f32 to vector<16xf32>
        %broadcast_in_dim3A_679 = arith.constant 0.000000e+00 : f32
        %broadcast_in_dim3A_680 = vector.broadcast %broadcast_in_dim3A_679 : f32 to vector<16xf32>
        %broadcast_in_dim3A_681 = arith.constant 0.000000e+00 : f32
        %broadcast_in_dim3A_682 = vector.broadcast %broadcast_in_dim3A_681 : f32 to vector<16xf32>
        %broadcast_in_dim3A_683 = arith.constant 0.000000e+00 : f32
        %broadcast_in_dim3A_684 = vector.broadcast %broadcast_in_dim3A_683 : f32 to vector<16xf32>
        %broadcast_in_dim3A_685 = arith.constant 0.000000e+00 : f32
        %broadcast_in_dim3A_686 = vector.broadcast %broadcast_in_dim3A_685 : f32 to vector<16xf32>
        %broadcast_in_dim3A_687 = arith.constant 0.000000e+00 : f32
        %broadcast_in_dim3A_688 = vector.broadcast %broadcast_in_dim3A_687 : f32 to vector<16xf32>
        %broadcast_in_dim3A_689 = arith.constant 0.000000e+00 : f32
        %broadcast_in_dim3A_690 = vector.broadcast %broadcast_in_dim3A_689 : f32 to vector<16xf32>
        %broadcast_in_dim3A_691 = arith.constant 0.000000e+00 : f32
        %broadcast_in_dim3A_692 = vector.broadcast %broadcast_in_dim3A_691 : f32 to vector<16xf32>
        %broadcast_in_dim3A_693 = arith.constant 0.000000e+00 : f32
        %broadcast_in_dim3A_694 = vector.broadcast %broadcast_in_dim3A_693 : f32 to vector<16xf32>
        %broadcast_in_dim3A_695 = arith.constant 0.000000e+00 : f32
        %broadcast_in_dim3A_696 = vector.broadcast %broadcast_in_dim3A_695 : f32 to vector<16xf32>
        %broadcast_in_dim3A_697 = arith.constant 0.000000e+00 : f32
        %broadcast_in_dim3A_698 = vector.broadcast %broadcast_in_dim3A_697 : f32 to vector<16xf32>
        %broadcast_in_dim3A_699 = arith.constant 0.000000e+00 : f32
        %broadcast_in_dim3A_700 = vector.broadcast %broadcast_in_dim3A_699 : f32 to vector<16xf32>
        %broadcast_in_dim3A_701 = arith.constant 0.000000e+00 : f32
        %broadcast_in_dim3A_702 = vector.broadcast %broadcast_in_dim3A_701 : f32 to vector<16xf32>
        %broadcast_in_dim3A_703 = arith.constant 0.000000e+00 : f32
        %broadcast_in_dim3A_704 = vector.broadcast %broadcast_in_dim3A_703 : f32 to vector<16xf32>
        %broadcast_in_dim3A_705 = arith.constant 0.000000e+00 : f32
        %broadcast_in_dim3A_706 = vector.broadcast %broadcast_in_dim3A_705 : f32 to vector<16xf32>
        %scan3A_707 = arith.constant 0 : i32
        %scan3A_708 = arith.constant 75 : i32
        %scan3A_709 = arith.addi %scan3A_707, %scan3A_708 : i32
        %scan3A_710 = arith.constant 1 : i32
        %scan3A_711:16 = scf.for %scan3A_1265 = %scan3A_707 to %scan3A_709 step %scan3A_710 iter_args(%scan3A_1266 = %broadcast_in_dim3A_676, %scan3A_1267 = %broadcast_in_dim3A_678, %scan3A_1268 = %broadcast_in_dim3A_680, %scan3A_1269 = %broadcast_in_dim3A_682, %scan3A_1270 = %broadcast_in_dim3A_684, %scan3A_1271 = %broadcast_in_dim3A_686, %scan3A_1272 = %broadcast_in_dim3A_688, %scan3A_1273 = %broadcast_in_dim3A_690, %scan3A_1274 = %broadcast_in_dim3A_692, %scan3A_1275 = %broadcast_in_dim3A_694, %scan3A_1276 = %broadcast_in_dim3A_696, %scan3A_1277 = %broadcast_in_dim3A_698, %scan3A_1278 = %broadcast_in_dim3A_700, %scan3A_1279 = %broadcast_in_dim3A_702, %scan3A_1280 = %broadcast_in_dim3A_704, %scan3A_1281 = %broadcast_in_dim3A_706) -> (vector<16xf32>, vector<16xf32>, vector<16xf32>, vector<16xf32>, vector<16xf32>, vector<16xf32>, vector<16xf32>, vector<16xf32>, vector<16xf32>, vector<16xf32>, vector<16xf32>, vector<16xf32>, vector<16xf32>, vector<16xf32>, vector<16xf32>, vector<16xf32>)  : i32 {
          %mul3A_1282 = arith.constant 16 : i32
          %mul3A_1283 = arith.muli %scan3A_1265, %mul3A_1282 : i32
          %get3A_1284 = arith.index_cast %mul3A_1283 : i32 to index
          %get3A_1285 = tpu.vector_load %arg9[%get3A_1284] {strides = array<i32>} : memref<1200xf32, #tpu.memory_space<vmem>>, vector<16xf32>,
          %get3A_1286 = vector.shape_cast %get3A_1285 : vector<16xf32> to vector<16xf32>
          %get3A_1287 = arith.constant 16 : i32
          %get3A_1288 = arith.index_cast %get3A_1287 : i32 to index
          %get3A_1289 = arith.index_cast %mul3A_1283 : i32 to index
          %get3A_1290 = tpu.vector_load %arg8[%get3A_1288, %get3A_1289] {strides = array<i32>} : memref<32x1200xi32, #tpu.memory_space<vmem>>, vector<1x16xi32>,
          %get3A_1291 = vector.shape_cast %get3A_1290 : vector<1x16xi32> to vector<16xi32>
          %broadcast_in_dim3A_1292 = vector.shape_cast %get3A_1291 : vector<16xi32> to vector<16x1xi32>
          %gather3A_1293 = vector.shape_cast %broadcast_in_dim3A_1292 : vector<16x1xi32> to vector<16xi32>
          %gather3A_1294 = tpu.dynamic_gather %add3A_47[%gather3A_1293] in [0] : vector<16xf32>, vector<16xi32> -> vector<16xf32>
          %mul3A_1295 = arith.mulf %gather3A_1294, %get3A_1286 : vector<16xf32>
          %add3A_1296 = arith.addf %scan3A_1266, %mul3A_1295 : vector<16xf32>
          %get3A_1297 = arith.constant 17 : i32
          %get3A_1298 = arith.index_cast %get3A_1297 : i32 to index
          %get3A_1299 = arith.index_cast %mul3A_1283 : i32 to index
          %get3A_1300 = tpu.vector_load %arg8[%get3A_1298, %get3A_1299] {strides = array<i32>} : memref<32x1200xi32, #tpu.memory_space<vmem>>, vector<1x16xi32>,
          %get3A_1301 = vector.shape_cast %get3A_1300 : vector<1x16xi32> to vector<16xi32>
          %broadcast_in_dim3A_1302 = vector.shape_cast %get3A_1301 : vector<16xi32> to vector<16x1xi32>
          %gather3A_1303 = vector.shape_cast %broadcast_in_dim3A_1302 : vector<16x1xi32> to vector<16xi32>
          %gather3A_1304 = tpu.dynamic_gather %add3A_47[%gather3A_1303] in [0] : vector<16xf32>, vector<16xi32> -> vector<16xf32>
          %mul3A_1305 = arith.mulf %gather3A_1304, %get3A_1286 : vector<16xf32>
          %add3A_1306 = arith.addf %scan3A_1267, %mul3A_1305 : vector<16xf32>
          %get3A_1307 = arith.constant 18 : i32
          %get3A_1308 = arith.index_cast %get3A_1307 : i32 to index
          %get3A_1309 = arith.index_cast %mul3A_1283 : i32 to index
          %get3A_1310 = tpu.vector_load %arg8[%get3A_1308, %get3A_1309] {strides = array<i32>} : memref<32x1200xi32, #tpu.memory_space<vmem>>, vector<1x16xi32>,
          %get3A_1311 = vector.shape_cast %get3A_1310 : vector<1x16xi32> to vector<16xi32>
          %broadcast_in_dim3A_1312 = vector.shape_cast %get3A_1311 : vector<16xi32> to vector<16x1xi32>
          %gather3A_1313 = vector.shape_cast %broadcast_in_dim3A_1312 : vector<16x1xi32> to vector<16xi32>
          %gather3A_1314 = tpu.dynamic_gather %add3A_47[%gather3A_1313] in [0] : vector<16xf32>, vector<16xi32> -> vector<16xf32>
          %mul3A_1315 = arith.mulf %gather3A_1314, %get3A_1286 : vector<16xf32>
          %add3A_1316 = arith.addf %scan3A_1268, %mul3A_1315 : vector<16xf32>
          %get3A_1317 = arith.constant 19 : i32
          %get3A_1318 = arith.index_cast %get3A_1317 : i32 to index
          %get3A_1319 = arith.index_cast %mul3A_1283 : i32 to index
          %get3A_1320 = tpu.vector_load %arg8[%get3A_1318, %get3A_1319] {strides = array<i32>} : memref<32x1200xi32, #tpu.memory_space<vmem>>, vector<1x16xi32>,
          %get3A_1321 = vector.shape_cast %get3A_1320 : vector<1x16xi32> to vector<16xi32>
          %broadcast_in_dim3A_1322 = vector.shape_cast %get3A_1321 : vector<16xi32> to vector<16x1xi32>
          %gather3A_1323 = vector.shape_cast %broadcast_in_dim3A_1322 : vector<16x1xi32> to vector<16xi32>
          %gather3A_1324 = tpu.dynamic_gather %add3A_47[%gather3A_1323] in [0] : vector<16xf32>, vector<16xi32> -> vector<16xf32>
          %mul3A_1325 = arith.mulf %gather3A_1324, %get3A_1286 : vector<16xf32>
          %add3A_1326 = arith.addf %scan3A_1269, %mul3A_1325 : vector<16xf32>
          %get3A_1327 = arith.constant 20 : i32
          %get3A_1328 = arith.index_cast %get3A_1327 : i32 to index
          %get3A_1329 = arith.index_cast %mul3A_1283 : i32 to index
          %get3A_1330 = tpu.vector_load %arg8[%get3A_1328, %get3A_1329] {strides = array<i32>} : memref<32x1200xi32, #tpu.memory_space<vmem>>, vector<1x16xi32>,
          %get3A_1331 = vector.shape_cast %get3A_1330 : vector<1x16xi32> to vector<16xi32>
          %broadcast_in_dim3A_1332 = vector.shape_cast %get3A_1331 : vector<16xi32> to vector<16x1xi32>
          %gather3A_1333 = vector.shape_cast %broadcast_in_dim3A_1332 : vector<16x1xi32> to vector<16xi32>
          %gather3A_1334 = tpu.dynamic_gather %add3A_47[%gather3A_1333] in [0] : vector<16xf32>, vector<16xi32> -> vector<16xf32>
          %mul3A_1335 = arith.mulf %gather3A_1334, %get3A_1286 : vector<16xf32>
          %add3A_1336 = arith.addf %scan3A_1270, %mul3A_1335 : vector<16xf32>
          %get3A_1337 = arith.constant 21 : i32
          %get3A_1338 = arith.index_cast %get3A_1337 : i32 to index
          %get3A_1339 = arith.index_cast %mul3A_1283 : i32 to index
          %get3A_1340 = tpu.vector_load %arg8[%get3A_1338, %get3A_1339] {strides = array<i32>} : memref<32x1200xi32, #tpu.memory_space<vmem>>, vector<1x16xi32>,
          %get3A_1341 = vector.shape_cast %get3A_1340 : vector<1x16xi32> to vector<16xi32>
          %broadcast_in_dim3A_1342 = vector.shape_cast %get3A_1341 : vector<16xi32> to vector<16x1xi32>
          %gather3A_1343 = vector.shape_cast %broadcast_in_dim3A_1342 : vector<16x1xi32> to vector<16xi32>
          %gather3A_1344 = tpu.dynamic_gather %add3A_47[%gather3A_1343] in [0] : vector<16xf32>, vector<16xi32> -> vector<16xf32>
          %mul3A_1345 = arith.mulf %gather3A_1344, %get3A_1286 : vector<16xf32>
          %add3A_1346 = arith.addf %scan3A_1271, %mul3A_1345 : vector<16xf32>
          %get3A_1347 = arith.constant 22 : i32
          %get3A_1348 = arith.index_cast %get3A_1347 : i32 to index
          %get3A_1349 = arith.index_cast %mul3A_1283 : i32 to index
          %get3A_1350 = tpu.vector_load %arg8[%get3A_1348, %get3A_1349] {strides = array<i32>} : memref<32x1200xi32, #tpu.memory_space<vmem>>, vector<1x16xi32>,
          %get3A_1351 = vector.shape_cast %get3A_1350 : vector<1x16xi32> to vector<16xi32>
          %broadcast_in_dim3A_1352 = vector.shape_cast %get3A_1351 : vector<16xi32> to vector<16x1xi32>
          %gather3A_1353 = vector.shape_cast %broadcast_in_dim3A_1352 : vector<16x1xi32> to vector<16xi32>
          %gather3A_1354 = tpu.dynamic_gather %add3A_47[%gather3A_1353] in [0] : vector<16xf32>, vector<16xi32> -> vector<16xf32>
          %mul3A_1355 = arith.mulf %gather3A_1354, %get3A_1286 : vector<16xf32>
          %add3A_1356 = arith.addf %scan3A_1272, %mul3A_1355 : vector<16xf32>
          %get3A_1357 = arith.constant 23 : i32
          %get3A_1358 = arith.index_cast %get3A_1357 : i32 to index
          %get3A_1359 = arith.index_cast %mul3A_1283 : i32 to index
          %get3A_1360 = tpu.vector_load %arg8[%get3A_1358, %get3A_1359] {strides = array<i32>} : memref<32x1200xi32, #tpu.memory_space<vmem>>, vector<1x16xi32>,
          %get3A_1361 = vector.shape_cast %get3A_1360 : vector<1x16xi32> to vector<16xi32>
          %broadcast_in_dim3A_1362 = vector.shape_cast %get3A_1361 : vector<16xi32> to vector<16x1xi32>
          %gather3A_1363 = vector.shape_cast %broadcast_in_dim3A_1362 : vector<16x1xi32> to vector<16xi32>
          %gather3A_1364 = tpu.dynamic_gather %add3A_47[%gather3A_1363] in [0] : vector<16xf32>, vector<16xi32> -> vector<16xf32>
          %mul3A_1365 = arith.mulf %gather3A_1364, %get3A_1286 : vector<16xf32>
          %add3A_1366 = arith.addf %scan3A_1273, %mul3A_1365 : vector<16xf32>
          %get3A_1367 = arith.constant 24 : i32
          %get3A_1368 = arith.index_cast %get3A_1367 : i32 to index
          %get3A_1369 = arith.index_cast %mul3A_1283 : i32 to index
          %get3A_1370 = tpu.vector_load %arg8[%get3A_1368, %get3A_1369] {strides = array<i32>} : memref<32x1200xi32, #tpu.memory_space<vmem>>, vector<1x16xi32>,
          %get3A_1371 = vector.shape_cast %get3A_1370 : vector<1x16xi32> to vector<16xi32>
          %broadcast_in_dim3A_1372 = vector.shape_cast %get3A_1371 : vector<16xi32> to vector<16x1xi32>
          %gather3A_1373 = vector.shape_cast %broadcast_in_dim3A_1372 : vector<16x1xi32> to vector<16xi32>
          %gather3A_1374 = tpu.dynamic_gather %add3A_47[%gather3A_1373] in [0] : vector<16xf32>, vector<16xi32> -> vector<16xf32>
          %mul3A_1375 = arith.mulf %gather3A_1374, %get3A_1286 : vector<16xf32>
          %add3A_1376 = arith.addf %scan3A_1274, %mul3A_1375 : vector<16xf32>
          %get3A_1377 = arith.constant 25 : i32
          %get3A_1378 = arith.index_cast %get3A_1377 : i32 to index
          %get3A_1379 = arith.index_cast %mul3A_1283 : i32 to index
          %get3A_1380 = tpu.vector_load %arg8[%get3A_1378, %get3A_1379] {strides = array<i32>} : memref<32x1200xi32, #tpu.memory_space<vmem>>, vector<1x16xi32>,
          %get3A_1381 = vector.shape_cast %get3A_1380 : vector<1x16xi32> to vector<16xi32>
          %broadcast_in_dim3A_1382 = vector.shape_cast %get3A_1381 : vector<16xi32> to vector<16x1xi32>
          %gather3A_1383 = vector.shape_cast %broadcast_in_dim3A_1382 : vector<16x1xi32> to vector<16xi32>
          %gather3A_1384 = tpu.dynamic_gather %add3A_47[%gather3A_1383] in [0] : vector<16xf32>, vector<16xi32> -> vector<16xf32>
          %mul3A_1385 = arith.mulf %gather3A_1384, %get3A_1286 : vector<16xf32>
          %add3A_1386 = arith.addf %scan3A_1275, %mul3A_1385 : vector<16xf32>
          %get3A_1387 = arith.constant 26 : i32
          %get3A_1388 = arith.index_cast %get3A_1387 : i32 to index
          %get3A_1389 = arith.index_cast %mul3A_1283 : i32 to index
          %get3A_1390 = tpu.vector_load %arg8[%get3A_1388, %get3A_1389] {strides = array<i32>} : memref<32x1200xi32, #tpu.memory_space<vmem>>, vector<1x16xi32>,
          %get3A_1391 = vector.shape_cast %get3A_1390 : vector<1x16xi32> to vector<16xi32>
          %broadcast_in_dim3A_1392 = vector.shape_cast %get3A_1391 : vector<16xi32> to vector<16x1xi32>
          %gather3A_1393 = vector.shape_cast %broadcast_in_dim3A_1392 : vector<16x1xi32> to vector<16xi32>
          %gather3A_1394 = tpu.dynamic_gather %add3A_47[%gather3A_1393] in [0] : vector<16xf32>, vector<16xi32> -> vector<16xf32>
          %mul3A_1395 = arith.mulf %gather3A_1394, %get3A_1286 : vector<16xf32>
          %add3A_1396 = arith.addf %scan3A_1276, %mul3A_1395 : vector<16xf32>
          %get3A_1397 = arith.constant 27 : i32
          %get3A_1398 = arith.index_cast %get3A_1397 : i32 to index
          %get3A_1399 = arith.index_cast %mul3A_1283 : i32 to index
          %get3A_1400 = tpu.vector_load %arg8[%get3A_1398, %get3A_1399] {strides = array<i32>} : memref<32x1200xi32, #tpu.memory_space<vmem>>, vector<1x16xi32>,
          %get3A_1401 = vector.shape_cast %get3A_1400 : vector<1x16xi32> to vector<16xi32>
          %broadcast_in_dim3A_1402 = vector.shape_cast %get3A_1401 : vector<16xi32> to vector<16x1xi32>
          %gather3A_1403 = vector.shape_cast %broadcast_in_dim3A_1402 : vector<16x1xi32> to vector<16xi32>
          %gather3A_1404 = tpu.dynamic_gather %add3A_47[%gather3A_1403] in [0] : vector<16xf32>, vector<16xi32> -> vector<16xf32>
          %mul3A_1405 = arith.mulf %gather3A_1404, %get3A_1286 : vector<16xf32>
          %add3A_1406 = arith.addf %scan3A_1277, %mul3A_1405 : vector<16xf32>
          %get3A_1407 = arith.constant 28 : i32
          %get3A_1408 = arith.index_cast %get3A_1407 : i32 to index
          %get3A_1409 = arith.index_cast %mul3A_1283 : i32 to index
          %get3A_1410 = tpu.vector_load %arg8[%get3A_1408, %get3A_1409] {strides = array<i32>} : memref<32x1200xi32, #tpu.memory_space<vmem>>, vector<1x16xi32>,
          %get3A_1411 = vector.shape_cast %get3A_1410 : vector<1x16xi32> to vector<16xi32>
          %broadcast_in_dim3A_1412 = vector.shape_cast %get3A_1411 : vector<16xi32> to vector<16x1xi32>
          %gather3A_1413 = vector.shape_cast %broadcast_in_dim3A_1412 : vector<16x1xi32> to vector<16xi32>
          %gather3A_1414 = tpu.dynamic_gather %add3A_47[%gather3A_1413] in [0] : vector<16xf32>, vector<16xi32> -> vector<16xf32>
          %mul3A_1415 = arith.mulf %gather3A_1414, %get3A_1286 : vector<16xf32>
          %add3A_1416 = arith.addf %scan3A_1278, %mul3A_1415 : vector<16xf32>
          %get3A_1417 = arith.constant 29 : i32
          %get3A_1418 = arith.index_cast %get3A_1417 : i32 to index
          %get3A_1419 = arith.index_cast %mul3A_1283 : i32 to index
          %get3A_1420 = tpu.vector_load %arg8[%get3A_1418, %get3A_1419] {strides = array<i32>} : memref<32x1200xi32, #tpu.memory_space<vmem>>, vector<1x16xi32>,
          %get3A_1421 = vector.shape_cast %get3A_1420 : vector<1x16xi32> to vector<16xi32>
          %broadcast_in_dim3A_1422 = vector.shape_cast %get3A_1421 : vector<16xi32> to vector<16x1xi32>
          %gather3A_1423 = vector.shape_cast %broadcast_in_dim3A_1422 : vector<16x1xi32> to vector<16xi32>
          %gather3A_1424 = tpu.dynamic_gather %add3A_47[%gather3A_1423] in [0] : vector<16xf32>, vector<16xi32> -> vector<16xf32>
          %mul3A_1425 = arith.mulf %gather3A_1424, %get3A_1286 : vector<16xf32>
          %add3A_1426 = arith.addf %scan3A_1279, %mul3A_1425 : vector<16xf32>
          %get3A_1427 = arith.constant 30 : i32
          %get3A_1428 = arith.index_cast %get3A_1427 : i32 to index
          %get3A_1429 = arith.index_cast %mul3A_1283 : i32 to index
          %get3A_1430 = tpu.vector_load %arg8[%get3A_1428, %get3A_1429] {strides = array<i32>} : memref<32x1200xi32, #tpu.memory_space<vmem>>, vector<1x16xi32>,
          %get3A_1431 = vector.shape_cast %get3A_1430 : vector<1x16xi32> to vector<16xi32>
          %broadcast_in_dim3A_1432 = vector.shape_cast %get3A_1431 : vector<16xi32> to vector<16x1xi32>
          %gather3A_1433 = vector.shape_cast %broadcast_in_dim3A_1432 : vector<16x1xi32> to vector<16xi32>
          %gather3A_1434 = tpu.dynamic_gather %add3A_47[%gather3A_1433] in [0] : vector<16xf32>, vector<16xi32> -> vector<16xf32>
          %mul3A_1435 = arith.mulf %gather3A_1434, %get3A_1286 : vector<16xf32>
          %add3A_1436 = arith.addf %scan3A_1280, %mul3A_1435 : vector<16xf32>
          %get3A_1437 = arith.constant 31 : i32
          %get3A_1438 = arith.index_cast %get3A_1437 : i32 to index
          %get3A_1439 = arith.index_cast %mul3A_1283 : i32 to index
          %get3A_1440 = tpu.vector_load %arg8[%get3A_1438, %get3A_1439] {strides = array<i32>} : memref<32x1200xi32, #tpu.memory_space<vmem>>, vector<1x16xi32>,
          %get3A_1441 = vector.shape_cast %get3A_1440 : vector<1x16xi32> to vector<16xi32>
          %broadcast_in_dim3A_1442 = vector.shape_cast %get3A_1441 : vector<16xi32> to vector<16x1xi32>
          %gather3A_1443 = vector.shape_cast %broadcast_in_dim3A_1442 : vector<16x1xi32> to vector<16xi32>
          %gather3A_1444 = tpu.dynamic_gather %add3A_47[%gather3A_1443] in [0] : vector<16xf32>, vector<16xi32> -> vector<16xf32>
          %mul3A_1445 = arith.mulf %gather3A_1444, %get3A_1286 : vector<16xf32>
          %add3A_1446 = arith.addf %scan3A_1281, %mul3A_1445 : vector<16xf32>
          scf.yield %add3A_1296, %add3A_1306, %add3A_1316, %add3A_1326, %add3A_1336, %add3A_1346, %add3A_1356, %add3A_1366, %add3A_1376, %add3A_1386, %add3A_1396, %add3A_1406, %add3A_1416, %add3A_1426, %add3A_1436, %add3A_1446 : vector<16xf32>, vector<16xf32>, vector<16xf32>, vector<16xf32>, vector<16xf32>, vector<16xf32>, vector<16xf32>, vector<16xf32>, vector<16xf32>, vector<16xf32>, vector<16xf32>, vector<16xf32>, vector<16xf32>, vector<16xf32>, vector<16xf32>, vector<16xf32>
        }
        %scan3A_712 = arith.constant 75 : i32
        %xor3A_713 = arith.constant 8 : i32
        %xor3A_714 = vector.broadcast %xor3A_713 : i32 to vector<16xi32>
        %xor3A_715 = arith.xori %iota3A, %xor3A_714 : vector<16xi32>
        %broadcast_in_dim3A_716 = vector.shape_cast %xor3A_715 : vector<16xi32> to vector<16x1xi32>
        %gather3A_717 = vector.shape_cast %broadcast_in_dim3A_716 : vector<16x1xi32> to vector<16xi32>
        %gather3A_718 = tpu.dynamic_gather %scan3A_711#0[%gather3A_717] in [0] : vector<16xf32>, vector<16xi32> -> vector<16xf32>
        %add3A_719 = arith.addf %scan3A_711#0, %gather3A_718 : vector<16xf32>
        %xor3A_720 = arith.constant 4 : i32
        %xor3A_721 = vector.broadcast %xor3A_720 : i32 to vector<16xi32>
        %xor3A_722 = arith.xori %iota3A, %xor3A_721 : vector<16xi32>
        %broadcast_in_dim3A_723 = vector.shape_cast %xor3A_722 : vector<16xi32> to vector<16x1xi32>
        %gather3A_724 = vector.shape_cast %broadcast_in_dim3A_723 : vector<16x1xi32> to vector<16xi32>
        %gather3A_725 = tpu.dynamic_gather %add3A_719[%gather3A_724] in [0] : vector<16xf32>, vector<16xi32> -> vector<16xf32>
        %add3A_726 = arith.addf %add3A_719, %gather3A_725 : vector<16xf32>
        %xor3A_727 = arith.constant 2 : i32
        %xor3A_728 = vector.broadcast %xor3A_727 : i32 to vector<16xi32>
        %xor3A_729 = arith.xori %iota3A, %xor3A_728 : vector<16xi32>
        %broadcast_in_dim3A_730 = vector.shape_cast %xor3A_729 : vector<16xi32> to vector<16x1xi32>
        %gather3A_731 = vector.shape_cast %broadcast_in_dim3A_730 : vector<16x1xi32> to vector<16xi32>
        %gather3A_732 = tpu.dynamic_gather %add3A_726[%gather3A_731] in [0] : vector<16xf32>, vector<16xi32> -> vector<16xf32>
        %add3A_733 = arith.addf %add3A_726, %gather3A_732 : vector<16xf32>
        %xor3A_734 = arith.constant 1 : i32
        %xor3A_735 = vector.broadcast %xor3A_734 : i32 to vector<16xi32>
        %xor3A_736 = arith.xori %iota3A, %xor3A_735 : vector<16xi32>
        %broadcast_in_dim3A_737 = vector.shape_cast %xor3A_736 : vector<16xi32> to vector<16x1xi32>
        %gather3A_738 = vector.shape_cast %broadcast_in_dim3A_737 : vector<16x1xi32> to vector<16xi32>
        %gather3A_739 = tpu.dynamic_gather %add3A_733[%gather3A_738] in [0] : vector<16xf32>, vector<16xi32> -> vector<16xf32>
        %add3A_740 = arith.addf %add3A_733, %gather3A_739 : vector<16xf32>
        %add3A_741 = vector.broadcast %squeeze3A_49 : f32 to vector<16xf32>
        %add3A_742 = arith.addf %add3A_740, %add3A_741 : vector<16xf32>
        %eq3A_743 = arith.constant 0 : i32
        %eq3A_744 = vector.broadcast %eq3A_743 : i32 to vector<16xi32>
        %eq3A_745 = arith.cmpi eq, %iota3A, %eq3A_744 : vector<16xi32>
        %select_n3A_746 = arith.select %eq3A_745, %add3A_742, %broadcast_in_dim3A_674 : vector<16xi1>, vector<16xf32>
        %xor3A_747 = arith.constant 8 : i32
        %xor3A_748 = vector.broadcast %xor3A_747 : i32 to vector<16xi32>
        %xor3A_749 = arith.xori %iota3A, %xor3A_748 : vector<16xi32>
        %broadcast_in_dim3A_750 = vector.shape_cast %xor3A_749 : vector<16xi32> to vector<16x1xi32>
        %gather3A_751 = vector.shape_cast %broadcast_in_dim3A_750 : vector<16x1xi32> to vector<16xi32>
        %gather3A_752 = tpu.dynamic_gather %scan3A_711#1[%gather3A_751] in [0] : vector<16xf32>, vector<16xi32> -> vector<16xf32>
        %add3A_753 = arith.addf %scan3A_711#1, %gather3A_752 : vector<16xf32>
        %xor3A_754 = arith.constant 4 : i32
        %xor3A_755 = vector.broadcast %xor3A_754 : i32 to vector<16xi32>
        %xor3A_756 = arith.xori %iota3A, %xor3A_755 : vector<16xi32>
        %broadcast_in_dim3A_757 = vector.shape_cast %xor3A_756 : vector<16xi32> to vector<16x1xi32>
        %gather3A_758 = vector.shape_cast %broadcast_in_dim3A_757 : vector<16x1xi32> to vector<16xi32>
        %gather3A_759 = tpu.dynamic_gather %add3A_753[%gather3A_758] in [0] : vector<16xf32>, vector<16xi32> -> vector<16xf32>
        %add3A_760 = arith.addf %add3A_753, %gather3A_759 : vector<16xf32>
        %xor3A_761 = arith.constant 2 : i32
        %xor3A_762 = vector.broadcast %xor3A_761 : i32 to vector<16xi32>
        %xor3A_763 = arith.xori %iota3A, %xor3A_762 : vector<16xi32>
        %broadcast_in_dim3A_764 = vector.shape_cast %xor3A_763 : vector<16xi32> to vector<16x1xi32>
        %gather3A_765 = vector.shape_cast %broadcast_in_dim3A_764 : vector<16x1xi32> to vector<16xi32>
        %gather3A_766 = tpu.dynamic_gather %add3A_760[%gather3A_765] in [0] : vector<16xf32>, vector<16xi32> -> vector<16xf32>
        %add3A_767 = arith.addf %add3A_760, %gather3A_766 : vector<16xf32>
        %xor3A_768 = arith.constant 1 : i32
        %xor3A_769 = vector.broadcast %xor3A_768 : i32 to vector<16xi32>
        %xor3A_770 = arith.xori %iota3A, %xor3A_769 : vector<16xi32>
        %broadcast_in_dim3A_771 = vector.shape_cast %xor3A_770 : vector<16xi32> to vector<16x1xi32>
        %gather3A_772 = vector.shape_cast %broadcast_in_dim3A_771 : vector<16x1xi32> to vector<16xi32>
        %gather3A_773 = tpu.dynamic_gather %add3A_767[%gather3A_772] in [0] : vector<16xf32>, vector<16xi32> -> vector<16xf32>
        %add3A_774 = arith.addf %add3A_767, %gather3A_773 : vector<16xf32>
        %add3A_775 = vector.broadcast %squeeze3A_49 : f32 to vector<16xf32>
        %add3A_776 = arith.addf %add3A_774, %add3A_775 : vector<16xf32>
        %eq3A_777 = arith.constant 1 : i32
        %eq3A_778 = vector.broadcast %eq3A_777 : i32 to vector<16xi32>
        %eq3A_779 = arith.cmpi eq, %iota3A, %eq3A_778 : vector<16xi32>
        %select_n3A_780 = arith.select %eq3A_779, %add3A_776, %select_n3A_746 : vector<16xi1>, vector<16xf32>
        %xor3A_781 = arith.constant 8 : i32
        %xor3A_782 = vector.broadcast %xor3A_781 : i32 to vector<16xi32>
        %xor3A_783 = arith.xori %iota3A, %xor3A_782 : vector<16xi32>
        %broadcast_in_dim3A_784 = vector.shape_cast %xor3A_783 : vector<16xi32> to vector<16x1xi32>
        %gather3A_785 = vector.shape_cast %broadcast_in_dim3A_784 : vector<16x1xi32> to vector<16xi32>
        %gather3A_786 = tpu.dynamic_gather %scan3A_711#2[%gather3A_785] in [0] : vector<16xf32>, vector<16xi32> -> vector<16xf32>
        %add3A_787 = arith.addf %scan3A_711#2, %gather3A_786 : vector<16xf32>
        %xor3A_788 = arith.constant 4 : i32
        %xor3A_789 = vector.broadcast %xor3A_788 : i32 to vector<16xi32>
        %xor3A_790 = arith.xori %iota3A, %xor3A_789 : vector<16xi32>
        %broadcast_in_dim3A_791 = vector.shape_cast %xor3A_790 : vector<16xi32> to vector<16x1xi32>
        %gather3A_792 = vector.shape_cast %broadcast_in_dim3A_791 : vector<16x1xi32> to vector<16xi32>
        %gather3A_793 = tpu.dynamic_gather %add3A_787[%gather3A_792] in [0] : vector<16xf32>, vector<16xi32> -> vector<16xf32>
        %add3A_794 = arith.addf %add3A_787, %gather3A_793 : vector<16xf32>
        %xor3A_795 = arith.constant 2 : i32
        %xor3A_796 = vector.broadcast %xor3A_795 : i32 to vector<16xi32>
        %xor3A_797 = arith.xori %iota3A, %xor3A_796 : vector<16xi32>
        %broadcast_in_dim3A_798 = vector.shape_cast %xor3A_797 : vector<16xi32> to vector<16x1xi32>
        %gather3A_799 = vector.shape_cast %broadcast_in_dim3A_798 : vector<16x1xi32> to vector<16xi32>
        %gather3A_800 = tpu.dynamic_gather %add3A_794[%gather3A_799] in [0] : vector<16xf32>, vector<16xi32> -> vector<16xf32>
        %add3A_801 = arith.addf %add3A_794, %gather3A_800 : vector<16xf32>
        %xor3A_802 = arith.constant 1 : i32
        %xor3A_803 = vector.broadcast %xor3A_802 : i32 to vector<16xi32>
        %xor3A_804 = arith.xori %iota3A, %xor3A_803 : vector<16xi32>
        %broadcast_in_dim3A_805 = vector.shape_cast %xor3A_804 : vector<16xi32> to vector<16x1xi32>
        %gather3A_806 = vector.shape_cast %broadcast_in_dim3A_805 : vector<16x1xi32> to vector<16xi32>
        %gather3A_807 = tpu.dynamic_gather %add3A_801[%gather3A_806] in [0] : vector<16xf32>, vector<16xi32> -> vector<16xf32>
        %add3A_808 = arith.addf %add3A_801, %gather3A_807 : vector<16xf32>
        %add3A_809 = vector.broadcast %squeeze3A_49 : f32 to vector<16xf32>
        %add3A_810 = arith.addf %add3A_808, %add3A_809 : vector<16xf32>
        %eq3A_811 = arith.constant 2 : i32
        %eq3A_812 = vector.broadcast %eq3A_811 : i32 to vector<16xi32>
        %eq3A_813 = arith.cmpi eq, %iota3A, %eq3A_812 : vector<16xi32>
        %select_n3A_814 = arith.select %eq3A_813, %add3A_810, %select_n3A_780 : vector<16xi1>, vector<16xf32>
        %xor3A_815 = arith.constant 8 : i32
        %xor3A_816 = vector.broadcast %xor3A_815 : i32 to vector<16xi32>
        %xor3A_817 = arith.xori %iota3A, %xor3A_816 : vector<16xi32>
        %broadcast_in_dim3A_818 = vector.shape_cast %xor3A_817 : vector<16xi32> to vector<16x1xi32>
        %gather3A_819 = vector.shape_cast %broadcast_in_dim3A_818 : vector<16x1xi32> to vector<16xi32>
        %gather3A_820 = tpu.dynamic_gather %scan3A_711#3[%gather3A_819] in [0] : vector<16xf32>, vector<16xi32> -> vector<16xf32>
        %add3A_821 = arith.addf %scan3A_711#3, %gather3A_820 : vector<16xf32>
        %xor3A_822 = arith.constant 4 : i32
        %xor3A_823 = vector.broadcast %xor3A_822 : i32 to vector<16xi32>
        %xor3A_824 = arith.xori %iota3A, %xor3A_823 : vector<16xi32>
        %broadcast_in_dim3A_825 = vector.shape_cast %xor3A_824 : vector<16xi32> to vector<16x1xi32>
        %gather3A_826 = vector.shape_cast %broadcast_in_dim3A_825 : vector<16x1xi32> to vector<16xi32>
        %gather3A_827 = tpu.dynamic_gather %add3A_821[%gather3A_826] in [0] : vector<16xf32>, vector<16xi32> -> vector<16xf32>
        %add3A_828 = arith.addf %add3A_821, %gather3A_827 : vector<16xf32>
        %xor3A_829 = arith.constant 2 : i32
        %xor3A_830 = vector.broadcast %xor3A_829 : i32 to vector<16xi32>
        %xor3A_831 = arith.xori %iota3A, %xor3A_830 : vector<16xi32>
        %broadcast_in_dim3A_832 = vector.shape_cast %xor3A_831 : vector<16xi32> to vector<16x1xi32>
        %gather3A_833 = vector.shape_cast %broadcast_in_dim3A_832 : vector<16x1xi32> to vector<16xi32>
        %gather3A_834 = tpu.dynamic_gather %add3A_828[%gather3A_833] in [0] : vector<16xf32>, vector<16xi32> -> vector<16xf32>
        %add3A_835 = arith.addf %add3A_828, %gather3A_834 : vector<16xf32>
        %xor3A_836 = arith.constant 1 : i32
        %xor3A_837 = vector.broadcast %xor3A_836 : i32 to vector<16xi32>
        %xor3A_838 = arith.xori %iota3A, %xor3A_837 : vector<16xi32>
        %broadcast_in_dim3A_839 = vector.shape_cast %xor3A_838 : vector<16xi32> to vector<16x1xi32>
        %gather3A_840 = vector.shape_cast %broadcast_in_dim3A_839 : vector<16x1xi32> to vector<16xi32>
        %gather3A_841 = tpu.dynamic_gather %add3A_835[%gather3A_840] in [0] : vector<16xf32>, vector<16xi32> -> vector<16xf32>
        %add3A_842 = arith.addf %add3A_835, %gather3A_841 : vector<16xf32>
        %add3A_843 = vector.broadcast %squeeze3A_49 : f32 to vector<16xf32>
        %add3A_844 = arith.addf %add3A_842, %add3A_843 : vector<16xf32>
        %eq3A_845 = arith.constant 3 : i32
        %eq3A_846 = vector.broadcast %eq3A_845 : i32 to vector<16xi32>
        %eq3A_847 = arith.cmpi eq, %iota3A, %eq3A_846 : vector<16xi32>
        %select_n3A_848 = arith.select %eq3A_847, %add3A_844, %select_n3A_814 : vector<16xi1>, vector<16xf32>
        %xor3A_849 = arith.constant 8 : i32
        %xor3A_850 = vector.broadcast %xor3A_849 : i32 to vector<16xi32>
        %xor3A_851 = arith.xori %iota3A, %xor3A_850 : vector<16xi32>
        %broadcast_in_dim3A_852 = vector.shape_cast %xor3A_851 : vector<16xi32> to vector<16x1xi32>
        %gather3A_853 = vector.shape_cast %broadcast_in_dim3A_852 : vector<16x1xi32> to vector<16xi32>
        %gather3A_854 = tpu.dynamic_gather %scan3A_711#4[%gather3A_853] in [0] : vector<16xf32>, vector<16xi32> -> vector<16xf32>
        %add3A_855 = arith.addf %scan3A_711#4, %gather3A_854 : vector<16xf32>
        %xor3A_856 = arith.constant 4 : i32
        %xor3A_857 = vector.broadcast %xor3A_856 : i32 to vector<16xi32>
        %xor3A_858 = arith.xori %iota3A, %xor3A_857 : vector<16xi32>
        %broadcast_in_dim3A_859 = vector.shape_cast %xor3A_858 : vector<16xi32> to vector<16x1xi32>
        %gather3A_860 = vector.shape_cast %broadcast_in_dim3A_859 : vector<16x1xi32> to vector<16xi32>
        %gather3A_861 = tpu.dynamic_gather %add3A_855[%gather3A_860] in [0] : vector<16xf32>, vector<16xi32> -> vector<16xf32>
        %add3A_862 = arith.addf %add3A_855, %gather3A_861 : vector<16xf32>
        %xor3A_863 = arith.constant 2 : i32
        %xor3A_864 = vector.broadcast %xor3A_863 : i32 to vector<16xi32>
        %xor3A_865 = arith.xori %iota3A, %xor3A_864 : vector<16xi32>
        %broadcast_in_dim3A_866 = vector.shape_cast %xor3A_865 : vector<16xi32> to vector<16x1xi32>
        %gather3A_867 = vector.shape_cast %broadcast_in_dim3A_866 : vector<16x1xi32> to vector<16xi32>
        %gather3A_868 = tpu.dynamic_gather %add3A_862[%gather3A_867] in [0] : vector<16xf32>, vector<16xi32> -> vector<16xf32>
        %add3A_869 = arith.addf %add3A_862, %gather3A_868 : vector<16xf32>
        %xor3A_870 = arith.constant 1 : i32
        %xor3A_871 = vector.broadcast %xor3A_870 : i32 to vector<16xi32>
        %xor3A_872 = arith.xori %iota3A, %xor3A_871 : vector<16xi32>
        %broadcast_in_dim3A_873 = vector.shape_cast %xor3A_872 : vector<16xi32> to vector<16x1xi32>
        %gather3A_874 = vector.shape_cast %broadcast_in_dim3A_873 : vector<16x1xi32> to vector<16xi32>
        %gather3A_875 = tpu.dynamic_gather %add3A_869[%gather3A_874] in [0] : vector<16xf32>, vector<16xi32> -> vector<16xf32>
        %add3A_876 = arith.addf %add3A_869, %gather3A_875 : vector<16xf32>
        %add3A_877 = vector.broadcast %squeeze3A_49 : f32 to vector<16xf32>
        %add3A_878 = arith.addf %add3A_876, %add3A_877 : vector<16xf32>
        %eq3A_879 = arith.constant 4 : i32
        %eq3A_880 = vector.broadcast %eq3A_879 : i32 to vector<16xi32>
        %eq3A_881 = arith.cmpi eq, %iota3A, %eq3A_880 : vector<16xi32>
        %select_n3A_882 = arith.select %eq3A_881, %add3A_878, %select_n3A_848 : vector<16xi1>, vector<16xf32>
        %xor3A_883 = arith.constant 8 : i32
        %xor3A_884 = vector.broadcast %xor3A_883 : i32 to vector<16xi32>
        %xor3A_885 = arith.xori %iota3A, %xor3A_884 : vector<16xi32>
        %broadcast_in_dim3A_886 = vector.shape_cast %xor3A_885 : vector<16xi32> to vector<16x1xi32>
        %gather3A_887 = vector.shape_cast %broadcast_in_dim3A_886 : vector<16x1xi32> to vector<16xi32>
        %gather3A_888 = tpu.dynamic_gather %scan3A_711#5[%gather3A_887] in [0] : vector<16xf32>, vector<16xi32> -> vector<16xf32>
        %add3A_889 = arith.addf %scan3A_711#5, %gather3A_888 : vector<16xf32>
        %xor3A_890 = arith.constant 4 : i32
        %xor3A_891 = vector.broadcast %xor3A_890 : i32 to vector<16xi32>
        %xor3A_892 = arith.xori %iota3A, %xor3A_891 : vector<16xi32>
        %broadcast_in_dim3A_893 = vector.shape_cast %xor3A_892 : vector<16xi32> to vector<16x1xi32>
        %gather3A_894 = vector.shape_cast %broadcast_in_dim3A_893 : vector<16x1xi32> to vector<16xi32>
        %gather3A_895 = tpu.dynamic_gather %add3A_889[%gather3A_894] in [0] : vector<16xf32>, vector<16xi32> -> vector<16xf32>
        %add3A_896 = arith.addf %add3A_889, %gather3A_895 : vector<16xf32>
        %xor3A_897 = arith.constant 2 : i32
        %xor3A_898 = vector.broadcast %xor3A_897 : i32 to vector<16xi32>
        %xor3A_899 = arith.xori %iota3A, %xor3A_898 : vector<16xi32>
        %broadcast_in_dim3A_900 = vector.shape_cast %xor3A_899 : vector<16xi32> to vector<16x1xi32>
        %gather3A_901 = vector.shape_cast %broadcast_in_dim3A_900 : vector<16x1xi32> to vector<16xi32>
        %gather3A_902 = tpu.dynamic_gather %add3A_896[%gather3A_901] in [0] : vector<16xf32>, vector<16xi32> -> vector<16xf32>
        %add3A_903 = arith.addf %add3A_896, %gather3A_902 : vector<16xf32>
        %xor3A_904 = arith.constant 1 : i32
        %xor3A_905 = vector.broadcast %xor3A_904 : i32 to vector<16xi32>
        %xor3A_906 = arith.xori %iota3A, %xor3A_905 : vector<16xi32>
        %broadcast_in_dim3A_907 = vector.shape_cast %xor3A_906 : vector<16xi32> to vector<16x1xi32>
        %gather3A_908 = vector.shape_cast %broadcast_in_dim3A_907 : vector<16x1xi32> to vector<16xi32>
        %gather3A_909 = tpu.dynamic_gather %add3A_903[%gather3A_908] in [0] : vector<16xf32>, vector<16xi32> -> vector<16xf32>
        %add3A_910 = arith.addf %add3A_903, %gather3A_909 : vector<16xf32>
        %add3A_911 = vector.broadcast %squeeze3A_49 : f32 to vector<16xf32>
        %add3A_912 = arith.addf %add3A_910, %add3A_911 : vector<16xf32>
        %eq3A_913 = arith.constant 5 : i32
        %eq3A_914 = vector.broadcast %eq3A_913 : i32 to vector<16xi32>
        %eq3A_915 = arith.cmpi eq, %iota3A, %eq3A_914 : vector<16xi32>
        %select_n3A_916 = arith.select %eq3A_915, %add3A_912, %select_n3A_882 : vector<16xi1>, vector<16xf32>
        %xor3A_917 = arith.constant 8 : i32
        %xor3A_918 = vector.broadcast %xor3A_917 : i32 to vector<16xi32>
        %xor3A_919 = arith.xori %iota3A, %xor3A_918 : vector<16xi32>
        %broadcast_in_dim3A_920 = vector.shape_cast %xor3A_919 : vector<16xi32> to vector<16x1xi32>
        %gather3A_921 = vector.shape_cast %broadcast_in_dim3A_920 : vector<16x1xi32> to vector<16xi32>
        %gather3A_922 = tpu.dynamic_gather %scan3A_711#6[%gather3A_921] in [0] : vector<16xf32>, vector<16xi32> -> vector<16xf32>
        %add3A_923 = arith.addf %scan3A_711#6, %gather3A_922 : vector<16xf32>
        %xor3A_924 = arith.constant 4 : i32
        %xor3A_925 = vector.broadcast %xor3A_924 : i32 to vector<16xi32>
        %xor3A_926 = arith.xori %iota3A, %xor3A_925 : vector<16xi32>
        %broadcast_in_dim3A_927 = vector.shape_cast %xor3A_926 : vector<16xi32> to vector<16x1xi32>
        %gather3A_928 = vector.shape_cast %broadcast_in_dim3A_927 : vector<16x1xi32> to vector<16xi32>
        %gather3A_929 = tpu.dynamic_gather %add3A_923[%gather3A_928] in [0] : vector<16xf32>, vector<16xi32> -> vector<16xf32>
        %add3A_930 = arith.addf %add3A_923, %gather3A_929 : vector<16xf32>
        %xor3A_931 = arith.constant 2 : i32
        %xor3A_932 = vector.broadcast %xor3A_931 : i32 to vector<16xi32>
        %xor3A_933 = arith.xori %iota3A, %xor3A_932 : vector<16xi32>
        %broadcast_in_dim3A_934 = vector.shape_cast %xor3A_933 : vector<16xi32> to vector<16x1xi32>
        %gather3A_935 = vector.shape_cast %broadcast_in_dim3A_934 : vector<16x1xi32> to vector<16xi32>
        %gather3A_936 = tpu.dynamic_gather %add3A_930[%gather3A_935] in [0] : vector<16xf32>, vector<16xi32> -> vector<16xf32>
        %add3A_937 = arith.addf %add3A_930, %gather3A_936 : vector<16xf32>
        %xor3A_938 = arith.constant 1 : i32
        %xor3A_939 = vector.broadcast %xor3A_938 : i32 to vector<16xi32>
        %xor3A_940 = arith.xori %iota3A, %xor3A_939 : vector<16xi32>
        %broadcast_in_dim3A_941 = vector.shape_cast %xor3A_940 : vector<16xi32> to vector<16x1xi32>
        %gather3A_942 = vector.shape_cast %broadcast_in_dim3A_941 : vector<16x1xi32> to vector<16xi32>
        %gather3A_943 = tpu.dynamic_gather %add3A_937[%gather3A_942] in [0] : vector<16xf32>, vector<16xi32> -> vector<16xf32>
        %add3A_944 = arith.addf %add3A_937, %gather3A_943 : vector<16xf32>
        %add3A_945 = vector.broadcast %squeeze3A_49 : f32 to vector<16xf32>
        %add3A_946 = arith.addf %add3A_944, %add3A_945 : vector<16xf32>
        %eq3A_947 = arith.constant 6 : i32
        %eq3A_948 = vector.broadcast %eq3A_947 : i32 to vector<16xi32>
        %eq3A_949 = arith.cmpi eq, %iota3A, %eq3A_948 : vector<16xi32>
        %select_n3A_950 = arith.select %eq3A_949, %add3A_946, %select_n3A_916 : vector<16xi1>, vector<16xf32>
        %xor3A_951 = arith.constant 8 : i32
        %xor3A_952 = vector.broadcast %xor3A_951 : i32 to vector<16xi32>
        %xor3A_953 = arith.xori %iota3A, %xor3A_952 : vector<16xi32>
        %broadcast_in_dim3A_954 = vector.shape_cast %xor3A_953 : vector<16xi32> to vector<16x1xi32>
        %gather3A_955 = vector.shape_cast %broadcast_in_dim3A_954 : vector<16x1xi32> to vector<16xi32>
        %gather3A_956 = tpu.dynamic_gather %scan3A_711#7[%gather3A_955] in [0] : vector<16xf32>, vector<16xi32> -> vector<16xf32>
        %add3A_957 = arith.addf %scan3A_711#7, %gather3A_956 : vector<16xf32>
        %xor3A_958 = arith.constant 4 : i32
        %xor3A_959 = vector.broadcast %xor3A_958 : i32 to vector<16xi32>
        %xor3A_960 = arith.xori %iota3A, %xor3A_959 : vector<16xi32>
        %broadcast_in_dim3A_961 = vector.shape_cast %xor3A_960 : vector<16xi32> to vector<16x1xi32>
        %gather3A_962 = vector.shape_cast %broadcast_in_dim3A_961 : vector<16x1xi32> to vector<16xi32>
        %gather3A_963 = tpu.dynamic_gather %add3A_957[%gather3A_962] in [0] : vector<16xf32>, vector<16xi32> -> vector<16xf32>
        %add3A_964 = arith.addf %add3A_957, %gather3A_963 : vector<16xf32>
        %xor3A_965 = arith.constant 2 : i32
        %xor3A_966 = vector.broadcast %xor3A_965 : i32 to vector<16xi32>
        %xor3A_967 = arith.xori %iota3A, %xor3A_966 : vector<16xi32>
        %broadcast_in_dim3A_968 = vector.shape_cast %xor3A_967 : vector<16xi32> to vector<16x1xi32>
        %gather3A_969 = vector.shape_cast %broadcast_in_dim3A_968 : vector<16x1xi32> to vector<16xi32>
        %gather3A_970 = tpu.dynamic_gather %add3A_964[%gather3A_969] in [0] : vector<16xf32>, vector<16xi32> -> vector<16xf32>
        %add3A_971 = arith.addf %add3A_964, %gather3A_970 : vector<16xf32>
        %xor3A_972 = arith.constant 1 : i32
        %xor3A_973 = vector.broadcast %xor3A_972 : i32 to vector<16xi32>
        %xor3A_974 = arith.xori %iota3A, %xor3A_973 : vector<16xi32>
        %broadcast_in_dim3A_975 = vector.shape_cast %xor3A_974 : vector<16xi32> to vector<16x1xi32>
        %gather3A_976 = vector.shape_cast %broadcast_in_dim3A_975 : vector<16x1xi32> to vector<16xi32>
        %gather3A_977 = tpu.dynamic_gather %add3A_971[%gather3A_976] in [0] : vector<16xf32>, vector<16xi32> -> vector<16xf32>
        %add3A_978 = arith.addf %add3A_971, %gather3A_977 : vector<16xf32>
        %add3A_979 = vector.broadcast %squeeze3A_49 : f32 to vector<16xf32>
        %add3A_980 = arith.addf %add3A_978, %add3A_979 : vector<16xf32>
        %eq3A_981 = arith.constant 7 : i32
        %eq3A_982 = vector.broadcast %eq3A_981 : i32 to vector<16xi32>
        %eq3A_983 = arith.cmpi eq, %iota3A, %eq3A_982 : vector<16xi32>
        %select_n3A_984 = arith.select %eq3A_983, %add3A_980, %select_n3A_950 : vector<16xi1>, vector<16xf32>
        %xor3A_985 = arith.constant 8 : i32
        %xor3A_986 = vector.broadcast %xor3A_985 : i32 to vector<16xi32>
        %xor3A_987 = arith.xori %iota3A, %xor3A_986 : vector<16xi32>
        %broadcast_in_dim3A_988 = vector.shape_cast %xor3A_987 : vector<16xi32> to vector<16x1xi32>
        %gather3A_989 = vector.shape_cast %broadcast_in_dim3A_988 : vector<16x1xi32> to vector<16xi32>
        %gather3A_990 = tpu.dynamic_gather %scan3A_711#8[%gather3A_989] in [0] : vector<16xf32>, vector<16xi32> -> vector<16xf32>
        %add3A_991 = arith.addf %scan3A_711#8, %gather3A_990 : vector<16xf32>
        %xor3A_992 = arith.constant 4 : i32
        %xor3A_993 = vector.broadcast %xor3A_992 : i32 to vector<16xi32>
        %xor3A_994 = arith.xori %iota3A, %xor3A_993 : vector<16xi32>
        %broadcast_in_dim3A_995 = vector.shape_cast %xor3A_994 : vector<16xi32> to vector<16x1xi32>
        %gather3A_996 = vector.shape_cast %broadcast_in_dim3A_995 : vector<16x1xi32> to vector<16xi32>
        %gather3A_997 = tpu.dynamic_gather %add3A_991[%gather3A_996] in [0] : vector<16xf32>, vector<16xi32> -> vector<16xf32>
        %add3A_998 = arith.addf %add3A_991, %gather3A_997 : vector<16xf32>
        %xor3A_999 = arith.constant 2 : i32
        %xor3A_1000 = vector.broadcast %xor3A_999 : i32 to vector<16xi32>
        %xor3A_1001 = arith.xori %iota3A, %xor3A_1000 : vector<16xi32>
        %broadcast_in_dim3A_1002 = vector.shape_cast %xor3A_1001 : vector<16xi32> to vector<16x1xi32>
        %gather3A_1003 = vector.shape_cast %broadcast_in_dim3A_1002 : vector<16x1xi32> to vector<16xi32>
        %gather3A_1004 = tpu.dynamic_gather %add3A_998[%gather3A_1003] in [0] : vector<16xf32>, vector<16xi32> -> vector<16xf32>
        %add3A_1005 = arith.addf %add3A_998, %gather3A_1004 : vector<16xf32>
        %xor3A_1006 = arith.constant 1 : i32
        %xor3A_1007 = vector.broadcast %xor3A_1006 : i32 to vector<16xi32>
        %xor3A_1008 = arith.xori %iota3A, %xor3A_1007 : vector<16xi32>
        %broadcast_in_dim3A_1009 = vector.shape_cast %xor3A_1008 : vector<16xi32> to vector<16x1xi32>
        %gather3A_1010 = vector.shape_cast %broadcast_in_dim3A_1009 : vector<16x1xi32> to vector<16xi32>
        %gather3A_1011 = tpu.dynamic_gather %add3A_1005[%gather3A_1010] in [0] : vector<16xf32>, vector<16xi32> -> vector<16xf32>
        %add3A_1012 = arith.addf %add3A_1005, %gather3A_1011 : vector<16xf32>
        %add3A_1013 = vector.broadcast %squeeze3A_49 : f32 to vector<16xf32>
        %add3A_1014 = arith.addf %add3A_1012, %add3A_1013 : vector<16xf32>
        %eq3A_1015 = arith.constant 8 : i32
        %eq3A_1016 = vector.broadcast %eq3A_1015 : i32 to vector<16xi32>
        %eq3A_1017 = arith.cmpi eq, %iota3A, %eq3A_1016 : vector<16xi32>
        %select_n3A_1018 = arith.select %eq3A_1017, %add3A_1014, %select_n3A_984 : vector<16xi1>, vector<16xf32>
        %xor3A_1019 = arith.constant 8 : i32
        %xor3A_1020 = vector.broadcast %xor3A_1019 : i32 to vector<16xi32>
        %xor3A_1021 = arith.xori %iota3A, %xor3A_1020 : vector<16xi32>
        %broadcast_in_dim3A_1022 = vector.shape_cast %xor3A_1021 : vector<16xi32> to vector<16x1xi32>
        %gather3A_1023 = vector.shape_cast %broadcast_in_dim3A_1022 : vector<16x1xi32> to vector<16xi32>
        %gather3A_1024 = tpu.dynamic_gather %scan3A_711#9[%gather3A_1023] in [0] : vector<16xf32>, vector<16xi32> -> vector<16xf32>
        %add3A_1025 = arith.addf %scan3A_711#9, %gather3A_1024 : vector<16xf32>
        %xor3A_1026 = arith.constant 4 : i32
        %xor3A_1027 = vector.broadcast %xor3A_1026 : i32 to vector<16xi32>
        %xor3A_1028 = arith.xori %iota3A, %xor3A_1027 : vector<16xi32>
        %broadcast_in_dim3A_1029 = vector.shape_cast %xor3A_1028 : vector<16xi32> to vector<16x1xi32>
        %gather3A_1030 = vector.shape_cast %broadcast_in_dim3A_1029 : vector<16x1xi32> to vector<16xi32>
        %gather3A_1031 = tpu.dynamic_gather %add3A_1025[%gather3A_1030] in [0] : vector<16xf32>, vector<16xi32> -> vector<16xf32>
        %add3A_1032 = arith.addf %add3A_1025, %gather3A_1031 : vector<16xf32>
        %xor3A_1033 = arith.constant 2 : i32
        %xor3A_1034 = vector.broadcast %xor3A_1033 : i32 to vector<16xi32>
        %xor3A_1035 = arith.xori %iota3A, %xor3A_1034 : vector<16xi32>
        %broadcast_in_dim3A_1036 = vector.shape_cast %xor3A_1035 : vector<16xi32> to vector<16x1xi32>
        %gather3A_1037 = vector.shape_cast %broadcast_in_dim3A_1036 : vector<16x1xi32> to vector<16xi32>
        %gather3A_1038 = tpu.dynamic_gather %add3A_1032[%gather3A_1037] in [0] : vector<16xf32>, vector<16xi32> -> vector<16xf32>
        %add3A_1039 = arith.addf %add3A_1032, %gather3A_1038 : vector<16xf32>
        %xor3A_1040 = arith.constant 1 : i32
        %xor3A_1041 = vector.broadcast %xor3A_1040 : i32 to vector<16xi32>
        %xor3A_1042 = arith.xori %iota3A, %xor3A_1041 : vector<16xi32>
        %broadcast_in_dim3A_1043 = vector.shape_cast %xor3A_1042 : vector<16xi32> to vector<16x1xi32>
        %gather3A_1044 = vector.shape_cast %broadcast_in_dim3A_1043 : vector<16x1xi32> to vector<16xi32>
        %gather3A_1045 = tpu.dynamic_gather %add3A_1039[%gather3A_1044] in [0] : vector<16xf32>, vector<16xi32> -> vector<16xf32>
        %add3A_1046 = arith.addf %add3A_1039, %gather3A_1045 : vector<16xf32>
        %add3A_1047 = vector.broadcast %squeeze3A_49 : f32 to vector<16xf32>
        %add3A_1048 = arith.addf %add3A_1046, %add3A_1047 : vector<16xf32>
        %eq3A_1049 = arith.constant 9 : i32
        %eq3A_1050 = vector.broadcast %eq3A_1049 : i32 to vector<16xi32>
        %eq3A_1051 = arith.cmpi eq, %iota3A, %eq3A_1050 : vector<16xi32>
        %select_n3A_1052 = arith.select %eq3A_1051, %add3A_1048, %select_n3A_1018 : vector<16xi1>, vector<16xf32>
        %xor3A_1053 = arith.constant 8 : i32
        %xor3A_1054 = vector.broadcast %xor3A_1053 : i32 to vector<16xi32>
        %xor3A_1055 = arith.xori %iota3A, %xor3A_1054 : vector<16xi32>
        %broadcast_in_dim3A_1056 = vector.shape_cast %xor3A_1055 : vector<16xi32> to vector<16x1xi32>
        %gather3A_1057 = vector.shape_cast %broadcast_in_dim3A_1056 : vector<16x1xi32> to vector<16xi32>
        %gather3A_1058 = tpu.dynamic_gather %scan3A_711#10[%gather3A_1057] in [0] : vector<16xf32>, vector<16xi32> -> vector<16xf32>
        %add3A_1059 = arith.addf %scan3A_711#10, %gather3A_1058 : vector<16xf32>
        %xor3A_1060 = arith.constant 4 : i32
        %xor3A_1061 = vector.broadcast %xor3A_1060 : i32 to vector<16xi32>
        %xor3A_1062 = arith.xori %iota3A, %xor3A_1061 : vector<16xi32>
        %broadcast_in_dim3A_1063 = vector.shape_cast %xor3A_1062 : vector<16xi32> to vector<16x1xi32>
        %gather3A_1064 = vector.shape_cast %broadcast_in_dim3A_1063 : vector<16x1xi32> to vector<16xi32>
        %gather3A_1065 = tpu.dynamic_gather %add3A_1059[%gather3A_1064] in [0] : vector<16xf32>, vector<16xi32> -> vector<16xf32>
        %add3A_1066 = arith.addf %add3A_1059, %gather3A_1065 : vector<16xf32>
        %xor3A_1067 = arith.constant 2 : i32
        %xor3A_1068 = vector.broadcast %xor3A_1067 : i32 to vector<16xi32>
        %xor3A_1069 = arith.xori %iota3A, %xor3A_1068 : vector<16xi32>
        %broadcast_in_dim3A_1070 = vector.shape_cast %xor3A_1069 : vector<16xi32> to vector<16x1xi32>
        %gather3A_1071 = vector.shape_cast %broadcast_in_dim3A_1070 : vector<16x1xi32> to vector<16xi32>
        %gather3A_1072 = tpu.dynamic_gather %add3A_1066[%gather3A_1071] in [0] : vector<16xf32>, vector<16xi32> -> vector<16xf32>
        %add3A_1073 = arith.addf %add3A_1066, %gather3A_1072 : vector<16xf32>
        %xor3A_1074 = arith.constant 1 : i32
        %xor3A_1075 = vector.broadcast %xor3A_1074 : i32 to vector<16xi32>
        %xor3A_1076 = arith.xori %iota3A, %xor3A_1075 : vector<16xi32>
        %broadcast_in_dim3A_1077 = vector.shape_cast %xor3A_1076 : vector<16xi32> to vector<16x1xi32>
        %gather3A_1078 = vector.shape_cast %broadcast_in_dim3A_1077 : vector<16x1xi32> to vector<16xi32>
        %gather3A_1079 = tpu.dynamic_gather %add3A_1073[%gather3A_1078] in [0] : vector<16xf32>, vector<16xi32> -> vector<16xf32>
        %add3A_1080 = arith.addf %add3A_1073, %gather3A_1079 : vector<16xf32>
        %add3A_1081 = vector.broadcast %squeeze3A_49 : f32 to vector<16xf32>
        %add3A_1082 = arith.addf %add3A_1080, %add3A_1081 : vector<16xf32>
        %eq3A_1083 = arith.constant 10 : i32
        %eq3A_1084 = vector.broadcast %eq3A_1083 : i32 to vector<16xi32>
        %eq3A_1085 = arith.cmpi eq, %iota3A, %eq3A_1084 : vector<16xi32>
        %select_n3A_1086 = arith.select %eq3A_1085, %add3A_1082, %select_n3A_1052 : vector<16xi1>, vector<16xf32>
        %xor3A_1087 = arith.constant 8 : i32
        %xor3A_1088 = vector.broadcast %xor3A_1087 : i32 to vector<16xi32>
        %xor3A_1089 = arith.xori %iota3A, %xor3A_1088 : vector<16xi32>
        %broadcast_in_dim3A_1090 = vector.shape_cast %xor3A_1089 : vector<16xi32> to vector<16x1xi32>
        %gather3A_1091 = vector.shape_cast %broadcast_in_dim3A_1090 : vector<16x1xi32> to vector<16xi32>
        %gather3A_1092 = tpu.dynamic_gather %scan3A_711#11[%gather3A_1091] in [0] : vector<16xf32>, vector<16xi32> -> vector<16xf32>
        %add3A_1093 = arith.addf %scan3A_711#11, %gather3A_1092 : vector<16xf32>
        %xor3A_1094 = arith.constant 4 : i32
        %xor3A_1095 = vector.broadcast %xor3A_1094 : i32 to vector<16xi32>
        %xor3A_1096 = arith.xori %iota3A, %xor3A_1095 : vector<16xi32>
        %broadcast_in_dim3A_1097 = vector.shape_cast %xor3A_1096 : vector<16xi32> to vector<16x1xi32>
        %gather3A_1098 = vector.shape_cast %broadcast_in_dim3A_1097 : vector<16x1xi32> to vector<16xi32>
        %gather3A_1099 = tpu.dynamic_gather %add3A_1093[%gather3A_1098] in [0] : vector<16xf32>, vector<16xi32> -> vector<16xf32>
        %add3A_1100 = arith.addf %add3A_1093, %gather3A_1099 : vector<16xf32>
        %xor3A_1101 = arith.constant 2 : i32
        %xor3A_1102 = vector.broadcast %xor3A_1101 : i32 to vector<16xi32>
        %xor3A_1103 = arith.xori %iota3A, %xor3A_1102 : vector<16xi32>
        %broadcast_in_dim3A_1104 = vector.shape_cast %xor3A_1103 : vector<16xi32> to vector<16x1xi32>
        %gather3A_1105 = vector.shape_cast %broadcast_in_dim3A_1104 : vector<16x1xi32> to vector<16xi32>
        %gather3A_1106 = tpu.dynamic_gather %add3A_1100[%gather3A_1105] in [0] : vector<16xf32>, vector<16xi32> -> vector<16xf32>
        %add3A_1107 = arith.addf %add3A_1100, %gather3A_1106 : vector<16xf32>
        %xor3A_1108 = arith.constant 1 : i32
        %xor3A_1109 = vector.broadcast %xor3A_1108 : i32 to vector<16xi32>
        %xor3A_1110 = arith.xori %iota3A, %xor3A_1109 : vector<16xi32>
        %broadcast_in_dim3A_1111 = vector.shape_cast %xor3A_1110 : vector<16xi32> to vector<16x1xi32>
        %gather3A_1112 = vector.shape_cast %broadcast_in_dim3A_1111 : vector<16x1xi32> to vector<16xi32>
        %gather3A_1113 = tpu.dynamic_gather %add3A_1107[%gather3A_1112] in [0] : vector<16xf32>, vector<16xi32> -> vector<16xf32>
        %add3A_1114 = arith.addf %add3A_1107, %gather3A_1113 : vector<16xf32>
        %add3A_1115 = vector.broadcast %squeeze3A_49 : f32 to vector<16xf32>
        %add3A_1116 = arith.addf %add3A_1114, %add3A_1115 : vector<16xf32>
        %eq3A_1117 = arith.constant 11 : i32
        %eq3A_1118 = vector.broadcast %eq3A_1117 : i32 to vector<16xi32>
        %eq3A_1119 = arith.cmpi eq, %iota3A, %eq3A_1118 : vector<16xi32>
        %select_n3A_1120 = arith.select %eq3A_1119, %add3A_1116, %select_n3A_1086 : vector<16xi1>, vector<16xf32>
        %xor3A_1121 = arith.constant 8 : i32
        %xor3A_1122 = vector.broadcast %xor3A_1121 : i32 to vector<16xi32>
        %xor3A_1123 = arith.xori %iota3A, %xor3A_1122 : vector<16xi32>
        %broadcast_in_dim3A_1124 = vector.shape_cast %xor3A_1123 : vector<16xi32> to vector<16x1xi32>
        %gather3A_1125 = vector.shape_cast %broadcast_in_dim3A_1124 : vector<16x1xi32> to vector<16xi32>
        %gather3A_1126 = tpu.dynamic_gather %scan3A_711#12[%gather3A_1125] in [0] : vector<16xf32>, vector<16xi32> -> vector<16xf32>
        %add3A_1127 = arith.addf %scan3A_711#12, %gather3A_1126 : vector<16xf32>
        %xor3A_1128 = arith.constant 4 : i32
        %xor3A_1129 = vector.broadcast %xor3A_1128 : i32 to vector<16xi32>
        %xor3A_1130 = arith.xori %iota3A, %xor3A_1129 : vector<16xi32>
        %broadcast_in_dim3A_1131 = vector.shape_cast %xor3A_1130 : vector<16xi32> to vector<16x1xi32>
        %gather3A_1132 = vector.shape_cast %broadcast_in_dim3A_1131 : vector<16x1xi32> to vector<16xi32>
        %gather3A_1133 = tpu.dynamic_gather %add3A_1127[%gather3A_1132] in [0] : vector<16xf32>, vector<16xi32> -> vector<16xf32>
        %add3A_1134 = arith.addf %add3A_1127, %gather3A_1133 : vector<16xf32>
        %xor3A_1135 = arith.constant 2 : i32
        %xor3A_1136 = vector.broadcast %xor3A_1135 : i32 to vector<16xi32>
        %xor3A_1137 = arith.xori %iota3A, %xor3A_1136 : vector<16xi32>
        %broadcast_in_dim3A_1138 = vector.shape_cast %xor3A_1137 : vector<16xi32> to vector<16x1xi32>
        %gather3A_1139 = vector.shape_cast %broadcast_in_dim3A_1138 : vector<16x1xi32> to vector<16xi32>
        %gather3A_1140 = tpu.dynamic_gather %add3A_1134[%gather3A_1139] in [0] : vector<16xf32>, vector<16xi32> -> vector<16xf32>
        %add3A_1141 = arith.addf %add3A_1134, %gather3A_1140 : vector<16xf32>
        %xor3A_1142 = arith.constant 1 : i32
        %xor3A_1143 = vector.broadcast %xor3A_1142 : i32 to vector<16xi32>
        %xor3A_1144 = arith.xori %iota3A, %xor3A_1143 : vector<16xi32>
        %broadcast_in_dim3A_1145 = vector.shape_cast %xor3A_1144 : vector<16xi32> to vector<16x1xi32>
        %gather3A_1146 = vector.shape_cast %broadcast_in_dim3A_1145 : vector<16x1xi32> to vector<16xi32>
        %gather3A_1147 = tpu.dynamic_gather %add3A_1141[%gather3A_1146] in [0] : vector<16xf32>, vector<16xi32> -> vector<16xf32>
        %add3A_1148 = arith.addf %add3A_1141, %gather3A_1147 : vector<16xf32>
        %add3A_1149 = vector.broadcast %squeeze3A_49 : f32 to vector<16xf32>
        %add3A_1150 = arith.addf %add3A_1148, %add3A_1149 : vector<16xf32>
        %eq3A_1151 = arith.constant 12 : i32
        %eq3A_1152 = vector.broadcast %eq3A_1151 : i32 to vector<16xi32>
        %eq3A_1153 = arith.cmpi eq, %iota3A, %eq3A_1152 : vector<16xi32>
        %select_n3A_1154 = arith.select %eq3A_1153, %add3A_1150, %select_n3A_1120 : vector<16xi1>, vector<16xf32>
        %xor3A_1155 = arith.constant 8 : i32
        %xor3A_1156 = vector.broadcast %xor3A_1155 : i32 to vector<16xi32>
        %xor3A_1157 = arith.xori %iota3A, %xor3A_1156 : vector<16xi32>
        %broadcast_in_dim3A_1158 = vector.shape_cast %xor3A_1157 : vector<16xi32> to vector<16x1xi32>
        %gather3A_1159 = vector.shape_cast %broadcast_in_dim3A_1158 : vector<16x1xi32> to vector<16xi32>
        %gather3A_1160 = tpu.dynamic_gather %scan3A_711#13[%gather3A_1159] in [0] : vector<16xf32>, vector<16xi32> -> vector<16xf32>
        %add3A_1161 = arith.addf %scan3A_711#13, %gather3A_1160 : vector<16xf32>
        %xor3A_1162 = arith.constant 4 : i32
        %xor3A_1163 = vector.broadcast %xor3A_1162 : i32 to vector<16xi32>
        %xor3A_1164 = arith.xori %iota3A, %xor3A_1163 : vector<16xi32>
        %broadcast_in_dim3A_1165 = vector.shape_cast %xor3A_1164 : vector<16xi32> to vector<16x1xi32>
        %gather3A_1166 = vector.shape_cast %broadcast_in_dim3A_1165 : vector<16x1xi32> to vector<16xi32>
        %gather3A_1167 = tpu.dynamic_gather %add3A_1161[%gather3A_1166] in [0] : vector<16xf32>, vector<16xi32> -> vector<16xf32>
        %add3A_1168 = arith.addf %add3A_1161, %gather3A_1167 : vector<16xf32>
        %xor3A_1169 = arith.constant 2 : i32
        %xor3A_1170 = vector.broadcast %xor3A_1169 : i32 to vector<16xi32>
        %xor3A_1171 = arith.xori %iota3A, %xor3A_1170 : vector<16xi32>
        %broadcast_in_dim3A_1172 = vector.shape_cast %xor3A_1171 : vector<16xi32> to vector<16x1xi32>
        %gather3A_1173 = vector.shape_cast %broadcast_in_dim3A_1172 : vector<16x1xi32> to vector<16xi32>
        %gather3A_1174 = tpu.dynamic_gather %add3A_1168[%gather3A_1173] in [0] : vector<16xf32>, vector<16xi32> -> vector<16xf32>
        %add3A_1175 = arith.addf %add3A_1168, %gather3A_1174 : vector<16xf32>
        %xor3A_1176 = arith.constant 1 : i32
        %xor3A_1177 = vector.broadcast %xor3A_1176 : i32 to vector<16xi32>
        %xor3A_1178 = arith.xori %iota3A, %xor3A_1177 : vector<16xi32>
        %broadcast_in_dim3A_1179 = vector.shape_cast %xor3A_1178 : vector<16xi32> to vector<16x1xi32>
        %gather3A_1180 = vector.shape_cast %broadcast_in_dim3A_1179 : vector<16x1xi32> to vector<16xi32>
        %gather3A_1181 = tpu.dynamic_gather %add3A_1175[%gather3A_1180] in [0] : vector<16xf32>, vector<16xi32> -> vector<16xf32>
        %add3A_1182 = arith.addf %add3A_1175, %gather3A_1181 : vector<16xf32>
        %add3A_1183 = vector.broadcast %squeeze3A_49 : f32 to vector<16xf32>
        %add3A_1184 = arith.addf %add3A_1182, %add3A_1183 : vector<16xf32>
        %eq3A_1185 = arith.constant 13 : i32
        %eq3A_1186 = vector.broadcast %eq3A_1185 : i32 to vector<16xi32>
        %eq3A_1187 = arith.cmpi eq, %iota3A, %eq3A_1186 : vector<16xi32>
        %select_n3A_1188 = arith.select %eq3A_1187, %add3A_1184, %select_n3A_1154 : vector<16xi1>, vector<16xf32>
        %xor3A_1189 = arith.constant 8 : i32
        %xor3A_1190 = vector.broadcast %xor3A_1189 : i32 to vector<16xi32>
        %xor3A_1191 = arith.xori %iota3A, %xor3A_1190 : vector<16xi32>
        %broadcast_in_dim3A_1192 = vector.shape_cast %xor3A_1191 : vector<16xi32> to vector<16x1xi32>
        %gather3A_1193 = vector.shape_cast %broadcast_in_dim3A_1192 : vector<16x1xi32> to vector<16xi32>
        %gather3A_1194 = tpu.dynamic_gather %scan3A_711#14[%gather3A_1193] in [0] : vector<16xf32>, vector<16xi32> -> vector<16xf32>
        %add3A_1195 = arith.addf %scan3A_711#14, %gather3A_1194 : vector<16xf32>
        %xor3A_1196 = arith.constant 4 : i32
        %xor3A_1197 = vector.broadcast %xor3A_1196 : i32 to vector<16xi32>
        %xor3A_1198 = arith.xori %iota3A, %xor3A_1197 : vector<16xi32>
        %broadcast_in_dim3A_1199 = vector.shape_cast %xor3A_1198 : vector<16xi32> to vector<16x1xi32>
        %gather3A_1200 = vector.shape_cast %broadcast_in_dim3A_1199 : vector<16x1xi32> to vector<16xi32>
        %gather3A_1201 = tpu.dynamic_gather %add3A_1195[%gather3A_1200] in [0] : vector<16xf32>, vector<16xi32> -> vector<16xf32>
        %add3A_1202 = arith.addf %add3A_1195, %gather3A_1201 : vector<16xf32>
        %xor3A_1203 = arith.constant 2 : i32
        %xor3A_1204 = vector.broadcast %xor3A_1203 : i32 to vector<16xi32>
        %xor3A_1205 = arith.xori %iota3A, %xor3A_1204 : vector<16xi32>
        %broadcast_in_dim3A_1206 = vector.shape_cast %xor3A_1205 : vector<16xi32> to vector<16x1xi32>
        %gather3A_1207 = vector.shape_cast %broadcast_in_dim3A_1206 : vector<16x1xi32> to vector<16xi32>
        %gather3A_1208 = tpu.dynamic_gather %add3A_1202[%gather3A_1207] in [0] : vector<16xf32>, vector<16xi32> -> vector<16xf32>
        %add3A_1209 = arith.addf %add3A_1202, %gather3A_1208 : vector<16xf32>
        %xor3A_1210 = arith.constant 1 : i32
        %xor3A_1211 = vector.broadcast %xor3A_1210 : i32 to vector<16xi32>
        %xor3A_1212 = arith.xori %iota3A, %xor3A_1211 : vector<16xi32>
        %broadcast_in_dim3A_1213 = vector.shape_cast %xor3A_1212 : vector<16xi32> to vector<16x1xi32>
        %gather3A_1214 = vector.shape_cast %broadcast_in_dim3A_1213 : vector<16x1xi32> to vector<16xi32>
        %gather3A_1215 = tpu.dynamic_gather %add3A_1209[%gather3A_1214] in [0] : vector<16xf32>, vector<16xi32> -> vector<16xf32>
        %add3A_1216 = arith.addf %add3A_1209, %gather3A_1215 : vector<16xf32>
        %add3A_1217 = vector.broadcast %squeeze3A_49 : f32 to vector<16xf32>
        %add3A_1218 = arith.addf %add3A_1216, %add3A_1217 : vector<16xf32>
        %eq3A_1219 = arith.constant 14 : i32
        %eq3A_1220 = vector.broadcast %eq3A_1219 : i32 to vector<16xi32>
        %eq3A_1221 = arith.cmpi eq, %iota3A, %eq3A_1220 : vector<16xi32>
        %select_n3A_1222 = arith.select %eq3A_1221, %add3A_1218, %select_n3A_1188 : vector<16xi1>, vector<16xf32>
        %xor3A_1223 = arith.constant 8 : i32
        %xor3A_1224 = vector.broadcast %xor3A_1223 : i32 to vector<16xi32>
        %xor3A_1225 = arith.xori %iota3A, %xor3A_1224 : vector<16xi32>
        %broadcast_in_dim3A_1226 = vector.shape_cast %xor3A_1225 : vector<16xi32> to vector<16x1xi32>
        %gather3A_1227 = vector.shape_cast %broadcast_in_dim3A_1226 : vector<16x1xi32> to vector<16xi32>
        %gather3A_1228 = tpu.dynamic_gather %scan3A_711#15[%gather3A_1227] in [0] : vector<16xf32>, vector<16xi32> -> vector<16xf32>
        %add3A_1229 = arith.addf %scan3A_711#15, %gather3A_1228 : vector<16xf32>
        %xor3A_1230 = arith.constant 4 : i32
        %xor3A_1231 = vector.broadcast %xor3A_1230 : i32 to vector<16xi32>
        %xor3A_1232 = arith.xori %iota3A, %xor3A_1231 : vector<16xi32>
        %broadcast_in_dim3A_1233 = vector.shape_cast %xor3A_1232 : vector<16xi32> to vector<16x1xi32>
        %gather3A_1234 = vector.shape_cast %broadcast_in_dim3A_1233 : vector<16x1xi32> to vector<16xi32>
        %gather3A_1235 = tpu.dynamic_gather %add3A_1229[%gather3A_1234] in [0] : vector<16xf32>, vector<16xi32> -> vector<16xf32>
        %add3A_1236 = arith.addf %add3A_1229, %gather3A_1235 : vector<16xf32>
        %xor3A_1237 = arith.constant 2 : i32
        %xor3A_1238 = vector.broadcast %xor3A_1237 : i32 to vector<16xi32>
        %xor3A_1239 = arith.xori %iota3A, %xor3A_1238 : vector<16xi32>
        %broadcast_in_dim3A_1240 = vector.shape_cast %xor3A_1239 : vector<16xi32> to vector<16x1xi32>
        %gather3A_1241 = vector.shape_cast %broadcast_in_dim3A_1240 : vector<16x1xi32> to vector<16xi32>
        %gather3A_1242 = tpu.dynamic_gather %add3A_1236[%gather3A_1241] in [0] : vector<16xf32>, vector<16xi32> -> vector<16xf32>
        %add3A_1243 = arith.addf %add3A_1236, %gather3A_1242 : vector<16xf32>
        %xor3A_1244 = arith.constant 1 : i32
        %xor3A_1245 = vector.broadcast %xor3A_1244 : i32 to vector<16xi32>
        %xor3A_1246 = arith.xori %iota3A, %xor3A_1245 : vector<16xi32>
        %broadcast_in_dim3A_1247 = vector.shape_cast %xor3A_1246 : vector<16xi32> to vector<16x1xi32>
        %gather3A_1248 = vector.shape_cast %broadcast_in_dim3A_1247 : vector<16x1xi32> to vector<16xi32>
        %gather3A_1249 = tpu.dynamic_gather %add3A_1243[%gather3A_1248] in [0] : vector<16xf32>, vector<16xi32> -> vector<16xf32>
        %add3A_1250 = arith.addf %add3A_1243, %gather3A_1249 : vector<16xf32>
        %add3A_1251 = vector.broadcast %squeeze3A_49 : f32 to vector<16xf32>
        %add3A_1252 = arith.addf %add3A_1250, %add3A_1251 : vector<16xf32>
        %eq3A_1253 = arith.constant 15 : i32
        %eq3A_1254 = vector.broadcast %eq3A_1253 : i32 to vector<16xi32>
        %eq3A_1255 = arith.cmpi eq, %iota3A, %eq3A_1254 : vector<16xi32>
        %select_n3A_1256 = arith.select %eq3A_1255, %add3A_1252, %select_n3A_1222 : vector<16xi1>, vector<16xf32>
        %mul3A_1257 = arith.constant 32 : i32
        %mul3A_1258 = arith.muli %scan3A_61, %mul3A_1257 : i32
        %add3A_1259 = arith.constant 16 : i32
        %add3A_1260 = arith.addi %mul3A_1258, %add3A_1259 : i32
        %swap3A_1261 = arith.index_cast %add3A_1260 : i32 to index
        %swap3A_1262 = tpu.vector_load %arg12[%swap3A_1261] {strides = array<i32>} : memref<512xf32, #tpu.memory_space<vmem>>, vector<16xf32>,
        %swap3A_1263 = vector.shape_cast %swap3A_1262 : vector<16xf32> to vector<16xf32>
        %swap3A_1264 = vector.shape_cast %select_n3A_1256 : vector<16xf32> to vector<16xf32>
        tpu.vector_store %arg12[%swap3A_1261], %swap3A_1264 {strides = array<i32>} : memref<512xf32, #tpu.memory_space<vmem>>, vector<16xf32>,
      } else {
      }
      %scan3A_75 = arith.constant 0 : i32
      scf.yield %scan3A_75 : i32
    }
    %scan3A_60 = arith.constant 16 : i32
    "tpu.region"() ({
      %run_scoped3A = tpu.sem_alloc : memref<!tpu.dma_semaphore, #tpu.memory_space<semaphore_mem>>
      %dma_start3A_61 = tpu.memref_slice %arg6[%mul3A_2] : memref<16384xf32, #tpu.memory_space<hbm>> -> memref<512xf32, #tpu.memory_space<hbm>>
      %dma_start3A_62 = tpu.memref_slice %arg6[%mul3A_2] : memref<16384xf32, #tpu.memory_space<hbm>> -> memref<512xf32, #tpu.memory_space<hbm>>
      tpu.enqueue_dma source(%arg12 : memref<512xf32, #tpu.memory_space<vmem>>) target(%dma_start3A_62 : memref<512xf32, #tpu.memory_space<hbm>>) target_semaphore(%run_scoped3A : memref<!tpu.dma_semaphore, #tpu.memory_space<semaphore_mem>>)
      %dma_wait3A = tpu.memref_slice %arg6[%mul3A_2] : memref<16384xf32, #tpu.memory_space<hbm>> -> memref<512xf32, #tpu.memory_space<hbm>>
      %dma_wait3A_63 = tpu.memref_slice %arg6[%mul3A_2] : memref<16384xf32, #tpu.memory_space<hbm>> -> memref<512xf32, #tpu.memory_space<hbm>>
      tpu.wait_dma2 semaphore(%run_scoped3A : memref<!tpu.dma_semaphore, #tpu.memory_space<semaphore_mem>>) src(%arg12 : memref<512xf32, #tpu.memory_space<vmem>>) dst(%dma_wait3A_63 : memref<512xf32, #tpu.memory_space<hbm>>)
      tpu.yield
    }) : () -> ()
    return
  }
}

</mosaic_0001>

<sc_bundles>
// kernel: kernel.3.cloned.1.call-start
scs
__scs_entry_jumppad:
0x0: {  	(pc) =	sbr.rel $0x88, $3  }
0x1: {  	(tag) =	ssettag $0x0;
	lr =	simm.s32 $0x1  }
0x2: {  	[smem:$0x3F9B] =	sst lr;
	_ =	strace $0xD0000000  }
0x3: {  	_ = 	snop  }
0x4: {  	_ = 	snop  }
0x5: {  	_ = 	snop  }
0x6: {  	_ = 	snop  }
0x7: {  	_ = 	snop  }
__scs_overlays_trampoline_lowered:
0x8: {  	[smem:$0x3FAA] =	sst s0  }
0x9: {  	[smem:$0x3FAB] =	sst s1  }
0xa: {  	[smem:$0x3FAC] =	sst s2  }
0xb: {  	[smem:$0x3FAD] =	sst s3  }
0xc: {  	[smem:$0x3FAE] =	sst s4  }
0xd: {  	[smem:$0x3FAF] =	sst s5  }
0xe: {  	[smem:$0x3FB0] =	sst s6  }
0xf: {  	[smem:$0x3FB1] =	sst s7  }
0x10: {  	[smem:$0x3FB2] =	sst s8  }
0x11: {  	[smem:$0x3FB3] =	sst s9;
	s0 =	simm.s32 @!p0 $0x0  }
0x12: {  	s1 =	sld [smem:$0x3F99];
	s0 =	simm.s32 @p0 $0x1  }
0x13: {  	[smem:$0x3FB4] =	sst s0;
	s0 =	simm.s32 @!p1 $0x0  }
0x14: {  	s2 =	sld [smem:$0x3F98];
	s0 =	simm.s32 @p1 $0x1  }
0x15: {  	[smem:$0x3FB5] =	sst s0;
	s0 =	simm.s32 @!p2 $0x0  }
0x16: {  	s3 =	sld [smem:$0x3FDB];
	s0 =	simm.s32 @p2 $0x1  }
0x17: {  	s4 =	simm.s32 $0x1BF5;
	[smem:$0x3FB7] =	sst s0  }
0x18: {  	s0 =	sld [smem:$0x3F9A];
	_ =	swait.ge [sflag:s4], $0x0  }
0x19: {  	s7 =	sld [smem:$0x3F9B]  }
0x1a: {  	s8 =	sadd.s32 $0xFFFFE003, lr  }
0x1b: {  	s9 =	sadd.s32 $0xFFFFFEF7, lr;
	s5 =	simm.s32 $0xFFFFFFFF;
	p2 =	slt.u32 s8, $0xFFFFF086  }
0x1c: {  	p1 =	slt.u32 s9, $0xF7A;
	s5 =	simm.s32 @!p2 $0x0  }
0x1d: {  	s5 =	simm.s32 @p1 $0x1;
	p0 =	seq.s32 s7, s2  }
0x1e: {  	s7 =	smul.u32 @!p0 $0xF7A, s2;
	p2 =	seq.s32 @!p0 s5, $0x0  }
0x1f: {  	s9 =	smul.u32 $0xF7A, s1;
	s8 =	simm.s32 @!p0 $0x1BF5;
	p2 =	por !p2, p0  }
0x20: {  	[sflag:s8] =	ssyncset.s32 @!p0 $0xFFFFF086;
	s6 =	sadd.s32 @!p0 s3, s7;
	s7 =	simm.s32 @!p0 $0x108  }
0x21: {  	s3 =	sadd.s32 s3, s9;
	s6 =	sadd.s32 @!p0 $0x88, s6;
	s7 =	simm.s32 @p2 $0x1082  }
0x22: {  	[simem:s7], [sflag:s8] =	dma.local @!p0 [hbm:s6], $0xF7A  }
0x23: {  	s9 =	sor.u32 $0xD0000000, s2;
	s6 =	simm.s32 $0x108;
	_ =	swait.ge @!p0 [sflag:s8], $0x0  }
0x24: {  	s3 =	sadd.s32 $0x88, s3;
	s6 =	simm.s32 @!p1 $0x1082;
	[sflag:s4] =	ssyncset.s32 $0xFFFFF086  }
0x25: {  	[simem:s6], [sflag:s4] =	dma.local [hbm:s3], $0xF7A  }
0x26: {  	[smem:$0x3F9B] =	sst s1;
	(tag) =	ssettag s2;
	_ =	strace s9  }
0x27: {  	s1 =	sld [smem:$0x3FAB]  }
0x28: {  	s2 =	sld [smem:$0x3FAC]  }
0x29: {  	s4 =	sld [smem:$0x3FAE]  }
0x2a: {  	p0 =	seq.s32 s5, $0x0;
	s5 =	sld [smem:$0x3FAF]  }
0x2b: {  	s6 =	sld [smem:$0x3FB0]  }
0x2c: {  	s7 =	sld [smem:$0x3FB1]  }
0x2d: {  	s3 =	simm.s32 $0x108;
	s8 =	sld [smem:$0x3FB2]  }
0x2e: {  	s3 =	simm.s32 @!p0 $0x1082;
	s9 =	sld [smem:$0x3FB3]  }
0x2f: {  	lr =	sadd.s32 s0, s3;
	s0 =	sld [smem:$0x3FAA]  }
0x30: {  	s3 =	sld [smem:$0x3FAD]  }
0x31: {  	[smem:$0x3FB6] =	sst s10  }
0x32: {  	s10 =	sld [smem:$0x3FB4];
	_ =	sdelay $0x3  }
0x33: {  	p0 =	seq.s32 s10, $0x1;
	s10 =	sld [smem:$0x3FB6];
	_ =	sdelay $0x3  }
0x34: {  	[smem:$0x3FB6] =	sst s10  }
0x35: {  	s10 =	sld [smem:$0x3FB5];
	_ =	sdelay $0x3  }
0x36: {  	p1 =	seq.s32 s10, $0x1;
	s10 =	sld [smem:$0x3FB6];
	_ =	sdelay $0x3  }
0x37: {  	[smem:$0x3FB6] =	sst s10  }
0x38: {  	s10 =	sld [smem:$0x3FB7]  }
0x39: {  	_ = 	snop;
	(pc) =	sbr.ind lr, $3  }
0x3a: {  	_ = 	snop  }
0x3b: {  	_ = 	snop  }
0x3c: {  	p2 =	seq.s32 s10, $0x1;
	s10 =	sld [smem:$0x3FB6]  }
0x3d: {  	_ =	shalt  }
0x3e: {  	_ =	shalt  }
0x3f: {  	_ =	shalt  }
0x40: {  	_ =	shalt  }
0x41: {  	_ =	shalt  }
0x42: {  	_ =	shalt  }
0x43: {  	_ =	shalt  }
0x44: {  	_ =	shalt  }
0x45: {  	_ =	shalt  }
0x46: {  	_ =	shalt  }
0x47: {  	_ =	shalt  }
0x48: {  	_ =	shalt  }
0x49: {  	_ =	shalt  }
0x4a: {  	_ =	shalt  }
0x4b: {  	_ =	shalt  }
0x4c: {  	_ =	shalt  }
0x4d: {  	_ =	shalt  }
0x4e: {  	_ =	shalt  }
0x4f: {  	_ =	shalt  }
0x50: {  	_ =	shalt  }
0x51: {  	_ =	shalt  }
0x52: {  	_ =	shalt  }
0x53: {  	_ =	shalt  }
0x54: {  	_ =	shalt  }
0x55: {  	_ =	shalt  }
0x56: {  	_ =	shalt  }
0x57: {  	_ =	shalt  }
0x58: {  	_ =	shalt  }
0x59: {  	_ =	shalt  }
0x5a: {  	_ =	shalt  }
0x5b: {  	_ =	shalt  }
0x5c: {  	_ =	shalt  }
0x5d: {  	_ =	shalt  }
0x5e: {  	_ =	shalt  }
0x5f: {  	_ =	shalt  }
0x60: {  	_ =	shalt  }
0x61: {  	_ =	shalt  }
0x62: {  	_ =	shalt  }
0x63: {  	_ =	shalt  }
0x64: {  	_ =	shalt  }
0x65: {  	_ =	shalt  }
0x66: {  	_ =	shalt  }
0x67: {  	_ =	shalt  }
0x68: {  	_ =	shalt  }
0x69: {  	_ =	shalt  }
0x6a: {  	_ =	shalt  }
0x6b: {  	_ =	shalt  }
0x6c: {  	_ =	shalt  }
0x6d: {  	_ =	shalt  }
0x6e: {  	_ =	shalt  }
0x6f: {  	_ =	shalt  }
0x70: {  	_ =	shalt  }
0x71: {  	_ =	shalt  }
0x72: {  	_ =	shalt  }
0x73: {  	_ =	shalt  }
0x74: {  	_ =	shalt  }
0x75: {  	_ =	shalt  }
0x76: {  	_ =	shalt  }
0x77: {  	_ =	shalt  }
0x78: {  	_ =	shalt  }
0x79: {  	_ =	shalt  }
0x7a: {  	_ =	shalt  }
0x7b: {  	_ =	shalt  }
0x7c: {  	_ =	shalt  }
0x7d: {  	_ =	shalt  }
0x7e: {  	_ =	shalt  }
0x7f: {  	_ =	shalt  }
0x80: {  	_ =	shalt  }
0x81: {  	_ =	shalt  }
0x82: {  	_ =	shalt  }
0x83: {  	_ =	shalt  }
0x84: {  	_ =	shalt  }
0x85: {  	_ =	shalt  }
0x86: {  	_ =	shalt  }
0x87: {  	_ =	shalt  }
.Lfunc_end0:
.L_simem_size_0:
called_computation_lowered:
.L_overlay_start_0:
0x88: {  	s2 =	sld [smem:$0x3FD9]  }
0x89: {  	s3 =	sld [smem:$0x3FFE];
	_ =	sdelay $0x1  }
0x8a: {  	s1 =	srdreg.scid  }
0x8b: {  	s0 =	sand.u32 $0x1, s1  }
0x8c: {  	s17 =	sshll.u32 s0, $0xA;
	s2 =	sadd.s32 s3, s2  }
0x8d: {  	s2 =	sadd.s32 s2, s17  }
0x8e: {  	[smem:$0x3FC2] =	sst s2  }
0x8f: {  	_ = 	snop  }
0x90: {  	s2 =	sld [smem:$0x3FD0];
	(tm) =	ssettm $0x1  }
0x91: {  	s18 =	sld [smem:$0x3FFB];
	_ =	sdelay $0x3  }
0x92: {  	_ =	strace s18  }
0x93: {  	s3 =	sld [smem:$0x3FFC];
	_ =	sdelay $0x3  }
0x94: {  	_ =	strace s3  }
0x95: {  	s3 =	sld [smem:$0x3FFD];
	_ =	sdelay $0x3  }
0x96: {  	_ =	strace s3  }
0x97: {  	_ =	strace $0x8FFFFFFF  }
0x98: {  	s19 =	sld [smem:$0x3FDB];
	_ =	sdelay $0x1  }
0x99: {  	s4 =	simm.s32 $_scs_section_size  }
0x9a: {  	s5 =	simm.s32 $_size__tile_overlayer_lowered;
	s6 =	simm.s32 $_tile_overlayer_lowered  }
0x9b: {  	s22 =	simm.s32 $0x1BFF;
	s21 =	sshll.u32 s6, $0x1;
	s3 =	sadd.s32 s4, s19  }
0x9c: {  	s7 =	simm.s32 $0x0;
	s20 =	sshll.u32 s5, $0x1;
	s5 =	sadd.s32 s21, s3  }
0x9d: {  	[timem:s7], [sflag:s22] =	dma.local [hbm:s5], s20  }
0x9e: {  	_ =	swait.ge [sflag:s22], s20  }
0x9f: {  	s4 =	ssub.s32 $0x0, s20;
	[sflag:s22] =	ssyncset.done $0x0  }
0xa0: {  	[sflag:s22] =	ssyncadd.s32 s4;
	_ =	sdelay $0x1  }
0xa1: {  	s23 =	simm.s32 $0x1B8B  }
0xa2: {  	_ =	swait.ge [sflag:s23], $0x1  }
0xa3: {  	[sflag:s23] =	ssyncset.done $0x0  }
0xa4: {  	s25 =	simm.s32 $0x1B8E;
	s24 =	sld [smem:$0x3FFE];
	[sflag:s23] =	ssyncadd.s32 $0xFFFFFFFF  }
0xa5: {  	s26 =	simm.s32 $execute0_lowered;
	[smem:$0x3FD2] =	sst s25  }
0xa6: {  	s5 =	sshll.u32 s26, $0x1;
	_ =	strace $0x80000046;
	[dreg:$0x1] =	wrdreg $0xFFFFFFFF  }
0xa7: {  	s28 =	simm.s32 $_size_execute0_lowered;
	s3 =	sadd.s32 s3, s5;
	[dreg:$0x0] =	wrdreg $0x0  }
0xa8: {  	s5 =	sshll.u32 s28, $0x1;
	[dreg:$0x2] =	wrdreg s3  }
0xa9: {  	[dreg:$0x3] =	wrdreg s5  }
0xaa: {  	[dreg:$0x4] =	wrdreg $0xC0  }
0xab: {  	_ =	task [dreg:s7], $0x5FFFF  }
0xac: {  	[dreg:$0x1] =	wrdreg $0xFFFFFFFF  }
0xad: {  	[dreg:$0x0] =	wrdreg $0x60  }
0xae: {  	[dreg:$0x2] =	wrdreg s24  }
0xaf: {  	[dreg:$0x3] =	wrdreg s2  }
0xb0: {  	[dreg:$0x4] =	wrdreg $0x9  }
0xb1: {  	_ =	task.clear_ibuf [dreg:s7], $0x5FFFF;
	_ =	strace $0x90000046  }
0xb2: {  	s29 =	simm.s32 $0x9;
	_ =	strace $0x80000048  }
0xb3: {  	_ =	swait.ge [sflag:s29], $0x1  }
0xb4: {  	[sflag:s29] =	ssyncadd.s32 $0xFFFFFFFF  }
0xb5: {  	_ =	strace $0x90000048  }
0xb6: {  	_ =	sfence  }
0xb7: {  	s30 =	sld [smem:$0x0];
	_ =	sdelay $0x2  }
0xb8: {  	s31 =	sshll.u32 s1, $0xD;
	s1 =	sshrl.u32 s1, $0x2  }
0xb9: {  	s3 =	sand.u32 $0x4000, s31;
	s1 =	sadd.s32 s1, s30  }
0xba: {  	s0 =	sor.u32 s3, s0;
	s1 =	sshll.u32 s1, $0x11  }
0xbb: {  	s0 =	sor.u32 s1, s0  }
0xbc: {  	s0 =	sadd.s32 $0x8F2B, s0  }
0xbd: {  	[sflag:s0] =	ssyncadd.remote.s32 $0x1  }
0xbe: {  	_ =	sfence.sel $0xFFFF  }
0xbf: {  	[dreg:$0x0] =	wrdreg $0xFFFFFFFF;
	(pc) =	sbr.abs _section_cstart, $3  }
0xc0: {  	[dreg:$0x1] =	wrdreg $0xFFFFFFFF  }
0xc1: {  	_ =	task.clear_ibuf [dreg:s7], $0x2FFFF;
	_ =	strace $0x9FFFFFFF  }
0xc2: {  	(tm) =	ssettm $0x7FFFFFFF  }
0xc3: {  	_ =	shalt  }
tec
execute0_lowered:
.L_overlay_start_1:
0x0: {  	(tag) =	ssettag $0x1  }
0x1: {  	v0 =	vimm.s32 $0xFEDCBA98;
	v1 =	vimm.s32 $0x76543210  }
0x2: {  	v2 =	vimm.s32 $0xBA98FEDC;
	v3 =	vimm.s32 $0x32107654;
	v4 =	vimm.s32 $0xDCFE98BA  }
0x3: {  	v5 =	vimm.s32 $0x54761032;
	v6 =	vimm.s32 $0xEFCDAB89;
	v7 =	vimm.s32 $0x67452301  }
0x4: {  	s7 =	rddreg [dreg:$0x0];
	vm0 =	vmmov $0x1;
	vm1 =	vmmov $0x3;
	vm2 =	vmmov $0x7  }
0x5: {  	s9 =	rddreg [dreg:$0x1];
	vm3 =	vmmov $0xf;
	vm4 =	vmmov $0x1f;
	vm5 =	vmmov $0x3f  }
0x6: {  	s0 =	rddreg [dreg:$0x2];
	s3 =	srdreg.scid;
	vm6 =	vmmov $0x7f;
	vm7 =	vmmov $0xff;
	vm8 =	vmmov $0x1ff  }
0x7: {  	s2 =	simm.s32 $0x0;
	s1 =	stileid.u32;
	s13 =	simm.s32 $0x14700;
	vm9 =	vmmov $0x3ff;
	vm10 =	vmmov $0x7ff;
	vm11 =	vmmov $0xfff  }
0x8: {  	s14 =	simm.s32 $0x14000;
	s15 =	simm.s32 $0x2;
	s16 =	simm.s32 $0x14780;
	v0 =	vunpack.c.l.s4.s8 v0;
	v1 =	vunpack.c.l.s4.s8 v1;
	v2 =	vunpack.c.l.s4.s8 v2  }
0x9: {  	s17 =	simm.s32 $0xA000;
	s18 =	simm.s32 $0x1;
	s19 =	simm.s32 $0x0;
	v3 =	vunpack.c.l.s4.s8 v3;
	v4 =	vunpack.c.l.s4.s8 v4;
	v5 =	vunpack.c.l.s4.s8 v5  }
0xa: {  	v6 =	vunpack.c.l.s4.s8 v6;
	v7 =	vunpack.c.l.s4.s8 v7;
	s5 =	sand.u32 $0x1, s3;
	[smem:$0x7FF] =	sst s2;
	s6 =	sadd.s32 $0x280A00, s7;
	v0 =	vunpack.c.0.s8.s32 v0  }
0xb: {  	s31 =	sshll.u32 s1, $0xA;
	s4 =	sshll.u32 s5, $0x9;
	_ =	strace $0x80000047;
	v2 =	vunpack.c.0.s8.s32 v2;
	v3 =	vunpack.c.0.s8.s32 v3;
	v4 =	vunpack.c.0.s8.s32 v4  }
.Ltmp0:
0xc: {  	s8 =	ssub.s32 $0x2, s5;
	v5 =	vunpack.c.0.s8.s32 v5;
	v6 =	vunpack.c.0.s8.s32 v6;
	v7 =	vunpack.c.0.s8.s32 v7;
	s3 =	sor.u32 s4, s31;
	(pc) =	sbr.rel .LBB2_1-.Ltmp0, $4  }
0xd: {  	vm12 =	vmmov $0x1fff;
	s5 =	sadd.s32 $0x280600, s7;
	v1 =	vunpack.c.0.s8.s32 v1;
	s11 =	sshrl.u32 s8, $0x1;
	s10 =	sshrl.u32 s3, $0x3;
	v2 =	vcombine.low v3, v2  }
0xe: {  	s4 =	sadd.s32 $0x600, s7;
	s11 =	ssub.s32 s8, s11;
	v3 =	vcombine.low v5, v4;
	v4 =	vcombine.low v7, v6;
	v0 =	vand.u32 $0xF, v0;
	s12 =	smul.u32 $0x500, s10  }
0xf: {  	vm13 =	vmmov $0x3fff;
	vm14 =	vmmov $0x7fff;
	s7 =	sadd.s32 $0x280800, s7;
	s9 =	sadd.s32 s9, s10;
	s10 =	smax.u32 s11, $0x1;
	v0 =	vcombine.low v0, v1  }
0x10: {  	s11 =	simm.s32 $0x14500;
	v1 =	vand.u32 $0xF, v2;
	v2 =	vand.u32 $0xF, v3;
	v3 =	vand.u32 $0xF, v4;
	s8 =	sadd.s32 s4, s12;
	s12 =	simm.s32 $0x3  }
.LBB2_14:
0x11: {  	s19 =	sadd.s32 $0x1, s19  }
0x12: {  	p0 =	sne.s32 s19, s10  }
.Ltmp1:
0x13: {  	_ = 	snop;
	(pc) =	sbr.rel @!p0 .LBB2_15-.Ltmp1, $4  }
0x14: {  	[hbm4b:s9+s2] =	stream.linear.scatter [tilespmem:s16], [sflag:$0x3], $0x200, $0x38;
	[tilespmem:$0x14980] =	vst v63  }
0x15: {  	_ =	swait.ge [sflag:s12], $0x200  }
0x16: {  	[sflag:s12] =	ssyncset.done $0x0  }
0x17: {  	[sflag:s12] =	ssyncadd.s32 $0xFFFFFE00  }
.LBB2_1:
0x18: {  	[tilespmem:s11], [sflag:$0x3] =	stream.linear.gather [hbm4b:s5+s2], $0x200, $0x38;
	[tilespmem:$0x14980] =	vst v63  }
0x19: {  	_ =	swait.ge [sflag:s12], $0x200  }
0x1a: {  	[sflag:s12] =	ssyncset.done $0x0  }
0x1b: {  	[sflag:s12] =	ssyncadd.s32 $0xFFFFFE00  }
0x1c: {  	[tilespmem:s13], [sflag:$0x3] =	stream.linear.gather [hbm4b:s6+s2], $0x80, $0x38;
	[tilespmem:$0x14980] =	vst v63  }
0x1d: {  	_ =	swait.ge [sflag:s12], $0x80  }
0x1e: {  	[sflag:s12] =	ssyncset.done $0x0  }
0x1f: {  	[sflag:s12] =	ssyncadd.s32 $0xFFFFFF80  }
0x20: {  	[tilespmem:s14], [sflag:$0x3] =	stream.linear.gather [hbm4b:s7+s2], $0x500, $0x38;
	[tilespmem:$0x14980] =	vst v63  }
0x21: {  	_ =	swait.ge [sflag:s12], $0x500  }
0x22: {  	[sflag:s12] =	ssyncset.done $0x0  }
0x23: {  	[sflag:s12] =	ssyncadd.s32 $0xFFFFFB00  }
0x24: {  	v5 =	vld [tilespmem:$0x14700];
	_ =	sdelay $0x1  }
0x25: {  	v4 =	vld [tilespmem:$0x14500];
	_ =	sdelay $0x1  }
0x26: {  	v7 =	vld [tilespmem:$0x14580]  }
0x27: {  	v6 =	vadd.f32 $0.0e+00, v5;
	v8 =	vbroadcast v5, $0x0  }
0x28: {  	v9 =	vld [tilespmem:$0x14600];
	v63 =	vbroadcast v5, $0x1  }
0x29: {  	v6 =	vbroadcast v6, $0x4;
	v4 =	vmul.f32 v8, v4  }
0x2a: {  	v10 =	vld [tilespmem:$0x14680]  }
0x2b: {  	v4 =	vadd.f32 v4, v6;
	v6 =	vmul.f32 v7, v63;
	v7 =	vbroadcast v5, $0x2;
	_ =	sdelay $0x1  }
0x2c: {  	v4 =	vadd.f32 v6, v4;
	v6 =	vmul.f32 v9, v7;
	v7 =	vbroadcast v5, $0x3  }
.Ltmp2:
0x2d: {  	_ = 	snop;
	(pc) =	sbr.rel .LBB2_2-.Ltmp2, $3  }
0x2e: {  	v4 =	vadd.f32 v6, v4;
	v6 =	vmul.f32 v10, v7;
	_ =	sdelay $0x1  }
0x2f: {  	s21 =	simm.s32 $0x0;
	v4 =	vadd.f32 v6, v4  }
0x30: {  	[tilespmem:s2], [sflag:$0x1] =	stream.linear.gather [hbm4b:s8+s2], $0xA000, $0x38;
	v5 =	vbroadcast v5, $0x5;
	[tilespmem:$0x14980] =	vst v63  }
.LBB2_13:
0x31: {  	p0 =	sne.s32 s20, $0x10  }
.Ltmp3:
0x32: {  	_ = 	snop;
	(pc) =	sbr.rel @!p0 .LBB2_14-.Ltmp3, $2  }
0x33: {  	_ =	sdelay $0x2  }
0x34: {  	s21 =	smov.u32 s20  }
.LBB2_2:
0x35: {  	s22 =	sand.u32 $0x1, s21  }
0x36: {  	p0 =	seq.s32 s22, $0x1  }
.Ltmp4:
0x37: {  	_ = 	snop;
	(pc) =	sbr.rel @p0 .LBB2_8-.Ltmp4, $2  }
0x38: {  	_ =	sdelay $0x2  }
0x39: {  	s20 =	sadd.s32 $0x1, s21  }
0x3a: {  	s23 =	sshll.u32 s20, $0x5  }
0x3b: {  	s23 =	sadd.s32 s3, s23  }
0x3c: {  	s23 =	sshrl.u32 s23, $0x3  }
0x3d: {  	s23 =	smul.u32 $0x500, s23  }
0x3e: {  	s24 =	simm.s32 $0x0  }
0x3f: {  	s31 =	sand.u32 $0x7, s24;
	s23 =	sadd.s32 s4, s23  }
0x40: {  	[tilespmem:s17], [sflag:$0x2] =	stream.linear.gather [hbm4b:s23+s24], $0xA000, $0x38;
	[tilespmem:$0x14980] =	vst v63  }
0x41: {  	s23 =	sshll.u32 s31, $0x4;
	_ =	swait.ge [sflag:s18], $0xA000  }
0x42: {  	s25 =	sand.u32 $0x70, s24;
	s23 =	sadd.s32 $0x0, s23;
	[sflag:s18] =	ssyncset.done $0x0  }
0x43: {  	s26 =	sand.u32 $0x3C00, s24;
	s23 =	sor.u32 $0x380, s23;
	[sflag:s18] =	ssyncadd.s32 $0xFFFF6000  }
0x44: {  	s25 =	sor.u32 s25, s26;
	v6 =	vld [tilespmem:s23+$0x0]  }
0x45: {  	v7 =	vld [tilespmem:s25+$0x0]  }
0x46: {  	v9 =	vld [tilespmem:s25+$0x80]  }
0x47: {  	v10 =	vld [tilespmem:s25+$0x100]  }
0x48: {  	v11 =	vld [tilespmem:s25+$0x180]  }
0x49: {  	v12 =	vld [tilespmem:s25+$0x200]  }
0x4a: {  	v13 =	vld [tilespmem:s25+$0x280]  }
0x4b: {  	s23 =	simm.s32 $0x14000;
	v14 =	vld [tilespmem:s25+$0x300]  }
0x4c: {  	v8 =	vld [tilespmem:s23+$0x0]  }
0x4d: {  	v19 =	vimm.f32 $0.0e+00;
	v22 =	vimm.f32 $0.0e+00;
	v6 =	vperm.xlane v4, v6  }
0x4e: {  	v21 =	vimm.f32 $0.0e+00;
	v7 =	vperm.xlane v4, v7;
	v9 =	vperm.xlane v4, v9  }
0x4f: {  	v20 =	vimm.f32 $0.0e+00;
	v10 =	vperm.xlane v4, v10;
	v11 =	vperm.xlane v4, v11  }
0x50: {  	v18 =	vimm.f32 $0.0e+00;
	v12 =	vperm.xlane v4, v12;
	v31 =	vperm.xlane v4, v13  }
0x51: {  	v17 =	vimm.f32 $0.0e+00;
	v29 =	vperm.xlane v4, v14;
	v6 =	vmul.f32 v6, v8  }
0x52: {  	v27 =	vld [tilespmem:s25+$0x2800];
	v13 =	vimm.f32 $0.0e+00;
	v7 =	vmul.f32 v7, v8;
	v15 =	vmul.f32 v9, v8  }
0x53: {  	v26 =	vld [tilespmem:s25+$0x2880];
	v14 =	vimm.f32 $0.0e+00;
	v16 =	vmul.f32 v10, v8;
	v30 =	vmul.f32 v11, v8  }
0x54: {  	v24 =	vld [tilespmem:s25+$0x2900];
	v28 =	vmul.f32 v12, v8;
	v12 =	vimm.f32 $0.0e+00;
	v9 =	vadd.f32 v6, v19  }
0x55: {  	s26 =	simm.s32 $0x1;
	v23 =	vld [tilespmem:s25+$0x2980];
	v11 =	vimm.f32 $0.0e+00;
	v10 =	vadd.f32 v7, v19;
	v6 =	vadd.f32 v15, v19  }
0x56: {  	s29 =	simm.s32 $0x10;
	s28 =	simm.s32 $0x20;
	s30 =	sand.u32 $0x7, s26;
	v25 =	vld [tilespmem:s25+$0x2A00];
	v7 =	vadd.f32 v16, v19;
	v16 =	vimm.f32 $0.0e+00;
	v15 =	vimm.f32 $0.0e+00  }
.LBB2_4:
0x57: {  	p0 =	sne.s32 s28, $0x4A0;
	s30 =	sshll.u32 s30, $0x4;
	v19 =	vadd.f32 v30, v19;
	v30 =	vmul.f32 v31, v8;
	v27 =	vperm.xlane v4, v27;
	v31 =	vld [tilespmem:s25+$0x2A80];
	s24 =	sadd.s32 $0x80, s24  }
0x58: {  	s29 =	sand.u32 $0x70, s29;
	s30 =	sadd.s32 s30, s24;
	s31 =	sand.u32 $0x3C00, s24;
	v22 =	vadd.f32 v28, v22;
	v28 =	vmul.f32 v29, v8;
	v26 =	vperm.xlane v4, v26;
	v29 =	vld [tilespmem:s25+$0x2B00]  }
0x59: {  	s30 =	sor.u32 $0x380, s30;
	v21 =	vadd.f32 v30, v21;
	v27 =	vmul.f32 v27, v8;
	v24 =	vperm.xlane v4, v24;
	v30 =	vld [tilespmem:s25+$0x2B80];
	s25 =	sor.u32 s29, s31;
	s29 =	smov.u32 s28  }
0x5a: {  	v32 =	vld [tilespmem:s30+$0x0];
	v20 =	vadd.f32 v28, v20;
	v26 =	vmul.f32 v26, v8;
	v23 =	vperm.xlane v4, v23  }
0x5b: {  	s23 =	sadd.s32 $0x10, s23;
	v28 =	vld [tilespmem:s25+$0x0];
	v18 =	vadd.f32 v27, v18;
	v24 =	vmul.f32 v24, v8;
	v25 =	vperm.xlane v4, v25  }
0x5c: {  	v27 =	vld [tilespmem:s23+$0x0];
	v17 =	vadd.f32 v26, v17;
	v23 =	vmul.f32 v23, v8;
	v26 =	vperm.xlane v4, v31  }
0x5d: {  	v31 =	vld [tilespmem:s25+$0x80];
	v16 =	vadd.f32 v24, v16;
	v24 =	vmul.f32 v25, v8;
	v25 =	vperm.xlane v4, v29  }
0x5e: {  	v29 =	vld [tilespmem:s25+$0x100];
	v15 =	vadd.f32 v23, v15;
	v23 =	vmul.f32 v26, v8;
	v26 =	vperm.xlane v4, v30  }
0x5f: {  	v30 =	vld [tilespmem:s25+$0x180];
	v32 =	vperm.xlane v4, v32;
	v13 =	vadd.f32 v24, v13;
	v24 =	vmul.f32 v25, v8  }
0x60: {  	v25 =	vperm.xlane v4, v28;
	v28 =	vld [tilespmem:s25+$0x200];
	v14 =	vadd.f32 v23, v14;
	v23 =	vmul.f32 v26, v8  }
0x61: {  	v33 =	vld [tilespmem:s25+$0x280];
	v26 =	vmul.f32 v32, v27;
	v12 =	vadd.f32 v24, v12;
	v8 =	vmov v27  }
0x62: {  	v24 =	vmul.f32 v25, v8;
	v25 =	vperm.xlane v4, v31;
	v32 =	vld [tilespmem:s25+$0x300];
	v11 =	vadd.f32 v23, v11  }
.Ltmp5:
0x63: {  	v23 =	vperm.xlane v4, v29;
	v9 =	vadd.f32 v26, v9;
	v27 =	vld [tilespmem:s25+$0x2800];
	(pc) =	sbr.rel @p0 .LBB2_4-.Ltmp5, $4  }
0x64: {  	v10 =	vadd.f32 v24, v10;
	v25 =	vmul.f32 v25, v8;
	v29 =	vperm.xlane v4, v30;
	v26 =	vld [tilespmem:s25+$0x2880]  }
0x65: {  	v34 =	vmul.f32 v23, v8;
	v28 =	vperm.xlane v4, v28;
	v24 =	vld [tilespmem:s25+$0x2900]  }
0x66: {  	s26 =	sadd.s32 $0x1, s26;
	v6 =	vadd.f32 v25, v6;
	v30 =	vmul.f32 v29, v8;
	v31 =	vperm.xlane v4, v33;
	v23 =	vld [tilespmem:s25+$0x2980]  }
0x67: {  	s28 =	sadd.s32 $0x10, s28;
	s30 =	sand.u32 $0x7, s26;
	v7 =	vadd.f32 v34, v7;
	v28 =	vmul.f32 v28, v8;
	v29 =	vperm.xlane v4, v32;
	v25 =	vld [tilespmem:s25+$0x2A00]  }
0x68: {  	s26 =	sshll.u32 s30, $0x4;
	v32 =	vld [tilespmem:s25+$0x2A80];
	s24 =	sadd.s32 $0x80, s24  }
0x69: {  	v27 =	vperm.xlane v4, v27;
	v33 =	vld [tilespmem:s25+$0x2B00];
	s26 =	sadd.s32 s26, s24  }
0x6a: {  	v19 =	vadd.f32 v30, v19;
	v30 =	vmul.f32 v31, v8;
	s28 =	sand.u32 $0x70, s29;
	v31 =	vld [tilespmem:s25+$0x2B80];
	s24 =	sand.u32 $0x3C00, s24;
	v26 =	vperm.xlane v4, v26;
	s26 =	sor.u32 $0x380, s26  }
0x6b: {  	v22 =	vadd.f32 v28, v22;
	v28 =	vmul.f32 v29, v8;
	s24 =	sor.u32 s28, s24;
	v27 =	vmul.f32 v27, v8;
	v29 =	vld [tilespmem:s26+$0x0]  }
0x6c: {  	s23 =	sadd.s32 $0x10, s23;
	v21 =	vadd.f32 v30, v21;
	v24 =	vperm.xlane v4, v24;
	v26 =	vmul.f32 v26, v8;
	v30 =	vld [tilespmem:s24+$0x0]  }
0x6d: {  	v20 =	vadd.f32 v28, v20;
	v23 =	vperm.xlane v4, v23;
	v28 =	vld [tilespmem:s23+$0x0];
	v25 =	vperm.xlane v4, v25  }
0x6e: {  	v61 =	vld [tilespmem:s24+$0x80];
	v18 =	vadd.f32 v27, v18;
	v24 =	vmul.f32 v24, v8;
	v27 =	vperm.xlane v4, v32  }
0x6f: {  	v62 =	vld [tilespmem:s24+$0x180];
	v17 =	vadd.f32 v26, v17;
	v23 =	vmul.f32 v23, v8;
	v25 =	vmul.f32 v25, v8  }
0x70: {  	v26 =	vld [tilespmem:s24+$0x100];
	v16 =	vadd.f32 v24, v16;
	v24 =	vperm.xlane v4, v33;
	v27 =	vmul.f32 v27, v8  }
0x71: {  	v63 =	vld [tilespmem:s24+$0x2880];
	v15 =	vadd.f32 v23, v15;
	v23 =	vperm.xlane v4, v31;
	v29 =	vperm.xlane v4, v29  }
0x72: {  	v31 =	vld [tilespmem:s24+$0x200];
	v13 =	vadd.f32 v25, v13;
	v24 =	vmul.f32 v24, v8;
	v25 =	vperm.xlane v4, v30  }
0x73: {  	v30 =	vld [tilespmem:s24+$0x280];
	v14 =	vadd.f32 v27, v14;
	v8 =	vmul.f32 v23, v8;
	v23 =	vmul.f32 v29, v28  }
0x74: {  	v27 =	vld [tilespmem:s24+$0x300];
	v12 =	vadd.f32 v24, v12;
	v24 =	vmul.f32 v25, v28;
	v25 =	vperm.xlane v4, v61  }
0x75: {  	v29 =	vld [tilespmem:s24+$0x2800];
	v8 =	vadd.f32 v8, v11;
	v11 =	vperm.xlane v4, v26  }
0x76: {  	v26 =	vperm.xlane v4, v62;
	v9 =	vadd.f32 v23, v9;
	v23 =	vmul.f32 v25, v28  }
0x77: {  	v25 =	vperm.xlane v4, v31;
	v10 =	vadd.f32 v24, v10;
	v11 =	vmul.f32 v11, v28  }
0x78: {  	v24 =	vld [tilespmem:s24+$0x2900];
	v26 =	vmul.f32 v26, v28;
	v6 =	vadd.f32 v23, v6;
	v23 =	vperm.xlane v4, v30  }
0x79: {  	v30 =	vld [tilespmem:s24+$0x2980];
	v25 =	vmul.f32 v25, v28;
	v7 =	vadd.f32 v11, v7;
	v11 =	vperm.xlane v4, v27  }
0x7a: {  	v27 =	vperm.xlane v4, v29;
	v19 =	vadd.f32 v26, v19;
	v26 =	vperm.xlane v4, v63  }
0x7b: {  	v29 =	vld [tilespmem:s24+$0x2A00];
	v23 =	vmul.f32 v23, v28;
	v11 =	vmul.f32 v11, v28  }
0x7c: {  	v22 =	vadd.f32 v25, v22;
	v25 =	vmul.f32 v27, v28;
	v27 =	vperm.xlane v10, v0  }
0x7d: {  	v21 =	vadd.f32 v23, v21;
	v23 =	vperm.xlane v4, v24;
	v24 =	vmul.f32 v26, v28  }
0x7e: {  	v11 =	vadd.f32 v11, v20;
	v20 =	vperm.xlane v4, v30;
	v18 =	vadd.f32 v25, v18  }
0x7f: {  	v26 =	vld [tilespmem:s24+$0x2A80];
	v25 =	vperm.xlane v6, v0;
	v10 =	vadd.f32 v27, v10;
	v27 =	vperm.xlane v7, v0  }
0x80: {  	v23 =	vmul.f32 v23, v28;
	v29 =	vperm.xlane v4, v29  }
0x81: {  	v30 =	vld [tilespmem:s24+$0x2B00];
	v17 =	vadd.f32 v24, v17;
	v24 =	vperm.xlane v19, v0;
	v6 =	vadd.f32 v25, v6  }
0x82: {  	v20 =	vmul.f32 v20, v28;
	v25 =	vperm.xlane v10, v1;
	v7 =	vadd.f32 v27, v7  }
0x83: {  	v19 =	vadd.f32 v24, v19;
	v16 =	vadd.f32 v23, v16;
	v27 =	vperm.xlane v6, v1  }
0x84: {  	v26 =	vperm.xlane v4, v26;
	v10 =	vadd.f32 v25, v10;
	v23 =	vperm.xlane v7, v1  }
0x85: {  	v24 =	vld [tilespmem:s24+$0x2B80];
	v25 =	vmul.f32 v29, v28;
	v6 =	vadd.f32 v27, v6;
	v27 =	vperm.xlane v19, v1  }
0x86: {  	v29 =	vperm.xlane v4, v30;
	v30 =	vperm.xlane v10, v2;
	v7 =	vadd.f32 v23, v7  }
0x87: {  	v15 =	vadd.f32 v20, v15;
	v20 =	vperm.xlane v6, v2;
	v19 =	vadd.f32 v27, v19  }
0x88: {  	v23 =	vmul.f32 v26, v28;
	v10 =	vadd.f32 v30, v10;
	v26 =	vperm.xlane v7, v2  }
0x89: {  	v13 =	vadd.f32 v25, v13;
	v6 =	vadd.f32 v20, v6;
	v20 =	vperm.xlane v19, v2  }
0x8a: {  	v24 =	vperm.xlane v4, v24;
	v25 =	vperm.xlane v10, v3;
	v7 =	vadd.f32 v26, v7  }
0x8b: {  	v26 =	vmul.f32 v29, v28;
	v27 =	vperm.xlane v6, v3;
	v19 =	vadd.f32 v20, v19  }
0x8c: {  	v14 =	vadd.f32 v23, v14;
	v10 =	vadd.f32 v25, v10;
	v20 =	vperm.xlane v7, v3  }
0x8d: {  	v12 =	vadd.f32 v26, v12;
	v6 =	vadd.f32 v27, v6;
	v23 =	vperm.xlane v19, v3  }
0x8e: {  	v24 =	vmul.f32 v24, v28;
	v10 =	vadd.f32 v10, v5;
	v7 =	vadd.f32 v20, v7  }
0x8f: {  	v6 =	vadd.f32 v6, v5;
	v19 =	vadd.f32 v23, v19  }
0x90: {  	v8 =	vadd.f32 v24, v8;
	v20 =	vperm.xlane v22, v0;
	v7 =	vadd.f32 v7, v5  }
0x91: {  	v6 =	vsel vm0, v10, v6;
	v10 =	vadd.f32 v19, v5;
	v19 =	vperm.xlane v21, v0  }
0x92: {  	v6 =	vsel vm1, v6, v7;
	v7 =	vadd.f32 v20, v22;
	v20 =	vperm.xlane v11, v0  }
0x93: {  	v6 =	vsel vm2, v6, v10;
	v10 =	vadd.f32 v19, v21;
	v19 =	vperm.xlane v9, v0  }
0x94: {  	v21 =	vperm.xlane v7, v1;
	v11 =	vadd.f32 v20, v11;
	v20 =	vperm.xlane v18, v0  }
0x95: {  	v22 =	vperm.xlane v10, v1;
	v9 =	vadd.f32 v19, v9;
	v19 =	vperm.xlane v17, v0  }
0x96: {  	v7 =	vadd.f32 v21, v7;
	v21 =	vperm.xlane v11, v1;
	v18 =	vadd.f32 v20, v18  }
0x97: {  	v10 =	vadd.f32 v22, v10;
	v20 =	vperm.xlane v9, v1;
	v17 =	vadd.f32 v19, v17  }
0x98: {  	v19 =	vperm.xlane v7, v2;
	v11 =	vadd.f32 v21, v11;
	v21 =	vperm.xlane v18, v1  }
0x99: {  	v22 =	vperm.xlane v10, v2;
	v9 =	vadd.f32 v20, v9;
	v20 =	vperm.xlane v17, v1  }
0x9a: {  	v7 =	vadd.f32 v19, v7;
	v19 =	vperm.xlane v11, v2;
	v18 =	vadd.f32 v21, v18  }
0x9b: {  	v10 =	vadd.f32 v22, v10;
	v21 =	vperm.xlane v9, v2;
	v17 =	vadd.f32 v20, v17  }
0x9c: {  	v20 =	vperm.xlane v7, v3;
	v11 =	vadd.f32 v19, v11;
	v19 =	vperm.xlane v18, v2  }
0x9d: {  	v22 =	vperm.xlane v10, v3;
	v9 =	vadd.f32 v21, v9;
	v21 =	vperm.xlane v17, v2  }
0x9e: {  	v7 =	vadd.f32 v20, v7;
	v20 =	vperm.xlane v11, v3;
	v18 =	vadd.f32 v19, v18  }
0x9f: {  	v10 =	vadd.f32 v22, v10;
	v19 =	vperm.xlane v9, v3;
	v17 =	vadd.f32 v21, v17  }
0xa0: {  	v7 =	vadd.f32 v7, v5;
	v11 =	vadd.f32 v20, v11;
	v20 =	vperm.xlane v18, v3  }
0xa1: {  	v10 =	vadd.f32 v10, v5;
	v9 =	vadd.f32 v19, v9;
	v19 =	vperm.xlane v17, v3  }
0xa2: {  	v6 =	vsel vm3, v6, v7;
	v7 =	vadd.f32 v11, v5;
	v11 =	vadd.f32 v20, v18  }
0xa3: {  	v6 =	vsel vm4, v6, v10;
	v9 =	vadd.f32 v9, v5;
	v10 =	vadd.f32 v19, v17  }
0xa4: {  	v6 =	vsel vm5, v6, v7;
	v7 =	vadd.f32 v11, v5;
	v11 =	vperm.xlane v16, v0  }
0xa5: {  	v6 =	vsel vm6, v6, v9;
	v9 =	vadd.f32 v10, v5;
	v10 =	vperm.xlane v15, v0  }
0xa6: {  	v6 =	vsel vm7, v6, v7;
	v7 =	vadd.f32 v11, v16;
	v11 =	vperm.xlane v13, v0  }
0xa7: {  	v6 =	vsel vm8, v6, v9;
	v9 =	vadd.f32 v10, v15;
	v10 =	vperm.xlane v14, v0  }
0xa8: {  	v15 =	vperm.xlane v7, v1;
	v11 =	vadd.f32 v11, v13;
	v13 =	vperm.xlane v12, v0  }
0xa9: {  	v16 =	vperm.xlane v9, v1;
	v10 =	vadd.f32 v10, v14;
	v14 =	vperm.xlane v8, v0  }
0xaa: {  	v7 =	vadd.f32 v15, v7;
	v15 =	vperm.xlane v11, v1;
	v12 =	vadd.f32 v13, v12  }
0xab: {  	v9 =	vadd.f32 v16, v9;
	v13 =	vperm.xlane v10, v1;
	v8 =	vadd.f32 v14, v8  }
0xac: {  	v14 =	vperm.xlane v7, v2;
	v11 =	vadd.f32 v15, v11;
	v15 =	vperm.xlane v12, v1  }
0xad: {  	v16 =	vperm.xlane v9, v2;
	v10 =	vadd.f32 v13, v10;
	v13 =	vperm.xlane v8, v1  }
0xae: {  	v7 =	vadd.f32 v14, v7;
	v14 =	vperm.xlane v11, v2;
	v12 =	vadd.f32 v15, v12  }
0xaf: {  	v9 =	vadd.f32 v16, v9;
	v15 =	vperm.xlane v10, v2;
	v8 =	vadd.f32 v13, v8  }
0xb0: {  	v13 =	vperm.xlane v7, v3;
	v11 =	vadd.f32 v14, v11;
	v14 =	vperm.xlane v12, v2  }
0xb1: {  	v16 =	vperm.xlane v9, v3;
	v10 =	vadd.f32 v15, v10;
	v15 =	vperm.xlane v8, v2  }
0xb2: {  	v7 =	vadd.f32 v13, v7;
	v13 =	vperm.xlane v11, v3;
	v12 =	vadd.f32 v14, v12  }
0xb3: {  	v9 =	vadd.f32 v16, v9;
	v14 =	vperm.xlane v10, v3;
	v8 =	vadd.f32 v15, v8  }
0xb4: {  	v7 =	vadd.f32 v7, v5;
	v11 =	vadd.f32 v13, v11;
	v13 =	vperm.xlane v12, v3  }
0xb5: {  	v9 =	vadd.f32 v9, v5;
	v10 =	vadd.f32 v14, v10;
	v14 =	vperm.xlane v8, v3  }
0xb6: {  	v6 =	vsel vm9, v6, v7;
	v7 =	vadd.f32 v11, v5;
	v11 =	vadd.f32 v13, v12  }
0xb7: {  	v6 =	vsel vm10, v6, v9;
	v9 =	vadd.f32 v10, v5;
	v8 =	vadd.f32 v14, v8  }
0xb8: {  	v6 =	vsel vm11, v6, v7;
	v7 =	vadd.f32 v11, v5  }
0xb9: {  	v6 =	vsel vm12, v6, v9;
	v8 =	vadd.f32 v8, v5  }
0xba: {  	s25 =	sshll.u32 s21, $0x5;
	s26 =	simm.s32 $0x0;
	v6 =	vsel vm13, v6, v7  }
0xbb: {  	s23 =	sand.u32 $0x3FFFFFE0, s25;
	s31 =	sand.u32 $0x70, s26;
	s24 =	sand.u32 $0x3C00, s26;
	v6 =	vsel vm14, v6, v8  }
0xbc: {  	s25 =	sor.u32 s31, s24;
	[tilespmem:s23+$0x14780] =	vst v6  }
0xbd: {  	v6 =	vld [tilespmem:s25+$0x7B80]  }
0xbe: {  	s24 =	simm.s32 $0x14000;
	v7 =	vld [tilespmem:s25+$0x5000]  }
0xbf: {  	v11 =	vld [tilespmem:s24+$0x0]  }
0xc0: {  	v8 =	vld [tilespmem:s25+$0x5080]  }
0xc1: {  	v9 =	vld [tilespmem:s25+$0x5100]  }
0xc2: {  	v10 =	vld [tilespmem:s25+$0x5180]  }
0xc3: {  	v14 =	vld [tilespmem:s25+$0x5200]  }
0xc4: {  	v15 =	vld [tilespmem:s25+$0x5280]  }
0xc5: {  	v16 =	vld [tilespmem:s25+$0x5300]  }
0xc6: {  	v17 =	vld [tilespmem:s25+$0x5380]  }
0xc7: {  	v18 =	vld [tilespmem:s25+$0x7800];
	v6 =	vperm.xlane v4, v6  }
0xc8: {  	v22 =	vimm.f32 $0.0e+00;
	v7 =	vperm.xlane v4, v7;
	v12 =	vperm.xlane v4, v8  }
0xc9: {  	v21 =	vimm.f32 $0.0e+00;
	v9 =	vperm.xlane v4, v9;
	v10 =	vperm.xlane v4, v10  }
0xca: {  	v20 =	vimm.f32 $0.0e+00;
	v14 =	vperm.xlane v4, v14;
	v15 =	vperm.xlane v4, v15  }
0xcb: {  	v19 =	vimm.f32 $0.0e+00;
	v16 =	vperm.xlane v4, v16;
	v30 =	vperm.xlane v4, v17  }
0xcc: {  	v13 =	vimm.f32 $0.0e+00;
	v31 =	vperm.xlane v4, v18;
	v6 =	vmul.f32 v6, v11  }
0xcd: {  	v18 =	vimm.f32 $0.0e+00;
	v17 =	vimm.f32 $0.0e+00;
	v7 =	vmul.f32 v7, v11  }
0xce: {  	v24 =	vld [tilespmem:s25+$0x7880];
	v10 =	vmul.f32 v10, v11;
	v14 =	vmul.f32 v14, v11;
	v8 =	vadd.f32 v6, v13  }
0xcf: {  	v23 =	vld [tilespmem:s25+$0x7900];
	v6 =	vmul.f32 v12, v11;
	v12 =	vadd.f32 v7, v13;
	v7 =	vmul.f32 v9, v11  }
0xd0: {  	v25 =	vld [tilespmem:s25+$0x7980];
	v28 =	vmul.f32 v15, v11;
	v29 =	vmul.f32 v16, v11;
	v16 =	vimm.f32 $0.0e+00  }
0xd1: {  	s28 =	simm.s32 $0x10;
	s26 =	simm.s32 $0x80;
	v26 =	vld [tilespmem:s25+$0x7A00];
	v15 =	vimm.f32 $0.0e+00;
	v9 =	vadd.f32 v6, v13;
	v6 =	vadd.f32 v7, v13  }
0xd2: {  	s29 =	sand.u32 $0x70, s28;
	s28 =	simm.s32 $0x20;
	s30 =	sand.u32 $0x3C00, s26;
	v27 =	vld [tilespmem:s25+$0x7A80];
	v7 =	vadd.f32 v10, v13;
	v10 =	vadd.f32 v14, v13;
	v14 =	vimm.f32 $0.0e+00  }
.LBB2_6:
0xd3: {  	p0 =	sne.s32 s28, $0x4A0;
	v13 =	vadd.f32 v28, v13;
	v28 =	vmul.f32 v30, v11;
	v24 =	vperm.xlane v4, v24;
	v30 =	vld [tilespmem:s25+$0x7B00];
	s25 =	sor.u32 s29, s30  }
0xd4: {  	v32 =	vld [tilespmem:s25+$0x7B80];
	v22 =	vadd.f32 v29, v22;
	v29 =	vmul.f32 v31, v11;
	v23 =	vperm.xlane v4, v23  }
0xd5: {  	s24 =	sadd.s32 $0x10, s24;
	v31 =	vld [tilespmem:s25+$0x5000];
	v21 =	vadd.f32 v28, v21;
	v24 =	vmul.f32 v24, v11;
	v25 =	vperm.xlane v4, v25  }
0xd6: {  	v28 =	vld [tilespmem:s24+$0x0];
	v19 =	vadd.f32 v29, v19;
	v23 =	vmul.f32 v23, v11;
	v26 =	vperm.xlane v4, v26  }
0xd7: {  	v29 =	vld [tilespmem:s25+$0x5080];
	v20 =	vadd.f32 v24, v20;
	v24 =	vmul.f32 v25, v11;
	v25 =	vperm.xlane v4, v27  }
0xd8: {  	v27 =	vld [tilespmem:s25+$0x5100];
	v18 =	vadd.f32 v23, v18;
	v23 =	vmul.f32 v26, v11;
	v26 =	vperm.xlane v4, v30  }
0xd9: {  	v30 =	vld [tilespmem:s25+$0x5180];
	v32 =	vperm.xlane v4, v32;
	v16 =	vadd.f32 v24, v16;
	v24 =	vmul.f32 v25, v11  }
0xda: {  	v25 =	vperm.xlane v4, v31;
	v31 =	vld [tilespmem:s25+$0x5200];
	v17 =	vadd.f32 v23, v17;
	v23 =	vmul.f32 v26, v11  }
0xdb: {  	v26 =	vld [tilespmem:s25+$0x5280];
	v32 =	vmul.f32 v32, v28;
	v15 =	vadd.f32 v24, v15;
	v11 =	vmov v28  }
0xdc: {  	v24 =	vmul.f32 v25, v11;
	v25 =	vperm.xlane v4, v29;
	v28 =	vld [tilespmem:s25+$0x5300];
	v14 =	vadd.f32 v23, v14  }
0xdd: {  	v23 =	vperm.xlane v4, v27;
	v27 =	vld [tilespmem:s25+$0x5380];
	v8 =	vadd.f32 v32, v8  }
0xde: {  	v12 =	vadd.f32 v24, v12;
	v25 =	vmul.f32 v25, v11;
	v29 =	vperm.xlane v4, v30;
	v32 =	vld [tilespmem:s25+$0x7800]  }
.Ltmp6:
0xdf: {  	v30 =	vmul.f32 v23, v11;
	v31 =	vperm.xlane v4, v31;
	v24 =	vld [tilespmem:s25+$0x7880];
	(pc) =	sbr.rel @p0 .LBB2_6-.Ltmp6, $4  }
0xe0: {  	v9 =	vadd.f32 v25, v9;
	v29 =	vmul.f32 v29, v11;
	v26 =	vperm.xlane v4, v26;
	v23 =	vld [tilespmem:s25+$0x7900]  }
0xe1: {  	v6 =	vadd.f32 v30, v6;
	v31 =	vmul.f32 v31, v11;
	v33 =	vperm.xlane v4, v28;
	v25 =	vld [tilespmem:s25+$0x7980]  }
0xe2: {  	s26 =	sadd.s32 $0x80, s26;
	v7 =	vadd.f32 v29, v7;
	v28 =	vmul.f32 v26, v11;
	v30 =	vperm.xlane v4, v27;
	v26 =	vld [tilespmem:s25+$0x7A00]  }
0xe3: {  	s29 =	sand.u32 $0x70, s28;
	s28 =	sadd.s32 $0x10, s28;
	s30 =	sand.u32 $0x3C00, s26;
	v10 =	vadd.f32 v31, v10;
	v29 =	vmul.f32 v33, v11;
	v31 =	vperm.xlane v4, v32;
	v27 =	vld [tilespmem:s25+$0x7A80]  }
0xe4: {  	s26 =	sor.u32 s29, s30;
	v32 =	vld [tilespmem:s25+$0x7B00]  }
0xe5: {  	v33 =	vld [tilespmem:s26+$0x7B80]  }
0xe6: {  	v56 =	vld [tilespmem:s26+$0x5000]  }
0xe7: {  	v57 =	vld [tilespmem:s26+$0x5080]  }
0xe8: {  	v58 =	vld [tilespmem:s26+$0x5100]  }
0xe9: {  	v30 =	vmul.f32 v30, v11;
	v24 =	vperm.xlane v4, v24;
	v60 =	vld [tilespmem:s26+$0x5180]  }
0xea: {  	v55 =	vmul.f32 v31, v11;
	v23 =	vperm.xlane v4, v23;
	v63 =	vld [tilespmem:s26+$0x5200]  }
0xeb: {  	v37 =	vld [tilespmem:s26+$0x5280];
	v25 =	vperm.xlane v4, v25;
	v24 =	vmul.f32 v24, v11  }
0xec: {  	v40 =	vld [tilespmem:s26+$0x5300];
	v26 =	vperm.xlane v4, v26;
	v23 =	vmul.f32 v23, v11  }
0xed: {  	v43 =	vld [tilespmem:s26+$0x5380];
	v25 =	vmul.f32 v25, v11;
	v59 =	vperm.xlane v4, v27  }
0xee: {  	v45 =	vld [tilespmem:s26+$0x7800];
	v26 =	vmul.f32 v26, v11;
	v61 =	vperm.xlane v4, v32  }
0xef: {  	v48 =	vld [tilespmem:s26+$0x7880];
	v20 =	vadd.f32 v24, v20;
	v62 =	vperm.xlane v4, v33;
	v24 =	vmul.f32 v59, v11  }
0xf0: {  	s24 =	sadd.s32 $0x10, s24;
	v50 =	vld [tilespmem:s26+$0x7900];
	v36 =	vperm.xlane v4, v56;
	v42 =	vperm.xlane v4, v57  }
0xf1: {  	v22 =	vadd.f32 v29, v22;
	v29 =	vld [tilespmem:s24+$0x0];
	v44 =	vperm.xlane v4, v58;
	v27 =	vperm.xlane v4, v60  }
0xf2: {  	v47 =	vperm.xlane v4, v63;
	v49 =	vperm.xlane v4, v37  }
0xf3: {  	v51 =	vperm.xlane v4, v40;
	v52 =	vperm.xlane v4, v43  }
0xf4: {  	v13 =	vadd.f32 v28, v13;
	v54 =	vperm.xlane v4, v45;
	v56 =	vperm.xlane v4, v48  }
0xf5: {  	v53 =	vld [tilespmem:s26+$0x7980];
	v19 =	vadd.f32 v55, v19;
	v59 =	vperm.xlane v4, v50;
	v38 =	vmul.f32 v61, v11  }
0xf6: {  	v18 =	vadd.f32 v23, v18;
	v39 =	vmul.f32 v62, v29;
	v41 =	vmul.f32 v36, v29  }
0xf7: {  	v16 =	vadd.f32 v25, v16;
	v46 =	vmul.f32 v42, v29;
	v27 =	vmul.f32 v27, v29  }
0xf8: {  	v58 =	vld [tilespmem:s26+$0x7A00];
	v17 =	vadd.f32 v26, v17;
	v25 =	vmul.f32 v47, v29;
	v23 =	vmul.f32 v49, v29  }
0xf9: {  	v55 =	vmul.f32 v52, v29;
	v57 =	vmul.f32 v54, v29;
	v11 =	vadd.f32 v38, v14  }
0xfa: {  	v62 =	vperm.xlane v4, v53;
	v8 =	vadd.f32 v39, v8;
	v12 =	vadd.f32 v41, v12  }
0xfb: {  	v33 =	vld [tilespmem:s26+$0x7A80];
	v14 =	vmul.f32 v44, v29;
	v9 =	vadd.f32 v46, v9;
	v7 =	vadd.f32 v27, v7  }
0xfc: {  	v37 =	vld [tilespmem:s26+$0x7B00];
	v13 =	vadd.f32 v23, v13;
	v23 =	vmul.f32 v56, v29;
	v39 =	vmul.f32 v62, v29  }
0xfd: {  	v6 =	vadd.f32 v14, v6;
	v14 =	vmul.f32 v51, v29;
	v26 =	vperm.xlane v4, v58  }
0xfe: {  	v21 =	vadd.f32 v30, v21;
	v60 =	vperm.xlane v12, v0;
	v61 =	vperm.xlane v9, v0  }
0xff: {  	v15 =	vadd.f32 v24, v15;
	v34 =	vperm.xlane v7, v0;
	v63 =	vperm.xlane v6, v0  }
0x100: {  	v41 =	vperm.xlane v4, v33;
	v12 =	vadd.f32 v60, v12;
	v9 =	vadd.f32 v61, v9  }
0x101: {  	v24 =	vperm.xlane v4, v37;
	v7 =	vadd.f32 v34, v7;
	v6 =	vadd.f32 v63, v6  }
0x102: {  	v10 =	vadd.f32 v25, v10;
	v35 =	vperm.xlane v12, v1;
	v36 =	vperm.xlane v9, v1  }
0x103: {  	v21 =	vadd.f32 v55, v21;
	v40 =	vperm.xlane v7, v1;
	v38 =	vperm.xlane v6, v1  }
0x104: {  	v52 =	vperm.xlane v10, v0;
	v12 =	vadd.f32 v35, v12;
	v9 =	vadd.f32 v36, v9  }
0x105: {  	v53 =	vperm.xlane v13, v0;
	v7 =	vadd.f32 v40, v7;
	v6 =	vadd.f32 v38, v6  }
0x106: {  	v19 =	vadd.f32 v57, v19;
	v42 =	vperm.xlane v12, v2;
	v43 =	vperm.xlane v9, v2  }
0x107: {  	v20 =	vadd.f32 v23, v20;
	v46 =	vperm.xlane v7, v2;
	v45 =	vperm.xlane v6, v2  }
0x108: {  	v56 =	vperm.xlane v21, v0;
	v12 =	vadd.f32 v42, v12;
	v9 =	vadd.f32 v43, v9  }
0x109: {  	v58 =	vperm.xlane v19, v0;
	v7 =	vadd.f32 v46, v7;
	v6 =	vadd.f32 v45, v6  }
0x10a: {  	v16 =	vadd.f32 v39, v16;
	v47 =	vperm.xlane v12, v3;
	v49 =	vperm.xlane v9, v3  }
0x10b: {  	v14 =	vadd.f32 v14, v22;
	v51 =	vperm.xlane v7, v3;
	v50 =	vperm.xlane v6, v3  }
0x10c: {  	v22 =	vmul.f32 v59, v29;
	v12 =	vadd.f32 v47, v12;
	v9 =	vadd.f32 v49, v9  }
0x10d: {  	v44 =	vmul.f32 v26, v29;
	v7 =	vadd.f32 v51, v7;
	v6 =	vadd.f32 v50, v6  }
0x10e: {  	v48 =	vmul.f32 v41, v29;
	v12 =	vadd.f32 v12, v5;
	v9 =	vadd.f32 v9, v5  }
0x10f: {  	v24 =	vmul.f32 v24, v29;
	v54 =	vadd.f32 v52, v10;
	v6 =	vadd.f32 v6, v5  }
0x110: {  	v60 =	vperm.xlane v20, v0;
	v7 =	vadd.f32 v7, v5;
	v9 =	vsel vm0, v12, v9  }
0x111: {  	v18 =	vadd.f32 v22, v18;
	v55 =	vperm.xlane v14, v0;
	v6 =	vsel vm1, v9, v6  }
0x112: {  	v17 =	vadd.f32 v44, v17;
	v6 =	vsel vm2, v6, v7;
	v7 =	vadd.f32 v53, v13  }
0x113: {  	v15 =	vadd.f32 v48, v15;
	v57 =	vperm.xlane v54, v1;
	v10 =	vadd.f32 v55, v14  }
0x114: {  	v11 =	vadd.f32 v24, v11;
	v12 =	vadd.f32 v56, v21;
	v59 =	vperm.xlane v7, v1  }
0x115: {  	v14 =	vadd.f32 v58, v19;
	v61 =	vperm.xlane v10, v1;
	v9 =	vadd.f32 v57, v54  }
0x116: {  	v20 =	vadd.f32 v60, v20;
	v62 =	vperm.xlane v12, v1;
	v7 =	vadd.f32 v59, v7  }
0x117: {  	v24 =	vperm.xlane v14, v1;
	v10 =	vadd.f32 v61, v10;
	v63 =	vperm.xlane v9, v2  }
0x118: {  	v25 =	vperm.xlane v20, v1;
	v12 =	vadd.f32 v62, v12;
	v22 =	vperm.xlane v7, v2  }
0x119: {  	v26 =	vperm.xlane v10, v2;
	v13 =	vadd.f32 v24, v14;
	v9 =	vadd.f32 v63, v9  }
0x11a: {  	v19 =	vadd.f32 v25, v20;
	v27 =	vperm.xlane v12, v2;
	v7 =	vadd.f32 v22, v7  }
0x11b: {  	v10 =	vadd.f32 v26, v10;
	v29 =	vperm.xlane v13, v2;
	v28 =	vperm.xlane v9, v3  }
0x11c: {  	v30 =	vperm.xlane v19, v2;
	v12 =	vadd.f32 v27, v12;
	v22 =	vperm.xlane v7, v3  }
0x11d: {  	v31 =	vperm.xlane v10, v3;
	v13 =	vadd.f32 v29, v13;
	v9 =	vadd.f32 v28, v9  }
0x11e: {  	v14 =	vadd.f32 v30, v19;
	v32 =	vperm.xlane v12, v3;
	v7 =	vadd.f32 v22, v7  }
0x11f: {  	v10 =	vadd.f32 v31, v10;
	v33 =	vperm.xlane v13, v3;
	v9 =	vadd.f32 v9, v5  }
0x120: {  	v34 =	vperm.xlane v14, v3;
	v12 =	vadd.f32 v32, v12;
	v7 =	vadd.f32 v7, v5  }
0x121: {  	v35 =	vadd.f32 v10, v5;
	v36 =	vadd.f32 v33, v13;
	v6 =	vsel vm3, v6, v9  }
0x122: {  	v37 =	vadd.f32 v34, v14;
	v6 =	vsel vm4, v6, v7;
	v7 =	vadd.f32 v12, v5  }
0x123: {  	v39 =	vperm.xlane v18, v0;
	v38 =	vadd.f32 v36, v5;
	v6 =	vsel vm5, v6, v35  }
0x124: {  	v40 =	vperm.xlane v16, v0;
	v6 =	vsel vm6, v6, v7;
	v7 =	vadd.f32 v37, v5  }
0x125: {  	v41 =	vadd.f32 v39, v18;
	v42 =	vperm.xlane v17, v0;
	v6 =	vsel vm7, v6, v38  }
0x126: {  	v43 =	vperm.xlane v15, v0;
	v6 =	vsel vm8, v6, v7;
	v7 =	vadd.f32 v40, v16  }
0x127: {  	v44 =	vperm.xlane v41, v1;
	v45 =	vperm.xlane v11, v0;
	v10 =	vadd.f32 v42, v17  }
0x128: {  	v46 =	vperm.xlane v8, v0;
	v12 =	vadd.f32 v43, v15;
	v16 =	vperm.xlane v7, v1  }
0x129: {  	v11 =	vadd.f32 v45, v11;
	v47 =	vperm.xlane v10, v1;
	v9 =	vadd.f32 v44, v41  }
0x12a: {  	v8 =	vadd.f32 v46, v8;
	v48 =	vperm.xlane v12, v1;
	v7 =	vadd.f32 v16, v7  }
0x12b: {  	v50 =	vperm.xlane v11, v1;
	v10 =	vadd.f32 v47, v10;
	v49 =	vperm.xlane v9, v2  }
0x12c: {  	v51 =	vperm.xlane v8, v1;
	v12 =	vadd.f32 v48, v12;
	v16 =	vperm.xlane v7, v2  }
0x12d: {  	v11 =	vadd.f32 v50, v11;
	v52 =	vperm.xlane v10, v2;
	v9 =	vadd.f32 v49, v9  }
0x12e: {  	v8 =	vadd.f32 v51, v8;
	v53 =	vperm.xlane v12, v2;
	v7 =	vadd.f32 v16, v7  }
0x12f: {  	v55 =	vperm.xlane v11, v2;
	v10 =	vadd.f32 v52, v10;
	v54 =	vperm.xlane v9, v3  }
0x130: {  	v56 =	vperm.xlane v8, v2;
	v12 =	vadd.f32 v53, v12;
	v16 =	vperm.xlane v7, v3  }
0x131: {  	v11 =	vadd.f32 v55, v11;
	v57 =	vperm.xlane v10, v3;
	v9 =	vadd.f32 v54, v9  }
0x132: {  	v8 =	vadd.f32 v56, v8;
	v58 =	vperm.xlane v12, v3;
	v7 =	vadd.f32 v16, v7  }
0x133: {  	v59 =	vperm.xlane v11, v3;
	v10 =	vadd.f32 v57, v10;
	v9 =	vadd.f32 v9, v5  }
0x134: {  	v60 =	vperm.xlane v8, v3;
	v12 =	vadd.f32 v58, v12;
	v7 =	vadd.f32 v7, v5  }
0x135: {  	v62 =	vadd.f32 v59, v11;
	v61 =	vadd.f32 v10, v5;
	v6 =	vsel vm9, v6, v9  }
0x136: {  	p0 =	seq.s32 s22, $0x0;
	v8 =	vadd.f32 v60, v8;
	v6 =	vsel vm10, v6, v7;
	v7 =	vadd.f32 v12, v5  }
.Ltmp7:
0x137: {  	v63 =	vadd.f32 v62, v5;
	v6 =	vsel vm11, v6, v61;
	(pc) =	sbr.rel @p0 .LBB2_13-.Ltmp7, $4  }
0x138: {  	v6 =	vsel vm12, v6, v7;
	v7 =	vadd.f32 v8, v5  }
0x139: {  	v6 =	vsel vm13, v6, v63  }
0x13a: {  	v6 =	vsel vm14, v6, v7  }
0x13b: {  	[tilespmem:s23+$0x14790] =	vst v6  }
.LBB2_8:
0x13c: {  	p0 =	seq.s32 s21, $0xF  }
0x13d: {  	s22 =	sshll.u32 @!p0 s20, $0x5  }
0x13e: {  	s22 =	sadd.s32 @!p0 s3, s22  }
0x13f: {  	s22 =	sshrl.u32 @!p0 s22, $0x3  }
0x140: {  	s22 =	smul.u32 @!p0 $0x500, s22;
	_ =	sdelay $0x1  }
0x141: {  	s23 =	simm.s32 @!p0 $0x0;
	s22 =	sadd.s32 @!p0 s4, s22  }
0x142: {  	[tilespmem:s23], [sflag:$0x1] =	stream.linear.gather @!p0 [hbm4b:s22+s23], $0xA000, $0x38;
	[tilespmem:$0x14980] =	vst v63  }
0x143: {  	s23 =	simm.s32 $0x0;
	_ =	swait.ge [sflag:s15], $0xA000  }
0x144: {  	s24 =	sand.u32 $0x70, s23;
	s25 =	sand.u32 $0x3C00, s23;
	[sflag:s15] =	ssyncset.done $0x0  }
0x145: {  	s24 =	sor.u32 s24, s25;
	[sflag:s15] =	ssyncadd.s32 $0xFFFF6000  }
0x146: {  	v7 =	vld [tilespmem:s24+$0xA000]  }
0x147: {  	v9 =	vld [tilespmem:s24+$0xA080]  }
0x148: {  	v10 =	vld [tilespmem:s24+$0xA100]  }
0x149: {  	s31 =	sand.u32 $0x7, s23;
	v11 =	vld [tilespmem:s24+$0xA180]  }
0x14a: {  	s22 =	sshll.u32 s31, $0x4;
	v12 =	vld [tilespmem:s24+$0xA200]  }
0x14b: {  	s22 =	sadd.s32 $0x0, s22;
	v13 =	vld [tilespmem:s24+$0xA280]  }
0x14c: {  	s22 =	sor.u32 $0x380, s22;
	v14 =	vld [tilespmem:s24+$0xA300]  }
0x14d: {  	v6 =	vld [tilespmem:s22+$0xA000];
	s22 =	simm.s32 $0x14000  }
0x14e: {  	v8 =	vld [tilespmem:s22+$0x0]  }
0x14f: {  	v19 =	vimm.f32 $0.0e+00;
	v22 =	vimm.f32 $0.0e+00;
	v7 =	vperm.xlane v4, v7  }
0x150: {  	v21 =	vimm.f32 $0.0e+00;
	v9 =	vperm.xlane v4, v9;
	v10 =	vperm.xlane v4, v10  }
0x151: {  	v20 =	vimm.f32 $0.0e+00;
	v11 =	vperm.xlane v4, v11;
	v12 =	vperm.xlane v4, v12  }
0x152: {  	v18 =	vimm.f32 $0.0e+00;
	v31 =	vperm.xlane v4, v13;
	v29 =	vperm.xlane v4, v14  }
0x153: {  	v17 =	vimm.f32 $0.0e+00;
	v6 =	vperm.xlane v4, v6;
	v7 =	vmul.f32 v7, v8  }
0x154: {  	v27 =	vld [tilespmem:s24+$0xC800];
	v13 =	vimm.f32 $0.0e+00;
	v15 =	vmul.f32 v9, v8;
	v16 =	vmul.f32 v10, v8  }
0x155: {  	v26 =	vld [tilespmem:s24+$0xC880];
	v14 =	vimm.f32 $0.0e+00;
	v30 =	vmul.f32 v11, v8;
	v28 =	vmul.f32 v12, v8  }
0x156: {  	v24 =	vld [tilespmem:s24+$0xC900];
	v12 =	vimm.f32 $0.0e+00;
	v11 =	vimm.f32 $0.0e+00;
	v6 =	vmul.f32 v6, v8  }
0x157: {  	s25 =	simm.s32 $0x1;
	v23 =	vld [tilespmem:s24+$0xC980];
	v10 =	vadd.f32 v7, v19;
	v7 =	vadd.f32 v16, v19;
	v16 =	vimm.f32 $0.0e+00  }
0x158: {  	s28 =	simm.s32 $0x10;
	s26 =	simm.s32 $0x20;
	s29 =	sand.u32 $0x7, s25;
	v25 =	vld [tilespmem:s24+$0xCA00];
	v9 =	vadd.f32 v6, v19;
	v6 =	vadd.f32 v15, v19;
	v15 =	vimm.f32 $0.0e+00  }
.LBB2_9:
0x159: {  	p0 =	sne.s32 s26, $0x4A0;
	s29 =	sshll.u32 s29, $0x4;
	v19 =	vadd.f32 v30, v19;
	v30 =	vmul.f32 v31, v8;
	v27 =	vperm.xlane v4, v27;
	v31 =	vld [tilespmem:s24+$0xCA80];
	s23 =	sadd.s32 $0x80, s23  }
0x15a: {  	s28 =	sand.u32 $0x70, s28;
	s29 =	sadd.s32 s29, s23;
	s30 =	sand.u32 $0x3C00, s23;
	v22 =	vadd.f32 v28, v22;
	v28 =	vmul.f32 v29, v8;
	v26 =	vperm.xlane v4, v26;
	v29 =	vld [tilespmem:s24+$0xCB00]  }
0x15b: {  	s29 =	sor.u32 $0x380, s29;
	v21 =	vadd.f32 v30, v21;
	v27 =	vmul.f32 v27, v8;
	v24 =	vperm.xlane v4, v24;
	v30 =	vld [tilespmem:s24+$0xCB80];
	s24 =	sor.u32 s28, s30;
	s28 =	smov.u32 s26  }
0x15c: {  	v32 =	vld [tilespmem:s29+$0xA000];
	v20 =	vadd.f32 v28, v20;
	v26 =	vmul.f32 v26, v8;
	v23 =	vperm.xlane v4, v23  }
0x15d: {  	s22 =	sadd.s32 $0x10, s22;
	v28 =	vld [tilespmem:s24+$0xA000];
	v18 =	vadd.f32 v27, v18;
	v24 =	vmul.f32 v24, v8;
	v25 =	vperm.xlane v4, v25  }
0x15e: {  	v27 =	vld [tilespmem:s22+$0x0];
	v17 =	vadd.f32 v26, v17;
	v23 =	vmul.f32 v23, v8;
	v26 =	vperm.xlane v4, v31  }
0x15f: {  	v31 =	vld [tilespmem:s24+$0xA080];
	v16 =	vadd.f32 v24, v16;
	v24 =	vmul.f32 v25, v8;
	v25 =	vperm.xlane v4, v29  }
0x160: {  	v29 =	vld [tilespmem:s24+$0xA100];
	v15 =	vadd.f32 v23, v15;
	v23 =	vmul.f32 v26, v8;
	v26 =	vperm.xlane v4, v30  }
0x161: {  	v30 =	vld [tilespmem:s24+$0xA180];
	v32 =	vperm.xlane v4, v32;
	v13 =	vadd.f32 v24, v13;
	v24 =	vmul.f32 v25, v8  }
0x162: {  	v25 =	vperm.xlane v4, v28;
	v28 =	vld [tilespmem:s24+$0xA200];
	v14 =	vadd.f32 v23, v14;
	v23 =	vmul.f32 v26, v8  }
0x163: {  	v33 =	vld [tilespmem:s24+$0xA280];
	v26 =	vmul.f32 v32, v27;
	v12 =	vadd.f32 v24, v12;
	v8 =	vmov v27  }
0x164: {  	v24 =	vmul.f32 v25, v8;
	v25 =	vperm.xlane v4, v31;
	v32 =	vld [tilespmem:s24+$0xA300];
	v11 =	vadd.f32 v23, v11  }
.Ltmp8:
0x165: {  	v23 =	vperm.xlane v4, v29;
	v9 =	vadd.f32 v26, v9;
	v27 =	vld [tilespmem:s24+$0xC800];
	(pc) =	sbr.rel @p0 .LBB2_9-.Ltmp8, $4  }
0x166: {  	v10 =	vadd.f32 v24, v10;
	v25 =	vmul.f32 v25, v8;
	v29 =	vperm.xlane v4, v30;
	v26 =	vld [tilespmem:s24+$0xC880]  }
0x167: {  	v34 =	vmul.f32 v23, v8;
	v28 =	vperm.xlane v4, v28;
	v24 =	vld [tilespmem:s24+$0xC900]  }
0x168: {  	s25 =	sadd.s32 $0x1, s25;
	v6 =	vadd.f32 v25, v6;
	v30 =	vmul.f32 v29, v8;
	v31 =	vperm.xlane v4, v33;
	v23 =	vld [tilespmem:s24+$0xC980]  }
0x169: {  	s26 =	sadd.s32 $0x10, s26;
	s29 =	sand.u32 $0x7, s25;
	v7 =	vadd.f32 v34, v7;
	v28 =	vmul.f32 v28, v8;
	v29 =	vperm.xlane v4, v32;
	v25 =	vld [tilespmem:s24+$0xCA00]  }
0x16a: {  	s25 =	sshll.u32 s29, $0x4;
	v32 =	vld [tilespmem:s24+$0xCA80];
	s23 =	sadd.s32 $0x80, s23  }
0x16b: {  	v27 =	vperm.xlane v4, v27;
	v33 =	vld [tilespmem:s24+$0xCB00];
	s25 =	sadd.s32 s25, s23  }
0x16c: {  	v19 =	vadd.f32 v30, v19;
	v30 =	vmul.f32 v31, v8;
	s26 =	sand.u32 $0x70, s28;
	v31 =	vld [tilespmem:s24+$0xCB80];
	s23 =	sand.u32 $0x3C00, s23;
	v26 =	vperm.xlane v4, v26;
	s25 =	sor.u32 $0x380, s25  }
0x16d: {  	v22 =	vadd.f32 v28, v22;
	v28 =	vmul.f32 v29, v8;
	s23 =	sor.u32 s26, s23;
	v27 =	vmul.f32 v27, v8;
	v29 =	vld [tilespmem:s25+$0xA000]  }
0x16e: {  	s22 =	sadd.s32 $0x10, s22;
	v21 =	vadd.f32 v30, v21;
	v24 =	vperm.xlane v4, v24;
	v26 =	vmul.f32 v26, v8;
	v30 =	vld [tilespmem:s23+$0xA000]  }
0x16f: {  	v20 =	vadd.f32 v28, v20;
	v23 =	vperm.xlane v4, v23;
	v28 =	vld [tilespmem:s22+$0x0];
	v25 =	vperm.xlane v4, v25  }
0x170: {  	v61 =	vld [tilespmem:s23+$0xA080];
	v18 =	vadd.f32 v27, v18;
	v24 =	vmul.f32 v24, v8;
	v27 =	vperm.xlane v4, v32  }
0x171: {  	v62 =	vld [tilespmem:s23+$0xA180];
	v17 =	vadd.f32 v26, v17;
	v23 =	vmul.f32 v23, v8;
	v25 =	vmul.f32 v25, v8  }
0x172: {  	v26 =	vld [tilespmem:s23+$0xA100];
	v16 =	vadd.f32 v24, v16;
	v24 =	vperm.xlane v4, v33;
	v27 =	vmul.f32 v27, v8  }
0x173: {  	v63 =	vld [tilespmem:s23+$0xC880];
	v15 =	vadd.f32 v23, v15;
	v23 =	vperm.xlane v4, v31;
	v29 =	vperm.xlane v4, v29  }
0x174: {  	v31 =	vld [tilespmem:s23+$0xA200];
	v13 =	vadd.f32 v25, v13;
	v24 =	vmul.f32 v24, v8;
	v25 =	vperm.xlane v4, v30  }
0x175: {  	v30 =	vld [tilespmem:s23+$0xA280];
	v14 =	vadd.f32 v27, v14;
	v8 =	vmul.f32 v23, v8;
	v23 =	vmul.f32 v29, v28  }
0x176: {  	v27 =	vld [tilespmem:s23+$0xA300];
	v12 =	vadd.f32 v24, v12;
	v24 =	vmul.f32 v25, v28;
	v25 =	vperm.xlane v4, v61  }
0x177: {  	v29 =	vld [tilespmem:s23+$0xC800];
	v8 =	vadd.f32 v8, v11;
	v11 =	vperm.xlane v4, v26  }
0x178: {  	v26 =	vperm.xlane v4, v62;
	v9 =	vadd.f32 v23, v9;
	v23 =	vmul.f32 v25, v28  }
0x179: {  	v25 =	vperm.xlane v4, v31;
	v10 =	vadd.f32 v24, v10;
	v11 =	vmul.f32 v11, v28  }
0x17a: {  	v24 =	vld [tilespmem:s23+$0xC900];
	v26 =	vmul.f32 v26, v28;
	v6 =	vadd.f32 v23, v6;
	v23 =	vperm.xlane v4, v30  }
0x17b: {  	v30 =	vld [tilespmem:s23+$0xC980];
	v25 =	vmul.f32 v25, v28;
	v7 =	vadd.f32 v11, v7;
	v11 =	vperm.xlane v4, v27  }
0x17c: {  	v27 =	vperm.xlane v4, v29;
	v19 =	vadd.f32 v26, v19;
	v26 =	vperm.xlane v4, v63  }
0x17d: {  	v29 =	vld [tilespmem:s23+$0xCA00];
	v23 =	vmul.f32 v23, v28;
	v11 =	vmul.f32 v11, v28  }
0x17e: {  	v22 =	vadd.f32 v25, v22;
	v25 =	vmul.f32 v27, v28;
	v27 =	vperm.xlane v10, v0  }
0x17f: {  	v21 =	vadd.f32 v23, v21;
	v23 =	vperm.xlane v4, v24;
	v24 =	vmul.f32 v26, v28  }
0x180: {  	v11 =	vadd.f32 v11, v20;
	v20 =	vperm.xlane v4, v30;
	v18 =	vadd.f32 v25, v18  }
0x181: {  	v26 =	vld [tilespmem:s23+$0xCA80];
	v25 =	vperm.xlane v6, v0;
	v10 =	vadd.f32 v27, v10;
	v27 =	vperm.xlane v7, v0  }
0x182: {  	v23 =	vmul.f32 v23, v28;
	v29 =	vperm.xlane v4, v29  }
0x183: {  	v30 =	vld [tilespmem:s23+$0xCB00];
	v17 =	vadd.f32 v24, v17;
	v24 =	vperm.xlane v19, v0;
	v6 =	vadd.f32 v25, v6  }
0x184: {  	v20 =	vmul.f32 v20, v28;
	v25 =	vperm.xlane v10, v1;
	v7 =	vadd.f32 v27, v7  }
0x185: {  	v19 =	vadd.f32 v24, v19;
	v16 =	vadd.f32 v23, v16;
	v27 =	vperm.xlane v6, v1  }
0x186: {  	v26 =	vperm.xlane v4, v26;
	v10 =	vadd.f32 v25, v10;
	v23 =	vperm.xlane v7, v1  }
0x187: {  	v24 =	vld [tilespmem:s23+$0xCB80];
	v25 =	vmul.f32 v29, v28;
	v6 =	vadd.f32 v27, v6;
	v27 =	vperm.xlane v19, v1  }
0x188: {  	v29 =	vperm.xlane v4, v30;
	v30 =	vperm.xlane v10, v2;
	v7 =	vadd.f32 v23, v7  }
0x189: {  	v15 =	vadd.f32 v20, v15;
	v20 =	vperm.xlane v6, v2;
	v19 =	vadd.f32 v27, v19  }
0x18a: {  	v23 =	vmul.f32 v26, v28;
	v10 =	vadd.f32 v30, v10;
	v26 =	vperm.xlane v7, v2  }
0x18b: {  	v13 =	vadd.f32 v25, v13;
	v6 =	vadd.f32 v20, v6;
	v20 =	vperm.xlane v19, v2  }
0x18c: {  	v24 =	vperm.xlane v4, v24;
	v25 =	vperm.xlane v10, v3;
	v7 =	vadd.f32 v26, v7  }
0x18d: {  	v26 =	vmul.f32 v29, v28;
	v27 =	vperm.xlane v6, v3;
	v19 =	vadd.f32 v20, v19  }
0x18e: {  	v14 =	vadd.f32 v23, v14;
	v10 =	vadd.f32 v25, v10;
	v20 =	vperm.xlane v7, v3  }
0x18f: {  	v12 =	vadd.f32 v26, v12;
	v6 =	vadd.f32 v27, v6;
	v23 =	vperm.xlane v19, v3  }
0x190: {  	v24 =	vmul.f32 v24, v28;
	v10 =	vadd.f32 v10, v5;
	v7 =	vadd.f32 v20, v7  }
0x191: {  	v6 =	vadd.f32 v6, v5;
	v19 =	vadd.f32 v23, v19  }
0x192: {  	v8 =	vadd.f32 v24, v8;
	v20 =	vperm.xlane v22, v0;
	v7 =	vadd.f32 v7, v5  }
0x193: {  	v6 =	vsel vm0, v10, v6;
	v10 =	vadd.f32 v19, v5;
	v19 =	vperm.xlane v21, v0  }
0x194: {  	v6 =	vsel vm1, v6, v7;
	v7 =	vadd.f32 v20, v22;
	v20 =	vperm.xlane v11, v0  }
0x195: {  	v6 =	vsel vm2, v6, v10;
	v10 =	vadd.f32 v19, v21;
	v19 =	vperm.xlane v9, v0  }
0x196: {  	v21 =	vperm.xlane v7, v1;
	v11 =	vadd.f32 v20, v11;
	v20 =	vperm.xlane v18, v0  }
0x197: {  	v22 =	vperm.xlane v10, v1;
	v9 =	vadd.f32 v19, v9;
	v19 =	vperm.xlane v17, v0  }
0x198: {  	v7 =	vadd.f32 v21, v7;
	v21 =	vperm.xlane v11, v1;
	v18 =	vadd.f32 v20, v18  }
0x199: {  	v10 =	vadd.f32 v22, v10;
	v20 =	vperm.xlane v9, v1;
	v17 =	vadd.f32 v19, v17  }
0x19a: {  	v19 =	vperm.xlane v7, v2;
	v11 =	vadd.f32 v21, v11;
	v21 =	vperm.xlane v18, v1  }
0x19b: {  	v22 =	vperm.xlane v10, v2;
	v9 =	vadd.f32 v20, v9;
	v20 =	vperm.xlane v17, v1  }
0x19c: {  	v7 =	vadd.f32 v19, v7;
	v19 =	vperm.xlane v11, v2;
	v18 =	vadd.f32 v21, v18  }
0x19d: {  	v10 =	vadd.f32 v22, v10;
	v21 =	vperm.xlane v9, v2;
	v17 =	vadd.f32 v20, v17  }
0x19e: {  	v20 =	vperm.xlane v7, v3;
	v11 =	vadd.f32 v19, v11;
	v19 =	vperm.xlane v18, v2  }
0x19f: {  	v22 =	vperm.xlane v10, v3;
	v9 =	vadd.f32 v21, v9;
	v21 =	vperm.xlane v17, v2  }
0x1a0: {  	v7 =	vadd.f32 v20, v7;
	v20 =	vperm.xlane v11, v3;
	v18 =	vadd.f32 v19, v18  }
0x1a1: {  	v10 =	vadd.f32 v22, v10;
	v19 =	vperm.xlane v9, v3;
	v17 =	vadd.f32 v21, v17  }
0x1a2: {  	v7 =	vadd.f32 v7, v5;
	v11 =	vadd.f32 v20, v11;
	v20 =	vperm.xlane v18, v3  }
0x1a3: {  	v10 =	vadd.f32 v10, v5;
	v9 =	vadd.f32 v19, v9;
	v19 =	vperm.xlane v17, v3  }
0x1a4: {  	v6 =	vsel vm3, v6, v7;
	v7 =	vadd.f32 v11, v5;
	v11 =	vadd.f32 v20, v18  }
0x1a5: {  	v6 =	vsel vm4, v6, v10;
	v9 =	vadd.f32 v9, v5;
	v10 =	vadd.f32 v19, v17  }
0x1a6: {  	v6 =	vsel vm5, v6, v7;
	v7 =	vadd.f32 v11, v5;
	v11 =	vperm.xlane v16, v0  }
0x1a7: {  	v6 =	vsel vm6, v6, v9;
	v9 =	vadd.f32 v10, v5;
	v10 =	vperm.xlane v15, v0  }
0x1a8: {  	v6 =	vsel vm7, v6, v7;
	v7 =	vadd.f32 v11, v16;
	v11 =	vperm.xlane v13, v0  }
0x1a9: {  	v6 =	vsel vm8, v6, v9;
	v9 =	vadd.f32 v10, v15;
	v10 =	vperm.xlane v14, v0  }
0x1aa: {  	v15 =	vperm.xlane v7, v1;
	v11 =	vadd.f32 v11, v13;
	v13 =	vperm.xlane v12, v0  }
0x1ab: {  	v16 =	vperm.xlane v9, v1;
	v10 =	vadd.f32 v10, v14;
	v14 =	vperm.xlane v8, v0  }
0x1ac: {  	v7 =	vadd.f32 v15, v7;
	v15 =	vperm.xlane v11, v1;
	v12 =	vadd.f32 v13, v12  }
0x1ad: {  	v9 =	vadd.f32 v16, v9;
	v13 =	vperm.xlane v10, v1;
	v8 =	vadd.f32 v14, v8  }
0x1ae: {  	v14 =	vperm.xlane v7, v2;
	v11 =	vadd.f32 v15, v11;
	v15 =	vperm.xlane v12, v1  }
0x1af: {  	v16 =	vperm.xlane v9, v2;
	v10 =	vadd.f32 v13, v10;
	v13 =	vperm.xlane v8, v1  }
0x1b0: {  	v7 =	vadd.f32 v14, v7;
	v14 =	vperm.xlane v11, v2;
	v12 =	vadd.f32 v15, v12  }
0x1b1: {  	v9 =	vadd.f32 v16, v9;
	v15 =	vperm.xlane v10, v2;
	v8 =	vadd.f32 v13, v8  }
0x1b2: {  	v13 =	vperm.xlane v7, v3;
	v11 =	vadd.f32 v14, v11;
	v14 =	vperm.xlane v12, v2  }
0x1b3: {  	v16 =	vperm.xlane v9, v3;
	v10 =	vadd.f32 v15, v10;
	v15 =	vperm.xlane v8, v2  }
0x1b4: {  	v7 =	vadd.f32 v13, v7;
	v13 =	vperm.xlane v11, v3;
	v12 =	vadd.f32 v14, v12  }
0x1b5: {  	v9 =	vadd.f32 v16, v9;
	v14 =	vperm.xlane v10, v3;
	v8 =	vadd.f32 v15, v8  }
0x1b6: {  	v7 =	vadd.f32 v7, v5;
	v11 =	vadd.f32 v13, v11;
	v13 =	vperm.xlane v12, v3  }
0x1b7: {  	v9 =	vadd.f32 v9, v5;
	v10 =	vadd.f32 v14, v10;
	v14 =	vperm.xlane v8, v3  }
0x1b8: {  	v6 =	vsel vm9, v6, v7;
	v7 =	vadd.f32 v11, v5;
	v11 =	vadd.f32 v13, v12  }
0x1b9: {  	v6 =	vsel vm10, v6, v9;
	v9 =	vadd.f32 v10, v5;
	v8 =	vadd.f32 v14, v8  }
0x1ba: {  	v6 =	vsel vm11, v6, v7;
	v7 =	vadd.f32 v11, v5  }
0x1bb: {  	v6 =	vsel vm12, v6, v9;
	v8 =	vadd.f32 v8, v5  }
0x1bc: {  	s21 =	sshll.u32 s21, $0x5;
	s29 =	simm.s32 $0x0;
	v6 =	vsel vm13, v6, v7  }
0x1bd: {  	s21 =	sand.u32 $0x3FFFFFE0, s21;
	s30 =	sand.u32 $0x70, s29;
	s22 =	sand.u32 $0x3C00, s29;
	v6 =	vsel vm14, v6, v8  }
0x1be: {  	s23 =	sor.u32 s30, s22;
	[tilespmem:s21+$0x14780] =	vst v6  }
0x1bf: {  	v6 =	vld [tilespmem:s23+$0x11B80]  }
0x1c0: {  	s22 =	simm.s32 $0x14000;
	v7 =	vld [tilespmem:s23+$0xF000]  }
0x1c1: {  	v11 =	vld [tilespmem:s22+$0x0]  }
0x1c2: {  	v8 =	vld [tilespmem:s23+$0xF080]  }
0x1c3: {  	v9 =	vld [tilespmem:s23+$0xF100]  }
0x1c4: {  	v10 =	vld [tilespmem:s23+$0xF180]  }
0x1c5: {  	v14 =	vld [tilespmem:s23+$0xF200]  }
0x1c6: {  	v15 =	vld [tilespmem:s23+$0xF280]  }
0x1c7: {  	v16 =	vld [tilespmem:s23+$0xF300]  }
0x1c8: {  	v17 =	vld [tilespmem:s23+$0xF380]  }
0x1c9: {  	v18 =	vld [tilespmem:s23+$0x11800];
	v6 =	vperm.xlane v4, v6  }
0x1ca: {  	v22 =	vimm.f32 $0.0e+00;
	v7 =	vperm.xlane v4, v7;
	v12 =	vperm.xlane v4, v8  }
0x1cb: {  	v21 =	vimm.f32 $0.0e+00;
	v9 =	vperm.xlane v4, v9;
	v10 =	vperm.xlane v4, v10  }
0x1cc: {  	v20 =	vimm.f32 $0.0e+00;
	v14 =	vperm.xlane v4, v14;
	v15 =	vperm.xlane v4, v15  }
0x1cd: {  	v19 =	vimm.f32 $0.0e+00;
	v16 =	vperm.xlane v4, v16;
	v30 =	vperm.xlane v4, v17  }
0x1ce: {  	v13 =	vimm.f32 $0.0e+00;
	v31 =	vperm.xlane v4, v18;
	v6 =	vmul.f32 v6, v11  }
0x1cf: {  	v18 =	vimm.f32 $0.0e+00;
	v17 =	vimm.f32 $0.0e+00;
	v7 =	vmul.f32 v7, v11  }
0x1d0: {  	v24 =	vld [tilespmem:s23+$0x11880];
	v10 =	vmul.f32 v10, v11;
	v14 =	vmul.f32 v14, v11;
	v8 =	vadd.f32 v6, v13  }
0x1d1: {  	v23 =	vld [tilespmem:s23+$0x11900];
	v6 =	vmul.f32 v12, v11;
	v12 =	vadd.f32 v7, v13;
	v7 =	vmul.f32 v9, v11  }
0x1d2: {  	v25 =	vld [tilespmem:s23+$0x11980];
	v28 =	vmul.f32 v15, v11;
	v29 =	vmul.f32 v16, v11;
	v16 =	vimm.f32 $0.0e+00  }
0x1d3: {  	s31 =	simm.s32 $0x10;
	s24 =	simm.s32 $0x80;
	v26 =	vld [tilespmem:s23+$0x11A00];
	v15 =	vimm.f32 $0.0e+00;
	v9 =	vadd.f32 v6, v13;
	v6 =	vadd.f32 v7, v13  }
0x1d4: {  	s28 =	sand.u32 $0x3C00, s24;
	s26 =	sand.u32 $0x70, s31;
	s25 =	simm.s32 $0x20;
	v27 =	vld [tilespmem:s23+$0x11A80];
	v7 =	vadd.f32 v10, v13;
	v10 =	vadd.f32 v14, v13;
	v14 =	vimm.f32 $0.0e+00  }
.LBB2_11:
0x1d5: {  	p0 =	sne.s32 s25, $0x4A0;
	v13 =	vadd.f32 v28, v13;
	v28 =	vmul.f32 v30, v11;
	v24 =	vperm.xlane v4, v24;
	v30 =	vld [tilespmem:s23+$0x11B00];
	s23 =	sor.u32 s26, s28  }
0x1d6: {  	v32 =	vld [tilespmem:s23+$0x11B80];
	v22 =	vadd.f32 v29, v22;
	v29 =	vmul.f32 v31, v11;
	v23 =	vperm.xlane v4, v23  }
0x1d7: {  	s22 =	sadd.s32 $0x10, s22;
	v31 =	vld [tilespmem:s23+$0xF000];
	v21 =	vadd.f32 v28, v21;
	v24 =	vmul.f32 v24, v11;
	v25 =	vperm.xlane v4, v25  }
0x1d8: {  	v28 =	vld [tilespmem:s22+$0x0];
	v19 =	vadd.f32 v29, v19;
	v23 =	vmul.f32 v23, v11;
	v26 =	vperm.xlane v4, v26  }
0x1d9: {  	v29 =	vld [tilespmem:s23+$0xF080];
	v20 =	vadd.f32 v24, v20;
	v24 =	vmul.f32 v25, v11;
	v25 =	vperm.xlane v4, v27  }
0x1da: {  	v27 =	vld [tilespmem:s23+$0xF100];
	v18 =	vadd.f32 v23, v18;
	v23 =	vmul.f32 v26, v11;
	v26 =	vperm.xlane v4, v30  }
0x1db: {  	v30 =	vld [tilespmem:s23+$0xF180];
	v32 =	vperm.xlane v4, v32;
	v16 =	vadd.f32 v24, v16;
	v24 =	vmul.f32 v25, v11  }
0x1dc: {  	v25 =	vperm.xlane v4, v31;
	v31 =	vld [tilespmem:s23+$0xF200];
	v17 =	vadd.f32 v23, v17;
	v23 =	vmul.f32 v26, v11  }
0x1dd: {  	v26 =	vld [tilespmem:s23+$0xF280];
	v32 =	vmul.f32 v32, v28;
	v15 =	vadd.f32 v24, v15;
	v11 =	vmov v28  }
0x1de: {  	v24 =	vmul.f32 v25, v11;
	v25 =	vperm.xlane v4, v29;
	v28 =	vld [tilespmem:s23+$0xF300];
	v14 =	vadd.f32 v23, v14  }
0x1df: {  	v23 =	vperm.xlane v4, v27;
	v27 =	vld [tilespmem:s23+$0xF380];
	v8 =	vadd.f32 v32, v8  }
0x1e0: {  	v12 =	vadd.f32 v24, v12;
	v25 =	vmul.f32 v25, v11;
	v29 =	vperm.xlane v4, v30;
	v32 =	vld [tilespmem:s23+$0x11800]  }
.Ltmp9:
0x1e1: {  	v30 =	vmul.f32 v23, v11;
	v31 =	vperm.xlane v4, v31;
	v24 =	vld [tilespmem:s23+$0x11880];
	(pc) =	sbr.rel @p0 .LBB2_11-.Ltmp9, $4  }
0x1e2: {  	v9 =	vadd.f32 v25, v9;
	v29 =	vmul.f32 v29, v11;
	v26 =	vperm.xlane v4, v26;
	v23 =	vld [tilespmem:s23+$0x11900]  }
0x1e3: {  	v6 =	vadd.f32 v30, v6;
	v31 =	vmul.f32 v31, v11;
	v33 =	vperm.xlane v4, v28;
	v25 =	vld [tilespmem:s23+$0x11980]  }
0x1e4: {  	s24 =	sadd.s32 $0x80, s24;
	v7 =	vadd.f32 v29, v7;
	v28 =	vmul.f32 v26, v11;
	v30 =	vperm.xlane v4, v27;
	v26 =	vld [tilespmem:s23+$0x11A00]  }
0x1e5: {  	s26 =	sand.u32 $0x70, s25;
	s25 =	sadd.s32 $0x10, s25;
	s28 =	sand.u32 $0x3C00, s24;
	v10 =	vadd.f32 v31, v10;
	v29 =	vmul.f32 v33, v11;
	v31 =	vperm.xlane v4, v32;
	v27 =	vld [tilespmem:s23+$0x11A80]  }
0x1e6: {  	s24 =	sor.u32 s26, s28;
	v32 =	vld [tilespmem:s23+$0x11B00]  }
0x1e7: {  	v33 =	vld [tilespmem:s24+$0x11B80]  }
0x1e8: {  	v56 =	vld [tilespmem:s24+$0xF000]  }
0x1e9: {  	v57 =	vld [tilespmem:s24+$0xF080]  }
0x1ea: {  	v58 =	vld [tilespmem:s24+$0xF100]  }
0x1eb: {  	v30 =	vmul.f32 v30, v11;
	v24 =	vperm.xlane v4, v24;
	v60 =	vld [tilespmem:s24+$0xF180]  }
0x1ec: {  	v55 =	vmul.f32 v31, v11;
	v23 =	vperm.xlane v4, v23;
	v63 =	vld [tilespmem:s24+$0xF200]  }
0x1ed: {  	v37 =	vld [tilespmem:s24+$0xF280];
	v25 =	vperm.xlane v4, v25;
	v24 =	vmul.f32 v24, v11  }
0x1ee: {  	v40 =	vld [tilespmem:s24+$0xF300];
	v26 =	vperm.xlane v4, v26;
	v23 =	vmul.f32 v23, v11  }
0x1ef: {  	v43 =	vld [tilespmem:s24+$0xF380];
	v25 =	vmul.f32 v25, v11;
	v59 =	vperm.xlane v4, v27  }
0x1f0: {  	v45 =	vld [tilespmem:s24+$0x11800];
	v26 =	vmul.f32 v26, v11;
	v61 =	vperm.xlane v4, v32  }
0x1f1: {  	v48 =	vld [tilespmem:s24+$0x11880];
	v20 =	vadd.f32 v24, v20;
	v62 =	vperm.xlane v4, v33;
	v24 =	vmul.f32 v59, v11  }
0x1f2: {  	s22 =	sadd.s32 $0x10, s22;
	v50 =	vld [tilespmem:s24+$0x11900];
	v36 =	vperm.xlane v4, v56;
	v42 =	vperm.xlane v4, v57  }
0x1f3: {  	v22 =	vadd.f32 v29, v22;
	v29 =	vld [tilespmem:s22+$0x0];
	v44 =	vperm.xlane v4, v58;
	v27 =	vperm.xlane v4, v60  }
0x1f4: {  	v47 =	vperm.xlane v4, v63;
	v49 =	vperm.xlane v4, v37  }
0x1f5: {  	v51 =	vperm.xlane v4, v40;
	v52 =	vperm.xlane v4, v43  }
0x1f6: {  	v13 =	vadd.f32 v28, v13;
	v54 =	vperm.xlane v4, v45;
	v56 =	vperm.xlane v4, v48  }
0x1f7: {  	v53 =	vld [tilespmem:s24+$0x11980];
	v19 =	vadd.f32 v55, v19;
	v59 =	vperm.xlane v4, v50;
	v38 =	vmul.f32 v61, v11  }
0x1f8: {  	v18 =	vadd.f32 v23, v18;
	v39 =	vmul.f32 v62, v29;
	v41 =	vmul.f32 v36, v29  }
0x1f9: {  	v16 =	vadd.f32 v25, v16;
	v46 =	vmul.f32 v42, v29;
	v27 =	vmul.f32 v27, v29  }
0x1fa: {  	v58 =	vld [tilespmem:s24+$0x11A00];
	v17 =	vadd.f32 v26, v17;
	v25 =	vmul.f32 v47, v29;
	v23 =	vmul.f32 v49, v29  }
0x1fb: {  	v55 =	vmul.f32 v52, v29;
	v57 =	vmul.f32 v54, v29;
	v11 =	vadd.f32 v38, v14  }
0x1fc: {  	v62 =	vperm.xlane v4, v53;
	v8 =	vadd.f32 v39, v8;
	v12 =	vadd.f32 v41, v12  }
0x1fd: {  	v33 =	vld [tilespmem:s24+$0x11A80];
	v14 =	vmul.f32 v44, v29;
	v9 =	vadd.f32 v46, v9;
	v7 =	vadd.f32 v27, v7  }
0x1fe: {  	v37 =	vld [tilespmem:s24+$0x11B00];
	v13 =	vadd.f32 v23, v13;
	v23 =	vmul.f32 v56, v29;
	v39 =	vmul.f32 v62, v29  }
0x1ff: {  	v6 =	vadd.f32 v14, v6;
	v14 =	vmul.f32 v51, v29;
	v26 =	vperm.xlane v4, v58  }
0x200: {  	v21 =	vadd.f32 v30, v21;
	v60 =	vperm.xlane v12, v0;
	v61 =	vperm.xlane v9, v0  }
0x201: {  	v15 =	vadd.f32 v24, v15;
	v34 =	vperm.xlane v7, v0;
	v63 =	vperm.xlane v6, v0  }
0x202: {  	v41 =	vperm.xlane v4, v33;
	v12 =	vadd.f32 v60, v12;
	v9 =	vadd.f32 v61, v9  }
0x203: {  	v24 =	vperm.xlane v4, v37;
	v7 =	vadd.f32 v34, v7;
	v6 =	vadd.f32 v63, v6  }
0x204: {  	v10 =	vadd.f32 v25, v10;
	v35 =	vperm.xlane v12, v1;
	v36 =	vperm.xlane v9, v1  }
0x205: {  	v21 =	vadd.f32 v55, v21;
	v40 =	vperm.xlane v7, v1;
	v38 =	vperm.xlane v6, v1  }
0x206: {  	v52 =	vperm.xlane v10, v0;
	v12 =	vadd.f32 v35, v12;
	v9 =	vadd.f32 v36, v9  }
0x207: {  	v53 =	vperm.xlane v13, v0;
	v7 =	vadd.f32 v40, v7;
	v6 =	vadd.f32 v38, v6  }
0x208: {  	v19 =	vadd.f32 v57, v19;
	v42 =	vperm.xlane v12, v2;
	v43 =	vperm.xlane v9, v2  }
0x209: {  	v20 =	vadd.f32 v23, v20;
	v46 =	vperm.xlane v7, v2;
	v45 =	vperm.xlane v6, v2  }
0x20a: {  	v56 =	vperm.xlane v21, v0;
	v12 =	vadd.f32 v42, v12;
	v9 =	vadd.f32 v43, v9  }
0x20b: {  	v58 =	vperm.xlane v19, v0;
	v7 =	vadd.f32 v46, v7;
	v6 =	vadd.f32 v45, v6  }
0x20c: {  	v16 =	vadd.f32 v39, v16;
	v47 =	vperm.xlane v12, v3;
	v49 =	vperm.xlane v9, v3  }
0x20d: {  	v14 =	vadd.f32 v14, v22;
	v51 =	vperm.xlane v7, v3;
	v50 =	vperm.xlane v6, v3  }
0x20e: {  	v22 =	vmul.f32 v59, v29;
	v12 =	vadd.f32 v47, v12;
	v9 =	vadd.f32 v49, v9  }
0x20f: {  	v44 =	vmul.f32 v26, v29;
	v7 =	vadd.f32 v51, v7;
	v6 =	vadd.f32 v50, v6  }
0x210: {  	v48 =	vmul.f32 v41, v29;
	v12 =	vadd.f32 v12, v5;
	v9 =	vadd.f32 v9, v5  }
0x211: {  	v24 =	vmul.f32 v24, v29;
	v54 =	vadd.f32 v52, v10;
	v6 =	vadd.f32 v6, v5  }
0x212: {  	v60 =	vperm.xlane v20, v0;
	v7 =	vadd.f32 v7, v5;
	v9 =	vsel vm0, v12, v9  }
0x213: {  	v18 =	vadd.f32 v22, v18;
	v55 =	vperm.xlane v14, v0;
	v6 =	vsel vm1, v9, v6  }
0x214: {  	v17 =	vadd.f32 v44, v17;
	v6 =	vsel vm2, v6, v7;
	v7 =	vadd.f32 v53, v13  }
0x215: {  	v15 =	vadd.f32 v48, v15;
	v57 =	vperm.xlane v54, v1;
	v10 =	vadd.f32 v55, v14  }
0x216: {  	v11 =	vadd.f32 v24, v11;
	v12 =	vadd.f32 v56, v21;
	v59 =	vperm.xlane v7, v1  }
0x217: {  	v14 =	vadd.f32 v58, v19;
	v61 =	vperm.xlane v10, v1;
	v9 =	vadd.f32 v57, v54  }
0x218: {  	v20 =	vadd.f32 v60, v20;
	v62 =	vperm.xlane v12, v1;
	v7 =	vadd.f32 v59, v7  }
0x219: {  	v24 =	vperm.xlane v14, v1;
	v10 =	vadd.f32 v61, v10;
	v63 =	vperm.xlane v9, v2  }
0x21a: {  	v25 =	vperm.xlane v20, v1;
	v12 =	vadd.f32 v62, v12;
	v22 =	vperm.xlane v7, v2  }
0x21b: {  	v26 =	vperm.xlane v10, v2;
	v13 =	vadd.f32 v24, v14;
	v9 =	vadd.f32 v63, v9  }
0x21c: {  	v19 =	vadd.f32 v25, v20;
	v27 =	vperm.xlane v12, v2;
	v7 =	vadd.f32 v22, v7  }
0x21d: {  	v10 =	vadd.f32 v26, v10;
	v29 =	vperm.xlane v13, v2;
	v28 =	vperm.xlane v9, v3  }
0x21e: {  	v30 =	vperm.xlane v19, v2;
	v12 =	vadd.f32 v27, v12;
	v22 =	vperm.xlane v7, v3  }
0x21f: {  	v31 =	vperm.xlane v10, v3;
	v13 =	vadd.f32 v29, v13;
	v9 =	vadd.f32 v28, v9  }
0x220: {  	v14 =	vadd.f32 v30, v19;
	v32 =	vperm.xlane v12, v3;
	v7 =	vadd.f32 v22, v7  }
0x221: {  	v10 =	vadd.f32 v31, v10;
	v33 =	vperm.xlane v13, v3;
	v9 =	vadd.f32 v9, v5  }
0x222: {  	v34 =	vperm.xlane v14, v3;
	v12 =	vadd.f32 v32, v12;
	v7 =	vadd.f32 v7, v5  }
0x223: {  	v35 =	vadd.f32 v10, v5;
	v36 =	vadd.f32 v33, v13;
	v6 =	vsel vm3, v6, v9  }
0x224: {  	v37 =	vadd.f32 v34, v14;
	v6 =	vsel vm4, v6, v7;
	v7 =	vadd.f32 v12, v5  }
0x225: {  	v39 =	vperm.xlane v18, v0;
	v38 =	vadd.f32 v36, v5;
	v6 =	vsel vm5, v6, v35  }
0x226: {  	v40 =	vperm.xlane v16, v0;
	v6 =	vsel vm6, v6, v7;
	v7 =	vadd.f32 v37, v5  }
0x227: {  	v41 =	vadd.f32 v39, v18;
	v42 =	vperm.xlane v17, v0;
	v6 =	vsel vm7, v6, v38  }
0x228: {  	v43 =	vperm.xlane v15, v0;
	v6 =	vsel vm8, v6, v7;
	v7 =	vadd.f32 v40, v16  }
0x229: {  	v44 =	vperm.xlane v41, v1;
	v45 =	vperm.xlane v11, v0;
	v10 =	vadd.f32 v42, v17  }
0x22a: {  	v46 =	vperm.xlane v8, v0;
	v12 =	vadd.f32 v43, v15;
	v16 =	vperm.xlane v7, v1  }
0x22b: {  	v11 =	vadd.f32 v45, v11;
	v47 =	vperm.xlane v10, v1;
	v9 =	vadd.f32 v44, v41  }
0x22c: {  	v8 =	vadd.f32 v46, v8;
	v48 =	vperm.xlane v12, v1;
	v7 =	vadd.f32 v16, v7  }
0x22d: {  	v50 =	vperm.xlane v11, v1;
	v10 =	vadd.f32 v47, v10;
	v49 =	vperm.xlane v9, v2  }
0x22e: {  	v51 =	vperm.xlane v8, v1;
	v12 =	vadd.f32 v48, v12;
	v16 =	vperm.xlane v7, v2  }
0x22f: {  	v11 =	vadd.f32 v50, v11;
	v52 =	vperm.xlane v10, v2;
	v9 =	vadd.f32 v49, v9  }
0x230: {  	v8 =	vadd.f32 v51, v8;
	v53 =	vperm.xlane v12, v2;
	v7 =	vadd.f32 v16, v7  }
0x231: {  	v55 =	vperm.xlane v11, v2;
	v10 =	vadd.f32 v52, v10;
	v54 =	vperm.xlane v9, v3  }
0x232: {  	v56 =	vperm.xlane v8, v2;
	v12 =	vadd.f32 v53, v12;
	v16 =	vperm.xlane v7, v3  }
0x233: {  	v11 =	vadd.f32 v55, v11;
	v57 =	vperm.xlane v10, v3;
	v9 =	vadd.f32 v54, v9  }
0x234: {  	v8 =	vadd.f32 v56, v8;
	v58 =	vperm.xlane v12, v3;
	v7 =	vadd.f32 v16, v7  }
0x235: {  	v59 =	vperm.xlane v11, v3;
	v10 =	vadd.f32 v57, v10;
	v9 =	vadd.f32 v9, v5  }
0x236: {  	v60 =	vperm.xlane v8, v3;
	v12 =	vadd.f32 v58, v12;
	v7 =	vadd.f32 v7, v5  }
0x237: {  	v62 =	vadd.f32 v59, v11;
	v61 =	vadd.f32 v10, v5;
	v6 =	vsel vm9, v6, v9  }
0x238: {  	v8 =	vadd.f32 v60, v8;
	v6 =	vsel vm10, v6, v7;
	v7 =	vadd.f32 v12, v5  }
.Ltmp10:
0x239: {  	v63 =	vadd.f32 v62, v5;
	v6 =	vsel vm11, v6, v61;
	(pc) =	sbr.rel .LBB2_13-.Ltmp10, $4  }
0x23a: {  	v6 =	vsel vm12, v6, v7;
	v7 =	vadd.f32 v8, v5  }
0x23b: {  	v6 =	vsel vm13, v6, v63  }
0x23c: {  	v6 =	vsel vm14, v6, v7  }
0x23d: {  	[tilespmem:s21+$0x14790] =	vst v6  }
.LBB2_15:
0x23e: {  	_ =	sfence.sel $0x180000  }
0x23f: {  	[bflag:$0x0] =	sbarrier.arrive $0xFFFF  }
0x240: {  	p0 =	sne.s32 s1, $0x0;
	_ =	strace $0x90000047  }
0x241: {  	s0 =	sadd.s32 @!p0 $0x100000, s0;
	[bflag:$0x2] =	sbarrier.arrive $0xFFFF  }
0x242: {  	[sflag:s0] =	ssyncadd.tile.s32 @!p0 $0x1;
	_ =	shalt  }
.Lfunc_end2:
_tile_overlayer_lowered:
.L_overlay_start_2:
0x243: {  	(tag) =	ssettag $0x2  }
0x244: {  	s0 =	rddreg [dreg:$0x0];
	s2 =	stileid.u32  }
0x245: {  	s1 =	rddreg [dreg:$0x1];
	p0 =	sne.s32 s2, $0x0  }
0x246: {  	s3 =	rddreg [dreg:$0x2];
	[bflag:$0x3] =	sbarrier.arrive $0xFFFF;
	s2 =	simm.s32 @!p0 $0x1C03  }
0x247: {  	[timem:s3], [sflag:s2] =	dma.local @!p0 [hbm:s0], s1  }
0x248: {  	s0 =	simm.s32 @!p0 $0x3  }
0x249: {  	_ =	swait.ge @!p0 [sflag:s0], s1  }
0x24a: {  	s1 =	ssub.s32 @!p0 $0x0, s1;
	[sflag:s0] =	ssyncset.done @!p0 $0x0  }
0x24b: {  	[sflag:s0] =	ssyncadd.s32 @!p0 s1  }
0x24c: {  	[bflag:$0x3] =	sbarrier.arrive $0xFFFF  }
0x24d: {  	_ =	shalt  }

</sc_bundles>
